<compile_context>
chip_gen: v7x
topology: tpu7x:2x2x1
jax: 0.10.2.dev20260603
libtpu: 0.0.44.dev20260713+nightly
codegen_flags: <defaults>
</compile_context>

<pallas_src>
import functools

import jax
import jax.numpy as jnp
from jax import lax
from jax.experimental import pallas as pl
from jax.experimental.pallas import tpu as pltpu
from jax.experimental.pallas import tpu_sc as plsc

D0, D1, D2 = 16, 32, 64
NUM_ROWS = 1000000
BATCH = 16384
LANES = 16

_info = plsc.get_sparse_core_info()
_NC, _NS = _info.num_cores, _info.num_subcores
_NW = _NC * _NS
_BPW = BATCH // _NW
_NBUF = 8
_GRP = 128

_mesh = plsc.VectorSubcoreMesh(core_axis_name="c", subcore_axis_name="s")


@functools.partial(
    pl.kernel,
    mesh=_mesh,
    out_type=(
        jax.ShapeDtypeStruct((D0, BATCH), jnp.float32),
        jax.ShapeDtypeStruct((D1, BATCH), jnp.float32),
        jax.ShapeDtypeStruct((D2, BATCH), jnp.float32),
    ),
    scratch_types=[
        pltpu.VMEM((_BPW,), jnp.int32),
        pltpu.VMEM((_NBUF, D0, 128), jnp.float32),
        pltpu.VMEM((_NBUF, D1, 128), jnp.float32),
        pltpu.VMEM((_NBUF, D2, 128), jnp.float32),
        pltpu.VMEM((D0, _GRP), jnp.float32),
        pltpu.VMEM((D1, _GRP), jnp.float32),
        pltpu.VMEM((D2, _GRP), jnp.float32),
        [pltpu.SemaphoreType.DMA] * _NBUF,
    ],
    compiler_params=pltpu.CompilerParams(needs_layout_passes=False),
)
def _emb_lookup(idx_hbm, t0_hbm, t1_hbm, t2_hbm, o0_hbm, o1_hbm, o2_hbm,
                idx_v, rb0, rb1, rb2, s0, s1, s2, sems):
    wid = lax.axis_index("s") * _NC + lax.axis_index("c")
    base = wid * _BPW
    pltpu.sync_copy(idx_hbm.at[pl.ds(base, _BPW)], idx_v)
    iota = lax.iota(jnp.int32, LANES)

    def fetch(slot, col_off):
        off = pl.multiple_of(col_off, 128)
        pltpu.async_copy(t0_hbm.at[:, pl.ds(off, 128)], rb0.at[slot], sems[slot])
        pltpu.async_copy(t1_hbm.at[:, pl.ds(off, 128)], rb1.at[slot], sems[slot])
        pltpu.async_copy(t2_hbm.at[:, pl.ds(off, 128)], rb2.at[slot], sems[slot])

    def wait(slot):
        pltpu.make_async_copy(t0_hbm.at[:, pl.ds(0, 128)], rb0.at[slot], sems[slot]).wait()
        pltpu.make_async_copy(t1_hbm.at[:, pl.ds(0, 128)], rb1.at[slot], sems[slot]).wait()
        pltpu.make_async_copy(t2_hbm.at[:, pl.ds(0, 128)], rb2.at[slot], sems[slot]).wait()

    def extract(slot, lane, kcol):
        lanev = jnp.full((LANES,), lane, jnp.int32)
        kv = jnp.full((LANES,), kcol, jnp.int32)
        v = plsc.load_gather(rb0.at[slot], [iota, lanev])
        plsc.store_scatter(s0, [iota, kv], v)
        for h in range(D1 // LANES):
            v = plsc.load_gather(rb1.at[slot], [iota + h * LANES, lanev])
            plsc.store_scatter(s1, [iota + h * LANES, kv], v)
        for h in range(D2 // LANES):
            v = plsc.load_gather(rb2.at[slot], [iota + h * LANES, lanev])
            plsc.store_scatter(s2, [iota + h * LANES, kv], v)

    def flush(grp_off):
        off = pl.multiple_of(base + grp_off, 128)
        pltpu.sync_copy(s0, o0_hbm.at[:, pl.ds(off, _GRP)])
        pltpu.sync_copy(s1, o1_hbm.at[:, pl.ds(off, _GRP)])
        pltpu.sync_copy(s2, o2_hbm.at[:, pl.ds(off, _GRP)])

    def body(blk, carry):
        cv_prev, lv_prev = carry
        kk0 = blk * LANES
        iv = idx_v[pl.ds(kk0, LANES)]
        lv = jnp.bitwise_and(iv, 127)
        cv = iv - lv
        for j in range(LANES):
            kk = kk0 + j
            if j < _NBUF:
                @pl.when(blk > 0)
                def _():
                    wait(j)
                    extract(j, lv_prev[j + LANES - _NBUF],
                            (kk - _NBUF) % _GRP)
                if j == _NBUF - 1:
                    @pl.when(jnp.logical_and(blk > 0, blk % 8 == 0))
                    def _():
                        flush((blk - 8) * LANES)
                fetch(j, cv[j])
            else:
                wait(j % _NBUF)
                extract(j % _NBUF, lv[j - _NBUF], (kk - _NBUF) % _GRP)
                fetch(j % _NBUF, cv[j])
        return cv, lv

    zero = jnp.zeros((LANES,), jnp.int32)
    cv_last, lv_last = lax.fori_loop(0, _BPW // LANES, body, (zero, zero))

    for j in range(_NBUF):
        kk = _BPW - _NBUF + j
        wait(j % _NBUF)
        extract(j % _NBUF, lv_last[j + LANES - _NBUF], kk % _GRP)
    flush(_BPW - _GRP)


def kernel(task_id, table0, table1, table2):
    o0t, o1t, o2t = _emb_lookup(
        task_id.astype(jnp.int32), table0.T, table1.T, table2.T
    )
    return o0t.T, o1t.T, o2t.T

# --- scband reference (transcript-rebuilt; emitter-appended) ---
"""Pipeline reference for scband-simple-embedding-model-77343771066504 (READ-ONLY COPY).

The authoritative reference and input builder live on the scoring server;
editing this copy changes nothing except your own understanding.
"""

import jax, jax.numpy as jnp
import numpy as np

NUM_EMBEDDINGS = 1000000
EMBED_DIMS = (16, 32, 64)
BATCH = 16384


def setup_inputs(seed: int = 0) -> dict:
    key = jax.random.key(seed)
    k_idx, k0, k1, k2 = jax.random.split(key, 4)
    task_id = jax.random.randint(k_idx, (BATCH,), 0, NUM_EMBEDDINGS, dtype=jnp.int64 if jax.config.read('jax_enable_x64') else jnp.int32)
    table0 = jax.random.normal(k0, (NUM_EMBEDDINGS, EMBED_DIMS[0]), dtype=jnp.float32) * 0.02
    table1 = jax.random.normal(k1, (NUM_EMBEDDINGS, EMBED_DIMS[1]), dtype=jnp.float32) * 0.02
    table2 = jax.random.normal(k2, (NUM_EMBEDDINGS, EMBED_DIMS[2]), dtype=jnp.float32) * 0.02
    return {"task_id": task_id, "table0": table0, "table1": table1, "table2": table2}


def reference(task_id, table0, table1, table2):
    # Faithful translation of SimpleEmbeddingModel.forward: one embedding lookup per table,
    # returning the list (tuple) of per-table embedding outputs.
    out0 = jnp.take(table0, task_id, axis=0)
    out1 = jnp.take(table1, task_id, axis=0)
    out2 = jnp.take(table2, task_id, axis=0)
    return (out0, out1, out2)

if __name__ == "__main__":
    import jax
    _d = setup_inputs()
    print(jax.jit(kernel)(*tuple(_d.values())))

</pallas_src>

<mosaic_0001>
#map = affine_map<(d0, d1) -> (0)>
#map1 = affine_map<(d0, d1) -> (0, 0)>
module attributes {stable_mosaic.version = 14 : i64} {
  func.func @_emb_lookup(%arg0: i32, %arg1: i32, %arg2: memref<16384xi32, #tpu.memory_space<hbm>>, %arg3: memref<16x1000000xf32, #tpu.memory_space<hbm>>, %arg4: memref<32x1000000xf32, #tpu.memory_space<hbm>>, %arg5: memref<64x1000000xf32, #tpu.memory_space<hbm>>, %arg6: memref<16x16384xf32, #tpu.memory_space<hbm>>, %arg7: memref<32x16384xf32, #tpu.memory_space<hbm>>, %arg8: memref<64x16384xf32, #tpu.memory_space<hbm>>, %arg9: memref<512xi32, #tpu.memory_space<vmem>>, %arg10: memref<8x16x128xf32, #tpu.memory_space<vmem>>, %arg11: memref<8x32x128xf32, #tpu.memory_space<vmem>>, %arg12: memref<8x64x128xf32, #tpu.memory_space<vmem>>, %arg13: memref<16x128xf32, #tpu.memory_space<vmem>>, %arg14: memref<32x128xf32, #tpu.memory_space<vmem>>, %arg15: memref<64x128xf32, #tpu.memory_space<vmem>>, %arg16: memref<!tpu.dma_semaphore, #tpu.memory_space<semaphore_mem>>, %arg17: memref<!tpu.dma_semaphore, #tpu.memory_space<semaphore_mem>>, %arg18: memref<!tpu.dma_semaphore, #tpu.memory_space<semaphore_mem>>, %arg19: memref<!tpu.dma_semaphore, #tpu.memory_space<semaphore_mem>>, %arg20: memref<!tpu.dma_semaphore, #tpu.memory_space<semaphore_mem>>, %arg21: memref<!tpu.dma_semaphore, #tpu.memory_space<semaphore_mem>>, %arg22: memref<!tpu.dma_semaphore, #tpu.memory_space<semaphore_mem>>, %arg23: memref<!tpu.dma_semaphore, #tpu.memory_space<semaphore_mem>>) attributes {dimension_semantics = [#tpu.dimension_semantics<core_parallel>, #tpu.dimension_semantics<subcore_parallel>], iteration_bounds = array<i64: 2, 16>, scalar_prefetch = 0 : i64, scratch_operands = 15 : i64, tpu.core_type = #tpu.core_type<sc_vector_subcore>, window_params = [{transform_indices = #map}, {transform_indices = #map1}, {transform_indices = #map1}, {transform_indices = #map1}, {transform_indices = #map1}, {transform_indices = #map1}, {transform_indices = #map1}]} {
    %mul3A = arith.constant 2 : i32
    %mul3A_0 = arith.muli %arg1, %mul3A : i32
    %add3A = arith.addi %mul3A_0, %arg0 : i32
    %mul3A_1 = arith.constant 512 : i32
    %mul3A_2 = arith.muli %add3A, %mul3A_1 : i32
    "tpu.region"() ({
      %run_scoped3A = tpu.sem_alloc : memref<!tpu.dma_semaphore, #tpu.memory_space<semaphore_mem>>
      %dma_start3A = tpu.memref_slice %arg2[%mul3A_2] : memref<16384xi32, #tpu.memory_space<hbm>> -> memref<512xi32, #tpu.memory_space<hbm>>
      %dma_start3A_1031 = tpu.memref_slice %arg2[%mul3A_2] : memref<16384xi32, #tpu.memory_space<hbm>> -> memref<512xi32, #tpu.memory_space<hbm>>
      tpu.enqueue_dma source(%dma_start3A_1031 : memref<512xi32, #tpu.memory_space<hbm>>) target(%arg9 : memref<512xi32, #tpu.memory_space<vmem>>) target_semaphore(%run_scoped3A : memref<!tpu.dma_semaphore, #tpu.memory_space<semaphore_mem>>)
      %dma_wait3A_1032 = tpu.memref_slice %arg2[%mul3A_2] : memref<16384xi32, #tpu.memory_space<hbm>> -> memref<512xi32, #tpu.memory_space<hbm>>
      %dma_wait3A_1033 = tpu.memref_slice %arg2[%mul3A_2] : memref<16384xi32, #tpu.memory_space<hbm>> -> memref<512xi32, #tpu.memory_space<hbm>>
      tpu.wait_dma2 semaphore(%run_scoped3A : memref<!tpu.dma_semaphore, #tpu.memory_space<semaphore_mem>>) src(%dma_wait3A_1033 : memref<512xi32, #tpu.memory_space<hbm>>) dst(%arg9 : memref<512xi32, #tpu.memory_space<vmem>>)
      tpu.yield
    }) : () -> ()
    %iota3A = tpu.iota {dimensions = array<i32: 0>} : vector<16xi32>
    %broadcast_in_dim3A = arith.constant 0 : i32
    %broadcast_in_dim3A_3 = vector.broadcast %broadcast_in_dim3A : i32 to vector<16xi32>
    %scan3A = arith.constant 0 : i32
    %scan3A_4 = arith.constant 32 : i32
    %scan3A_5 = arith.addi %scan3A, %scan3A_4 : i32
    %scan3A_6 = arith.constant 1 : i32
    %scan3A_7:2 = scf.for %scan3A_1031 = %scan3A to %scan3A_5 step %scan3A_6 iter_args(%scan3A_1032 = %broadcast_in_dim3A_3, %scan3A_1033 = %broadcast_in_dim3A_3) -> (vector<16xi32>, vector<16xi32>)  : i32 {
      %mul3A_1034 = arith.constant 16 : i32
      %mul3A_1035 = arith.muli %scan3A_1031, %mul3A_1034 : i32
      %get3A = arith.index_cast %mul3A_1035 : i32 to index
      %get3A_1036 = tpu.vector_load %arg9[%get3A] {strides = array<i32>} : memref<512xi32, #tpu.memory_space<vmem>>, vector<16xi32>,
      %and3A = arith.constant 127 : i32
      %and3A_1037 = vector.broadcast %and3A : i32 to vector<16xi32>
      %and3A_1038 = arith.andi %get3A_1036, %and3A_1037 : vector<16xi32>
      %sub3A = arith.subi %get3A_1036, %and3A_1038 : vector<16xi32>
      %add3A_1039 = arith.constant 0 : i32
      %add3A_1040 = arith.addi %mul3A_1035, %add3A_1039 : i32
      %gt3A = arith.constant 0 : i32
      %gt3A_1041 = arith.cmpi sgt, %scan3A_1031, %gt3A : i32
      %convert_element_type3A = arith.extui %gt3A_1041 : i1 to i32
      %cond3A = arith.constant 0 : i32
      %cond3A_1042 = arith.cmpi ne, %convert_element_type3A, %cond3A : i32
      scf.if %cond3A_1042 {
        %dma_wait3A_2957 = arith.constant 0 : i32
        %dma_wait3A_2958 = arith.constant 0 : i32
        %dma_wait3A_2959 = arith.constant 0 : i32
        %dma_wait3A_2960 = tpu.memref_slice %arg10[%dma_wait3A_2957, %dma_wait3A_2958, %dma_wait3A_2959] : memref<8x16x128xf32, #tpu.memory_space<vmem>> -> memref<1x16x128xf32, #tpu.memory_space<vmem>>
        %dma_wait3A_2961 = tpu.memref_squeeze %dma_wait3A_2960 : memref<1x16x128xf32, #tpu.memory_space<vmem>> -> memref<16x128xf32, #tpu.memory_space<vmem>>
        %dma_wait3A_2962 = arith.constant 0 : i32
        %dma_wait3A_2963 = arith.constant 0 : i32
        %dma_wait3A_2964 = tpu.memref_slice %arg3[%dma_wait3A_2962, %dma_wait3A_2963] : memref<16x1000000xf32, #tpu.memory_space<hbm>> -> memref<16x128xf32, #tpu.memory_space<hbm>>
        %dma_wait3A_2965 = arith.constant 0 : i32
        %dma_wait3A_2966 = arith.constant 0 : i32
        %dma_wait3A_2967 = tpu.memref_slice %arg10[%dma_wait3A_2957, %dma_wait3A_2965, %dma_wait3A_2966] : memref<8x16x128xf32, #tpu.memory_space<vmem>> -> memref<1x16x128xf32, #tpu.memory_space<vmem>>
        %dma_wait3A_2968 = tpu.memref_squeeze %dma_wait3A_2967 : memref<1x16x128xf32, #tpu.memory_space<vmem>> -> memref<16x128xf32, #tpu.memory_space<vmem>>
        %dma_wait3A_2969 = arith.constant 0 : i32
        %dma_wait3A_2970 = arith.constant 0 : i32
        %dma_wait3A_2971 = tpu.memref_slice %arg3[%dma_wait3A_2969, %dma_wait3A_2970] : memref<16x1000000xf32, #tpu.memory_space<hbm>> -> memref<16x128xf32, #tpu.memory_space<hbm>>
        tpu.wait_dma2 semaphore(%arg16 : memref<!tpu.dma_semaphore, #tpu.memory_space<semaphore_mem>>) src(%dma_wait3A_2971 : memref<16x128xf32, #tpu.memory_space<hbm>>) dst(%dma_wait3A_2968 : memref<16x128xf32, #tpu.memory_space<vmem>>)
        %dma_wait3A_2972 = arith.constant 0 : i32
        %dma_wait3A_2973 = arith.constant 0 : i32
        %dma_wait3A_2974 = arith.constant 0 : i32
        %dma_wait3A_2975 = tpu.memref_slice %arg11[%dma_wait3A_2972, %dma_wait3A_2973, %dma_wait3A_2974] : memref<8x32x128xf32, #tpu.memory_space<vmem>> -> memref<1x32x128xf32, #tpu.memory_space<vmem>>
        %dma_wait3A_2976 = tpu.memref_squeeze %dma_wait3A_2975 : memref<1x32x128xf32, #tpu.memory_space<vmem>> -> memref<32x128xf32, #tpu.memory_space<vmem>>
        %dma_wait3A_2977 = arith.constant 0 : i32
        %dma_wait3A_2978 = arith.constant 0 : i32
        %dma_wait3A_2979 = tpu.memref_slice %arg4[%dma_wait3A_2977, %dma_wait3A_2978] : memref<32x1000000xf32, #tpu.memory_space<hbm>> -> memref<32x128xf32, #tpu.memory_space<hbm>>
        %dma_wait3A_2980 = arith.constant 0 : i32
        %dma_wait3A_2981 = arith.constant 0 : i32
        %dma_wait3A_2982 = tpu.memref_slice %arg11[%dma_wait3A_2972, %dma_wait3A_2980, %dma_wait3A_2981] : memref<8x32x128xf32, #tpu.memory_space<vmem>> -> memref<1x32x128xf32, #tpu.memory_space<vmem>>
        %dma_wait3A_2983 = tpu.memref_squeeze %dma_wait3A_2982 : memref<1x32x128xf32, #tpu.memory_space<vmem>> -> memref<32x128xf32, #tpu.memory_space<vmem>>
        %dma_wait3A_2984 = arith.constant 0 : i32
        %dma_wait3A_2985 = arith.constant 0 : i32
        %dma_wait3A_2986 = tpu.memref_slice %arg4[%dma_wait3A_2984, %dma_wait3A_2985] : memref<32x1000000xf32, #tpu.memory_space<hbm>> -> memref<32x128xf32, #tpu.memory_space<hbm>>
        tpu.wait_dma2 semaphore(%arg16 : memref<!tpu.dma_semaphore, #tpu.memory_space<semaphore_mem>>) src(%dma_wait3A_2986 : memref<32x128xf32, #tpu.memory_space<hbm>>) dst(%dma_wait3A_2983 : memref<32x128xf32, #tpu.memory_space<vmem>>)
        %dma_wait3A_2987 = arith.constant 0 : i32
        %dma_wait3A_2988 = arith.constant 0 : i32
        %dma_wait3A_2989 = arith.constant 0 : i32
        %dma_wait3A_2990 = tpu.memref_slice %arg12[%dma_wait3A_2987, %dma_wait3A_2988, %dma_wait3A_2989] : memref<8x64x128xf32, #tpu.memory_space<vmem>> -> memref<1x64x128xf32, #tpu.memory_space<vmem>>
        %dma_wait3A_2991 = tpu.memref_squeeze %dma_wait3A_2990 : memref<1x64x128xf32, #tpu.memory_space<vmem>> -> memref<64x128xf32, #tpu.memory_space<vmem>>
        %dma_wait3A_2992 = arith.constant 0 : i32
        %dma_wait3A_2993 = arith.constant 0 : i32
        %dma_wait3A_2994 = tpu.memref_slice %arg5[%dma_wait3A_2992, %dma_wait3A_2993] : memref<64x1000000xf32, #tpu.memory_space<hbm>> -> memref<64x128xf32, #tpu.memory_space<hbm>>
        %dma_wait3A_2995 = arith.constant 0 : i32
        %dma_wait3A_2996 = arith.constant 0 : i32
        %dma_wait3A_2997 = tpu.memref_slice %arg12[%dma_wait3A_2987, %dma_wait3A_2995, %dma_wait3A_2996] : memref<8x64x128xf32, #tpu.memory_space<vmem>> -> memref<1x64x128xf32, #tpu.memory_space<vmem>>
        %dma_wait3A_2998 = tpu.memref_squeeze %dma_wait3A_2997 : memref<1x64x128xf32, #tpu.memory_space<vmem>> -> memref<64x128xf32, #tpu.memory_space<vmem>>
        %dma_wait3A_2999 = arith.constant 0 : i32
        %dma_wait3A_3000 = arith.constant 0 : i32
        %dma_wait3A_3001 = tpu.memref_slice %arg5[%dma_wait3A_2999, %dma_wait3A_3000] : memref<64x1000000xf32, #tpu.memory_space<hbm>> -> memref<64x128xf32, #tpu.memory_space<hbm>>
        tpu.wait_dma2 semaphore(%arg16 : memref<!tpu.dma_semaphore, #tpu.memory_space<semaphore_mem>>) src(%dma_wait3A_3001 : memref<64x128xf32, #tpu.memory_space<hbm>>) dst(%dma_wait3A_2998 : memref<64x128xf32, #tpu.memory_space<vmem>>)
        %slice3A_3002 = vector.extract_strided_slice %scan3A_1033 {offsets = [8], sizes = [1], strides = [1]} : vector<16xi32> to vector<1xi32>
        %squeeze3A_3003 = vector.extract %slice3A_3002[0] : i32 from vector<1xi32>
        %sub3A_3004 = arith.constant 8 : i32
        %sub3A_3005 = arith.subi %add3A_1040, %sub3A_3004 : i32
        %jit3A_3006 = arith.constant 128 : i32
        %eq3A_3007 = arith.constant 0 : i32
        %eq3A_3008 = arith.cmpi eq, %jit3A_3006, %eq3A_3007 : i32
        %jit3A_3009 = arith.constant 1 : i32
        %select_n3A_3010 = arith.select %eq3A_3008, %jit3A_3009, %jit3A_3006 : i32
        %rem3A_3011 = arith.remsi %sub3A_3005, %select_n3A_3010 : i32
        %ne3A_3012 = arith.constant 0 : i32
        %ne3A_3013 = arith.cmpi ne, %rem3A_3011, %ne3A_3012 : i32
        %lt3A_3014 = arith.constant 0 : i32
        %lt3A_3015 = arith.cmpi slt, %rem3A_3011, %lt3A_3014 : i32
        %lt3A_3016 = arith.constant 0 : i32
        %lt3A_3017 = arith.cmpi slt, %select_n3A_3010, %lt3A_3016 : i32
        %ne3A_3018 = arith.xori %lt3A_3015, %lt3A_3017 : i1
        %and3A_3019 = arith.andi %ne3A_3018, %ne3A_3013 : i1
        %add3A_3020 = arith.addi %rem3A_3011, %select_n3A_3010 : i32
        %select_n3A_3021 = arith.select %and3A_3019, %add3A_3020, %rem3A_3011 : i32
        %broadcast_in_dim3A_3022 = vector.broadcast %squeeze3A_3003 : i32 to vector<16xi32>
        %broadcast_in_dim3A_3023 = vector.broadcast %select_n3A_3021 : i32 to vector<16xi32>
        %gather3A_3024 = arith.constant 0 : i32
        %gather3A_3025 = arith.constant 0 : i32
        %gather3A_3026 = arith.constant 0 : i32
        %gather3A_3027 = tpu.memref_slice %arg10[%gather3A_3024, %gather3A_3025, %gather3A_3026] : memref<8x16x128xf32, #tpu.memory_space<vmem>> -> memref<1x16x128xf32, #tpu.memory_space<vmem>>
        %gather3A_3028 = tpu.memref_squeeze %gather3A_3027 : memref<1x16x128xf32, #tpu.memory_space<vmem>> -> memref<16x128xf32, #tpu.memory_space<vmem>>
        %gather3A_3029 = tpu.vector_load_idx %gather3A_3028[%iota3A, %broadcast_in_dim3A_3022] : memref<16x128xf32, #tpu.memory_space<vmem>>[vector<16xi32>, vector<16xi32>], vector<16xf32>,
        tpu.vector_store_idx %arg13[%iota3A, %broadcast_in_dim3A_3023], %gather3A_3029 : memref<16x128xf32, #tpu.memory_space<vmem>>[vector<16xi32>, vector<16xi32>], vector<16xf32>,
        %add3A_3030 = arith.constant 0 : i32
        %add3A_3031 = vector.broadcast %add3A_3030 : i32 to vector<16xi32>
        %add3A_3032 = arith.addi %iota3A, %add3A_3031 : vector<16xi32>
        %gather3A_3033 = arith.constant 0 : i32
        %gather3A_3034 = arith.constant 0 : i32
        %gather3A_3035 = arith.constant 0 : i32
        %gather3A_3036 = tpu.memref_slice %arg11[%gather3A_3033, %gather3A_3034, %gather3A_3035] : memref<8x32x128xf32, #tpu.memory_space<vmem>> -> memref<1x32x128xf32, #tpu.memory_space<vmem>>
        %gather3A_3037 = tpu.memref_squeeze %gather3A_3036 : memref<1x32x128xf32, #tpu.memory_space<vmem>> -> memref<32x128xf32, #tpu.memory_space<vmem>>
        %gather3A_3038 = tpu.vector_load_idx %gather3A_3037[%add3A_3032, %broadcast_in_dim3A_3022] : memref<32x128xf32, #tpu.memory_space<vmem>>[vector<16xi32>, vector<16xi32>], vector<16xf32>,
        %add3A_3039 = arith.constant 0 : i32
        %add3A_3040 = vector.broadcast %add3A_3039 : i32 to vector<16xi32>
        %add3A_3041 = arith.addi %iota3A, %add3A_3040 : vector<16xi32>
        tpu.vector_store_idx %arg14[%add3A_3041, %broadcast_in_dim3A_3023], %gather3A_3038 : memref<32x128xf32, #tpu.memory_space<vmem>>[vector<16xi32>, vector<16xi32>], vector<16xf32>,
        %add3A_3042 = arith.constant 16 : i32
        %add3A_3043 = vector.broadcast %add3A_3042 : i32 to vector<16xi32>
        %add3A_3044 = arith.addi %iota3A, %add3A_3043 : vector<16xi32>
        %gather3A_3045 = arith.constant 0 : i32
        %gather3A_3046 = arith.constant 0 : i32
        %gather3A_3047 = arith.constant 0 : i32
        %gather3A_3048 = tpu.memref_slice %arg11[%gather3A_3045, %gather3A_3046, %gather3A_3047] : memref<8x32x128xf32, #tpu.memory_space<vmem>> -> memref<1x32x128xf32, #tpu.memory_space<vmem>>
        %gather3A_3049 = tpu.memref_squeeze %gather3A_3048 : memref<1x32x128xf32, #tpu.memory_space<vmem>> -> memref<32x128xf32, #tpu.memory_space<vmem>>
        %gather3A_3050 = tpu.vector_load_idx %gather3A_3049[%add3A_3044, %broadcast_in_dim3A_3022] : memref<32x128xf32, #tpu.memory_space<vmem>>[vector<16xi32>, vector<16xi32>], vector<16xf32>,
        %add3A_3051 = arith.constant 16 : i32
        %add3A_3052 = vector.broadcast %add3A_3051 : i32 to vector<16xi32>
        %add3A_3053 = arith.addi %iota3A, %add3A_3052 : vector<16xi32>
        tpu.vector_store_idx %arg14[%add3A_3053, %broadcast_in_dim3A_3023], %gather3A_3050 : memref<32x128xf32, #tpu.memory_space<vmem>>[vector<16xi32>, vector<16xi32>], vector<16xf32>,
        %add3A_3054 = arith.constant 0 : i32
        %add3A_3055 = vector.broadcast %add3A_3054 : i32 to vector<16xi32>
        %add3A_3056 = arith.addi %iota3A, %add3A_3055 : vector<16xi32>
        %gather3A_3057 = arith.constant 0 : i32
        %gather3A_3058 = arith.constant 0 : i32
        %gather3A_3059 = arith.constant 0 : i32
        %gather3A_3060 = tpu.memref_slice %arg12[%gather3A_3057, %gather3A_3058, %gather3A_3059] : memref<8x64x128xf32, #tpu.memory_space<vmem>> -> memref<1x64x128xf32, #tpu.memory_space<vmem>>
        %gather3A_3061 = tpu.memref_squeeze %gather3A_3060 : memref<1x64x128xf32, #tpu.memory_space<vmem>> -> memref<64x128xf32, #tpu.memory_space<vmem>>
        %gather3A_3062 = tpu.vector_load_idx %gather3A_3061[%add3A_3056, %broadcast_in_dim3A_3022] : memref<64x128xf32, #tpu.memory_space<vmem>>[vector<16xi32>, vector<16xi32>], vector<16xf32>,
        %add3A_3063 = arith.constant 0 : i32
        %add3A_3064 = vector.broadcast %add3A_3063 : i32 to vector<16xi32>
        %add3A_3065 = arith.addi %iota3A, %add3A_3064 : vector<16xi32>
        tpu.vector_store_idx %arg15[%add3A_3065, %broadcast_in_dim3A_3023], %gather3A_3062 : memref<64x128xf32, #tpu.memory_space<vmem>>[vector<16xi32>, vector<16xi32>], vector<16xf32>,
        %add3A_3066 = arith.constant 16 : i32
        %add3A_3067 = vector.broadcast %add3A_3066 : i32 to vector<16xi32>
        %add3A_3068 = arith.addi %iota3A, %add3A_3067 : vector<16xi32>
        %gather3A_3069 = arith.constant 0 : i32
        %gather3A_3070 = arith.constant 0 : i32
        %gather3A_3071 = arith.constant 0 : i32
        %gather3A_3072 = tpu.memref_slice %arg12[%gather3A_3069, %gather3A_3070, %gather3A_3071] : memref<8x64x128xf32, #tpu.memory_space<vmem>> -> memref<1x64x128xf32, #tpu.memory_space<vmem>>
        %gather3A_3073 = tpu.memref_squeeze %gather3A_3072 : memref<1x64x128xf32, #tpu.memory_space<vmem>> -> memref<64x128xf32, #tpu.memory_space<vmem>>
        %gather3A_3074 = tpu.vector_load_idx %gather3A_3073[%add3A_3068, %broadcast_in_dim3A_3022] : memref<64x128xf32, #tpu.memory_space<vmem>>[vector<16xi32>, vector<16xi32>], vector<16xf32>,
        %add3A_3075 = arith.constant 16 : i32
        %add3A_3076 = vector.broadcast %add3A_3075 : i32 to vector<16xi32>
        %add3A_3077 = arith.addi %iota3A, %add3A_3076 : vector<16xi32>
        tpu.vector_store_idx %arg15[%add3A_3077, %broadcast_in_dim3A_3023], %gather3A_3074 : memref<64x128xf32, #tpu.memory_space<vmem>>[vector<16xi32>, vector<16xi32>], vector<16xf32>,
        %add3A_3078 = arith.constant 32 : i32
        %add3A_3079 = vector.broadcast %add3A_3078 : i32 to vector<16xi32>
        %add3A_3080 = arith.addi %iota3A, %add3A_3079 : vector<16xi32>
        %gather3A_3081 = arith.constant 0 : i32
        %gather3A_3082 = arith.constant 0 : i32
        %gather3A_3083 = arith.constant 0 : i32
        %gather3A_3084 = tpu.memref_slice %arg12[%gather3A_3081, %gather3A_3082, %gather3A_3083] : memref<8x64x128xf32, #tpu.memory_space<vmem>> -> memref<1x64x128xf32, #tpu.memory_space<vmem>>
        %gather3A_3085 = tpu.memref_squeeze %gather3A_3084 : memref<1x64x128xf32, #tpu.memory_space<vmem>> -> memref<64x128xf32, #tpu.memory_space<vmem>>
        %gather3A_3086 = tpu.vector_load_idx %gather3A_3085[%add3A_3080, %broadcast_in_dim3A_3022] : memref<64x128xf32, #tpu.memory_space<vmem>>[vector<16xi32>, vector<16xi32>], vector<16xf32>,
        %add3A_3087 = arith.constant 32 : i32
        %add3A_3088 = vector.broadcast %add3A_3087 : i32 to vector<16xi32>
        %add3A_3089 = arith.addi %iota3A, %add3A_3088 : vector<16xi32>
        tpu.vector_store_idx %arg15[%add3A_3089, %broadcast_in_dim3A_3023], %gather3A_3086 : memref<64x128xf32, #tpu.memory_space<vmem>>[vector<16xi32>, vector<16xi32>], vector<16xf32>,
        %add3A_3090 = arith.constant 48 : i32
        %add3A_3091 = vector.broadcast %add3A_3090 : i32 to vector<16xi32>
        %add3A_3092 = arith.addi %iota3A, %add3A_3091 : vector<16xi32>
        %gather3A_3093 = arith.constant 0 : i32
        %gather3A_3094 = arith.constant 0 : i32
        %gather3A_3095 = arith.constant 0 : i32
        %gather3A_3096 = tpu.memref_slice %arg12[%gather3A_3093, %gather3A_3094, %gather3A_3095] : memref<8x64x128xf32, #tpu.memory_space<vmem>> -> memref<1x64x128xf32, #tpu.memory_space<vmem>>
        %gather3A_3097 = tpu.memref_squeeze %gather3A_3096 : memref<1x64x128xf32, #tpu.memory_space<vmem>> -> memref<64x128xf32, #tpu.memory_space<vmem>>
        %gather3A_3098 = tpu.vector_load_idx %gather3A_3097[%add3A_3092, %broadcast_in_dim3A_3022] : memref<64x128xf32, #tpu.memory_space<vmem>>[vector<16xi32>, vector<16xi32>], vector<16xf32>,
        %add3A_3099 = arith.constant 48 : i32
        %add3A_3100 = vector.broadcast %add3A_3099 : i32 to vector<16xi32>
        %add3A_3101 = arith.addi %iota3A, %add3A_3100 : vector<16xi32>
        tpu.vector_store_idx %arg15[%add3A_3101, %broadcast_in_dim3A_3023], %gather3A_3098 : memref<64x128xf32, #tpu.memory_space<vmem>>[vector<16xi32>, vector<16xi32>], vector<16xf32>,
      } else {
      }
      %slice3A_1043 = vector.extract_strided_slice %sub3A {offsets = [0], sizes = [1], strides = [1]} : vector<16xi32> to vector<1xi32>
      %squeeze3A_1044 = vector.extract %slice3A_1043[0] : i32 from vector<1xi32>
      %multiple_of3A_1045 = tpu.assume_multiple %squeeze3A_1044, 128 : i32
      %dma_start3A = arith.constant 0 : i32
      %dma_start3A_1046 = arith.constant 0 : i32
      %dma_start3A_1047 = arith.constant 0 : i32
      %dma_start3A_1048 = tpu.memref_slice %arg10[%dma_start3A, %dma_start3A_1046, %dma_start3A_1047] : memref<8x16x128xf32, #tpu.memory_space<vmem>> -> memref<1x16x128xf32, #tpu.memory_space<vmem>>
      %dma_start3A_1049 = tpu.memref_squeeze %dma_start3A_1048 : memref<1x16x128xf32, #tpu.memory_space<vmem>> -> memref<16x128xf32, #tpu.memory_space<vmem>>
      %dma_start3A_1050 = arith.constant 0 : i32
      %dma_start3A_1051 = tpu.memref_slice %arg3[%dma_start3A_1050, %multiple_of3A_1045] : memref<16x1000000xf32, #tpu.memory_space<hbm>> -> memref<16x128xf32, #tpu.memory_space<hbm>>
      %dma_start3A_1052 = arith.constant 0 : i32
      %dma_start3A_1053 = arith.constant 0 : i32
      %dma_start3A_1054 = tpu.memref_slice %arg10[%dma_start3A, %dma_start3A_1052, %dma_start3A_1053] : memref<8x16x128xf32, #tpu.memory_space<vmem>> -> memref<1x16x128xf32, #tpu.memory_space<vmem>>
      %dma_start3A_1055 = tpu.memref_squeeze %dma_start3A_1054 : memref<1x16x128xf32, #tpu.memory_space<vmem>> -> memref<16x128xf32, #tpu.memory_space<vmem>>
      %dma_start3A_1056 = arith.constant 0 : i32
      %dma_start3A_1057 = tpu.memref_slice %arg3[%dma_start3A_1056, %multiple_of3A_1045] : memref<16x1000000xf32, #tpu.memory_space<hbm>> -> memref<16x128xf32, #tpu.memory_space<hbm>>
      tpu.enqueue_dma source(%dma_start3A_1057 : memref<16x128xf32, #tpu.memory_space<hbm>>) target(%dma_start3A_1055 : memref<16x128xf32, #tpu.memory_space<vmem>>) target_semaphore(%arg16 : memref<!tpu.dma_semaphore, #tpu.memory_space<semaphore_mem>>)
      %dma_start3A_1058 = arith.constant 0 : i32
      %dma_start3A_1059 = arith.constant 0 : i32
      %dma_start3A_1060 = arith.constant 0 : i32
      %dma_start3A_1061 = tpu.memref_slice %arg11[%dma_start3A_1058, %dma_start3A_1059, %dma_start3A_1060] : memref<8x32x128xf32, #tpu.memory_space<vmem>> -> memref<1x32x128xf32, #tpu.memory_space<vmem>>
      %dma_start3A_1062 = tpu.memref_squeeze %dma_start3A_1061 : memref<1x32x128xf32, #tpu.memory_space<vmem>> -> memref<32x128xf32, #tpu.memory_space<vmem>>
      %dma_start3A_1063 = arith.constant 0 : i32
      %dma_start3A_1064 = tpu.memref_slice %arg4[%dma_start3A_1063, %multiple_of3A_1045] : memref<32x1000000xf32, #tpu.memory_space<hbm>> -> memref<32x128xf32, #tpu.memory_space<hbm>>
      %dma_start3A_1065 = arith.constant 0 : i32
      %dma_start3A_1066 = arith.constant 0 : i32
      %dma_start3A_1067 = tpu.memref_slice %arg11[%dma_start3A_1058, %dma_start3A_1065, %dma_start3A_1066] : memref<8x32x128xf32, #tpu.memory_space<vmem>> -> memref<1x32x128xf32, #tpu.memory_space<vmem>>
      %dma_start3A_1068 = tpu.memref_squeeze %dma_start3A_1067 : memref<1x32x128xf32, #tpu.memory_space<vmem>> -> memref<32x128xf32, #tpu.memory_space<vmem>>
      %dma_start3A_1069 = arith.constant 0 : i32
      %dma_start3A_1070 = tpu.memref_slice %arg4[%dma_start3A_1069, %multiple_of3A_1045] : memref<32x1000000xf32, #tpu.memory_space<hbm>> -> memref<32x128xf32, #tpu.memory_space<hbm>>
      tpu.enqueue_dma source(%dma_start3A_1070 : memref<32x128xf32, #tpu.memory_space<hbm>>) target(%dma_start3A_1068 : memref<32x128xf32, #tpu.memory_space<vmem>>) target_semaphore(%arg16 : memref<!tpu.dma_semaphore, #tpu.memory_space<semaphore_mem>>)
      %dma_start3A_1071 = arith.constant 0 : i32
      %dma_start3A_1072 = arith.constant 0 : i32
      %dma_start3A_1073 = arith.constant 0 : i32
      %dma_start3A_1074 = tpu.memref_slice %arg12[%dma_start3A_1071, %dma_start3A_1072, %dma_start3A_1073] : memref<8x64x128xf32, #tpu.memory_space<vmem>> -> memref<1x64x128xf32, #tpu.memory_space<vmem>>
      %dma_start3A_1075 = tpu.memref_squeeze %dma_start3A_1074 : memref<1x64x128xf32, #tpu.memory_space<vmem>> -> memref<64x128xf32, #tpu.memory_space<vmem>>
      %dma_start3A_1076 = arith.constant 0 : i32
      %dma_start3A_1077 = tpu.memref_slice %arg5[%dma_start3A_1076, %multiple_of3A_1045] : memref<64x1000000xf32, #tpu.memory_space<hbm>> -> memref<64x128xf32, #tpu.memory_space<hbm>>
      %dma_start3A_1078 = arith.constant 0 : i32
      %dma_start3A_1079 = arith.constant 0 : i32
      %dma_start3A_1080 = tpu.memref_slice %arg12[%dma_start3A_1071, %dma_start3A_1078, %dma_start3A_1079] : memref<8x64x128xf32, #tpu.memory_space<vmem>> -> memref<1x64x128xf32, #tpu.memory_space<vmem>>
      %dma_start3A_1081 = tpu.memref_squeeze %dma_start3A_1080 : memref<1x64x128xf32, #tpu.memory_space<vmem>> -> memref<64x128xf32, #tpu.memory_space<vmem>>
      %dma_start3A_1082 = arith.constant 0 : i32
      %dma_start3A_1083 = tpu.memref_slice %arg5[%dma_start3A_1082, %multiple_of3A_1045] : memref<64x1000000xf32, #tpu.memory_space<hbm>> -> memref<64x128xf32, #tpu.memory_space<hbm>>
      tpu.enqueue_dma source(%dma_start3A_1083 : memref<64x128xf32, #tpu.memory_space<hbm>>) target(%dma_start3A_1081 : memref<64x128xf32, #tpu.memory_space<vmem>>) target_semaphore(%arg16 : memref<!tpu.dma_semaphore, #tpu.memory_space<semaphore_mem>>)
      %add3A_1084 = arith.constant 1 : i32
      %add3A_1085 = arith.addi %mul3A_1035, %add3A_1084 : i32
      %gt3A_1086 = arith.constant 0 : i32
      %gt3A_1087 = arith.cmpi sgt, %scan3A_1031, %gt3A_1086 : i32
      %convert_element_type3A_1088 = arith.extui %gt3A_1087 : i1 to i32
      %cond3A_1089 = arith.constant 0 : i32
      %cond3A_1090 = arith.cmpi ne, %convert_element_type3A_1088, %cond3A_1089 : i32
      scf.if %cond3A_1090 {
        %dma_wait3A_2957 = arith.constant 1 : i32
        %dma_wait3A_2958 = arith.constant 0 : i32
        %dma_wait3A_2959 = arith.constant 0 : i32
        %dma_wait3A_2960 = tpu.memref_slice %arg10[%dma_wait3A_2957, %dma_wait3A_2958, %dma_wait3A_2959] : memref<8x16x128xf32, #tpu.memory_space<vmem>> -> memref<1x16x128xf32, #tpu.memory_space<vmem>>
        %dma_wait3A_2961 = tpu.memref_squeeze %dma_wait3A_2960 : memref<1x16x128xf32, #tpu.memory_space<vmem>> -> memref<16x128xf32, #tpu.memory_space<vmem>>
        %dma_wait3A_2962 = arith.constant 0 : i32
        %dma_wait3A_2963 = arith.constant 0 : i32
        %dma_wait3A_2964 = tpu.memref_slice %arg3[%dma_wait3A_2962, %dma_wait3A_2963] : memref<16x1000000xf32, #tpu.memory_space<hbm>> -> memref<16x128xf32, #tpu.memory_space<hbm>>
        %dma_wait3A_2965 = arith.constant 0 : i32
        %dma_wait3A_2966 = arith.constant 0 : i32
        %dma_wait3A_2967 = tpu.memref_slice %arg10[%dma_wait3A_2957, %dma_wait3A_2965, %dma_wait3A_2966] : memref<8x16x128xf32, #tpu.memory_space<vmem>> -> memref<1x16x128xf32, #tpu.memory_space<vmem>>
        %dma_wait3A_2968 = tpu.memref_squeeze %dma_wait3A_2967 : memref<1x16x128xf32, #tpu.memory_space<vmem>> -> memref<16x128xf32, #tpu.memory_space<vmem>>
        %dma_wait3A_2969 = arith.constant 0 : i32
        %dma_wait3A_2970 = arith.constant 0 : i32
        %dma_wait3A_2971 = tpu.memref_slice %arg3[%dma_wait3A_2969, %dma_wait3A_2970] : memref<16x1000000xf32, #tpu.memory_space<hbm>> -> memref<16x128xf32, #tpu.memory_space<hbm>>
        tpu.wait_dma2 semaphore(%arg17 : memref<!tpu.dma_semaphore, #tpu.memory_space<semaphore_mem>>) src(%dma_wait3A_2971 : memref<16x128xf32, #tpu.memory_space<hbm>>) dst(%dma_wait3A_2968 : memref<16x128xf32, #tpu.memory_space<vmem>>)
        %dma_wait3A_2972 = arith.constant 1 : i32
        %dma_wait3A_2973 = arith.constant 0 : i32
        %dma_wait3A_2974 = arith.constant 0 : i32
        %dma_wait3A_2975 = tpu.memref_slice %arg11[%dma_wait3A_2972, %dma_wait3A_2973, %dma_wait3A_2974] : memref<8x32x128xf32, #tpu.memory_space<vmem>> -> memref<1x32x128xf32, #tpu.memory_space<vmem>>
        %dma_wait3A_2976 = tpu.memref_squeeze %dma_wait3A_2975 : memref<1x32x128xf32, #tpu.memory_space<vmem>> -> memref<32x128xf32, #tpu.memory_space<vmem>>
        %dma_wait3A_2977 = arith.constant 0 : i32
        %dma_wait3A_2978 = arith.constant 0 : i32
        %dma_wait3A_2979 = tpu.memref_slice %arg4[%dma_wait3A_2977, %dma_wait3A_2978] : memref<32x1000000xf32, #tpu.memory_space<hbm>> -> memref<32x128xf32, #tpu.memory_space<hbm>>
        %dma_wait3A_2980 = arith.constant 0 : i32
        %dma_wait3A_2981 = arith.constant 0 : i32
        %dma_wait3A_2982 = tpu.memref_slice %arg11[%dma_wait3A_2972, %dma_wait3A_2980, %dma_wait3A_2981] : memref<8x32x128xf32, #tpu.memory_space<vmem>> -> memref<1x32x128xf32, #tpu.memory_space<vmem>>
        %dma_wait3A_2983 = tpu.memref_squeeze %dma_wait3A_2982 : memref<1x32x128xf32, #tpu.memory_space<vmem>> -> memref<32x128xf32, #tpu.memory_space<vmem>>
        %dma_wait3A_2984 = arith.constant 0 : i32
        %dma_wait3A_2985 = arith.constant 0 : i32
        %dma_wait3A_2986 = tpu.memref_slice %arg4[%dma_wait3A_2984, %dma_wait3A_2985] : memref<32x1000000xf32, #tpu.memory_space<hbm>> -> memref<32x128xf32, #tpu.memory_space<hbm>>
        tpu.wait_dma2 semaphore(%arg17 : memref<!tpu.dma_semaphore, #tpu.memory_space<semaphore_mem>>) src(%dma_wait3A_2986 : memref<32x128xf32, #tpu.memory_space<hbm>>) dst(%dma_wait3A_2983 : memref<32x128xf32, #tpu.memory_space<vmem>>)
        %dma_wait3A_2987 = arith.constant 1 : i32
        %dma_wait3A_2988 = arith.constant 0 : i32
        %dma_wait3A_2989 = arith.constant 0 : i32
        %dma_wait3A_2990 = tpu.memref_slice %arg12[%dma_wait3A_2987, %dma_wait3A_2988, %dma_wait3A_2989] : memref<8x64x128xf32, #tpu.memory_space<vmem>> -> memref<1x64x128xf32, #tpu.memory_space<vmem>>
        %dma_wait3A_2991 = tpu.memref_squeeze %dma_wait3A_2990 : memref<1x64x128xf32, #tpu.memory_space<vmem>> -> memref<64x128xf32, #tpu.memory_space<vmem>>
        %dma_wait3A_2992 = arith.constant 0 : i32
        %dma_wait3A_2993 = arith.constant 0 : i32
        %dma_wait3A_2994 = tpu.memref_slice %arg5[%dma_wait3A_2992, %dma_wait3A_2993] : memref<64x1000000xf32, #tpu.memory_space<hbm>> -> memref<64x128xf32, #tpu.memory_space<hbm>>
        %dma_wait3A_2995 = arith.constant 0 : i32
        %dma_wait3A_2996 = arith.constant 0 : i32
        %dma_wait3A_2997 = tpu.memref_slice %arg12[%dma_wait3A_2987, %dma_wait3A_2995, %dma_wait3A_2996] : memref<8x64x128xf32, #tpu.memory_space<vmem>> -> memref<1x64x128xf32, #tpu.memory_space<vmem>>
        %dma_wait3A_2998 = tpu.memref_squeeze %dma_wait3A_2997 : memref<1x64x128xf32, #tpu.memory_space<vmem>> -> memref<64x128xf32, #tpu.memory_space<vmem>>
        %dma_wait3A_2999 = arith.constant 0 : i32
        %dma_wait3A_3000 = arith.constant 0 : i32
        %dma_wait3A_3001 = tpu.memref_slice %arg5[%dma_wait3A_2999, %dma_wait3A_3000] : memref<64x1000000xf32, #tpu.memory_space<hbm>> -> memref<64x128xf32, #tpu.memory_space<hbm>>
        tpu.wait_dma2 semaphore(%arg17 : memref<!tpu.dma_semaphore, #tpu.memory_space<semaphore_mem>>) src(%dma_wait3A_3001 : memref<64x128xf32, #tpu.memory_space<hbm>>) dst(%dma_wait3A_2998 : memref<64x128xf32, #tpu.memory_space<vmem>>)
        %slice3A_3002 = vector.extract_strided_slice %scan3A_1033 {offsets = [9], sizes = [1], strides = [1]} : vector<16xi32> to vector<1xi32>
        %squeeze3A_3003 = vector.extract %slice3A_3002[0] : i32 from vector<1xi32>
        %sub3A_3004 = arith.constant 8 : i32
        %sub3A_3005 = arith.subi %add3A_1085, %sub3A_3004 : i32
        %jit3A_3006 = arith.constant 128 : i32
        %eq3A_3007 = arith.constant 0 : i32
        %eq3A_3008 = arith.cmpi eq, %jit3A_3006, %eq3A_3007 : i32
        %jit3A_3009 = arith.constant 1 : i32
        %select_n3A_3010 = arith.select %eq3A_3008, %jit3A_3009, %jit3A_3006 : i32
        %rem3A_3011 = arith.remsi %sub3A_3005, %select_n3A_3010 : i32
        %ne3A_3012 = arith.constant 0 : i32
        %ne3A_3013 = arith.cmpi ne, %rem3A_3011, %ne3A_3012 : i32
        %lt3A_3014 = arith.constant 0 : i32
        %lt3A_3015 = arith.cmpi slt, %rem3A_3011, %lt3A_3014 : i32
        %lt3A_3016 = arith.constant 0 : i32
        %lt3A_3017 = arith.cmpi slt, %select_n3A_3010, %lt3A_3016 : i32
        %ne3A_3018 = arith.xori %lt3A_3015, %lt3A_3017 : i1
        %and3A_3019 = arith.andi %ne3A_3018, %ne3A_3013 : i1
        %add3A_3020 = arith.addi %rem3A_3011, %select_n3A_3010 : i32
        %select_n3A_3021 = arith.select %and3A_3019, %add3A_3020, %rem3A_3011 : i32
        %broadcast_in_dim3A_3022 = vector.broadcast %squeeze3A_3003 : i32 to vector<16xi32>
        %broadcast_in_dim3A_3023 = vector.broadcast %select_n3A_3021 : i32 to vector<16xi32>
        %gather3A_3024 = arith.constant 1 : i32
        %gather3A_3025 = arith.constant 0 : i32
        %gather3A_3026 = arith.constant 0 : i32
        %gather3A_3027 = tpu.memref_slice %arg10[%gather3A_3024, %gather3A_3025, %gather3A_3026] : memref<8x16x128xf32, #tpu.memory_space<vmem>> -> memref<1x16x128xf32, #tpu.memory_space<vmem>>
        %gather3A_3028 = tpu.memref_squeeze %gather3A_3027 : memref<1x16x128xf32, #tpu.memory_space<vmem>> -> memref<16x128xf32, #tpu.memory_space<vmem>>
        %gather3A_3029 = tpu.vector_load_idx %gather3A_3028[%iota3A, %broadcast_in_dim3A_3022] : memref<16x128xf32, #tpu.memory_space<vmem>>[vector<16xi32>, vector<16xi32>], vector<16xf32>,
        tpu.vector_store_idx %arg13[%iota3A, %broadcast_in_dim3A_3023], %gather3A_3029 : memref<16x128xf32, #tpu.memory_space<vmem>>[vector<16xi32>, vector<16xi32>], vector<16xf32>,
        %add3A_3030 = arith.constant 0 : i32
        %add3A_3031 = vector.broadcast %add3A_3030 : i32 to vector<16xi32>
        %add3A_3032 = arith.addi %iota3A, %add3A_3031 : vector<16xi32>
        %gather3A_3033 = arith.constant 1 : i32
        %gather3A_3034 = arith.constant 0 : i32
        %gather3A_3035 = arith.constant 0 : i32
        %gather3A_3036 = tpu.memref_slice %arg11[%gather3A_3033, %gather3A_3034, %gather3A_3035] : memref<8x32x128xf32, #tpu.memory_space<vmem>> -> memref<1x32x128xf32, #tpu.memory_space<vmem>>
        %gather3A_3037 = tpu.memref_squeeze %gather3A_3036 : memref<1x32x128xf32, #tpu.memory_space<vmem>> -> memref<32x128xf32, #tpu.memory_space<vmem>>
        %gather3A_3038 = tpu.vector_load_idx %gather3A_3037[%add3A_3032, %broadcast_in_dim3A_3022] : memref<32x128xf32, #tpu.memory_space<vmem>>[vector<16xi32>, vector<16xi32>], vector<16xf32>,
        %add3A_3039 = arith.constant 0 : i32
        %add3A_3040 = vector.broadcast %add3A_3039 : i32 to vector<16xi32>
        %add3A_3041 = arith.addi %iota3A, %add3A_3040 : vector<16xi32>
        tpu.vector_store_idx %arg14[%add3A_3041, %broadcast_in_dim3A_3023], %gather3A_3038 : memref<32x128xf32, #tpu.memory_space<vmem>>[vector<16xi32>, vector<16xi32>], vector<16xf32>,
        %add3A_3042 = arith.constant 16 : i32
        %add3A_3043 = vector.broadcast %add3A_3042 : i32 to vector<16xi32>
        %add3A_3044 = arith.addi %iota3A, %add3A_3043 : vector<16xi32>
        %gather3A_3045 = arith.constant 1 : i32
        %gather3A_3046 = arith.constant 0 : i32
        %gather3A_3047 = arith.constant 0 : i32
        %gather3A_3048 = tpu.memref_slice %arg11[%gather3A_3045, %gather3A_3046, %gather3A_3047] : memref<8x32x128xf32, #tpu.memory_space<vmem>> -> memref<1x32x128xf32, #tpu.memory_space<vmem>>
        %gather3A_3049 = tpu.memref_squeeze %gather3A_3048 : memref<1x32x128xf32, #tpu.memory_space<vmem>> -> memref<32x128xf32, #tpu.memory_space<vmem>>
        %gather3A_3050 = tpu.vector_load_idx %gather3A_3049[%add3A_3044, %broadcast_in_dim3A_3022] : memref<32x128xf32, #tpu.memory_space<vmem>>[vector<16xi32>, vector<16xi32>], vector<16xf32>,
        %add3A_3051 = arith.constant 16 : i32
        %add3A_3052 = vector.broadcast %add3A_3051 : i32 to vector<16xi32>
        %add3A_3053 = arith.addi %iota3A, %add3A_3052 : vector<16xi32>
        tpu.vector_store_idx %arg14[%add3A_3053, %broadcast_in_dim3A_3023], %gather3A_3050 : memref<32x128xf32, #tpu.memory_space<vmem>>[vector<16xi32>, vector<16xi32>], vector<16xf32>,
        %add3A_3054 = arith.constant 0 : i32
        %add3A_3055 = vector.broadcast %add3A_3054 : i32 to vector<16xi32>
        %add3A_3056 = arith.addi %iota3A, %add3A_3055 : vector<16xi32>
        %gather3A_3057 = arith.constant 1 : i32
        %gather3A_3058 = arith.constant 0 : i32
        %gather3A_3059 = arith.constant 0 : i32
        %gather3A_3060 = tpu.memref_slice %arg12[%gather3A_3057, %gather3A_3058, %gather3A_3059] : memref<8x64x128xf32, #tpu.memory_space<vmem>> -> memref<1x64x128xf32, #tpu.memory_space<vmem>>
        %gather3A_3061 = tpu.memref_squeeze %gather3A_3060 : memref<1x64x128xf32, #tpu.memory_space<vmem>> -> memref<64x128xf32, #tpu.memory_space<vmem>>
        %gather3A_3062 = tpu.vector_load_idx %gather3A_3061[%add3A_3056, %broadcast_in_dim3A_3022] : memref<64x128xf32, #tpu.memory_space<vmem>>[vector<16xi32>, vector<16xi32>], vector<16xf32>,
        %add3A_3063 = arith.constant 0 : i32
        %add3A_3064 = vector.broadcast %add3A_3063 : i32 to vector<16xi32>
        %add3A_3065 = arith.addi %iota3A, %add3A_3064 : vector<16xi32>
        tpu.vector_store_idx %arg15[%add3A_3065, %broadcast_in_dim3A_3023], %gather3A_3062 : memref<64x128xf32, #tpu.memory_space<vmem>>[vector<16xi32>, vector<16xi32>], vector<16xf32>,
        %add3A_3066 = arith.constant 16 : i32
        %add3A_3067 = vector.broadcast %add3A_3066 : i32 to vector<16xi32>
        %add3A_3068 = arith.addi %iota3A, %add3A_3067 : vector<16xi32>
        %gather3A_3069 = arith.constant 1 : i32
        %gather3A_3070 = arith.constant 0 : i32
        %gather3A_3071 = arith.constant 0 : i32
        %gather3A_3072 = tpu.memref_slice %arg12[%gather3A_3069, %gather3A_3070, %gather3A_3071] : memref<8x64x128xf32, #tpu.memory_space<vmem>> -> memref<1x64x128xf32, #tpu.memory_space<vmem>>
        %gather3A_3073 = tpu.memref_squeeze %gather3A_3072 : memref<1x64x128xf32, #tpu.memory_space<vmem>> -> memref<64x128xf32, #tpu.memory_space<vmem>>
        %gather3A_3074 = tpu.vector_load_idx %gather3A_3073[%add3A_3068, %broadcast_in_dim3A_3022] : memref<64x128xf32, #tpu.memory_space<vmem>>[vector<16xi32>, vector<16xi32>], vector<16xf32>,
        %add3A_3075 = arith.constant 16 : i32
        %add3A_3076 = vector.broadcast %add3A_3075 : i32 to vector<16xi32>
        %add3A_3077 = arith.addi %iota3A, %add3A_3076 : vector<16xi32>
        tpu.vector_store_idx %arg15[%add3A_3077, %broadcast_in_dim3A_3023], %gather3A_3074 : memref<64x128xf32, #tpu.memory_space<vmem>>[vector<16xi32>, vector<16xi32>], vector<16xf32>,
        %add3A_3078 = arith.constant 32 : i32
        %add3A_3079 = vector.broadcast %add3A_3078 : i32 to vector<16xi32>
        %add3A_3080 = arith.addi %iota3A, %add3A_3079 : vector<16xi32>
        %gather3A_3081 = arith.constant 1 : i32
        %gather3A_3082 = arith.constant 0 : i32
        %gather3A_3083 = arith.constant 0 : i32
        %gather3A_3084 = tpu.memref_slice %arg12[%gather3A_3081, %gather3A_3082, %gather3A_3083] : memref<8x64x128xf32, #tpu.memory_space<vmem>> -> memref<1x64x128xf32, #tpu.memory_space<vmem>>
        %gather3A_3085 = tpu.memref_squeeze %gather3A_3084 : memref<1x64x128xf32, #tpu.memory_space<vmem>> -> memref<64x128xf32, #tpu.memory_space<vmem>>
        %gather3A_3086 = tpu.vector_load_idx %gather3A_3085[%add3A_3080, %broadcast_in_dim3A_3022] : memref<64x128xf32, #tpu.memory_space<vmem>>[vector<16xi32>, vector<16xi32>], vector<16xf32>,
        %add3A_3087 = arith.constant 32 : i32
        %add3A_3088 = vector.broadcast %add3A_3087 : i32 to vector<16xi32>
        %add3A_3089 = arith.addi %iota3A, %add3A_3088 : vector<16xi32>
        tpu.vector_store_idx %arg15[%add3A_3089, %broadcast_in_dim3A_3023], %gather3A_3086 : memref<64x128xf32, #tpu.memory_space<vmem>>[vector<16xi32>, vector<16xi32>], vector<16xf32>,
        %add3A_3090 = arith.constant 48 : i32
        %add3A_3091 = vector.broadcast %add3A_3090 : i32 to vector<16xi32>
        %add3A_3092 = arith.addi %iota3A, %add3A_3091 : vector<16xi32>
        %gather3A_3093 = arith.constant 1 : i32
        %gather3A_3094 = arith.constant 0 : i32
        %gather3A_3095 = arith.constant 0 : i32
        %gather3A_3096 = tpu.memref_slice %arg12[%gather3A_3093, %gather3A_3094, %gather3A_3095] : memref<8x64x128xf32, #tpu.memory_space<vmem>> -> memref<1x64x128xf32, #tpu.memory_space<vmem>>
        %gather3A_3097 = tpu.memref_squeeze %gather3A_3096 : memref<1x64x128xf32, #tpu.memory_space<vmem>> -> memref<64x128xf32, #tpu.memory_space<vmem>>
        %gather3A_3098 = tpu.vector_load_idx %gather3A_3097[%add3A_3092, %broadcast_in_dim3A_3022] : memref<64x128xf32, #tpu.memory_space<vmem>>[vector<16xi32>, vector<16xi32>], vector<16xf32>,
        %add3A_3099 = arith.constant 48 : i32
        %add3A_3100 = vector.broadcast %add3A_3099 : i32 to vector<16xi32>
        %add3A_3101 = arith.addi %iota3A, %add3A_3100 : vector<16xi32>
        tpu.vector_store_idx %arg15[%add3A_3101, %broadcast_in_dim3A_3023], %gather3A_3098 : memref<64x128xf32, #tpu.memory_space<vmem>>[vector<16xi32>, vector<16xi32>], vector<16xf32>,
      } else {
      }
      %slice3A_1091 = vector.extract_strided_slice %sub3A {offsets = [1], sizes = [1], strides = [1]} : vector<16xi32> to vector<1xi32>
      %squeeze3A_1092 = vector.extract %slice3A_1091[0] : i32 from vector<1xi32>
      %multiple_of3A_1093 = tpu.assume_multiple %squeeze3A_1092, 128 : i32
      %dma_start3A_1094 = arith.constant 1 : i32
      %dma_start3A_1095 = arith.constant 0 : i32
      %dma_start3A_1096 = arith.constant 0 : i32
      %dma_start3A_1097 = tpu.memref_slice %arg10[%dma_start3A_1094, %dma_start3A_1095, %dma_start3A_1096] : memref<8x16x128xf32, #tpu.memory_space<vmem>> -> memref<1x16x128xf32, #tpu.memory_space<vmem>>
      %dma_start3A_1098 = tpu.memref_squeeze %dma_start3A_1097 : memref<1x16x128xf32, #tpu.memory_space<vmem>> -> memref<16x128xf32, #tpu.memory_space<vmem>>
      %dma_start3A_1099 = arith.constant 0 : i32
      %dma_start3A_1100 = tpu.memref_slice %arg3[%dma_start3A_1099, %multiple_of3A_1093] : memref<16x1000000xf32, #tpu.memory_space<hbm>> -> memref<16x128xf32, #tpu.memory_space<hbm>>
      %dma_start3A_1101 = arith.constant 0 : i32
      %dma_start3A_1102 = arith.constant 0 : i32
      %dma_start3A_1103 = tpu.memref_slice %arg10[%dma_start3A_1094, %dma_start3A_1101, %dma_start3A_1102] : memref<8x16x128xf32, #tpu.memory_space<vmem>> -> memref<1x16x128xf32, #tpu.memory_space<vmem>>
      %dma_start3A_1104 = tpu.memref_squeeze %dma_start3A_1103 : memref<1x16x128xf32, #tpu.memory_space<vmem>> -> memref<16x128xf32, #tpu.memory_space<vmem>>
      %dma_start3A_1105 = arith.constant 0 : i32
      %dma_start3A_1106 = tpu.memref_slice %arg3[%dma_start3A_1105, %multiple_of3A_1093] : memref<16x1000000xf32, #tpu.memory_space<hbm>> -> memref<16x128xf32, #tpu.memory_space<hbm>>
      tpu.enqueue_dma source(%dma_start3A_1106 : memref<16x128xf32, #tpu.memory_space<hbm>>) target(%dma_start3A_1104 : memref<16x128xf32, #tpu.memory_space<vmem>>) target_semaphore(%arg17 : memref<!tpu.dma_semaphore, #tpu.memory_space<semaphore_mem>>)
      %dma_start3A_1107 = arith.constant 1 : i32
      %dma_start3A_1108 = arith.constant 0 : i32
      %dma_start3A_1109 = arith.constant 0 : i32
      %dma_start3A_1110 = tpu.memref_slice %arg11[%dma_start3A_1107, %dma_start3A_1108, %dma_start3A_1109] : memref<8x32x128xf32, #tpu.memory_space<vmem>> -> memref<1x32x128xf32, #tpu.memory_space<vmem>>
      %dma_start3A_1111 = tpu.memref_squeeze %dma_start3A_1110 : memref<1x32x128xf32, #tpu.memory_space<vmem>> -> memref<32x128xf32, #tpu.memory_space<vmem>>
      %dma_start3A_1112 = arith.constant 0 : i32
      %dma_start3A_1113 = tpu.memref_slice %arg4[%dma_start3A_1112, %multiple_of3A_1093] : memref<32x1000000xf32, #tpu.memory_space<hbm>> -> memref<32x128xf32, #tpu.memory_space<hbm>>
      %dma_start3A_1114 = arith.constant 0 : i32
      %dma_start3A_1115 = arith.constant 0 : i32
      %dma_start3A_1116 = tpu.memref_slice %arg11[%dma_start3A_1107, %dma_start3A_1114, %dma_start3A_1115] : memref<8x32x128xf32, #tpu.memory_space<vmem>> -> memref<1x32x128xf32, #tpu.memory_space<vmem>>
      %dma_start3A_1117 = tpu.memref_squeeze %dma_start3A_1116 : memref<1x32x128xf32, #tpu.memory_space<vmem>> -> memref<32x128xf32, #tpu.memory_space<vmem>>
      %dma_start3A_1118 = arith.constant 0 : i32
      %dma_start3A_1119 = tpu.memref_slice %arg4[%dma_start3A_1118, %multiple_of3A_1093] : memref<32x1000000xf32, #tpu.memory_space<hbm>> -> memref<32x128xf32, #tpu.memory_space<hbm>>
      tpu.enqueue_dma source(%dma_start3A_1119 : memref<32x128xf32, #tpu.memory_space<hbm>>) target(%dma_start3A_1117 : memref<32x128xf32, #tpu.memory_space<vmem>>) target_semaphore(%arg17 : memref<!tpu.dma_semaphore, #tpu.memory_space<semaphore_mem>>)
      %dma_start3A_1120 = arith.constant 1 : i32
      %dma_start3A_1121 = arith.constant 0 : i32
      %dma_start3A_1122 = arith.constant 0 : i32
      %dma_start3A_1123 = tpu.memref_slice %arg12[%dma_start3A_1120, %dma_start3A_1121, %dma_start3A_1122] : memref<8x64x128xf32, #tpu.memory_space<vmem>> -> memref<1x64x128xf32, #tpu.memory_space<vmem>>
      %dma_start3A_1124 = tpu.memref_squeeze %dma_start3A_1123 : memref<1x64x128xf32, #tpu.memory_space<vmem>> -> memref<64x128xf32, #tpu.memory_space<vmem>>
      %dma_start3A_1125 = arith.constant 0 : i32
      %dma_start3A_1126 = tpu.memref_slice %arg5[%dma_start3A_1125, %multiple_of3A_1093] : memref<64x1000000xf32, #tpu.memory_space<hbm>> -> memref<64x128xf32, #tpu.memory_space<hbm>>
      %dma_start3A_1127 = arith.constant 0 : i32
      %dma_start3A_1128 = arith.constant 0 : i32
      %dma_start3A_1129 = tpu.memref_slice %arg12[%dma_start3A_1120, %dma_start3A_1127, %dma_start3A_1128] : memref<8x64x128xf32, #tpu.memory_space<vmem>> -> memref<1x64x128xf32, #tpu.memory_space<vmem>>
      %dma_start3A_1130 = tpu.memref_squeeze %dma_start3A_1129 : memref<1x64x128xf32, #tpu.memory_space<vmem>> -> memref<64x128xf32, #tpu.memory_space<vmem>>
      %dma_start3A_1131 = arith.constant 0 : i32
      %dma_start3A_1132 = tpu.memref_slice %arg5[%dma_start3A_1131, %multiple_of3A_1093] : memref<64x1000000xf32, #tpu.memory_space<hbm>> -> memref<64x128xf32, #tpu.memory_space<hbm>>
      tpu.enqueue_dma source(%dma_start3A_1132 : memref<64x128xf32, #tpu.memory_space<hbm>>) target(%dma_start3A_1130 : memref<64x128xf32, #tpu.memory_space<vmem>>) target_semaphore(%arg17 : memref<!tpu.dma_semaphore, #tpu.memory_space<semaphore_mem>>)
      %add3A_1133 = arith.constant 2 : i32
      %add3A_1134 = arith.addi %mul3A_1035, %add3A_1133 : i32
      %gt3A_1135 = arith.constant 0 : i32
      %gt3A_1136 = arith.cmpi sgt, %scan3A_1031, %gt3A_1135 : i32
      %convert_element_type3A_1137 = arith.extui %gt3A_1136 : i1 to i32
      %cond3A_1138 = arith.constant 0 : i32
      %cond3A_1139 = arith.cmpi ne, %convert_element_type3A_1137, %cond3A_1138 : i32
      scf.if %cond3A_1139 {
        %dma_wait3A_2957 = arith.constant 2 : i32
        %dma_wait3A_2958 = arith.constant 0 : i32
        %dma_wait3A_2959 = arith.constant 0 : i32
        %dma_wait3A_2960 = tpu.memref_slice %arg10[%dma_wait3A_2957, %dma_wait3A_2958, %dma_wait3A_2959] : memref<8x16x128xf32, #tpu.memory_space<vmem>> -> memref<1x16x128xf32, #tpu.memory_space<vmem>>
        %dma_wait3A_2961 = tpu.memref_squeeze %dma_wait3A_2960 : memref<1x16x128xf32, #tpu.memory_space<vmem>> -> memref<16x128xf32, #tpu.memory_space<vmem>>
        %dma_wait3A_2962 = arith.constant 0 : i32
        %dma_wait3A_2963 = arith.constant 0 : i32
        %dma_wait3A_2964 = tpu.memref_slice %arg3[%dma_wait3A_2962, %dma_wait3A_2963] : memref<16x1000000xf32, #tpu.memory_space<hbm>> -> memref<16x128xf32, #tpu.memory_space<hbm>>
        %dma_wait3A_2965 = arith.constant 0 : i32
        %dma_wait3A_2966 = arith.constant 0 : i32
        %dma_wait3A_2967 = tpu.memref_slice %arg10[%dma_wait3A_2957, %dma_wait3A_2965, %dma_wait3A_2966] : memref<8x16x128xf32, #tpu.memory_space<vmem>> -> memref<1x16x128xf32, #tpu.memory_space<vmem>>
        %dma_wait3A_2968 = tpu.memref_squeeze %dma_wait3A_2967 : memref<1x16x128xf32, #tpu.memory_space<vmem>> -> memref<16x128xf32, #tpu.memory_space<vmem>>
        %dma_wait3A_2969 = arith.constant 0 : i32
        %dma_wait3A_2970 = arith.constant 0 : i32
        %dma_wait3A_2971 = tpu.memref_slice %arg3[%dma_wait3A_2969, %dma_wait3A_2970] : memref<16x1000000xf32, #tpu.memory_space<hbm>> -> memref<16x128xf32, #tpu.memory_space<hbm>>
        tpu.wait_dma2 semaphore(%arg18 : memref<!tpu.dma_semaphore, #tpu.memory_space<semaphore_mem>>) src(%dma_wait3A_2971 : memref<16x128xf32, #tpu.memory_space<hbm>>) dst(%dma_wait3A_2968 : memref<16x128xf32, #tpu.memory_space<vmem>>)
        %dma_wait3A_2972 = arith.constant 2 : i32
        %dma_wait3A_2973 = arith.constant 0 : i32
        %dma_wait3A_2974 = arith.constant 0 : i32
        %dma_wait3A_2975 = tpu.memref_slice %arg11[%dma_wait3A_2972, %dma_wait3A_2973, %dma_wait3A_2974] : memref<8x32x128xf32, #tpu.memory_space<vmem>> -> memref<1x32x128xf32, #tpu.memory_space<vmem>>
        %dma_wait3A_2976 = tpu.memref_squeeze %dma_wait3A_2975 : memref<1x32x128xf32, #tpu.memory_space<vmem>> -> memref<32x128xf32, #tpu.memory_space<vmem>>
        %dma_wait3A_2977 = arith.constant 0 : i32
        %dma_wait3A_2978 = arith.constant 0 : i32
        %dma_wait3A_2979 = tpu.memref_slice %arg4[%dma_wait3A_2977, %dma_wait3A_2978] : memref<32x1000000xf32, #tpu.memory_space<hbm>> -> memref<32x128xf32, #tpu.memory_space<hbm>>
        %dma_wait3A_2980 = arith.constant 0 : i32
        %dma_wait3A_2981 = arith.constant 0 : i32
        %dma_wait3A_2982 = tpu.memref_slice %arg11[%dma_wait3A_2972, %dma_wait3A_2980, %dma_wait3A_2981] : memref<8x32x128xf32, #tpu.memory_space<vmem>> -> memref<1x32x128xf32, #tpu.memory_space<vmem>>
        %dma_wait3A_2983 = tpu.memref_squeeze %dma_wait3A_2982 : memref<1x32x128xf32, #tpu.memory_space<vmem>> -> memref<32x128xf32, #tpu.memory_space<vmem>>
        %dma_wait3A_2984 = arith.constant 0 : i32
        %dma_wait3A_2985 = arith.constant 0 : i32
        %dma_wait3A_2986 = tpu.memref_slice %arg4[%dma_wait3A_2984, %dma_wait3A_2985] : memref<32x1000000xf32, #tpu.memory_space<hbm>> -> memref<32x128xf32, #tpu.memory_space<hbm>>
        tpu.wait_dma2 semaphore(%arg18 : memref<!tpu.dma_semaphore, #tpu.memory_space<semaphore_mem>>) src(%dma_wait3A_2986 : memref<32x128xf32, #tpu.memory_space<hbm>>) dst(%dma_wait3A_2983 : memref<32x128xf32, #tpu.memory_space<vmem>>)
        %dma_wait3A_2987 = arith.constant 2 : i32
        %dma_wait3A_2988 = arith.constant 0 : i32
        %dma_wait3A_2989 = arith.constant 0 : i32
        %dma_wait3A_2990 = tpu.memref_slice %arg12[%dma_wait3A_2987, %dma_wait3A_2988, %dma_wait3A_2989] : memref<8x64x128xf32, #tpu.memory_space<vmem>> -> memref<1x64x128xf32, #tpu.memory_space<vmem>>
        %dma_wait3A_2991 = tpu.memref_squeeze %dma_wait3A_2990 : memref<1x64x128xf32, #tpu.memory_space<vmem>> -> memref<64x128xf32, #tpu.memory_space<vmem>>
        %dma_wait3A_2992 = arith.constant 0 : i32
        %dma_wait3A_2993 = arith.constant 0 : i32
        %dma_wait3A_2994 = tpu.memref_slice %arg5[%dma_wait3A_2992, %dma_wait3A_2993] : memref<64x1000000xf32, #tpu.memory_space<hbm>> -> memref<64x128xf32, #tpu.memory_space<hbm>>
        %dma_wait3A_2995 = arith.constant 0 : i32
        %dma_wait3A_2996 = arith.constant 0 : i32
        %dma_wait3A_2997 = tpu.memref_slice %arg12[%dma_wait3A_2987, %dma_wait3A_2995, %dma_wait3A_2996] : memref<8x64x128xf32, #tpu.memory_space<vmem>> -> memref<1x64x128xf32, #tpu.memory_space<vmem>>
        %dma_wait3A_2998 = tpu.memref_squeeze %dma_wait3A_2997 : memref<1x64x128xf32, #tpu.memory_space<vmem>> -> memref<64x128xf32, #tpu.memory_space<vmem>>
        %dma_wait3A_2999 = arith.constant 0 : i32
        %dma_wait3A_3000 = arith.constant 0 : i32
        %dma_wait3A_3001 = tpu.memref_slice %arg5[%dma_wait3A_2999, %dma_wait3A_3000] : memref<64x1000000xf32, #tpu.memory_space<hbm>> -> memref<64x128xf32, #tpu.memory_space<hbm>>
        tpu.wait_dma2 semaphore(%arg18 : memref<!tpu.dma_semaphore, #tpu.memory_space<semaphore_mem>>) src(%dma_wait3A_3001 : memref<64x128xf32, #tpu.memory_space<hbm>>) dst(%dma_wait3A_2998 : memref<64x128xf32, #tpu.memory_space<vmem>>)
        %slice3A_3002 = vector.extract_strided_slice %scan3A_1033 {offsets = [10], sizes = [1], strides = [1]} : vector<16xi32> to vector<1xi32>
        %squeeze3A_3003 = vector.extract %slice3A_3002[0] : i32 from vector<1xi32>
        %sub3A_3004 = arith.constant 8 : i32
        %sub3A_3005 = arith.subi %add3A_1134, %sub3A_3004 : i32
        %jit3A_3006 = arith.constant 128 : i32
        %eq3A_3007 = arith.constant 0 : i32
        %eq3A_3008 = arith.cmpi eq, %jit3A_3006, %eq3A_3007 : i32
        %jit3A_3009 = arith.constant 1 : i32
        %select_n3A_3010 = arith.select %eq3A_3008, %jit3A_3009, %jit3A_3006 : i32
        %rem3A_3011 = arith.remsi %sub3A_3005, %select_n3A_3010 : i32
        %ne3A_3012 = arith.constant 0 : i32
        %ne3A_3013 = arith.cmpi ne, %rem3A_3011, %ne3A_3012 : i32
        %lt3A_3014 = arith.constant 0 : i32
        %lt3A_3015 = arith.cmpi slt, %rem3A_3011, %lt3A_3014 : i32
        %lt3A_3016 = arith.constant 0 : i32
        %lt3A_3017 = arith.cmpi slt, %select_n3A_3010, %lt3A_3016 : i32
        %ne3A_3018 = arith.xori %lt3A_3015, %lt3A_3017 : i1
        %and3A_3019 = arith.andi %ne3A_3018, %ne3A_3013 : i1
        %add3A_3020 = arith.addi %rem3A_3011, %select_n3A_3010 : i32
        %select_n3A_3021 = arith.select %and3A_3019, %add3A_3020, %rem3A_3011 : i32
        %broadcast_in_dim3A_3022 = vector.broadcast %squeeze3A_3003 : i32 to vector<16xi32>
        %broadcast_in_dim3A_3023 = vector.broadcast %select_n3A_3021 : i32 to vector<16xi32>
        %gather3A_3024 = arith.constant 2 : i32
        %gather3A_3025 = arith.constant 0 : i32
        %gather3A_3026 = arith.constant 0 : i32
        %gather3A_3027 = tpu.memref_slice %arg10[%gather3A_3024, %gather3A_3025, %gather3A_3026] : memref<8x16x128xf32, #tpu.memory_space<vmem>> -> memref<1x16x128xf32, #tpu.memory_space<vmem>>
        %gather3A_3028 = tpu.memref_squeeze %gather3A_3027 : memref<1x16x128xf32, #tpu.memory_space<vmem>> -> memref<16x128xf32, #tpu.memory_space<vmem>>
        %gather3A_3029 = tpu.vector_load_idx %gather3A_3028[%iota3A, %broadcast_in_dim3A_3022] : memref<16x128xf32, #tpu.memory_space<vmem>>[vector<16xi32>, vector<16xi32>], vector<16xf32>,
        tpu.vector_store_idx %arg13[%iota3A, %broadcast_in_dim3A_3023], %gather3A_3029 : memref<16x128xf32, #tpu.memory_space<vmem>>[vector<16xi32>, vector<16xi32>], vector<16xf32>,
        %add3A_3030 = arith.constant 0 : i32
        %add3A_3031 = vector.broadcast %add3A_3030 : i32 to vector<16xi32>
        %add3A_3032 = arith.addi %iota3A, %add3A_3031 : vector<16xi32>
        %gather3A_3033 = arith.constant 2 : i32
        %gather3A_3034 = arith.constant 0 : i32
        %gather3A_3035 = arith.constant 0 : i32
        %gather3A_3036 = tpu.memref_slice %arg11[%gather3A_3033, %gather3A_3034, %gather3A_3035] : memref<8x32x128xf32, #tpu.memory_space<vmem>> -> memref<1x32x128xf32, #tpu.memory_space<vmem>>
        %gather3A_3037 = tpu.memref_squeeze %gather3A_3036 : memref<1x32x128xf32, #tpu.memory_space<vmem>> -> memref<32x128xf32, #tpu.memory_space<vmem>>
        %gather3A_3038 = tpu.vector_load_idx %gather3A_3037[%add3A_3032, %broadcast_in_dim3A_3022] : memref<32x128xf32, #tpu.memory_space<vmem>>[vector<16xi32>, vector<16xi32>], vector<16xf32>,
        %add3A_3039 = arith.constant 0 : i32
        %add3A_3040 = vector.broadcast %add3A_3039 : i32 to vector<16xi32>
        %add3A_3041 = arith.addi %iota3A, %add3A_3040 : vector<16xi32>
        tpu.vector_store_idx %arg14[%add3A_3041, %broadcast_in_dim3A_3023], %gather3A_3038 : memref<32x128xf32, #tpu.memory_space<vmem>>[vector<16xi32>, vector<16xi32>], vector<16xf32>,
        %add3A_3042 = arith.constant 16 : i32
        %add3A_3043 = vector.broadcast %add3A_3042 : i32 to vector<16xi32>
        %add3A_3044 = arith.addi %iota3A, %add3A_3043 : vector<16xi32>
        %gather3A_3045 = arith.constant 2 : i32
        %gather3A_3046 = arith.constant 0 : i32
        %gather3A_3047 = arith.constant 0 : i32
        %gather3A_3048 = tpu.memref_slice %arg11[%gather3A_3045, %gather3A_3046, %gather3A_3047] : memref<8x32x128xf32, #tpu.memory_space<vmem>> -> memref<1x32x128xf32, #tpu.memory_space<vmem>>
        %gather3A_3049 = tpu.memref_squeeze %gather3A_3048 : memref<1x32x128xf32, #tpu.memory_space<vmem>> -> memref<32x128xf32, #tpu.memory_space<vmem>>
        %gather3A_3050 = tpu.vector_load_idx %gather3A_3049[%add3A_3044, %broadcast_in_dim3A_3022] : memref<32x128xf32, #tpu.memory_space<vmem>>[vector<16xi32>, vector<16xi32>], vector<16xf32>,
        %add3A_3051 = arith.constant 16 : i32
        %add3A_3052 = vector.broadcast %add3A_3051 : i32 to vector<16xi32>
        %add3A_3053 = arith.addi %iota3A, %add3A_3052 : vector<16xi32>
        tpu.vector_store_idx %arg14[%add3A_3053, %broadcast_in_dim3A_3023], %gather3A_3050 : memref<32x128xf32, #tpu.memory_space<vmem>>[vector<16xi32>, vector<16xi32>], vector<16xf32>,
        %add3A_3054 = arith.constant 0 : i32
        %add3A_3055 = vector.broadcast %add3A_3054 : i32 to vector<16xi32>
        %add3A_3056 = arith.addi %iota3A, %add3A_3055 : vector<16xi32>
        %gather3A_3057 = arith.constant 2 : i32
        %gather3A_3058 = arith.constant 0 : i32
        %gather3A_3059 = arith.constant 0 : i32
        %gather3A_3060 = tpu.memref_slice %arg12[%gather3A_3057, %gather3A_3058, %gather3A_3059] : memref<8x64x128xf32, #tpu.memory_space<vmem>> -> memref<1x64x128xf32, #tpu.memory_space<vmem>>
        %gather3A_3061 = tpu.memref_squeeze %gather3A_3060 : memref<1x64x128xf32, #tpu.memory_space<vmem>> -> memref<64x128xf32, #tpu.memory_space<vmem>>
        %gather3A_3062 = tpu.vector_load_idx %gather3A_3061[%add3A_3056, %broadcast_in_dim3A_3022] : memref<64x128xf32, #tpu.memory_space<vmem>>[vector<16xi32>, vector<16xi32>], vector<16xf32>,
        %add3A_3063 = arith.constant 0 : i32
        %add3A_3064 = vector.broadcast %add3A_3063 : i32 to vector<16xi32>
        %add3A_3065 = arith.addi %iota3A, %add3A_3064 : vector<16xi32>
        tpu.vector_store_idx %arg15[%add3A_3065, %broadcast_in_dim3A_3023], %gather3A_3062 : memref<64x128xf32, #tpu.memory_space<vmem>>[vector<16xi32>, vector<16xi32>], vector<16xf32>,
        %add3A_3066 = arith.constant 16 : i32
        %add3A_3067 = vector.broadcast %add3A_3066 : i32 to vector<16xi32>
        %add3A_3068 = arith.addi %iota3A, %add3A_3067 : vector<16xi32>
        %gather3A_3069 = arith.constant 2 : i32
        %gather3A_3070 = arith.constant 0 : i32
        %gather3A_3071 = arith.constant 0 : i32
        %gather3A_3072 = tpu.memref_slice %arg12[%gather3A_3069, %gather3A_3070, %gather3A_3071] : memref<8x64x128xf32, #tpu.memory_space<vmem>> -> memref<1x64x128xf32, #tpu.memory_space<vmem>>
        %gather3A_3073 = tpu.memref_squeeze %gather3A_3072 : memref<1x64x128xf32, #tpu.memory_space<vmem>> -> memref<64x128xf32, #tpu.memory_space<vmem>>
        %gather3A_3074 = tpu.vector_load_idx %gather3A_3073[%add3A_3068, %broadcast_in_dim3A_3022] : memref<64x128xf32, #tpu.memory_space<vmem>>[vector<16xi32>, vector<16xi32>], vector<16xf32>,
        %add3A_3075 = arith.constant 16 : i32
        %add3A_3076 = vector.broadcast %add3A_3075 : i32 to vector<16xi32>
        %add3A_3077 = arith.addi %iota3A, %add3A_3076 : vector<16xi32>
        tpu.vector_store_idx %arg15[%add3A_3077, %broadcast_in_dim3A_3023], %gather3A_3074 : memref<64x128xf32, #tpu.memory_space<vmem>>[vector<16xi32>, vector<16xi32>], vector<16xf32>,
        %add3A_3078 = arith.constant 32 : i32
        %add3A_3079 = vector.broadcast %add3A_3078 : i32 to vector<16xi32>
        %add3A_3080 = arith.addi %iota3A, %add3A_3079 : vector<16xi32>
        %gather3A_3081 = arith.constant 2 : i32
        %gather3A_3082 = arith.constant 0 : i32
        %gather3A_3083 = arith.constant 0 : i32
        %gather3A_3084 = tpu.memref_slice %arg12[%gather3A_3081, %gather3A_3082, %gather3A_3083] : memref<8x64x128xf32, #tpu.memory_space<vmem>> -> memref<1x64x128xf32, #tpu.memory_space<vmem>>
        %gather3A_3085 = tpu.memref_squeeze %gather3A_3084 : memref<1x64x128xf32, #tpu.memory_space<vmem>> -> memref<64x128xf32, #tpu.memory_space<vmem>>
        %gather3A_3086 = tpu.vector_load_idx %gather3A_3085[%add3A_3080, %broadcast_in_dim3A_3022] : memref<64x128xf32, #tpu.memory_space<vmem>>[vector<16xi32>, vector<16xi32>], vector<16xf32>,
        %add3A_3087 = arith.constant 32 : i32
        %add3A_3088 = vector.broadcast %add3A_3087 : i32 to vector<16xi32>
        %add3A_3089 = arith.addi %iota3A, %add3A_3088 : vector<16xi32>
        tpu.vector_store_idx %arg15[%add3A_3089, %broadcast_in_dim3A_3023], %gather3A_3086 : memref<64x128xf32, #tpu.memory_space<vmem>>[vector<16xi32>, vector<16xi32>], vector<16xf32>,
        %add3A_3090 = arith.constant 48 : i32
        %add3A_3091 = vector.broadcast %add3A_3090 : i32 to vector<16xi32>
        %add3A_3092 = arith.addi %iota3A, %add3A_3091 : vector<16xi32>
        %gather3A_3093 = arith.constant 2 : i32
        %gather3A_3094 = arith.constant 0 : i32
        %gather3A_3095 = arith.constant 0 : i32
        %gather3A_3096 = tpu.memref_slice %arg12[%gather3A_3093, %gather3A_3094, %gather3A_3095] : memref<8x64x128xf32, #tpu.memory_space<vmem>> -> memref<1x64x128xf32, #tpu.memory_space<vmem>>
        %gather3A_3097 = tpu.memref_squeeze %gather3A_3096 : memref<1x64x128xf32, #tpu.memory_space<vmem>> -> memref<64x128xf32, #tpu.memory_space<vmem>>
        %gather3A_3098 = tpu.vector_load_idx %gather3A_3097[%add3A_3092, %broadcast_in_dim3A_3022] : memref<64x128xf32, #tpu.memory_space<vmem>>[vector<16xi32>, vector<16xi32>], vector<16xf32>,
        %add3A_3099 = arith.constant 48 : i32
        %add3A_3100 = vector.broadcast %add3A_3099 : i32 to vector<16xi32>
        %add3A_3101 = arith.addi %iota3A, %add3A_3100 : vector<16xi32>
        tpu.vector_store_idx %arg15[%add3A_3101, %broadcast_in_dim3A_3023], %gather3A_3098 : memref<64x128xf32, #tpu.memory_space<vmem>>[vector<16xi32>, vector<16xi32>], vector<16xf32>,
      } else {
      }
      %slice3A_1140 = vector.extract_strided_slice %sub3A {offsets = [2], sizes = [1], strides = [1]} : vector<16xi32> to vector<1xi32>
      %squeeze3A_1141 = vector.extract %slice3A_1140[0] : i32 from vector<1xi32>
      %multiple_of3A_1142 = tpu.assume_multiple %squeeze3A_1141, 128 : i32
      %dma_start3A_1143 = arith.constant 2 : i32
      %dma_start3A_1144 = arith.constant 0 : i32
      %dma_start3A_1145 = arith.constant 0 : i32
      %dma_start3A_1146 = tpu.memref_slice %arg10[%dma_start3A_1143, %dma_start3A_1144, %dma_start3A_1145] : memref<8x16x128xf32, #tpu.memory_space<vmem>> -> memref<1x16x128xf32, #tpu.memory_space<vmem>>
      %dma_start3A_1147 = tpu.memref_squeeze %dma_start3A_1146 : memref<1x16x128xf32, #tpu.memory_space<vmem>> -> memref<16x128xf32, #tpu.memory_space<vmem>>
      %dma_start3A_1148 = arith.constant 0 : i32
      %dma_start3A_1149 = tpu.memref_slice %arg3[%dma_start3A_1148, %multiple_of3A_1142] : memref<16x1000000xf32, #tpu.memory_space<hbm>> -> memref<16x128xf32, #tpu.memory_space<hbm>>
      %dma_start3A_1150 = arith.constant 0 : i32
      %dma_start3A_1151 = arith.constant 0 : i32
      %dma_start3A_1152 = tpu.memref_slice %arg10[%dma_start3A_1143, %dma_start3A_1150, %dma_start3A_1151] : memref<8x16x128xf32, #tpu.memory_space<vmem>> -> memref<1x16x128xf32, #tpu.memory_space<vmem>>
      %dma_start3A_1153 = tpu.memref_squeeze %dma_start3A_1152 : memref<1x16x128xf32, #tpu.memory_space<vmem>> -> memref<16x128xf32, #tpu.memory_space<vmem>>
      %dma_start3A_1154 = arith.constant 0 : i32
      %dma_start3A_1155 = tpu.memref_slice %arg3[%dma_start3A_1154, %multiple_of3A_1142] : memref<16x1000000xf32, #tpu.memory_space<hbm>> -> memref<16x128xf32, #tpu.memory_space<hbm>>
      tpu.enqueue_dma source(%dma_start3A_1155 : memref<16x128xf32, #tpu.memory_space<hbm>>) target(%dma_start3A_1153 : memref<16x128xf32, #tpu.memory_space<vmem>>) target_semaphore(%arg18 : memref<!tpu.dma_semaphore, #tpu.memory_space<semaphore_mem>>)
      %dma_start3A_1156 = arith.constant 2 : i32
      %dma_start3A_1157 = arith.constant 0 : i32
      %dma_start3A_1158 = arith.constant 0 : i32
      %dma_start3A_1159 = tpu.memref_slice %arg11[%dma_start3A_1156, %dma_start3A_1157, %dma_start3A_1158] : memref<8x32x128xf32, #tpu.memory_space<vmem>> -> memref<1x32x128xf32, #tpu.memory_space<vmem>>
      %dma_start3A_1160 = tpu.memref_squeeze %dma_start3A_1159 : memref<1x32x128xf32, #tpu.memory_space<vmem>> -> memref<32x128xf32, #tpu.memory_space<vmem>>
      %dma_start3A_1161 = arith.constant 0 : i32
      %dma_start3A_1162 = tpu.memref_slice %arg4[%dma_start3A_1161, %multiple_of3A_1142] : memref<32x1000000xf32, #tpu.memory_space<hbm>> -> memref<32x128xf32, #tpu.memory_space<hbm>>
      %dma_start3A_1163 = arith.constant 0 : i32
      %dma_start3A_1164 = arith.constant 0 : i32
      %dma_start3A_1165 = tpu.memref_slice %arg11[%dma_start3A_1156, %dma_start3A_1163, %dma_start3A_1164] : memref<8x32x128xf32, #tpu.memory_space<vmem>> -> memref<1x32x128xf32, #tpu.memory_space<vmem>>
      %dma_start3A_1166 = tpu.memref_squeeze %dma_start3A_1165 : memref<1x32x128xf32, #tpu.memory_space<vmem>> -> memref<32x128xf32, #tpu.memory_space<vmem>>
      %dma_start3A_1167 = arith.constant 0 : i32
      %dma_start3A_1168 = tpu.memref_slice %arg4[%dma_start3A_1167, %multiple_of3A_1142] : memref<32x1000000xf32, #tpu.memory_space<hbm>> -> memref<32x128xf32, #tpu.memory_space<hbm>>
      tpu.enqueue_dma source(%dma_start3A_1168 : memref<32x128xf32, #tpu.memory_space<hbm>>) target(%dma_start3A_1166 : memref<32x128xf32, #tpu.memory_space<vmem>>) target_semaphore(%arg18 : memref<!tpu.dma_semaphore, #tpu.memory_space<semaphore_mem>>)
      %dma_start3A_1169 = arith.constant 2 : i32
      %dma_start3A_1170 = arith.constant 0 : i32
      %dma_start3A_1171 = arith.constant 0 : i32
      %dma_start3A_1172 = tpu.memref_slice %arg12[%dma_start3A_1169, %dma_start3A_1170, %dma_start3A_1171] : memref<8x64x128xf32, #tpu.memory_space<vmem>> -> memref<1x64x128xf32, #tpu.memory_space<vmem>>
      %dma_start3A_1173 = tpu.memref_squeeze %dma_start3A_1172 : memref<1x64x128xf32, #tpu.memory_space<vmem>> -> memref<64x128xf32, #tpu.memory_space<vmem>>
      %dma_start3A_1174 = arith.constant 0 : i32
      %dma_start3A_1175 = tpu.memref_slice %arg5[%dma_start3A_1174, %multiple_of3A_1142] : memref<64x1000000xf32, #tpu.memory_space<hbm>> -> memref<64x128xf32, #tpu.memory_space<hbm>>
      %dma_start3A_1176 = arith.constant 0 : i32
      %dma_start3A_1177 = arith.constant 0 : i32
      %dma_start3A_1178 = tpu.memref_slice %arg12[%dma_start3A_1169, %dma_start3A_1176, %dma_start3A_1177] : memref<8x64x128xf32, #tpu.memory_space<vmem>> -> memref<1x64x128xf32, #tpu.memory_space<vmem>>
      %dma_start3A_1179 = tpu.memref_squeeze %dma_start3A_1178 : memref<1x64x128xf32, #tpu.memory_space<vmem>> -> memref<64x128xf32, #tpu.memory_space<vmem>>
      %dma_start3A_1180 = arith.constant 0 : i32
      %dma_start3A_1181 = tpu.memref_slice %arg5[%dma_start3A_1180, %multiple_of3A_1142] : memref<64x1000000xf32, #tpu.memory_space<hbm>> -> memref<64x128xf32, #tpu.memory_space<hbm>>
      tpu.enqueue_dma source(%dma_start3A_1181 : memref<64x128xf32, #tpu.memory_space<hbm>>) target(%dma_start3A_1179 : memref<64x128xf32, #tpu.memory_space<vmem>>) target_semaphore(%arg18 : memref<!tpu.dma_semaphore, #tpu.memory_space<semaphore_mem>>)
      %add3A_1182 = arith.constant 3 : i32
      %add3A_1183 = arith.addi %mul3A_1035, %add3A_1182 : i32
      %gt3A_1184 = arith.constant 0 : i32
      %gt3A_1185 = arith.cmpi sgt, %scan3A_1031, %gt3A_1184 : i32
      %convert_element_type3A_1186 = arith.extui %gt3A_1185 : i1 to i32
      %cond3A_1187 = arith.constant 0 : i32
      %cond3A_1188 = arith.cmpi ne, %convert_element_type3A_1186, %cond3A_1187 : i32
      scf.if %cond3A_1188 {
        %dma_wait3A_2957 = arith.constant 3 : i32
        %dma_wait3A_2958 = arith.constant 0 : i32
        %dma_wait3A_2959 = arith.constant 0 : i32
        %dma_wait3A_2960 = tpu.memref_slice %arg10[%dma_wait3A_2957, %dma_wait3A_2958, %dma_wait3A_2959] : memref<8x16x128xf32, #tpu.memory_space<vmem>> -> memref<1x16x128xf32, #tpu.memory_space<vmem>>
        %dma_wait3A_2961 = tpu.memref_squeeze %dma_wait3A_2960 : memref<1x16x128xf32, #tpu.memory_space<vmem>> -> memref<16x128xf32, #tpu.memory_space<vmem>>
        %dma_wait3A_2962 = arith.constant 0 : i32
        %dma_wait3A_2963 = arith.constant 0 : i32
        %dma_wait3A_2964 = tpu.memref_slice %arg3[%dma_wait3A_2962, %dma_wait3A_2963] : memref<16x1000000xf32, #tpu.memory_space<hbm>> -> memref<16x128xf32, #tpu.memory_space<hbm>>
        %dma_wait3A_2965 = arith.constant 0 : i32
        %dma_wait3A_2966 = arith.constant 0 : i32
        %dma_wait3A_2967 = tpu.memref_slice %arg10[%dma_wait3A_2957, %dma_wait3A_2965, %dma_wait3A_2966] : memref<8x16x128xf32, #tpu.memory_space<vmem>> -> memref<1x16x128xf32, #tpu.memory_space<vmem>>
        %dma_wait3A_2968 = tpu.memref_squeeze %dma_wait3A_2967 : memref<1x16x128xf32, #tpu.memory_space<vmem>> -> memref<16x128xf32, #tpu.memory_space<vmem>>
        %dma_wait3A_2969 = arith.constant 0 : i32
        %dma_wait3A_2970 = arith.constant 0 : i32
        %dma_wait3A_2971 = tpu.memref_slice %arg3[%dma_wait3A_2969, %dma_wait3A_2970] : memref<16x1000000xf32, #tpu.memory_space<hbm>> -> memref<16x128xf32, #tpu.memory_space<hbm>>
        tpu.wait_dma2 semaphore(%arg19 : memref<!tpu.dma_semaphore, #tpu.memory_space<semaphore_mem>>) src(%dma_wait3A_2971 : memref<16x128xf32, #tpu.memory_space<hbm>>) dst(%dma_wait3A_2968 : memref<16x128xf32, #tpu.memory_space<vmem>>)
        %dma_wait3A_2972 = arith.constant 3 : i32
        %dma_wait3A_2973 = arith.constant 0 : i32
        %dma_wait3A_2974 = arith.constant 0 : i32
        %dma_wait3A_2975 = tpu.memref_slice %arg11[%dma_wait3A_2972, %dma_wait3A_2973, %dma_wait3A_2974] : memref<8x32x128xf32, #tpu.memory_space<vmem>> -> memref<1x32x128xf32, #tpu.memory_space<vmem>>
        %dma_wait3A_2976 = tpu.memref_squeeze %dma_wait3A_2975 : memref<1x32x128xf32, #tpu.memory_space<vmem>> -> memref<32x128xf32, #tpu.memory_space<vmem>>
        %dma_wait3A_2977 = arith.constant 0 : i32
        %dma_wait3A_2978 = arith.constant 0 : i32
        %dma_wait3A_2979 = tpu.memref_slice %arg4[%dma_wait3A_2977, %dma_wait3A_2978] : memref<32x1000000xf32, #tpu.memory_space<hbm>> -> memref<32x128xf32, #tpu.memory_space<hbm>>
        %dma_wait3A_2980 = arith.constant 0 : i32
        %dma_wait3A_2981 = arith.constant 0 : i32
        %dma_wait3A_2982 = tpu.memref_slice %arg11[%dma_wait3A_2972, %dma_wait3A_2980, %dma_wait3A_2981] : memref<8x32x128xf32, #tpu.memory_space<vmem>> -> memref<1x32x128xf32, #tpu.memory_space<vmem>>
        %dma_wait3A_2983 = tpu.memref_squeeze %dma_wait3A_2982 : memref<1x32x128xf32, #tpu.memory_space<vmem>> -> memref<32x128xf32, #tpu.memory_space<vmem>>
        %dma_wait3A_2984 = arith.constant 0 : i32
        %dma_wait3A_2985 = arith.constant 0 : i32
        %dma_wait3A_2986 = tpu.memref_slice %arg4[%dma_wait3A_2984, %dma_wait3A_2985] : memref<32x1000000xf32, #tpu.memory_space<hbm>> -> memref<32x128xf32, #tpu.memory_space<hbm>>
        tpu.wait_dma2 semaphore(%arg19 : memref<!tpu.dma_semaphore, #tpu.memory_space<semaphore_mem>>) src(%dma_wait3A_2986 : memref<32x128xf32, #tpu.memory_space<hbm>>) dst(%dma_wait3A_2983 : memref<32x128xf32, #tpu.memory_space<vmem>>)
        %dma_wait3A_2987 = arith.constant 3 : i32
        %dma_wait3A_2988 = arith.constant 0 : i32
        %dma_wait3A_2989 = arith.constant 0 : i32
        %dma_wait3A_2990 = tpu.memref_slice %arg12[%dma_wait3A_2987, %dma_wait3A_2988, %dma_wait3A_2989] : memref<8x64x128xf32, #tpu.memory_space<vmem>> -> memref<1x64x128xf32, #tpu.memory_space<vmem>>
        %dma_wait3A_2991 = tpu.memref_squeeze %dma_wait3A_2990 : memref<1x64x128xf32, #tpu.memory_space<vmem>> -> memref<64x128xf32, #tpu.memory_space<vmem>>
        %dma_wait3A_2992 = arith.constant 0 : i32
        %dma_wait3A_2993 = arith.constant 0 : i32
        %dma_wait3A_2994 = tpu.memref_slice %arg5[%dma_wait3A_2992, %dma_wait3A_2993] : memref<64x1000000xf32, #tpu.memory_space<hbm>> -> memref<64x128xf32, #tpu.memory_space<hbm>>
        %dma_wait3A_2995 = arith.constant 0 : i32
        %dma_wait3A_2996 = arith.constant 0 : i32
        %dma_wait3A_2997 = tpu.memref_slice %arg12[%dma_wait3A_2987, %dma_wait3A_2995, %dma_wait3A_2996] : memref<8x64x128xf32, #tpu.memory_space<vmem>> -> memref<1x64x128xf32, #tpu.memory_space<vmem>>
        %dma_wait3A_2998 = tpu.memref_squeeze %dma_wait3A_2997 : memref<1x64x128xf32, #tpu.memory_space<vmem>> -> memref<64x128xf32, #tpu.memory_space<vmem>>
        %dma_wait3A_2999 = arith.constant 0 : i32
        %dma_wait3A_3000 = arith.constant 0 : i32
        %dma_wait3A_3001 = tpu.memref_slice %arg5[%dma_wait3A_2999, %dma_wait3A_3000] : memref<64x1000000xf32, #tpu.memory_space<hbm>> -> memref<64x128xf32, #tpu.memory_space<hbm>>
        tpu.wait_dma2 semaphore(%arg19 : memref<!tpu.dma_semaphore, #tpu.memory_space<semaphore_mem>>) src(%dma_wait3A_3001 : memref<64x128xf32, #tpu.memory_space<hbm>>) dst(%dma_wait3A_2998 : memref<64x128xf32, #tpu.memory_space<vmem>>)
        %slice3A_3002 = vector.extract_strided_slice %scan3A_1033 {offsets = [11], sizes = [1], strides = [1]} : vector<16xi32> to vector<1xi32>
        %squeeze3A_3003 = vector.extract %slice3A_3002[0] : i32 from vector<1xi32>
        %sub3A_3004 = arith.constant 8 : i32
        %sub3A_3005 = arith.subi %add3A_1183, %sub3A_3004 : i32
        %jit3A_3006 = arith.constant 128 : i32
        %eq3A_3007 = arith.constant 0 : i32
        %eq3A_3008 = arith.cmpi eq, %jit3A_3006, %eq3A_3007 : i32
        %jit3A_3009 = arith.constant 1 : i32
        %select_n3A_3010 = arith.select %eq3A_3008, %jit3A_3009, %jit3A_3006 : i32
        %rem3A_3011 = arith.remsi %sub3A_3005, %select_n3A_3010 : i32
        %ne3A_3012 = arith.constant 0 : i32
        %ne3A_3013 = arith.cmpi ne, %rem3A_3011, %ne3A_3012 : i32
        %lt3A_3014 = arith.constant 0 : i32
        %lt3A_3015 = arith.cmpi slt, %rem3A_3011, %lt3A_3014 : i32
        %lt3A_3016 = arith.constant 0 : i32
        %lt3A_3017 = arith.cmpi slt, %select_n3A_3010, %lt3A_3016 : i32
        %ne3A_3018 = arith.xori %lt3A_3015, %lt3A_3017 : i1
        %and3A_3019 = arith.andi %ne3A_3018, %ne3A_3013 : i1
        %add3A_3020 = arith.addi %rem3A_3011, %select_n3A_3010 : i32
        %select_n3A_3021 = arith.select %and3A_3019, %add3A_3020, %rem3A_3011 : i32
        %broadcast_in_dim3A_3022 = vector.broadcast %squeeze3A_3003 : i32 to vector<16xi32>
        %broadcast_in_dim3A_3023 = vector.broadcast %select_n3A_3021 : i32 to vector<16xi32>
        %gather3A_3024 = arith.constant 3 : i32
        %gather3A_3025 = arith.constant 0 : i32
        %gather3A_3026 = arith.constant 0 : i32
        %gather3A_3027 = tpu.memref_slice %arg10[%gather3A_3024, %gather3A_3025, %gather3A_3026] : memref<8x16x128xf32, #tpu.memory_space<vmem>> -> memref<1x16x128xf32, #tpu.memory_space<vmem>>
        %gather3A_3028 = tpu.memref_squeeze %gather3A_3027 : memref<1x16x128xf32, #tpu.memory_space<vmem>> -> memref<16x128xf32, #tpu.memory_space<vmem>>
        %gather3A_3029 = tpu.vector_load_idx %gather3A_3028[%iota3A, %broadcast_in_dim3A_3022] : memref<16x128xf32, #tpu.memory_space<vmem>>[vector<16xi32>, vector<16xi32>], vector<16xf32>,
        tpu.vector_store_idx %arg13[%iota3A, %broadcast_in_dim3A_3023], %gather3A_3029 : memref<16x128xf32, #tpu.memory_space<vmem>>[vector<16xi32>, vector<16xi32>], vector<16xf32>,
        %add3A_3030 = arith.constant 0 : i32
        %add3A_3031 = vector.broadcast %add3A_3030 : i32 to vector<16xi32>
        %add3A_3032 = arith.addi %iota3A, %add3A_3031 : vector<16xi32>
        %gather3A_3033 = arith.constant 3 : i32
        %gather3A_3034 = arith.constant 0 : i32
        %gather3A_3035 = arith.constant 0 : i32
        %gather3A_3036 = tpu.memref_slice %arg11[%gather3A_3033, %gather3A_3034, %gather3A_3035] : memref<8x32x128xf32, #tpu.memory_space<vmem>> -> memref<1x32x128xf32, #tpu.memory_space<vmem>>
        %gather3A_3037 = tpu.memref_squeeze %gather3A_3036 : memref<1x32x128xf32, #tpu.memory_space<vmem>> -> memref<32x128xf32, #tpu.memory_space<vmem>>
        %gather3A_3038 = tpu.vector_load_idx %gather3A_3037[%add3A_3032, %broadcast_in_dim3A_3022] : memref<32x128xf32, #tpu.memory_space<vmem>>[vector<16xi32>, vector<16xi32>], vector<16xf32>,
        %add3A_3039 = arith.constant 0 : i32
        %add3A_3040 = vector.broadcast %add3A_3039 : i32 to vector<16xi32>
        %add3A_3041 = arith.addi %iota3A, %add3A_3040 : vector<16xi32>
        tpu.vector_store_idx %arg14[%add3A_3041, %broadcast_in_dim3A_3023], %gather3A_3038 : memref<32x128xf32, #tpu.memory_space<vmem>>[vector<16xi32>, vector<16xi32>], vector<16xf32>,
        %add3A_3042 = arith.constant 16 : i32
        %add3A_3043 = vector.broadcast %add3A_3042 : i32 to vector<16xi32>
        %add3A_3044 = arith.addi %iota3A, %add3A_3043 : vector<16xi32>
        %gather3A_3045 = arith.constant 3 : i32
        %gather3A_3046 = arith.constant 0 : i32
        %gather3A_3047 = arith.constant 0 : i32
        %gather3A_3048 = tpu.memref_slice %arg11[%gather3A_3045, %gather3A_3046, %gather3A_3047] : memref<8x32x128xf32, #tpu.memory_space<vmem>> -> memref<1x32x128xf32, #tpu.memory_space<vmem>>
        %gather3A_3049 = tpu.memref_squeeze %gather3A_3048 : memref<1x32x128xf32, #tpu.memory_space<vmem>> -> memref<32x128xf32, #tpu.memory_space<vmem>>
        %gather3A_3050 = tpu.vector_load_idx %gather3A_3049[%add3A_3044, %broadcast_in_dim3A_3022] : memref<32x128xf32, #tpu.memory_space<vmem>>[vector<16xi32>, vector<16xi32>], vector<16xf32>,
        %add3A_3051 = arith.constant 16 : i32
        %add3A_3052 = vector.broadcast %add3A_3051 : i32 to vector<16xi32>
        %add3A_3053 = arith.addi %iota3A, %add3A_3052 : vector<16xi32>
        tpu.vector_store_idx %arg14[%add3A_3053, %broadcast_in_dim3A_3023], %gather3A_3050 : memref<32x128xf32, #tpu.memory_space<vmem>>[vector<16xi32>, vector<16xi32>], vector<16xf32>,
        %add3A_3054 = arith.constant 0 : i32
        %add3A_3055 = vector.broadcast %add3A_3054 : i32 to vector<16xi32>
        %add3A_3056 = arith.addi %iota3A, %add3A_3055 : vector<16xi32>
        %gather3A_3057 = arith.constant 3 : i32
        %gather3A_3058 = arith.constant 0 : i32
        %gather3A_3059 = arith.constant 0 : i32
        %gather3A_3060 = tpu.memref_slice %arg12[%gather3A_3057, %gather3A_3058, %gather3A_3059] : memref<8x64x128xf32, #tpu.memory_space<vmem>> -> memref<1x64x128xf32, #tpu.memory_space<vmem>>
        %gather3A_3061 = tpu.memref_squeeze %gather3A_3060 : memref<1x64x128xf32, #tpu.memory_space<vmem>> -> memref<64x128xf32, #tpu.memory_space<vmem>>
        %gather3A_3062 = tpu.vector_load_idx %gather3A_3061[%add3A_3056, %broadcast_in_dim3A_3022] : memref<64x128xf32, #tpu.memory_space<vmem>>[vector<16xi32>, vector<16xi32>], vector<16xf32>,
        %add3A_3063 = arith.constant 0 : i32
        %add3A_3064 = vector.broadcast %add3A_3063 : i32 to vector<16xi32>
        %add3A_3065 = arith.addi %iota3A, %add3A_3064 : vector<16xi32>
        tpu.vector_store_idx %arg15[%add3A_3065, %broadcast_in_dim3A_3023], %gather3A_3062 : memref<64x128xf32, #tpu.memory_space<vmem>>[vector<16xi32>, vector<16xi32>], vector<16xf32>,
        %add3A_3066 = arith.constant 16 : i32
        %add3A_3067 = vector.broadcast %add3A_3066 : i32 to vector<16xi32>
        %add3A_3068 = arith.addi %iota3A, %add3A_3067 : vector<16xi32>
        %gather3A_3069 = arith.constant 3 : i32
        %gather3A_3070 = arith.constant 0 : i32
        %gather3A_3071 = arith.constant 0 : i32
        %gather3A_3072 = tpu.memref_slice %arg12[%gather3A_3069, %gather3A_3070, %gather3A_3071] : memref<8x64x128xf32, #tpu.memory_space<vmem>> -> memref<1x64x128xf32, #tpu.memory_space<vmem>>
        %gather3A_3073 = tpu.memref_squeeze %gather3A_3072 : memref<1x64x128xf32, #tpu.memory_space<vmem>> -> memref<64x128xf32, #tpu.memory_space<vmem>>
        %gather3A_3074 = tpu.vector_load_idx %gather3A_3073[%add3A_3068, %broadcast_in_dim3A_3022] : memref<64x128xf32, #tpu.memory_space<vmem>>[vector<16xi32>, vector<16xi32>], vector<16xf32>,
        %add3A_3075 = arith.constant 16 : i32
        %add3A_3076 = vector.broadcast %add3A_3075 : i32 to vector<16xi32>
        %add3A_3077 = arith.addi %iota3A, %add3A_3076 : vector<16xi32>
        tpu.vector_store_idx %arg15[%add3A_3077, %broadcast_in_dim3A_3023], %gather3A_3074 : memref<64x128xf32, #tpu.memory_space<vmem>>[vector<16xi32>, vector<16xi32>], vector<16xf32>,
        %add3A_3078 = arith.constant 32 : i32
        %add3A_3079 = vector.broadcast %add3A_3078 : i32 to vector<16xi32>
        %add3A_3080 = arith.addi %iota3A, %add3A_3079 : vector<16xi32>
        %gather3A_3081 = arith.constant 3 : i32
        %gather3A_3082 = arith.constant 0 : i32
        %gather3A_3083 = arith.constant 0 : i32
        %gather3A_3084 = tpu.memref_slice %arg12[%gather3A_3081, %gather3A_3082, %gather3A_3083] : memref<8x64x128xf32, #tpu.memory_space<vmem>> -> memref<1x64x128xf32, #tpu.memory_space<vmem>>
        %gather3A_3085 = tpu.memref_squeeze %gather3A_3084 : memref<1x64x128xf32, #tpu.memory_space<vmem>> -> memref<64x128xf32, #tpu.memory_space<vmem>>
        %gather3A_3086 = tpu.vector_load_idx %gather3A_3085[%add3A_3080, %broadcast_in_dim3A_3022] : memref<64x128xf32, #tpu.memory_space<vmem>>[vector<16xi32>, vector<16xi32>], vector<16xf32>,
        %add3A_3087 = arith.constant 32 : i32
        %add3A_3088 = vector.broadcast %add3A_3087 : i32 to vector<16xi32>
        %add3A_3089 = arith.addi %iota3A, %add3A_3088 : vector<16xi32>
        tpu.vector_store_idx %arg15[%add3A_3089, %broadcast_in_dim3A_3023], %gather3A_3086 : memref<64x128xf32, #tpu.memory_space<vmem>>[vector<16xi32>, vector<16xi32>], vector<16xf32>,
        %add3A_3090 = arith.constant 48 : i32
        %add3A_3091 = vector.broadcast %add3A_3090 : i32 to vector<16xi32>
        %add3A_3092 = arith.addi %iota3A, %add3A_3091 : vector<16xi32>
        %gather3A_3093 = arith.constant 3 : i32
        %gather3A_3094 = arith.constant 0 : i32
        %gather3A_3095 = arith.constant 0 : i32
        %gather3A_3096 = tpu.memref_slice %arg12[%gather3A_3093, %gather3A_3094, %gather3A_3095] : memref<8x64x128xf32, #tpu.memory_space<vmem>> -> memref<1x64x128xf32, #tpu.memory_space<vmem>>
        %gather3A_3097 = tpu.memref_squeeze %gather3A_3096 : memref<1x64x128xf32, #tpu.memory_space<vmem>> -> memref<64x128xf32, #tpu.memory_space<vmem>>
        %gather3A_3098 = tpu.vector_load_idx %gather3A_3097[%add3A_3092, %broadcast_in_dim3A_3022] : memref<64x128xf32, #tpu.memory_space<vmem>>[vector<16xi32>, vector<16xi32>], vector<16xf32>,
        %add3A_3099 = arith.constant 48 : i32
        %add3A_3100 = vector.broadcast %add3A_3099 : i32 to vector<16xi32>
        %add3A_3101 = arith.addi %iota3A, %add3A_3100 : vector<16xi32>
        tpu.vector_store_idx %arg15[%add3A_3101, %broadcast_in_dim3A_3023], %gather3A_3098 : memref<64x128xf32, #tpu.memory_space<vmem>>[vector<16xi32>, vector<16xi32>], vector<16xf32>,
      } else {
      }
      %slice3A_1189 = vector.extract_strided_slice %sub3A {offsets = [3], sizes = [1], strides = [1]} : vector<16xi32> to vector<1xi32>
      %squeeze3A_1190 = vector.extract %slice3A_1189[0] : i32 from vector<1xi32>
      %multiple_of3A_1191 = tpu.assume_multiple %squeeze3A_1190, 128 : i32
      %dma_start3A_1192 = arith.constant 3 : i32
      %dma_start3A_1193 = arith.constant 0 : i32
      %dma_start3A_1194 = arith.constant 0 : i32
      %dma_start3A_1195 = tpu.memref_slice %arg10[%dma_start3A_1192, %dma_start3A_1193, %dma_start3A_1194] : memref<8x16x128xf32, #tpu.memory_space<vmem>> -> memref<1x16x128xf32, #tpu.memory_space<vmem>>
      %dma_start3A_1196 = tpu.memref_squeeze %dma_start3A_1195 : memref<1x16x128xf32, #tpu.memory_space<vmem>> -> memref<16x128xf32, #tpu.memory_space<vmem>>
      %dma_start3A_1197 = arith.constant 0 : i32
      %dma_start3A_1198 = tpu.memref_slice %arg3[%dma_start3A_1197, %multiple_of3A_1191] : memref<16x1000000xf32, #tpu.memory_space<hbm>> -> memref<16x128xf32, #tpu.memory_space<hbm>>
      %dma_start3A_1199 = arith.constant 0 : i32
      %dma_start3A_1200 = arith.constant 0 : i32
      %dma_start3A_1201 = tpu.memref_slice %arg10[%dma_start3A_1192, %dma_start3A_1199, %dma_start3A_1200] : memref<8x16x128xf32, #tpu.memory_space<vmem>> -> memref<1x16x128xf32, #tpu.memory_space<vmem>>
      %dma_start3A_1202 = tpu.memref_squeeze %dma_start3A_1201 : memref<1x16x128xf32, #tpu.memory_space<vmem>> -> memref<16x128xf32, #tpu.memory_space<vmem>>
      %dma_start3A_1203 = arith.constant 0 : i32
      %dma_start3A_1204 = tpu.memref_slice %arg3[%dma_start3A_1203, %multiple_of3A_1191] : memref<16x1000000xf32, #tpu.memory_space<hbm>> -> memref<16x128xf32, #tpu.memory_space<hbm>>
      tpu.enqueue_dma source(%dma_start3A_1204 : memref<16x128xf32, #tpu.memory_space<hbm>>) target(%dma_start3A_1202 : memref<16x128xf32, #tpu.memory_space<vmem>>) target_semaphore(%arg19 : memref<!tpu.dma_semaphore, #tpu.memory_space<semaphore_mem>>)
      %dma_start3A_1205 = arith.constant 3 : i32
      %dma_start3A_1206 = arith.constant 0 : i32
      %dma_start3A_1207 = arith.constant 0 : i32
      %dma_start3A_1208 = tpu.memref_slice %arg11[%dma_start3A_1205, %dma_start3A_1206, %dma_start3A_1207] : memref<8x32x128xf32, #tpu.memory_space<vmem>> -> memref<1x32x128xf32, #tpu.memory_space<vmem>>
      %dma_start3A_1209 = tpu.memref_squeeze %dma_start3A_1208 : memref<1x32x128xf32, #tpu.memory_space<vmem>> -> memref<32x128xf32, #tpu.memory_space<vmem>>
      %dma_start3A_1210 = arith.constant 0 : i32
      %dma_start3A_1211 = tpu.memref_slice %arg4[%dma_start3A_1210, %multiple_of3A_1191] : memref<32x1000000xf32, #tpu.memory_space<hbm>> -> memref<32x128xf32, #tpu.memory_space<hbm>>
      %dma_start3A_1212 = arith.constant 0 : i32
      %dma_start3A_1213 = arith.constant 0 : i32
      %dma_start3A_1214 = tpu.memref_slice %arg11[%dma_start3A_1205, %dma_start3A_1212, %dma_start3A_1213] : memref<8x32x128xf32, #tpu.memory_space<vmem>> -> memref<1x32x128xf32, #tpu.memory_space<vmem>>
      %dma_start3A_1215 = tpu.memref_squeeze %dma_start3A_1214 : memref<1x32x128xf32, #tpu.memory_space<vmem>> -> memref<32x128xf32, #tpu.memory_space<vmem>>
      %dma_start3A_1216 = arith.constant 0 : i32
      %dma_start3A_1217 = tpu.memref_slice %arg4[%dma_start3A_1216, %multiple_of3A_1191] : memref<32x1000000xf32, #tpu.memory_space<hbm>> -> memref<32x128xf32, #tpu.memory_space<hbm>>
      tpu.enqueue_dma source(%dma_start3A_1217 : memref<32x128xf32, #tpu.memory_space<hbm>>) target(%dma_start3A_1215 : memref<32x128xf32, #tpu.memory_space<vmem>>) target_semaphore(%arg19 : memref<!tpu.dma_semaphore, #tpu.memory_space<semaphore_mem>>)
      %dma_start3A_1218 = arith.constant 3 : i32
      %dma_start3A_1219 = arith.constant 0 : i32
      %dma_start3A_1220 = arith.constant 0 : i32
      %dma_start3A_1221 = tpu.memref_slice %arg12[%dma_start3A_1218, %dma_start3A_1219, %dma_start3A_1220] : memref<8x64x128xf32, #tpu.memory_space<vmem>> -> memref<1x64x128xf32, #tpu.memory_space<vmem>>
      %dma_start3A_1222 = tpu.memref_squeeze %dma_start3A_1221 : memref<1x64x128xf32, #tpu.memory_space<vmem>> -> memref<64x128xf32, #tpu.memory_space<vmem>>
      %dma_start3A_1223 = arith.constant 0 : i32
      %dma_start3A_1224 = tpu.memref_slice %arg5[%dma_start3A_1223, %multiple_of3A_1191] : memref<64x1000000xf32, #tpu.memory_space<hbm>> -> memref<64x128xf32, #tpu.memory_space<hbm>>
      %dma_start3A_1225 = arith.constant 0 : i32
      %dma_start3A_1226 = arith.constant 0 : i32
      %dma_start3A_1227 = tpu.memref_slice %arg12[%dma_start3A_1218, %dma_start3A_1225, %dma_start3A_1226] : memref<8x64x128xf32, #tpu.memory_space<vmem>> -> memref<1x64x128xf32, #tpu.memory_space<vmem>>
      %dma_start3A_1228 = tpu.memref_squeeze %dma_start3A_1227 : memref<1x64x128xf32, #tpu.memory_space<vmem>> -> memref<64x128xf32, #tpu.memory_space<vmem>>
      %dma_start3A_1229 = arith.constant 0 : i32
      %dma_start3A_1230 = tpu.memref_slice %arg5[%dma_start3A_1229, %multiple_of3A_1191] : memref<64x1000000xf32, #tpu.memory_space<hbm>> -> memref<64x128xf32, #tpu.memory_space<hbm>>
      tpu.enqueue_dma source(%dma_start3A_1230 : memref<64x128xf32, #tpu.memory_space<hbm>>) target(%dma_start3A_1228 : memref<64x128xf32, #tpu.memory_space<vmem>>) target_semaphore(%arg19 : memref<!tpu.dma_semaphore, #tpu.memory_space<semaphore_mem>>)
      %add3A_1231 = arith.constant 4 : i32
      %add3A_1232 = arith.addi %mul3A_1035, %add3A_1231 : i32
      %gt3A_1233 = arith.constant 0 : i32
      %gt3A_1234 = arith.cmpi sgt, %scan3A_1031, %gt3A_1233 : i32
      %convert_element_type3A_1235 = arith.extui %gt3A_1234 : i1 to i32
      %cond3A_1236 = arith.constant 0 : i32
      %cond3A_1237 = arith.cmpi ne, %convert_element_type3A_1235, %cond3A_1236 : i32
      scf.if %cond3A_1237 {
        %dma_wait3A_2957 = arith.constant 4 : i32
        %dma_wait3A_2958 = arith.constant 0 : i32
        %dma_wait3A_2959 = arith.constant 0 : i32
        %dma_wait3A_2960 = tpu.memref_slice %arg10[%dma_wait3A_2957, %dma_wait3A_2958, %dma_wait3A_2959] : memref<8x16x128xf32, #tpu.memory_space<vmem>> -> memref<1x16x128xf32, #tpu.memory_space<vmem>>
        %dma_wait3A_2961 = tpu.memref_squeeze %dma_wait3A_2960 : memref<1x16x128xf32, #tpu.memory_space<vmem>> -> memref<16x128xf32, #tpu.memory_space<vmem>>
        %dma_wait3A_2962 = arith.constant 0 : i32
        %dma_wait3A_2963 = arith.constant 0 : i32
        %dma_wait3A_2964 = tpu.memref_slice %arg3[%dma_wait3A_2962, %dma_wait3A_2963] : memref<16x1000000xf32, #tpu.memory_space<hbm>> -> memref<16x128xf32, #tpu.memory_space<hbm>>
        %dma_wait3A_2965 = arith.constant 0 : i32
        %dma_wait3A_2966 = arith.constant 0 : i32
        %dma_wait3A_2967 = tpu.memref_slice %arg10[%dma_wait3A_2957, %dma_wait3A_2965, %dma_wait3A_2966] : memref<8x16x128xf32, #tpu.memory_space<vmem>> -> memref<1x16x128xf32, #tpu.memory_space<vmem>>
        %dma_wait3A_2968 = tpu.memref_squeeze %dma_wait3A_2967 : memref<1x16x128xf32, #tpu.memory_space<vmem>> -> memref<16x128xf32, #tpu.memory_space<vmem>>
        %dma_wait3A_2969 = arith.constant 0 : i32
        %dma_wait3A_2970 = arith.constant 0 : i32
        %dma_wait3A_2971 = tpu.memref_slice %arg3[%dma_wait3A_2969, %dma_wait3A_2970] : memref<16x1000000xf32, #tpu.memory_space<hbm>> -> memref<16x128xf32, #tpu.memory_space<hbm>>
        tpu.wait_dma2 semaphore(%arg20 : memref<!tpu.dma_semaphore, #tpu.memory_space<semaphore_mem>>) src(%dma_wait3A_2971 : memref<16x128xf32, #tpu.memory_space<hbm>>) dst(%dma_wait3A_2968 : memref<16x128xf32, #tpu.memory_space<vmem>>)
        %dma_wait3A_2972 = arith.constant 4 : i32
        %dma_wait3A_2973 = arith.constant 0 : i32
        %dma_wait3A_2974 = arith.constant 0 : i32
        %dma_wait3A_2975 = tpu.memref_slice %arg11[%dma_wait3A_2972, %dma_wait3A_2973, %dma_wait3A_2974] : memref<8x32x128xf32, #tpu.memory_space<vmem>> -> memref<1x32x128xf32, #tpu.memory_space<vmem>>
        %dma_wait3A_2976 = tpu.memref_squeeze %dma_wait3A_2975 : memref<1x32x128xf32, #tpu.memory_space<vmem>> -> memref<32x128xf32, #tpu.memory_space<vmem>>
        %dma_wait3A_2977 = arith.constant 0 : i32
        %dma_wait3A_2978 = arith.constant 0 : i32
        %dma_wait3A_2979 = tpu.memref_slice %arg4[%dma_wait3A_2977, %dma_wait3A_2978] : memref<32x1000000xf32, #tpu.memory_space<hbm>> -> memref<32x128xf32, #tpu.memory_space<hbm>>
        %dma_wait3A_2980 = arith.constant 0 : i32
        %dma_wait3A_2981 = arith.constant 0 : i32
        %dma_wait3A_2982 = tpu.memref_slice %arg11[%dma_wait3A_2972, %dma_wait3A_2980, %dma_wait3A_2981] : memref<8x32x128xf32, #tpu.memory_space<vmem>> -> memref<1x32x128xf32, #tpu.memory_space<vmem>>
        %dma_wait3A_2983 = tpu.memref_squeeze %dma_wait3A_2982 : memref<1x32x128xf32, #tpu.memory_space<vmem>> -> memref<32x128xf32, #tpu.memory_space<vmem>>
        %dma_wait3A_2984 = arith.constant 0 : i32
        %dma_wait3A_2985 = arith.constant 0 : i32
        %dma_wait3A_2986 = tpu.memref_slice %arg4[%dma_wait3A_2984, %dma_wait3A_2985] : memref<32x1000000xf32, #tpu.memory_space<hbm>> -> memref<32x128xf32, #tpu.memory_space<hbm>>
        tpu.wait_dma2 semaphore(%arg20 : memref<!tpu.dma_semaphore, #tpu.memory_space<semaphore_mem>>) src(%dma_wait3A_2986 : memref<32x128xf32, #tpu.memory_space<hbm>>) dst(%dma_wait3A_2983 : memref<32x128xf32, #tpu.memory_space<vmem>>)
        %dma_wait3A_2987 = arith.constant 4 : i32
        %dma_wait3A_2988 = arith.constant 0 : i32
        %dma_wait3A_2989 = arith.constant 0 : i32
        %dma_wait3A_2990 = tpu.memref_slice %arg12[%dma_wait3A_2987, %dma_wait3A_2988, %dma_wait3A_2989] : memref<8x64x128xf32, #tpu.memory_space<vmem>> -> memref<1x64x128xf32, #tpu.memory_space<vmem>>
        %dma_wait3A_2991 = tpu.memref_squeeze %dma_wait3A_2990 : memref<1x64x128xf32, #tpu.memory_space<vmem>> -> memref<64x128xf32, #tpu.memory_space<vmem>>
        %dma_wait3A_2992 = arith.constant 0 : i32
        %dma_wait3A_2993 = arith.constant 0 : i32
        %dma_wait3A_2994 = tpu.memref_slice %arg5[%dma_wait3A_2992, %dma_wait3A_2993] : memref<64x1000000xf32, #tpu.memory_space<hbm>> -> memref<64x128xf32, #tpu.memory_space<hbm>>
        %dma_wait3A_2995 = arith.constant 0 : i32
        %dma_wait3A_2996 = arith.constant 0 : i32
        %dma_wait3A_2997 = tpu.memref_slice %arg12[%dma_wait3A_2987, %dma_wait3A_2995, %dma_wait3A_2996] : memref<8x64x128xf32, #tpu.memory_space<vmem>> -> memref<1x64x128xf32, #tpu.memory_space<vmem>>
        %dma_wait3A_2998 = tpu.memref_squeeze %dma_wait3A_2997 : memref<1x64x128xf32, #tpu.memory_space<vmem>> -> memref<64x128xf32, #tpu.memory_space<vmem>>
        %dma_wait3A_2999 = arith.constant 0 : i32
        %dma_wait3A_3000 = arith.constant 0 : i32
        %dma_wait3A_3001 = tpu.memref_slice %arg5[%dma_wait3A_2999, %dma_wait3A_3000] : memref<64x1000000xf32, #tpu.memory_space<hbm>> -> memref<64x128xf32, #tpu.memory_space<hbm>>
        tpu.wait_dma2 semaphore(%arg20 : memref<!tpu.dma_semaphore, #tpu.memory_space<semaphore_mem>>) src(%dma_wait3A_3001 : memref<64x128xf32, #tpu.memory_space<hbm>>) dst(%dma_wait3A_2998 : memref<64x128xf32, #tpu.memory_space<vmem>>)
        %slice3A_3002 = vector.extract_strided_slice %scan3A_1033 {offsets = [12], sizes = [1], strides = [1]} : vector<16xi32> to vector<1xi32>
        %squeeze3A_3003 = vector.extract %slice3A_3002[0] : i32 from vector<1xi32>
        %sub3A_3004 = arith.constant 8 : i32
        %sub3A_3005 = arith.subi %add3A_1232, %sub3A_3004 : i32
        %jit3A_3006 = arith.constant 128 : i32
        %eq3A_3007 = arith.constant 0 : i32
        %eq3A_3008 = arith.cmpi eq, %jit3A_3006, %eq3A_3007 : i32
        %jit3A_3009 = arith.constant 1 : i32
        %select_n3A_3010 = arith.select %eq3A_3008, %jit3A_3009, %jit3A_3006 : i32
        %rem3A_3011 = arith.remsi %sub3A_3005, %select_n3A_3010 : i32
        %ne3A_3012 = arith.constant 0 : i32
        %ne3A_3013 = arith.cmpi ne, %rem3A_3011, %ne3A_3012 : i32
        %lt3A_3014 = arith.constant 0 : i32
        %lt3A_3015 = arith.cmpi slt, %rem3A_3011, %lt3A_3014 : i32
        %lt3A_3016 = arith.constant 0 : i32
        %lt3A_3017 = arith.cmpi slt, %select_n3A_3010, %lt3A_3016 : i32
        %ne3A_3018 = arith.xori %lt3A_3015, %lt3A_3017 : i1
        %and3A_3019 = arith.andi %ne3A_3018, %ne3A_3013 : i1
        %add3A_3020 = arith.addi %rem3A_3011, %select_n3A_3010 : i32
        %select_n3A_3021 = arith.select %and3A_3019, %add3A_3020, %rem3A_3011 : i32
        %broadcast_in_dim3A_3022 = vector.broadcast %squeeze3A_3003 : i32 to vector<16xi32>
        %broadcast_in_dim3A_3023 = vector.broadcast %select_n3A_3021 : i32 to vector<16xi32>
        %gather3A_3024 = arith.constant 4 : i32
        %gather3A_3025 = arith.constant 0 : i32
        %gather3A_3026 = arith.constant 0 : i32
        %gather3A_3027 = tpu.memref_slice %arg10[%gather3A_3024, %gather3A_3025, %gather3A_3026] : memref<8x16x128xf32, #tpu.memory_space<vmem>> -> memref<1x16x128xf32, #tpu.memory_space<vmem>>
        %gather3A_3028 = tpu.memref_squeeze %gather3A_3027 : memref<1x16x128xf32, #tpu.memory_space<vmem>> -> memref<16x128xf32, #tpu.memory_space<vmem>>
        %gather3A_3029 = tpu.vector_load_idx %gather3A_3028[%iota3A, %broadcast_in_dim3A_3022] : memref<16x128xf32, #tpu.memory_space<vmem>>[vector<16xi32>, vector<16xi32>], vector<16xf32>,
        tpu.vector_store_idx %arg13[%iota3A, %broadcast_in_dim3A_3023], %gather3A_3029 : memref<16x128xf32, #tpu.memory_space<vmem>>[vector<16xi32>, vector<16xi32>], vector<16xf32>,
        %add3A_3030 = arith.constant 0 : i32
        %add3A_3031 = vector.broadcast %add3A_3030 : i32 to vector<16xi32>
        %add3A_3032 = arith.addi %iota3A, %add3A_3031 : vector<16xi32>
        %gather3A_3033 = arith.constant 4 : i32
        %gather3A_3034 = arith.constant 0 : i32
        %gather3A_3035 = arith.constant 0 : i32
        %gather3A_3036 = tpu.memref_slice %arg11[%gather3A_3033, %gather3A_3034, %gather3A_3035] : memref<8x32x128xf32, #tpu.memory_space<vmem>> -> memref<1x32x128xf32, #tpu.memory_space<vmem>>
        %gather3A_3037 = tpu.memref_squeeze %gather3A_3036 : memref<1x32x128xf32, #tpu.memory_space<vmem>> -> memref<32x128xf32, #tpu.memory_space<vmem>>
        %gather3A_3038 = tpu.vector_load_idx %gather3A_3037[%add3A_3032, %broadcast_in_dim3A_3022] : memref<32x128xf32, #tpu.memory_space<vmem>>[vector<16xi32>, vector<16xi32>], vector<16xf32>,
        %add3A_3039 = arith.constant 0 : i32
        %add3A_3040 = vector.broadcast %add3A_3039 : i32 to vector<16xi32>
        %add3A_3041 = arith.addi %iota3A, %add3A_3040 : vector<16xi32>
        tpu.vector_store_idx %arg14[%add3A_3041, %broadcast_in_dim3A_3023], %gather3A_3038 : memref<32x128xf32, #tpu.memory_space<vmem>>[vector<16xi32>, vector<16xi32>], vector<16xf32>,
        %add3A_3042 = arith.constant 16 : i32
        %add3A_3043 = vector.broadcast %add3A_3042 : i32 to vector<16xi32>
        %add3A_3044 = arith.addi %iota3A, %add3A_3043 : vector<16xi32>
        %gather3A_3045 = arith.constant 4 : i32
        %gather3A_3046 = arith.constant 0 : i32
        %gather3A_3047 = arith.constant 0 : i32
        %gather3A_3048 = tpu.memref_slice %arg11[%gather3A_3045, %gather3A_3046, %gather3A_3047] : memref<8x32x128xf32, #tpu.memory_space<vmem>> -> memref<1x32x128xf32, #tpu.memory_space<vmem>>
        %gather3A_3049 = tpu.memref_squeeze %gather3A_3048 : memref<1x32x128xf32, #tpu.memory_space<vmem>> -> memref<32x128xf32, #tpu.memory_space<vmem>>
        %gather3A_3050 = tpu.vector_load_idx %gather3A_3049[%add3A_3044, %broadcast_in_dim3A_3022] : memref<32x128xf32, #tpu.memory_space<vmem>>[vector<16xi32>, vector<16xi32>], vector<16xf32>,
        %add3A_3051 = arith.constant 16 : i32
        %add3A_3052 = vector.broadcast %add3A_3051 : i32 to vector<16xi32>
        %add3A_3053 = arith.addi %iota3A, %add3A_3052 : vector<16xi32>
        tpu.vector_store_idx %arg14[%add3A_3053, %broadcast_in_dim3A_3023], %gather3A_3050 : memref<32x128xf32, #tpu.memory_space<vmem>>[vector<16xi32>, vector<16xi32>], vector<16xf32>,
        %add3A_3054 = arith.constant 0 : i32
        %add3A_3055 = vector.broadcast %add3A_3054 : i32 to vector<16xi32>
        %add3A_3056 = arith.addi %iota3A, %add3A_3055 : vector<16xi32>
        %gather3A_3057 = arith.constant 4 : i32
        %gather3A_3058 = arith.constant 0 : i32
        %gather3A_3059 = arith.constant 0 : i32
        %gather3A_3060 = tpu.memref_slice %arg12[%gather3A_3057, %gather3A_3058, %gather3A_3059] : memref<8x64x128xf32, #tpu.memory_space<vmem>> -> memref<1x64x128xf32, #tpu.memory_space<vmem>>
        %gather3A_3061 = tpu.memref_squeeze %gather3A_3060 : memref<1x64x128xf32, #tpu.memory_space<vmem>> -> memref<64x128xf32, #tpu.memory_space<vmem>>
        %gather3A_3062 = tpu.vector_load_idx %gather3A_3061[%add3A_3056, %broadcast_in_dim3A_3022] : memref<64x128xf32, #tpu.memory_space<vmem>>[vector<16xi32>, vector<16xi32>], vector<16xf32>,
        %add3A_3063 = arith.constant 0 : i32
        %add3A_3064 = vector.broadcast %add3A_3063 : i32 to vector<16xi32>
        %add3A_3065 = arith.addi %iota3A, %add3A_3064 : vector<16xi32>
        tpu.vector_store_idx %arg15[%add3A_3065, %broadcast_in_dim3A_3023], %gather3A_3062 : memref<64x128xf32, #tpu.memory_space<vmem>>[vector<16xi32>, vector<16xi32>], vector<16xf32>,
        %add3A_3066 = arith.constant 16 : i32
        %add3A_3067 = vector.broadcast %add3A_3066 : i32 to vector<16xi32>
        %add3A_3068 = arith.addi %iota3A, %add3A_3067 : vector<16xi32>
        %gather3A_3069 = arith.constant 4 : i32
        %gather3A_3070 = arith.constant 0 : i32
        %gather3A_3071 = arith.constant 0 : i32
        %gather3A_3072 = tpu.memref_slice %arg12[%gather3A_3069, %gather3A_3070, %gather3A_3071] : memref<8x64x128xf32, #tpu.memory_space<vmem>> -> memref<1x64x128xf32, #tpu.memory_space<vmem>>
        %gather3A_3073 = tpu.memref_squeeze %gather3A_3072 : memref<1x64x128xf32, #tpu.memory_space<vmem>> -> memref<64x128xf32, #tpu.memory_space<vmem>>
        %gather3A_3074 = tpu.vector_load_idx %gather3A_3073[%add3A_3068, %broadcast_in_dim3A_3022] : memref<64x128xf32, #tpu.memory_space<vmem>>[vector<16xi32>, vector<16xi32>], vector<16xf32>,
        %add3A_3075 = arith.constant 16 : i32
        %add3A_3076 = vector.broadcast %add3A_3075 : i32 to vector<16xi32>
        %add3A_3077 = arith.addi %iota3A, %add3A_3076 : vector<16xi32>
        tpu.vector_store_idx %arg15[%add3A_3077, %broadcast_in_dim3A_3023], %gather3A_3074 : memref<64x128xf32, #tpu.memory_space<vmem>>[vector<16xi32>, vector<16xi32>], vector<16xf32>,
        %add3A_3078 = arith.constant 32 : i32
        %add3A_3079 = vector.broadcast %add3A_3078 : i32 to vector<16xi32>
        %add3A_3080 = arith.addi %iota3A, %add3A_3079 : vector<16xi32>
        %gather3A_3081 = arith.constant 4 : i32
        %gather3A_3082 = arith.constant 0 : i32
        %gather3A_3083 = arith.constant 0 : i32
        %gather3A_3084 = tpu.memref_slice %arg12[%gather3A_3081, %gather3A_3082, %gather3A_3083] : memref<8x64x128xf32, #tpu.memory_space<vmem>> -> memref<1x64x128xf32, #tpu.memory_space<vmem>>
        %gather3A_3085 = tpu.memref_squeeze %gather3A_3084 : memref<1x64x128xf32, #tpu.memory_space<vmem>> -> memref<64x128xf32, #tpu.memory_space<vmem>>
        %gather3A_3086 = tpu.vector_load_idx %gather3A_3085[%add3A_3080, %broadcast_in_dim3A_3022] : memref<64x128xf32, #tpu.memory_space<vmem>>[vector<16xi32>, vector<16xi32>], vector<16xf32>,
        %add3A_3087 = arith.constant 32 : i32
        %add3A_3088 = vector.broadcast %add3A_3087 : i32 to vector<16xi32>
        %add3A_3089 = arith.addi %iota3A, %add3A_3088 : vector<16xi32>
        tpu.vector_store_idx %arg15[%add3A_3089, %broadcast_in_dim3A_3023], %gather3A_3086 : memref<64x128xf32, #tpu.memory_space<vmem>>[vector<16xi32>, vector<16xi32>], vector<16xf32>,
        %add3A_3090 = arith.constant 48 : i32
        %add3A_3091 = vector.broadcast %add3A_3090 : i32 to vector<16xi32>
        %add3A_3092 = arith.addi %iota3A, %add3A_3091 : vector<16xi32>
        %gather3A_3093 = arith.constant 4 : i32
        %gather3A_3094 = arith.constant 0 : i32
        %gather3A_3095 = arith.constant 0 : i32
        %gather3A_3096 = tpu.memref_slice %arg12[%gather3A_3093, %gather3A_3094, %gather3A_3095] : memref<8x64x128xf32, #tpu.memory_space<vmem>> -> memref<1x64x128xf32, #tpu.memory_space<vmem>>
        %gather3A_3097 = tpu.memref_squeeze %gather3A_3096 : memref<1x64x128xf32, #tpu.memory_space<vmem>> -> memref<64x128xf32, #tpu.memory_space<vmem>>
        %gather3A_3098 = tpu.vector_load_idx %gather3A_3097[%add3A_3092, %broadcast_in_dim3A_3022] : memref<64x128xf32, #tpu.memory_space<vmem>>[vector<16xi32>, vector<16xi32>], vector<16xf32>,
        %add3A_3099 = arith.constant 48 : i32
        %add3A_3100 = vector.broadcast %add3A_3099 : i32 to vector<16xi32>
        %add3A_3101 = arith.addi %iota3A, %add3A_3100 : vector<16xi32>
        tpu.vector_store_idx %arg15[%add3A_3101, %broadcast_in_dim3A_3023], %gather3A_3098 : memref<64x128xf32, #tpu.memory_space<vmem>>[vector<16xi32>, vector<16xi32>], vector<16xf32>,
      } else {
      }
      %slice3A_1238 = vector.extract_strided_slice %sub3A {offsets = [4], sizes = [1], strides = [1]} : vector<16xi32> to vector<1xi32>
      %squeeze3A_1239 = vector.extract %slice3A_1238[0] : i32 from vector<1xi32>
      %multiple_of3A_1240 = tpu.assume_multiple %squeeze3A_1239, 128 : i32
      %dma_start3A_1241 = arith.constant 4 : i32
      %dma_start3A_1242 = arith.constant 0 : i32
      %dma_start3A_1243 = arith.constant 0 : i32
      %dma_start3A_1244 = tpu.memref_slice %arg10[%dma_start3A_1241, %dma_start3A_1242, %dma_start3A_1243] : memref<8x16x128xf32, #tpu.memory_space<vmem>> -> memref<1x16x128xf32, #tpu.memory_space<vmem>>
      %dma_start3A_1245 = tpu.memref_squeeze %dma_start3A_1244 : memref<1x16x128xf32, #tpu.memory_space<vmem>> -> memref<16x128xf32, #tpu.memory_space<vmem>>
      %dma_start3A_1246 = arith.constant 0 : i32
      %dma_start3A_1247 = tpu.memref_slice %arg3[%dma_start3A_1246, %multiple_of3A_1240] : memref<16x1000000xf32, #tpu.memory_space<hbm>> -> memref<16x128xf32, #tpu.memory_space<hbm>>
      %dma_start3A_1248 = arith.constant 0 : i32
      %dma_start3A_1249 = arith.constant 0 : i32
      %dma_start3A_1250 = tpu.memref_slice %arg10[%dma_start3A_1241, %dma_start3A_1248, %dma_start3A_1249] : memref<8x16x128xf32, #tpu.memory_space<vmem>> -> memref<1x16x128xf32, #tpu.memory_space<vmem>>
      %dma_start3A_1251 = tpu.memref_squeeze %dma_start3A_1250 : memref<1x16x128xf32, #tpu.memory_space<vmem>> -> memref<16x128xf32, #tpu.memory_space<vmem>>
      %dma_start3A_1252 = arith.constant 0 : i32
      %dma_start3A_1253 = tpu.memref_slice %arg3[%dma_start3A_1252, %multiple_of3A_1240] : memref<16x1000000xf32, #tpu.memory_space<hbm>> -> memref<16x128xf32, #tpu.memory_space<hbm>>
      tpu.enqueue_dma source(%dma_start3A_1253 : memref<16x128xf32, #tpu.memory_space<hbm>>) target(%dma_start3A_1251 : memref<16x128xf32, #tpu.memory_space<vmem>>) target_semaphore(%arg20 : memref<!tpu.dma_semaphore, #tpu.memory_space<semaphore_mem>>)
      %dma_start3A_1254 = arith.constant 4 : i32
      %dma_start3A_1255 = arith.constant 0 : i32
      %dma_start3A_1256 = arith.constant 0 : i32
      %dma_start3A_1257 = tpu.memref_slice %arg11[%dma_start3A_1254, %dma_start3A_1255, %dma_start3A_1256] : memref<8x32x128xf32, #tpu.memory_space<vmem>> -> memref<1x32x128xf32, #tpu.memory_space<vmem>>
      %dma_start3A_1258 = tpu.memref_squeeze %dma_start3A_1257 : memref<1x32x128xf32, #tpu.memory_space<vmem>> -> memref<32x128xf32, #tpu.memory_space<vmem>>
      %dma_start3A_1259 = arith.constant 0 : i32
      %dma_start3A_1260 = tpu.memref_slice %arg4[%dma_start3A_1259, %multiple_of3A_1240] : memref<32x1000000xf32, #tpu.memory_space<hbm>> -> memref<32x128xf32, #tpu.memory_space<hbm>>
      %dma_start3A_1261 = arith.constant 0 : i32
      %dma_start3A_1262 = arith.constant 0 : i32
      %dma_start3A_1263 = tpu.memref_slice %arg11[%dma_start3A_1254, %dma_start3A_1261, %dma_start3A_1262] : memref<8x32x128xf32, #tpu.memory_space<vmem>> -> memref<1x32x128xf32, #tpu.memory_space<vmem>>
      %dma_start3A_1264 = tpu.memref_squeeze %dma_start3A_1263 : memref<1x32x128xf32, #tpu.memory_space<vmem>> -> memref<32x128xf32, #tpu.memory_space<vmem>>
      %dma_start3A_1265 = arith.constant 0 : i32
      %dma_start3A_1266 = tpu.memref_slice %arg4[%dma_start3A_1265, %multiple_of3A_1240] : memref<32x1000000xf32, #tpu.memory_space<hbm>> -> memref<32x128xf32, #tpu.memory_space<hbm>>
      tpu.enqueue_dma source(%dma_start3A_1266 : memref<32x128xf32, #tpu.memory_space<hbm>>) target(%dma_start3A_1264 : memref<32x128xf32, #tpu.memory_space<vmem>>) target_semaphore(%arg20 : memref<!tpu.dma_semaphore, #tpu.memory_space<semaphore_mem>>)
      %dma_start3A_1267 = arith.constant 4 : i32
      %dma_start3A_1268 = arith.constant 0 : i32
      %dma_start3A_1269 = arith.constant 0 : i32
      %dma_start3A_1270 = tpu.memref_slice %arg12[%dma_start3A_1267, %dma_start3A_1268, %dma_start3A_1269] : memref<8x64x128xf32, #tpu.memory_space<vmem>> -> memref<1x64x128xf32, #tpu.memory_space<vmem>>
      %dma_start3A_1271 = tpu.memref_squeeze %dma_start3A_1270 : memref<1x64x128xf32, #tpu.memory_space<vmem>> -> memref<64x128xf32, #tpu.memory_space<vmem>>
      %dma_start3A_1272 = arith.constant 0 : i32
      %dma_start3A_1273 = tpu.memref_slice %arg5[%dma_start3A_1272, %multiple_of3A_1240] : memref<64x1000000xf32, #tpu.memory_space<hbm>> -> memref<64x128xf32, #tpu.memory_space<hbm>>
      %dma_start3A_1274 = arith.constant 0 : i32
      %dma_start3A_1275 = arith.constant 0 : i32
      %dma_start3A_1276 = tpu.memref_slice %arg12[%dma_start3A_1267, %dma_start3A_1274, %dma_start3A_1275] : memref<8x64x128xf32, #tpu.memory_space<vmem>> -> memref<1x64x128xf32, #tpu.memory_space<vmem>>
      %dma_start3A_1277 = tpu.memref_squeeze %dma_start3A_1276 : memref<1x64x128xf32, #tpu.memory_space<vmem>> -> memref<64x128xf32, #tpu.memory_space<vmem>>
      %dma_start3A_1278 = arith.constant 0 : i32
      %dma_start3A_1279 = tpu.memref_slice %arg5[%dma_start3A_1278, %multiple_of3A_1240] : memref<64x1000000xf32, #tpu.memory_space<hbm>> -> memref<64x128xf32, #tpu.memory_space<hbm>>
      tpu.enqueue_dma source(%dma_start3A_1279 : memref<64x128xf32, #tpu.memory_space<hbm>>) target(%dma_start3A_1277 : memref<64x128xf32, #tpu.memory_space<vmem>>) target_semaphore(%arg20 : memref<!tpu.dma_semaphore, #tpu.memory_space<semaphore_mem>>)
      %add3A_1280 = arith.constant 5 : i32
      %add3A_1281 = arith.addi %mul3A_1035, %add3A_1280 : i32
      %gt3A_1282 = arith.constant 0 : i32
      %gt3A_1283 = arith.cmpi sgt, %scan3A_1031, %gt3A_1282 : i32
      %convert_element_type3A_1284 = arith.extui %gt3A_1283 : i1 to i32
      %cond3A_1285 = arith.constant 0 : i32
      %cond3A_1286 = arith.cmpi ne, %convert_element_type3A_1284, %cond3A_1285 : i32
      scf.if %cond3A_1286 {
        %dma_wait3A_2957 = arith.constant 5 : i32
        %dma_wait3A_2958 = arith.constant 0 : i32
        %dma_wait3A_2959 = arith.constant 0 : i32
        %dma_wait3A_2960 = tpu.memref_slice %arg10[%dma_wait3A_2957, %dma_wait3A_2958, %dma_wait3A_2959] : memref<8x16x128xf32, #tpu.memory_space<vmem>> -> memref<1x16x128xf32, #tpu.memory_space<vmem>>
        %dma_wait3A_2961 = tpu.memref_squeeze %dma_wait3A_2960 : memref<1x16x128xf32, #tpu.memory_space<vmem>> -> memref<16x128xf32, #tpu.memory_space<vmem>>
        %dma_wait3A_2962 = arith.constant 0 : i32
        %dma_wait3A_2963 = arith.constant 0 : i32
        %dma_wait3A_2964 = tpu.memref_slice %arg3[%dma_wait3A_2962, %dma_wait3A_2963] : memref<16x1000000xf32, #tpu.memory_space<hbm>> -> memref<16x128xf32, #tpu.memory_space<hbm>>
        %dma_wait3A_2965 = arith.constant 0 : i32
        %dma_wait3A_2966 = arith.constant 0 : i32
        %dma_wait3A_2967 = tpu.memref_slice %arg10[%dma_wait3A_2957, %dma_wait3A_2965, %dma_wait3A_2966] : memref<8x16x128xf32, #tpu.memory_space<vmem>> -> memref<1x16x128xf32, #tpu.memory_space<vmem>>
        %dma_wait3A_2968 = tpu.memref_squeeze %dma_wait3A_2967 : memref<1x16x128xf32, #tpu.memory_space<vmem>> -> memref<16x128xf32, #tpu.memory_space<vmem>>
        %dma_wait3A_2969 = arith.constant 0 : i32
        %dma_wait3A_2970 = arith.constant 0 : i32
        %dma_wait3A_2971 = tpu.memref_slice %arg3[%dma_wait3A_2969, %dma_wait3A_2970] : memref<16x1000000xf32, #tpu.memory_space<hbm>> -> memref<16x128xf32, #tpu.memory_space<hbm>>
        tpu.wait_dma2 semaphore(%arg21 : memref<!tpu.dma_semaphore, #tpu.memory_space<semaphore_mem>>) src(%dma_wait3A_2971 : memref<16x128xf32, #tpu.memory_space<hbm>>) dst(%dma_wait3A_2968 : memref<16x128xf32, #tpu.memory_space<vmem>>)
        %dma_wait3A_2972 = arith.constant 5 : i32
        %dma_wait3A_2973 = arith.constant 0 : i32
        %dma_wait3A_2974 = arith.constant 0 : i32
        %dma_wait3A_2975 = tpu.memref_slice %arg11[%dma_wait3A_2972, %dma_wait3A_2973, %dma_wait3A_2974] : memref<8x32x128xf32, #tpu.memory_space<vmem>> -> memref<1x32x128xf32, #tpu.memory_space<vmem>>
        %dma_wait3A_2976 = tpu.memref_squeeze %dma_wait3A_2975 : memref<1x32x128xf32, #tpu.memory_space<vmem>> -> memref<32x128xf32, #tpu.memory_space<vmem>>
        %dma_wait3A_2977 = arith.constant 0 : i32
        %dma_wait3A_2978 = arith.constant 0 : i32
        %dma_wait3A_2979 = tpu.memref_slice %arg4[%dma_wait3A_2977, %dma_wait3A_2978] : memref<32x1000000xf32, #tpu.memory_space<hbm>> -> memref<32x128xf32, #tpu.memory_space<hbm>>
        %dma_wait3A_2980 = arith.constant 0 : i32
        %dma_wait3A_2981 = arith.constant 0 : i32
        %dma_wait3A_2982 = tpu.memref_slice %arg11[%dma_wait3A_2972, %dma_wait3A_2980, %dma_wait3A_2981] : memref<8x32x128xf32, #tpu.memory_space<vmem>> -> memref<1x32x128xf32, #tpu.memory_space<vmem>>
        %dma_wait3A_2983 = tpu.memref_squeeze %dma_wait3A_2982 : memref<1x32x128xf32, #tpu.memory_space<vmem>> -> memref<32x128xf32, #tpu.memory_space<vmem>>
        %dma_wait3A_2984 = arith.constant 0 : i32
        %dma_wait3A_2985 = arith.constant 0 : i32
        %dma_wait3A_2986 = tpu.memref_slice %arg4[%dma_wait3A_2984, %dma_wait3A_2985] : memref<32x1000000xf32, #tpu.memory_space<hbm>> -> memref<32x128xf32, #tpu.memory_space<hbm>>
        tpu.wait_dma2 semaphore(%arg21 : memref<!tpu.dma_semaphore, #tpu.memory_space<semaphore_mem>>) src(%dma_wait3A_2986 : memref<32x128xf32, #tpu.memory_space<hbm>>) dst(%dma_wait3A_2983 : memref<32x128xf32, #tpu.memory_space<vmem>>)
        %dma_wait3A_2987 = arith.constant 5 : i32
        %dma_wait3A_2988 = arith.constant 0 : i32
        %dma_wait3A_2989 = arith.constant 0 : i32
        %dma_wait3A_2990 = tpu.memref_slice %arg12[%dma_wait3A_2987, %dma_wait3A_2988, %dma_wait3A_2989] : memref<8x64x128xf32, #tpu.memory_space<vmem>> -> memref<1x64x128xf32, #tpu.memory_space<vmem>>
        %dma_wait3A_2991 = tpu.memref_squeeze %dma_wait3A_2990 : memref<1x64x128xf32, #tpu.memory_space<vmem>> -> memref<64x128xf32, #tpu.memory_space<vmem>>
        %dma_wait3A_2992 = arith.constant 0 : i32
        %dma_wait3A_2993 = arith.constant 0 : i32
        %dma_wait3A_2994 = tpu.memref_slice %arg5[%dma_wait3A_2992, %dma_wait3A_2993] : memref<64x1000000xf32, #tpu.memory_space<hbm>> -> memref<64x128xf32, #tpu.memory_space<hbm>>
        %dma_wait3A_2995 = arith.constant 0 : i32
        %dma_wait3A_2996 = arith.constant 0 : i32
        %dma_wait3A_2997 = tpu.memref_slice %arg12[%dma_wait3A_2987, %dma_wait3A_2995, %dma_wait3A_2996] : memref<8x64x128xf32, #tpu.memory_space<vmem>> -> memref<1x64x128xf32, #tpu.memory_space<vmem>>
        %dma_wait3A_2998 = tpu.memref_squeeze %dma_wait3A_2997 : memref<1x64x128xf32, #tpu.memory_space<vmem>> -> memref<64x128xf32, #tpu.memory_space<vmem>>
        %dma_wait3A_2999 = arith.constant 0 : i32
        %dma_wait3A_3000 = arith.constant 0 : i32
        %dma_wait3A_3001 = tpu.memref_slice %arg5[%dma_wait3A_2999, %dma_wait3A_3000] : memref<64x1000000xf32, #tpu.memory_space<hbm>> -> memref<64x128xf32, #tpu.memory_space<hbm>>
        tpu.wait_dma2 semaphore(%arg21 : memref<!tpu.dma_semaphore, #tpu.memory_space<semaphore_mem>>) src(%dma_wait3A_3001 : memref<64x128xf32, #tpu.memory_space<hbm>>) dst(%dma_wait3A_2998 : memref<64x128xf32, #tpu.memory_space<vmem>>)
        %slice3A_3002 = vector.extract_strided_slice %scan3A_1033 {offsets = [13], sizes = [1], strides = [1]} : vector<16xi32> to vector<1xi32>
        %squeeze3A_3003 = vector.extract %slice3A_3002[0] : i32 from vector<1xi32>
        %sub3A_3004 = arith.constant 8 : i32
        %sub3A_3005 = arith.subi %add3A_1281, %sub3A_3004 : i32
        %jit3A_3006 = arith.constant 128 : i32
        %eq3A_3007 = arith.constant 0 : i32
        %eq3A_3008 = arith.cmpi eq, %jit3A_3006, %eq3A_3007 : i32
        %jit3A_3009 = arith.constant 1 : i32
        %select_n3A_3010 = arith.select %eq3A_3008, %jit3A_3009, %jit3A_3006 : i32
        %rem3A_3011 = arith.remsi %sub3A_3005, %select_n3A_3010 : i32
        %ne3A_3012 = arith.constant 0 : i32
        %ne3A_3013 = arith.cmpi ne, %rem3A_3011, %ne3A_3012 : i32
        %lt3A_3014 = arith.constant 0 : i32
        %lt3A_3015 = arith.cmpi slt, %rem3A_3011, %lt3A_3014 : i32
        %lt3A_3016 = arith.constant 0 : i32
        %lt3A_3017 = arith.cmpi slt, %select_n3A_3010, %lt3A_3016 : i32
        %ne3A_3018 = arith.xori %lt3A_3015, %lt3A_3017 : i1
        %and3A_3019 = arith.andi %ne3A_3018, %ne3A_3013 : i1
        %add3A_3020 = arith.addi %rem3A_3011, %select_n3A_3010 : i32
        %select_n3A_3021 = arith.select %and3A_3019, %add3A_3020, %rem3A_3011 : i32
        %broadcast_in_dim3A_3022 = vector.broadcast %squeeze3A_3003 : i32 to vector<16xi32>
        %broadcast_in_dim3A_3023 = vector.broadcast %select_n3A_3021 : i32 to vector<16xi32>
        %gather3A_3024 = arith.constant 5 : i32
        %gather3A_3025 = arith.constant 0 : i32
        %gather3A_3026 = arith.constant 0 : i32
        %gather3A_3027 = tpu.memref_slice %arg10[%gather3A_3024, %gather3A_3025, %gather3A_3026] : memref<8x16x128xf32, #tpu.memory_space<vmem>> -> memref<1x16x128xf32, #tpu.memory_space<vmem>>
        %gather3A_3028 = tpu.memref_squeeze %gather3A_3027 : memref<1x16x128xf32, #tpu.memory_space<vmem>> -> memref<16x128xf32, #tpu.memory_space<vmem>>
        %gather3A_3029 = tpu.vector_load_idx %gather3A_3028[%iota3A, %broadcast_in_dim3A_3022] : memref<16x128xf32, #tpu.memory_space<vmem>>[vector<16xi32>, vector<16xi32>], vector<16xf32>,
        tpu.vector_store_idx %arg13[%iota3A, %broadcast_in_dim3A_3023], %gather3A_3029 : memref<16x128xf32, #tpu.memory_space<vmem>>[vector<16xi32>, vector<16xi32>], vector<16xf32>,
        %add3A_3030 = arith.constant 0 : i32
        %add3A_3031 = vector.broadcast %add3A_3030 : i32 to vector<16xi32>
        %add3A_3032 = arith.addi %iota3A, %add3A_3031 : vector<16xi32>
        %gather3A_3033 = arith.constant 5 : i32
        %gather3A_3034 = arith.constant 0 : i32
        %gather3A_3035 = arith.constant 0 : i32
        %gather3A_3036 = tpu.memref_slice %arg11[%gather3A_3033, %gather3A_3034, %gather3A_3035] : memref<8x32x128xf32, #tpu.memory_space<vmem>> -> memref<1x32x128xf32, #tpu.memory_space<vmem>>
        %gather3A_3037 = tpu.memref_squeeze %gather3A_3036 : memref<1x32x128xf32, #tpu.memory_space<vmem>> -> memref<32x128xf32, #tpu.memory_space<vmem>>
        %gather3A_3038 = tpu.vector_load_idx %gather3A_3037[%add3A_3032, %broadcast_in_dim3A_3022] : memref<32x128xf32, #tpu.memory_space<vmem>>[vector<16xi32>, vector<16xi32>], vector<16xf32>,
        %add3A_3039 = arith.constant 0 : i32
        %add3A_3040 = vector.broadcast %add3A_3039 : i32 to vector<16xi32>
        %add3A_3041 = arith.addi %iota3A, %add3A_3040 : vector<16xi32>
        tpu.vector_store_idx %arg14[%add3A_3041, %broadcast_in_dim3A_3023], %gather3A_3038 : memref<32x128xf32, #tpu.memory_space<vmem>>[vector<16xi32>, vector<16xi32>], vector<16xf32>,
        %add3A_3042 = arith.constant 16 : i32
        %add3A_3043 = vector.broadcast %add3A_3042 : i32 to vector<16xi32>
        %add3A_3044 = arith.addi %iota3A, %add3A_3043 : vector<16xi32>
        %gather3A_3045 = arith.constant 5 : i32
        %gather3A_3046 = arith.constant 0 : i32
        %gather3A_3047 = arith.constant 0 : i32
        %gather3A_3048 = tpu.memref_slice %arg11[%gather3A_3045, %gather3A_3046, %gather3A_3047] : memref<8x32x128xf32, #tpu.memory_space<vmem>> -> memref<1x32x128xf32, #tpu.memory_space<vmem>>
        %gather3A_3049 = tpu.memref_squeeze %gather3A_3048 : memref<1x32x128xf32, #tpu.memory_space<vmem>> -> memref<32x128xf32, #tpu.memory_space<vmem>>
        %gather3A_3050 = tpu.vector_load_idx %gather3A_3049[%add3A_3044, %broadcast_in_dim3A_3022] : memref<32x128xf32, #tpu.memory_space<vmem>>[vector<16xi32>, vector<16xi32>], vector<16xf32>,
        %add3A_3051 = arith.constant 16 : i32
        %add3A_3052 = vector.broadcast %add3A_3051 : i32 to vector<16xi32>
        %add3A_3053 = arith.addi %iota3A, %add3A_3052 : vector<16xi32>
        tpu.vector_store_idx %arg14[%add3A_3053, %broadcast_in_dim3A_3023], %gather3A_3050 : memref<32x128xf32, #tpu.memory_space<vmem>>[vector<16xi32>, vector<16xi32>], vector<16xf32>,
        %add3A_3054 = arith.constant 0 : i32
        %add3A_3055 = vector.broadcast %add3A_3054 : i32 to vector<16xi32>
        %add3A_3056 = arith.addi %iota3A, %add3A_3055 : vector<16xi32>
        %gather3A_3057 = arith.constant 5 : i32
        %gather3A_3058 = arith.constant 0 : i32
        %gather3A_3059 = arith.constant 0 : i32
        %gather3A_3060 = tpu.memref_slice %arg12[%gather3A_3057, %gather3A_3058, %gather3A_3059] : memref<8x64x128xf32, #tpu.memory_space<vmem>> -> memref<1x64x128xf32, #tpu.memory_space<vmem>>
        %gather3A_3061 = tpu.memref_squeeze %gather3A_3060 : memref<1x64x128xf32, #tpu.memory_space<vmem>> -> memref<64x128xf32, #tpu.memory_space<vmem>>
        %gather3A_3062 = tpu.vector_load_idx %gather3A_3061[%add3A_3056, %broadcast_in_dim3A_3022] : memref<64x128xf32, #tpu.memory_space<vmem>>[vector<16xi32>, vector<16xi32>], vector<16xf32>,
        %add3A_3063 = arith.constant 0 : i32
        %add3A_3064 = vector.broadcast %add3A_3063 : i32 to vector<16xi32>
        %add3A_3065 = arith.addi %iota3A, %add3A_3064 : vector<16xi32>
        tpu.vector_store_idx %arg15[%add3A_3065, %broadcast_in_dim3A_3023], %gather3A_3062 : memref<64x128xf32, #tpu.memory_space<vmem>>[vector<16xi32>, vector<16xi32>], vector<16xf32>,
        %add3A_3066 = arith.constant 16 : i32
        %add3A_3067 = vector.broadcast %add3A_3066 : i32 to vector<16xi32>
        %add3A_3068 = arith.addi %iota3A, %add3A_3067 : vector<16xi32>
        %gather3A_3069 = arith.constant 5 : i32
        %gather3A_3070 = arith.constant 0 : i32
        %gather3A_3071 = arith.constant 0 : i32
        %gather3A_3072 = tpu.memref_slice %arg12[%gather3A_3069, %gather3A_3070, %gather3A_3071] : memref<8x64x128xf32, #tpu.memory_space<vmem>> -> memref<1x64x128xf32, #tpu.memory_space<vmem>>
        %gather3A_3073 = tpu.memref_squeeze %gather3A_3072 : memref<1x64x128xf32, #tpu.memory_space<vmem>> -> memref<64x128xf32, #tpu.memory_space<vmem>>
        %gather3A_3074 = tpu.vector_load_idx %gather3A_3073[%add3A_3068, %broadcast_in_dim3A_3022] : memref<64x128xf32, #tpu.memory_space<vmem>>[vector<16xi32>, vector<16xi32>], vector<16xf32>,
        %add3A_3075 = arith.constant 16 : i32
        %add3A_3076 = vector.broadcast %add3A_3075 : i32 to vector<16xi32>
        %add3A_3077 = arith.addi %iota3A, %add3A_3076 : vector<16xi32>
        tpu.vector_store_idx %arg15[%add3A_3077, %broadcast_in_dim3A_3023], %gather3A_3074 : memref<64x128xf32, #tpu.memory_space<vmem>>[vector<16xi32>, vector<16xi32>], vector<16xf32>,
        %add3A_3078 = arith.constant 32 : i32
        %add3A_3079 = vector.broadcast %add3A_3078 : i32 to vector<16xi32>
        %add3A_3080 = arith.addi %iota3A, %add3A_3079 : vector<16xi32>
        %gather3A_3081 = arith.constant 5 : i32
        %gather3A_3082 = arith.constant 0 : i32
        %gather3A_3083 = arith.constant 0 : i32
        %gather3A_3084 = tpu.memref_slice %arg12[%gather3A_3081, %gather3A_3082, %gather3A_3083] : memref<8x64x128xf32, #tpu.memory_space<vmem>> -> memref<1x64x128xf32, #tpu.memory_space<vmem>>
        %gather3A_3085 = tpu.memref_squeeze %gather3A_3084 : memref<1x64x128xf32, #tpu.memory_space<vmem>> -> memref<64x128xf32, #tpu.memory_space<vmem>>
        %gather3A_3086 = tpu.vector_load_idx %gather3A_3085[%add3A_3080, %broadcast_in_dim3A_3022] : memref<64x128xf32, #tpu.memory_space<vmem>>[vector<16xi32>, vector<16xi32>], vector<16xf32>,
        %add3A_3087 = arith.constant 32 : i32
        %add3A_3088 = vector.broadcast %add3A_3087 : i32 to vector<16xi32>
        %add3A_3089 = arith.addi %iota3A, %add3A_3088 : vector<16xi32>
        tpu.vector_store_idx %arg15[%add3A_3089, %broadcast_in_dim3A_3023], %gather3A_3086 : memref<64x128xf32, #tpu.memory_space<vmem>>[vector<16xi32>, vector<16xi32>], vector<16xf32>,
        %add3A_3090 = arith.constant 48 : i32
        %add3A_3091 = vector.broadcast %add3A_3090 : i32 to vector<16xi32>
        %add3A_3092 = arith.addi %iota3A, %add3A_3091 : vector<16xi32>
        %gather3A_3093 = arith.constant 5 : i32
        %gather3A_3094 = arith.constant 0 : i32
        %gather3A_3095 = arith.constant 0 : i32
        %gather3A_3096 = tpu.memref_slice %arg12[%gather3A_3093, %gather3A_3094, %gather3A_3095] : memref<8x64x128xf32, #tpu.memory_space<vmem>> -> memref<1x64x128xf32, #tpu.memory_space<vmem>>
        %gather3A_3097 = tpu.memref_squeeze %gather3A_3096 : memref<1x64x128xf32, #tpu.memory_space<vmem>> -> memref<64x128xf32, #tpu.memory_space<vmem>>
        %gather3A_3098 = tpu.vector_load_idx %gather3A_3097[%add3A_3092, %broadcast_in_dim3A_3022] : memref<64x128xf32, #tpu.memory_space<vmem>>[vector<16xi32>, vector<16xi32>], vector<16xf32>,
        %add3A_3099 = arith.constant 48 : i32
        %add3A_3100 = vector.broadcast %add3A_3099 : i32 to vector<16xi32>
        %add3A_3101 = arith.addi %iota3A, %add3A_3100 : vector<16xi32>
        tpu.vector_store_idx %arg15[%add3A_3101, %broadcast_in_dim3A_3023], %gather3A_3098 : memref<64x128xf32, #tpu.memory_space<vmem>>[vector<16xi32>, vector<16xi32>], vector<16xf32>,
      } else {
      }
      %slice3A_1287 = vector.extract_strided_slice %sub3A {offsets = [5], sizes = [1], strides = [1]} : vector<16xi32> to vector<1xi32>
      %squeeze3A_1288 = vector.extract %slice3A_1287[0] : i32 from vector<1xi32>
      %multiple_of3A_1289 = tpu.assume_multiple %squeeze3A_1288, 128 : i32
      %dma_start3A_1290 = arith.constant 5 : i32
      %dma_start3A_1291 = arith.constant 0 : i32
      %dma_start3A_1292 = arith.constant 0 : i32
      %dma_start3A_1293 = tpu.memref_slice %arg10[%dma_start3A_1290, %dma_start3A_1291, %dma_start3A_1292] : memref<8x16x128xf32, #tpu.memory_space<vmem>> -> memref<1x16x128xf32, #tpu.memory_space<vmem>>
      %dma_start3A_1294 = tpu.memref_squeeze %dma_start3A_1293 : memref<1x16x128xf32, #tpu.memory_space<vmem>> -> memref<16x128xf32, #tpu.memory_space<vmem>>
      %dma_start3A_1295 = arith.constant 0 : i32
      %dma_start3A_1296 = tpu.memref_slice %arg3[%dma_start3A_1295, %multiple_of3A_1289] : memref<16x1000000xf32, #tpu.memory_space<hbm>> -> memref<16x128xf32, #tpu.memory_space<hbm>>
      %dma_start3A_1297 = arith.constant 0 : i32
      %dma_start3A_1298 = arith.constant 0 : i32
      %dma_start3A_1299 = tpu.memref_slice %arg10[%dma_start3A_1290, %dma_start3A_1297, %dma_start3A_1298] : memref<8x16x128xf32, #tpu.memory_space<vmem>> -> memref<1x16x128xf32, #tpu.memory_space<vmem>>
      %dma_start3A_1300 = tpu.memref_squeeze %dma_start3A_1299 : memref<1x16x128xf32, #tpu.memory_space<vmem>> -> memref<16x128xf32, #tpu.memory_space<vmem>>
      %dma_start3A_1301 = arith.constant 0 : i32
      %dma_start3A_1302 = tpu.memref_slice %arg3[%dma_start3A_1301, %multiple_of3A_1289] : memref<16x1000000xf32, #tpu.memory_space<hbm>> -> memref<16x128xf32, #tpu.memory_space<hbm>>
      tpu.enqueue_dma source(%dma_start3A_1302 : memref<16x128xf32, #tpu.memory_space<hbm>>) target(%dma_start3A_1300 : memref<16x128xf32, #tpu.memory_space<vmem>>) target_semaphore(%arg21 : memref<!tpu.dma_semaphore, #tpu.memory_space<semaphore_mem>>)
      %dma_start3A_1303 = arith.constant 5 : i32
      %dma_start3A_1304 = arith.constant 0 : i32
      %dma_start3A_1305 = arith.constant 0 : i32
      %dma_start3A_1306 = tpu.memref_slice %arg11[%dma_start3A_1303, %dma_start3A_1304, %dma_start3A_1305] : memref<8x32x128xf32, #tpu.memory_space<vmem>> -> memref<1x32x128xf32, #tpu.memory_space<vmem>>
      %dma_start3A_1307 = tpu.memref_squeeze %dma_start3A_1306 : memref<1x32x128xf32, #tpu.memory_space<vmem>> -> memref<32x128xf32, #tpu.memory_space<vmem>>
      %dma_start3A_1308 = arith.constant 0 : i32
      %dma_start3A_1309 = tpu.memref_slice %arg4[%dma_start3A_1308, %multiple_of3A_1289] : memref<32x1000000xf32, #tpu.memory_space<hbm>> -> memref<32x128xf32, #tpu.memory_space<hbm>>
      %dma_start3A_1310 = arith.constant 0 : i32
      %dma_start3A_1311 = arith.constant 0 : i32
      %dma_start3A_1312 = tpu.memref_slice %arg11[%dma_start3A_1303, %dma_start3A_1310, %dma_start3A_1311] : memref<8x32x128xf32, #tpu.memory_space<vmem>> -> memref<1x32x128xf32, #tpu.memory_space<vmem>>
      %dma_start3A_1313 = tpu.memref_squeeze %dma_start3A_1312 : memref<1x32x128xf32, #tpu.memory_space<vmem>> -> memref<32x128xf32, #tpu.memory_space<vmem>>
      %dma_start3A_1314 = arith.constant 0 : i32
      %dma_start3A_1315 = tpu.memref_slice %arg4[%dma_start3A_1314, %multiple_of3A_1289] : memref<32x1000000xf32, #tpu.memory_space<hbm>> -> memref<32x128xf32, #tpu.memory_space<hbm>>
      tpu.enqueue_dma source(%dma_start3A_1315 : memref<32x128xf32, #tpu.memory_space<hbm>>) target(%dma_start3A_1313 : memref<32x128xf32, #tpu.memory_space<vmem>>) target_semaphore(%arg21 : memref<!tpu.dma_semaphore, #tpu.memory_space<semaphore_mem>>)
      %dma_start3A_1316 = arith.constant 5 : i32
      %dma_start3A_1317 = arith.constant 0 : i32
      %dma_start3A_1318 = arith.constant 0 : i32
      %dma_start3A_1319 = tpu.memref_slice %arg12[%dma_start3A_1316, %dma_start3A_1317, %dma_start3A_1318] : memref<8x64x128xf32, #tpu.memory_space<vmem>> -> memref<1x64x128xf32, #tpu.memory_space<vmem>>
      %dma_start3A_1320 = tpu.memref_squeeze %dma_start3A_1319 : memref<1x64x128xf32, #tpu.memory_space<vmem>> -> memref<64x128xf32, #tpu.memory_space<vmem>>
      %dma_start3A_1321 = arith.constant 0 : i32
      %dma_start3A_1322 = tpu.memref_slice %arg5[%dma_start3A_1321, %multiple_of3A_1289] : memref<64x1000000xf32, #tpu.memory_space<hbm>> -> memref<64x128xf32, #tpu.memory_space<hbm>>
      %dma_start3A_1323 = arith.constant 0 : i32
      %dma_start3A_1324 = arith.constant 0 : i32
      %dma_start3A_1325 = tpu.memref_slice %arg12[%dma_start3A_1316, %dma_start3A_1323, %dma_start3A_1324] : memref<8x64x128xf32, #tpu.memory_space<vmem>> -> memref<1x64x128xf32, #tpu.memory_space<vmem>>
      %dma_start3A_1326 = tpu.memref_squeeze %dma_start3A_1325 : memref<1x64x128xf32, #tpu.memory_space<vmem>> -> memref<64x128xf32, #tpu.memory_space<vmem>>
      %dma_start3A_1327 = arith.constant 0 : i32
      %dma_start3A_1328 = tpu.memref_slice %arg5[%dma_start3A_1327, %multiple_of3A_1289] : memref<64x1000000xf32, #tpu.memory_space<hbm>> -> memref<64x128xf32, #tpu.memory_space<hbm>>
      tpu.enqueue_dma source(%dma_start3A_1328 : memref<64x128xf32, #tpu.memory_space<hbm>>) target(%dma_start3A_1326 : memref<64x128xf32, #tpu.memory_space<vmem>>) target_semaphore(%arg21 : memref<!tpu.dma_semaphore, #tpu.memory_space<semaphore_mem>>)
      %add3A_1329 = arith.constant 6 : i32
      %add3A_1330 = arith.addi %mul3A_1035, %add3A_1329 : i32
      %gt3A_1331 = arith.constant 0 : i32
      %gt3A_1332 = arith.cmpi sgt, %scan3A_1031, %gt3A_1331 : i32
      %convert_element_type3A_1333 = arith.extui %gt3A_1332 : i1 to i32
      %cond3A_1334 = arith.constant 0 : i32
      %cond3A_1335 = arith.cmpi ne, %convert_element_type3A_1333, %cond3A_1334 : i32
      scf.if %cond3A_1335 {
        %dma_wait3A_2957 = arith.constant 6 : i32
        %dma_wait3A_2958 = arith.constant 0 : i32
        %dma_wait3A_2959 = arith.constant 0 : i32
        %dma_wait3A_2960 = tpu.memref_slice %arg10[%dma_wait3A_2957, %dma_wait3A_2958, %dma_wait3A_2959] : memref<8x16x128xf32, #tpu.memory_space<vmem>> -> memref<1x16x128xf32, #tpu.memory_space<vmem>>
        %dma_wait3A_2961 = tpu.memref_squeeze %dma_wait3A_2960 : memref<1x16x128xf32, #tpu.memory_space<vmem>> -> memref<16x128xf32, #tpu.memory_space<vmem>>
        %dma_wait3A_2962 = arith.constant 0 : i32
        %dma_wait3A_2963 = arith.constant 0 : i32
        %dma_wait3A_2964 = tpu.memref_slice %arg3[%dma_wait3A_2962, %dma_wait3A_2963] : memref<16x1000000xf32, #tpu.memory_space<hbm>> -> memref<16x128xf32, #tpu.memory_space<hbm>>
        %dma_wait3A_2965 = arith.constant 0 : i32
        %dma_wait3A_2966 = arith.constant 0 : i32
        %dma_wait3A_2967 = tpu.memref_slice %arg10[%dma_wait3A_2957, %dma_wait3A_2965, %dma_wait3A_2966] : memref<8x16x128xf32, #tpu.memory_space<vmem>> -> memref<1x16x128xf32, #tpu.memory_space<vmem>>
        %dma_wait3A_2968 = tpu.memref_squeeze %dma_wait3A_2967 : memref<1x16x128xf32, #tpu.memory_space<vmem>> -> memref<16x128xf32, #tpu.memory_space<vmem>>
        %dma_wait3A_2969 = arith.constant 0 : i32
        %dma_wait3A_2970 = arith.constant 0 : i32
        %dma_wait3A_2971 = tpu.memref_slice %arg3[%dma_wait3A_2969, %dma_wait3A_2970] : memref<16x1000000xf32, #tpu.memory_space<hbm>> -> memref<16x128xf32, #tpu.memory_space<hbm>>
        tpu.wait_dma2 semaphore(%arg22 : memref<!tpu.dma_semaphore, #tpu.memory_space<semaphore_mem>>) src(%dma_wait3A_2971 : memref<16x128xf32, #tpu.memory_space<hbm>>) dst(%dma_wait3A_2968 : memref<16x128xf32, #tpu.memory_space<vmem>>)
        %dma_wait3A_2972 = arith.constant 6 : i32
        %dma_wait3A_2973 = arith.constant 0 : i32
        %dma_wait3A_2974 = arith.constant 0 : i32
        %dma_wait3A_2975 = tpu.memref_slice %arg11[%dma_wait3A_2972, %dma_wait3A_2973, %dma_wait3A_2974] : memref<8x32x128xf32, #tpu.memory_space<vmem>> -> memref<1x32x128xf32, #tpu.memory_space<vmem>>
        %dma_wait3A_2976 = tpu.memref_squeeze %dma_wait3A_2975 : memref<1x32x128xf32, #tpu.memory_space<vmem>> -> memref<32x128xf32, #tpu.memory_space<vmem>>
        %dma_wait3A_2977 = arith.constant 0 : i32
        %dma_wait3A_2978 = arith.constant 0 : i32
        %dma_wait3A_2979 = tpu.memref_slice %arg4[%dma_wait3A_2977, %dma_wait3A_2978] : memref<32x1000000xf32, #tpu.memory_space<hbm>> -> memref<32x128xf32, #tpu.memory_space<hbm>>
        %dma_wait3A_2980 = arith.constant 0 : i32
        %dma_wait3A_2981 = arith.constant 0 : i32
        %dma_wait3A_2982 = tpu.memref_slice %arg11[%dma_wait3A_2972, %dma_wait3A_2980, %dma_wait3A_2981] : memref<8x32x128xf32, #tpu.memory_space<vmem>> -> memref<1x32x128xf32, #tpu.memory_space<vmem>>
        %dma_wait3A_2983 = tpu.memref_squeeze %dma_wait3A_2982 : memref<1x32x128xf32, #tpu.memory_space<vmem>> -> memref<32x128xf32, #tpu.memory_space<vmem>>
        %dma_wait3A_2984 = arith.constant 0 : i32
        %dma_wait3A_2985 = arith.constant 0 : i32
        %dma_wait3A_2986 = tpu.memref_slice %arg4[%dma_wait3A_2984, %dma_wait3A_2985] : memref<32x1000000xf32, #tpu.memory_space<hbm>> -> memref<32x128xf32, #tpu.memory_space<hbm>>
        tpu.wait_dma2 semaphore(%arg22 : memref<!tpu.dma_semaphore, #tpu.memory_space<semaphore_mem>>) src(%dma_wait3A_2986 : memref<32x128xf32, #tpu.memory_space<hbm>>) dst(%dma_wait3A_2983 : memref<32x128xf32, #tpu.memory_space<vmem>>)
        %dma_wait3A_2987 = arith.constant 6 : i32
        %dma_wait3A_2988 = arith.constant 0 : i32
        %dma_wait3A_2989 = arith.constant 0 : i32
        %dma_wait3A_2990 = tpu.memref_slice %arg12[%dma_wait3A_2987, %dma_wait3A_2988, %dma_wait3A_2989] : memref<8x64x128xf32, #tpu.memory_space<vmem>> -> memref<1x64x128xf32, #tpu.memory_space<vmem>>
        %dma_wait3A_2991 = tpu.memref_squeeze %dma_wait3A_2990 : memref<1x64x128xf32, #tpu.memory_space<vmem>> -> memref<64x128xf32, #tpu.memory_space<vmem>>
        %dma_wait3A_2992 = arith.constant 0 : i32
        %dma_wait3A_2993 = arith.constant 0 : i32
        %dma_wait3A_2994 = tpu.memref_slice %arg5[%dma_wait3A_2992, %dma_wait3A_2993] : memref<64x1000000xf32, #tpu.memory_space<hbm>> -> memref<64x128xf32, #tpu.memory_space<hbm>>
        %dma_wait3A_2995 = arith.constant 0 : i32
        %dma_wait3A_2996 = arith.constant 0 : i32
        %dma_wait3A_2997 = tpu.memref_slice %arg12[%dma_wait3A_2987, %dma_wait3A_2995, %dma_wait3A_2996] : memref<8x64x128xf32, #tpu.memory_space<vmem>> -> memref<1x64x128xf32, #tpu.memory_space<vmem>>
        %dma_wait3A_2998 = tpu.memref_squeeze %dma_wait3A_2997 : memref<1x64x128xf32, #tpu.memory_space<vmem>> -> memref<64x128xf32, #tpu.memory_space<vmem>>
        %dma_wait3A_2999 = arith.constant 0 : i32
        %dma_wait3A_3000 = arith.constant 0 : i32
        %dma_wait3A_3001 = tpu.memref_slice %arg5[%dma_wait3A_2999, %dma_wait3A_3000] : memref<64x1000000xf32, #tpu.memory_space<hbm>> -> memref<64x128xf32, #tpu.memory_space<hbm>>
        tpu.wait_dma2 semaphore(%arg22 : memref<!tpu.dma_semaphore, #tpu.memory_space<semaphore_mem>>) src(%dma_wait3A_3001 : memref<64x128xf32, #tpu.memory_space<hbm>>) dst(%dma_wait3A_2998 : memref<64x128xf32, #tpu.memory_space<vmem>>)
        %slice3A_3002 = vector.extract_strided_slice %scan3A_1033 {offsets = [14], sizes = [1], strides = [1]} : vector<16xi32> to vector<1xi32>
        %squeeze3A_3003 = vector.extract %slice3A_3002[0] : i32 from vector<1xi32>
        %sub3A_3004 = arith.constant 8 : i32
        %sub3A_3005 = arith.subi %add3A_1330, %sub3A_3004 : i32
        %jit3A_3006 = arith.constant 128 : i32
        %eq3A_3007 = arith.constant 0 : i32
        %eq3A_3008 = arith.cmpi eq, %jit3A_3006, %eq3A_3007 : i32
        %jit3A_3009 = arith.constant 1 : i32
        %select_n3A_3010 = arith.select %eq3A_3008, %jit3A_3009, %jit3A_3006 : i32
        %rem3A_3011 = arith.remsi %sub3A_3005, %select_n3A_3010 : i32
        %ne3A_3012 = arith.constant 0 : i32
        %ne3A_3013 = arith.cmpi ne, %rem3A_3011, %ne3A_3012 : i32
        %lt3A_3014 = arith.constant 0 : i32
        %lt3A_3015 = arith.cmpi slt, %rem3A_3011, %lt3A_3014 : i32
        %lt3A_3016 = arith.constant 0 : i32
        %lt3A_3017 = arith.cmpi slt, %select_n3A_3010, %lt3A_3016 : i32
        %ne3A_3018 = arith.xori %lt3A_3015, %lt3A_3017 : i1
        %and3A_3019 = arith.andi %ne3A_3018, %ne3A_3013 : i1
        %add3A_3020 = arith.addi %rem3A_3011, %select_n3A_3010 : i32
        %select_n3A_3021 = arith.select %and3A_3019, %add3A_3020, %rem3A_3011 : i32
        %broadcast_in_dim3A_3022 = vector.broadcast %squeeze3A_3003 : i32 to vector<16xi32>
        %broadcast_in_dim3A_3023 = vector.broadcast %select_n3A_3021 : i32 to vector<16xi32>
        %gather3A_3024 = arith.constant 6 : i32
        %gather3A_3025 = arith.constant 0 : i32
        %gather3A_3026 = arith.constant 0 : i32
        %gather3A_3027 = tpu.memref_slice %arg10[%gather3A_3024, %gather3A_3025, %gather3A_3026] : memref<8x16x128xf32, #tpu.memory_space<vmem>> -> memref<1x16x128xf32, #tpu.memory_space<vmem>>
        %gather3A_3028 = tpu.memref_squeeze %gather3A_3027 : memref<1x16x128xf32, #tpu.memory_space<vmem>> -> memref<16x128xf32, #tpu.memory_space<vmem>>
        %gather3A_3029 = tpu.vector_load_idx %gather3A_3028[%iota3A, %broadcast_in_dim3A_3022] : memref<16x128xf32, #tpu.memory_space<vmem>>[vector<16xi32>, vector<16xi32>], vector<16xf32>,
        tpu.vector_store_idx %arg13[%iota3A, %broadcast_in_dim3A_3023], %gather3A_3029 : memref<16x128xf32, #tpu.memory_space<vmem>>[vector<16xi32>, vector<16xi32>], vector<16xf32>,
        %add3A_3030 = arith.constant 0 : i32
        %add3A_3031 = vector.broadcast %add3A_3030 : i32 to vector<16xi32>
        %add3A_3032 = arith.addi %iota3A, %add3A_3031 : vector<16xi32>
        %gather3A_3033 = arith.constant 6 : i32
        %gather3A_3034 = arith.constant 0 : i32
        %gather3A_3035 = arith.constant 0 : i32
        %gather3A_3036 = tpu.memref_slice %arg11[%gather3A_3033, %gather3A_3034, %gather3A_3035] : memref<8x32x128xf32, #tpu.memory_space<vmem>> -> memref<1x32x128xf32, #tpu.memory_space<vmem>>
        %gather3A_3037 = tpu.memref_squeeze %gather3A_3036 : memref<1x32x128xf32, #tpu.memory_space<vmem>> -> memref<32x128xf32, #tpu.memory_space<vmem>>
        %gather3A_3038 = tpu.vector_load_idx %gather3A_3037[%add3A_3032, %broadcast_in_dim3A_3022] : memref<32x128xf32, #tpu.memory_space<vmem>>[vector<16xi32>, vector<16xi32>], vector<16xf32>,
        %add3A_3039 = arith.constant 0 : i32
        %add3A_3040 = vector.broadcast %add3A_3039 : i32 to vector<16xi32>
        %add3A_3041 = arith.addi %iota3A, %add3A_3040 : vector<16xi32>
        tpu.vector_store_idx %arg14[%add3A_3041, %broadcast_in_dim3A_3023], %gather3A_3038 : memref<32x128xf32, #tpu.memory_space<vmem>>[vector<16xi32>, vector<16xi32>], vector<16xf32>,
        %add3A_3042 = arith.constant 16 : i32
        %add3A_3043 = vector.broadcast %add3A_3042 : i32 to vector<16xi32>
        %add3A_3044 = arith.addi %iota3A, %add3A_3043 : vector<16xi32>
        %gather3A_3045 = arith.constant 6 : i32
        %gather3A_3046 = arith.constant 0 : i32
        %gather3A_3047 = arith.constant 0 : i32
        %gather3A_3048 = tpu.memref_slice %arg11[%gather3A_3045, %gather3A_3046, %gather3A_3047] : memref<8x32x128xf32, #tpu.memory_space<vmem>> -> memref<1x32x128xf32, #tpu.memory_space<vmem>>
        %gather3A_3049 = tpu.memref_squeeze %gather3A_3048 : memref<1x32x128xf32, #tpu.memory_space<vmem>> -> memref<32x128xf32, #tpu.memory_space<vmem>>
        %gather3A_3050 = tpu.vector_load_idx %gather3A_3049[%add3A_3044, %broadcast_in_dim3A_3022] : memref<32x128xf32, #tpu.memory_space<vmem>>[vector<16xi32>, vector<16xi32>], vector<16xf32>,
        %add3A_3051 = arith.constant 16 : i32
        %add3A_3052 = vector.broadcast %add3A_3051 : i32 to vector<16xi32>
        %add3A_3053 = arith.addi %iota3A, %add3A_3052 : vector<16xi32>
        tpu.vector_store_idx %arg14[%add3A_3053, %broadcast_in_dim3A_3023], %gather3A_3050 : memref<32x128xf32, #tpu.memory_space<vmem>>[vector<16xi32>, vector<16xi32>], vector<16xf32>,
        %add3A_3054 = arith.constant 0 : i32
        %add3A_3055 = vector.broadcast %add3A_3054 : i32 to vector<16xi32>
        %add3A_3056 = arith.addi %iota3A, %add3A_3055 : vector<16xi32>
        %gather3A_3057 = arith.constant 6 : i32
        %gather3A_3058 = arith.constant 0 : i32
        %gather3A_3059 = arith.constant 0 : i32
        %gather3A_3060 = tpu.memref_slice %arg12[%gather3A_3057, %gather3A_3058, %gather3A_3059] : memref<8x64x128xf32, #tpu.memory_space<vmem>> -> memref<1x64x128xf32, #tpu.memory_space<vmem>>
        %gather3A_3061 = tpu.memref_squeeze %gather3A_3060 : memref<1x64x128xf32, #tpu.memory_space<vmem>> -> memref<64x128xf32, #tpu.memory_space<vmem>>
        %gather3A_3062 = tpu.vector_load_idx %gather3A_3061[%add3A_3056, %broadcast_in_dim3A_3022] : memref<64x128xf32, #tpu.memory_space<vmem>>[vector<16xi32>, vector<16xi32>], vector<16xf32>,
        %add3A_3063 = arith.constant 0 : i32
        %add3A_3064 = vector.broadcast %add3A_3063 : i32 to vector<16xi32>
        %add3A_3065 = arith.addi %iota3A, %add3A_3064 : vector<16xi32>
        tpu.vector_store_idx %arg15[%add3A_3065, %broadcast_in_dim3A_3023], %gather3A_3062 : memref<64x128xf32, #tpu.memory_space<vmem>>[vector<16xi32>, vector<16xi32>], vector<16xf32>,
        %add3A_3066 = arith.constant 16 : i32
        %add3A_3067 = vector.broadcast %add3A_3066 : i32 to vector<16xi32>
        %add3A_3068 = arith.addi %iota3A, %add3A_3067 : vector<16xi32>
        %gather3A_3069 = arith.constant 6 : i32
        %gather3A_3070 = arith.constant 0 : i32
        %gather3A_3071 = arith.constant 0 : i32
        %gather3A_3072 = tpu.memref_slice %arg12[%gather3A_3069, %gather3A_3070, %gather3A_3071] : memref<8x64x128xf32, #tpu.memory_space<vmem>> -> memref<1x64x128xf32, #tpu.memory_space<vmem>>
        %gather3A_3073 = tpu.memref_squeeze %gather3A_3072 : memref<1x64x128xf32, #tpu.memory_space<vmem>> -> memref<64x128xf32, #tpu.memory_space<vmem>>
        %gather3A_3074 = tpu.vector_load_idx %gather3A_3073[%add3A_3068, %broadcast_in_dim3A_3022] : memref<64x128xf32, #tpu.memory_space<vmem>>[vector<16xi32>, vector<16xi32>], vector<16xf32>,
        %add3A_3075 = arith.constant 16 : i32
        %add3A_3076 = vector.broadcast %add3A_3075 : i32 to vector<16xi32>
        %add3A_3077 = arith.addi %iota3A, %add3A_3076 : vector<16xi32>
        tpu.vector_store_idx %arg15[%add3A_3077, %broadcast_in_dim3A_3023], %gather3A_3074 : memref<64x128xf32, #tpu.memory_space<vmem>>[vector<16xi32>, vector<16xi32>], vector<16xf32>,
        %add3A_3078 = arith.constant 32 : i32
        %add3A_3079 = vector.broadcast %add3A_3078 : i32 to vector<16xi32>
        %add3A_3080 = arith.addi %iota3A, %add3A_3079 : vector<16xi32>
        %gather3A_3081 = arith.constant 6 : i32
        %gather3A_3082 = arith.constant 0 : i32
        %gather3A_3083 = arith.constant 0 : i32
        %gather3A_3084 = tpu.memref_slice %arg12[%gather3A_3081, %gather3A_3082, %gather3A_3083] : memref<8x64x128xf32, #tpu.memory_space<vmem>> -> memref<1x64x128xf32, #tpu.memory_space<vmem>>
        %gather3A_3085 = tpu.memref_squeeze %gather3A_3084 : memref<1x64x128xf32, #tpu.memory_space<vmem>> -> memref<64x128xf32, #tpu.memory_space<vmem>>
        %gather3A_3086 = tpu.vector_load_idx %gather3A_3085[%add3A_3080, %broadcast_in_dim3A_3022] : memref<64x128xf32, #tpu.memory_space<vmem>>[vector<16xi32>, vector<16xi32>], vector<16xf32>,
        %add3A_3087 = arith.constant 32 : i32
        %add3A_3088 = vector.broadcast %add3A_3087 : i32 to vector<16xi32>
        %add3A_3089 = arith.addi %iota3A, %add3A_3088 : vector<16xi32>
        tpu.vector_store_idx %arg15[%add3A_3089, %broadcast_in_dim3A_3023], %gather3A_3086 : memref<64x128xf32, #tpu.memory_space<vmem>>[vector<16xi32>, vector<16xi32>], vector<16xf32>,
        %add3A_3090 = arith.constant 48 : i32
        %add3A_3091 = vector.broadcast %add3A_3090 : i32 to vector<16xi32>
        %add3A_3092 = arith.addi %iota3A, %add3A_3091 : vector<16xi32>
        %gather3A_3093 = arith.constant 6 : i32
        %gather3A_3094 = arith.constant 0 : i32
        %gather3A_3095 = arith.constant 0 : i32
        %gather3A_3096 = tpu.memref_slice %arg12[%gather3A_3093, %gather3A_3094, %gather3A_3095] : memref<8x64x128xf32, #tpu.memory_space<vmem>> -> memref<1x64x128xf32, #tpu.memory_space<vmem>>
        %gather3A_3097 = tpu.memref_squeeze %gather3A_3096 : memref<1x64x128xf32, #tpu.memory_space<vmem>> -> memref<64x128xf32, #tpu.memory_space<vmem>>
        %gather3A_3098 = tpu.vector_load_idx %gather3A_3097[%add3A_3092, %broadcast_in_dim3A_3022] : memref<64x128xf32, #tpu.memory_space<vmem>>[vector<16xi32>, vector<16xi32>], vector<16xf32>,
        %add3A_3099 = arith.constant 48 : i32
        %add3A_3100 = vector.broadcast %add3A_3099 : i32 to vector<16xi32>
        %add3A_3101 = arith.addi %iota3A, %add3A_3100 : vector<16xi32>
        tpu.vector_store_idx %arg15[%add3A_3101, %broadcast_in_dim3A_3023], %gather3A_3098 : memref<64x128xf32, #tpu.memory_space<vmem>>[vector<16xi32>, vector<16xi32>], vector<16xf32>,
      } else {
      }
      %slice3A_1336 = vector.extract_strided_slice %sub3A {offsets = [6], sizes = [1], strides = [1]} : vector<16xi32> to vector<1xi32>
      %squeeze3A_1337 = vector.extract %slice3A_1336[0] : i32 from vector<1xi32>
      %multiple_of3A_1338 = tpu.assume_multiple %squeeze3A_1337, 128 : i32
      %dma_start3A_1339 = arith.constant 6 : i32
      %dma_start3A_1340 = arith.constant 0 : i32
      %dma_start3A_1341 = arith.constant 0 : i32
      %dma_start3A_1342 = tpu.memref_slice %arg10[%dma_start3A_1339, %dma_start3A_1340, %dma_start3A_1341] : memref<8x16x128xf32, #tpu.memory_space<vmem>> -> memref<1x16x128xf32, #tpu.memory_space<vmem>>
      %dma_start3A_1343 = tpu.memref_squeeze %dma_start3A_1342 : memref<1x16x128xf32, #tpu.memory_space<vmem>> -> memref<16x128xf32, #tpu.memory_space<vmem>>
      %dma_start3A_1344 = arith.constant 0 : i32
      %dma_start3A_1345 = tpu.memref_slice %arg3[%dma_start3A_1344, %multiple_of3A_1338] : memref<16x1000000xf32, #tpu.memory_space<hbm>> -> memref<16x128xf32, #tpu.memory_space<hbm>>
      %dma_start3A_1346 = arith.constant 0 : i32
      %dma_start3A_1347 = arith.constant 0 : i32
      %dma_start3A_1348 = tpu.memref_slice %arg10[%dma_start3A_1339, %dma_start3A_1346, %dma_start3A_1347] : memref<8x16x128xf32, #tpu.memory_space<vmem>> -> memref<1x16x128xf32, #tpu.memory_space<vmem>>
      %dma_start3A_1349 = tpu.memref_squeeze %dma_start3A_1348 : memref<1x16x128xf32, #tpu.memory_space<vmem>> -> memref<16x128xf32, #tpu.memory_space<vmem>>
      %dma_start3A_1350 = arith.constant 0 : i32
      %dma_start3A_1351 = tpu.memref_slice %arg3[%dma_start3A_1350, %multiple_of3A_1338] : memref<16x1000000xf32, #tpu.memory_space<hbm>> -> memref<16x128xf32, #tpu.memory_space<hbm>>
      tpu.enqueue_dma source(%dma_start3A_1351 : memref<16x128xf32, #tpu.memory_space<hbm>>) target(%dma_start3A_1349 : memref<16x128xf32, #tpu.memory_space<vmem>>) target_semaphore(%arg22 : memref<!tpu.dma_semaphore, #tpu.memory_space<semaphore_mem>>)
      %dma_start3A_1352 = arith.constant 6 : i32
      %dma_start3A_1353 = arith.constant 0 : i32
      %dma_start3A_1354 = arith.constant 0 : i32
      %dma_start3A_1355 = tpu.memref_slice %arg11[%dma_start3A_1352, %dma_start3A_1353, %dma_start3A_1354] : memref<8x32x128xf32, #tpu.memory_space<vmem>> -> memref<1x32x128xf32, #tpu.memory_space<vmem>>
      %dma_start3A_1356 = tpu.memref_squeeze %dma_start3A_1355 : memref<1x32x128xf32, #tpu.memory_space<vmem>> -> memref<32x128xf32, #tpu.memory_space<vmem>>
      %dma_start3A_1357 = arith.constant 0 : i32
      %dma_start3A_1358 = tpu.memref_slice %arg4[%dma_start3A_1357, %multiple_of3A_1338] : memref<32x1000000xf32, #tpu.memory_space<hbm>> -> memref<32x128xf32, #tpu.memory_space<hbm>>
      %dma_start3A_1359 = arith.constant 0 : i32
      %dma_start3A_1360 = arith.constant 0 : i32
      %dma_start3A_1361 = tpu.memref_slice %arg11[%dma_start3A_1352, %dma_start3A_1359, %dma_start3A_1360] : memref<8x32x128xf32, #tpu.memory_space<vmem>> -> memref<1x32x128xf32, #tpu.memory_space<vmem>>
      %dma_start3A_1362 = tpu.memref_squeeze %dma_start3A_1361 : memref<1x32x128xf32, #tpu.memory_space<vmem>> -> memref<32x128xf32, #tpu.memory_space<vmem>>
      %dma_start3A_1363 = arith.constant 0 : i32
      %dma_start3A_1364 = tpu.memref_slice %arg4[%dma_start3A_1363, %multiple_of3A_1338] : memref<32x1000000xf32, #tpu.memory_space<hbm>> -> memref<32x128xf32, #tpu.memory_space<hbm>>
      tpu.enqueue_dma source(%dma_start3A_1364 : memref<32x128xf32, #tpu.memory_space<hbm>>) target(%dma_start3A_1362 : memref<32x128xf32, #tpu.memory_space<vmem>>) target_semaphore(%arg22 : memref<!tpu.dma_semaphore, #tpu.memory_space<semaphore_mem>>)
      %dma_start3A_1365 = arith.constant 6 : i32
      %dma_start3A_1366 = arith.constant 0 : i32
      %dma_start3A_1367 = arith.constant 0 : i32
      %dma_start3A_1368 = tpu.memref_slice %arg12[%dma_start3A_1365, %dma_start3A_1366, %dma_start3A_1367] : memref<8x64x128xf32, #tpu.memory_space<vmem>> -> memref<1x64x128xf32, #tpu.memory_space<vmem>>
      %dma_start3A_1369 = tpu.memref_squeeze %dma_start3A_1368 : memref<1x64x128xf32, #tpu.memory_space<vmem>> -> memref<64x128xf32, #tpu.memory_space<vmem>>
      %dma_start3A_1370 = arith.constant 0 : i32
      %dma_start3A_1371 = tpu.memref_slice %arg5[%dma_start3A_1370, %multiple_of3A_1338] : memref<64x1000000xf32, #tpu.memory_space<hbm>> -> memref<64x128xf32, #tpu.memory_space<hbm>>
      %dma_start3A_1372 = arith.constant 0 : i32
      %dma_start3A_1373 = arith.constant 0 : i32
      %dma_start3A_1374 = tpu.memref_slice %arg12[%dma_start3A_1365, %dma_start3A_1372, %dma_start3A_1373] : memref<8x64x128xf32, #tpu.memory_space<vmem>> -> memref<1x64x128xf32, #tpu.memory_space<vmem>>
      %dma_start3A_1375 = tpu.memref_squeeze %dma_start3A_1374 : memref<1x64x128xf32, #tpu.memory_space<vmem>> -> memref<64x128xf32, #tpu.memory_space<vmem>>
      %dma_start3A_1376 = arith.constant 0 : i32
      %dma_start3A_1377 = tpu.memref_slice %arg5[%dma_start3A_1376, %multiple_of3A_1338] : memref<64x1000000xf32, #tpu.memory_space<hbm>> -> memref<64x128xf32, #tpu.memory_space<hbm>>
      tpu.enqueue_dma source(%dma_start3A_1377 : memref<64x128xf32, #tpu.memory_space<hbm>>) target(%dma_start3A_1375 : memref<64x128xf32, #tpu.memory_space<vmem>>) target_semaphore(%arg22 : memref<!tpu.dma_semaphore, #tpu.memory_space<semaphore_mem>>)
      %add3A_1378 = arith.constant 7 : i32
      %add3A_1379 = arith.addi %mul3A_1035, %add3A_1378 : i32
      %gt3A_1380 = arith.constant 0 : i32
      %gt3A_1381 = arith.cmpi sgt, %scan3A_1031, %gt3A_1380 : i32
      %convert_element_type3A_1382 = arith.extui %gt3A_1381 : i1 to i32
      %cond3A_1383 = arith.constant 0 : i32
      %cond3A_1384 = arith.cmpi ne, %convert_element_type3A_1382, %cond3A_1383 : i32
      scf.if %cond3A_1384 {
        %dma_wait3A_2957 = arith.constant 7 : i32
        %dma_wait3A_2958 = arith.constant 0 : i32
        %dma_wait3A_2959 = arith.constant 0 : i32
        %dma_wait3A_2960 = tpu.memref_slice %arg10[%dma_wait3A_2957, %dma_wait3A_2958, %dma_wait3A_2959] : memref<8x16x128xf32, #tpu.memory_space<vmem>> -> memref<1x16x128xf32, #tpu.memory_space<vmem>>
        %dma_wait3A_2961 = tpu.memref_squeeze %dma_wait3A_2960 : memref<1x16x128xf32, #tpu.memory_space<vmem>> -> memref<16x128xf32, #tpu.memory_space<vmem>>
        %dma_wait3A_2962 = arith.constant 0 : i32
        %dma_wait3A_2963 = arith.constant 0 : i32
        %dma_wait3A_2964 = tpu.memref_slice %arg3[%dma_wait3A_2962, %dma_wait3A_2963] : memref<16x1000000xf32, #tpu.memory_space<hbm>> -> memref<16x128xf32, #tpu.memory_space<hbm>>
        %dma_wait3A_2965 = arith.constant 0 : i32
        %dma_wait3A_2966 = arith.constant 0 : i32
        %dma_wait3A_2967 = tpu.memref_slice %arg10[%dma_wait3A_2957, %dma_wait3A_2965, %dma_wait3A_2966] : memref<8x16x128xf32, #tpu.memory_space<vmem>> -> memref<1x16x128xf32, #tpu.memory_space<vmem>>
        %dma_wait3A_2968 = tpu.memref_squeeze %dma_wait3A_2967 : memref<1x16x128xf32, #tpu.memory_space<vmem>> -> memref<16x128xf32, #tpu.memory_space<vmem>>
        %dma_wait3A_2969 = arith.constant 0 : i32
        %dma_wait3A_2970 = arith.constant 0 : i32
        %dma_wait3A_2971 = tpu.memref_slice %arg3[%dma_wait3A_2969, %dma_wait3A_2970] : memref<16x1000000xf32, #tpu.memory_space<hbm>> -> memref<16x128xf32, #tpu.memory_space<hbm>>
        tpu.wait_dma2 semaphore(%arg23 : memref<!tpu.dma_semaphore, #tpu.memory_space<semaphore_mem>>) src(%dma_wait3A_2971 : memref<16x128xf32, #tpu.memory_space<hbm>>) dst(%dma_wait3A_2968 : memref<16x128xf32, #tpu.memory_space<vmem>>)
        %dma_wait3A_2972 = arith.constant 7 : i32
        %dma_wait3A_2973 = arith.constant 0 : i32
        %dma_wait3A_2974 = arith.constant 0 : i32
        %dma_wait3A_2975 = tpu.memref_slice %arg11[%dma_wait3A_2972, %dma_wait3A_2973, %dma_wait3A_2974] : memref<8x32x128xf32, #tpu.memory_space<vmem>> -> memref<1x32x128xf32, #tpu.memory_space<vmem>>
        %dma_wait3A_2976 = tpu.memref_squeeze %dma_wait3A_2975 : memref<1x32x128xf32, #tpu.memory_space<vmem>> -> memref<32x128xf32, #tpu.memory_space<vmem>>
        %dma_wait3A_2977 = arith.constant 0 : i32
        %dma_wait3A_2978 = arith.constant 0 : i32
        %dma_wait3A_2979 = tpu.memref_slice %arg4[%dma_wait3A_2977, %dma_wait3A_2978] : memref<32x1000000xf32, #tpu.memory_space<hbm>> -> memref<32x128xf32, #tpu.memory_space<hbm>>
        %dma_wait3A_2980 = arith.constant 0 : i32
        %dma_wait3A_2981 = arith.constant 0 : i32
        %dma_wait3A_2982 = tpu.memref_slice %arg11[%dma_wait3A_2972, %dma_wait3A_2980, %dma_wait3A_2981] : memref<8x32x128xf32, #tpu.memory_space<vmem>> -> memref<1x32x128xf32, #tpu.memory_space<vmem>>
        %dma_wait3A_2983 = tpu.memref_squeeze %dma_wait3A_2982 : memref<1x32x128xf32, #tpu.memory_space<vmem>> -> memref<32x128xf32, #tpu.memory_space<vmem>>
        %dma_wait3A_2984 = arith.constant 0 : i32
        %dma_wait3A_2985 = arith.constant 0 : i32
        %dma_wait3A_2986 = tpu.memref_slice %arg4[%dma_wait3A_2984, %dma_wait3A_2985] : memref<32x1000000xf32, #tpu.memory_space<hbm>> -> memref<32x128xf32, #tpu.memory_space<hbm>>
        tpu.wait_dma2 semaphore(%arg23 : memref<!tpu.dma_semaphore, #tpu.memory_space<semaphore_mem>>) src(%dma_wait3A_2986 : memref<32x128xf32, #tpu.memory_space<hbm>>) dst(%dma_wait3A_2983 : memref<32x128xf32, #tpu.memory_space<vmem>>)
        %dma_wait3A_2987 = arith.constant 7 : i32
        %dma_wait3A_2988 = arith.constant 0 : i32
        %dma_wait3A_2989 = arith.constant 0 : i32
        %dma_wait3A_2990 = tpu.memref_slice %arg12[%dma_wait3A_2987, %dma_wait3A_2988, %dma_wait3A_2989] : memref<8x64x128xf32, #tpu.memory_space<vmem>> -> memref<1x64x128xf32, #tpu.memory_space<vmem>>
        %dma_wait3A_2991 = tpu.memref_squeeze %dma_wait3A_2990 : memref<1x64x128xf32, #tpu.memory_space<vmem>> -> memref<64x128xf32, #tpu.memory_space<vmem>>
        %dma_wait3A_2992 = arith.constant 0 : i32
        %dma_wait3A_2993 = arith.constant 0 : i32
        %dma_wait3A_2994 = tpu.memref_slice %arg5[%dma_wait3A_2992, %dma_wait3A_2993] : memref<64x1000000xf32, #tpu.memory_space<hbm>> -> memref<64x128xf32, #tpu.memory_space<hbm>>
        %dma_wait3A_2995 = arith.constant 0 : i32
        %dma_wait3A_2996 = arith.constant 0 : i32
        %dma_wait3A_2997 = tpu.memref_slice %arg12[%dma_wait3A_2987, %dma_wait3A_2995, %dma_wait3A_2996] : memref<8x64x128xf32, #tpu.memory_space<vmem>> -> memref<1x64x128xf32, #tpu.memory_space<vmem>>
        %dma_wait3A_2998 = tpu.memref_squeeze %dma_wait3A_2997 : memref<1x64x128xf32, #tpu.memory_space<vmem>> -> memref<64x128xf32, #tpu.memory_space<vmem>>
        %dma_wait3A_2999 = arith.constant 0 : i32
        %dma_wait3A_3000 = arith.constant 0 : i32
        %dma_wait3A_3001 = tpu.memref_slice %arg5[%dma_wait3A_2999, %dma_wait3A_3000] : memref<64x1000000xf32, #tpu.memory_space<hbm>> -> memref<64x128xf32, #tpu.memory_space<hbm>>
        tpu.wait_dma2 semaphore(%arg23 : memref<!tpu.dma_semaphore, #tpu.memory_space<semaphore_mem>>) src(%dma_wait3A_3001 : memref<64x128xf32, #tpu.memory_space<hbm>>) dst(%dma_wait3A_2998 : memref<64x128xf32, #tpu.memory_space<vmem>>)
        %slice3A_3002 = vector.extract_strided_slice %scan3A_1033 {offsets = [15], sizes = [1], strides = [1]} : vector<16xi32> to vector<1xi32>
        %squeeze3A_3003 = vector.extract %slice3A_3002[0] : i32 from vector<1xi32>
        %sub3A_3004 = arith.constant 8 : i32
        %sub3A_3005 = arith.subi %add3A_1379, %sub3A_3004 : i32
        %jit3A_3006 = arith.constant 128 : i32
        %eq3A_3007 = arith.constant 0 : i32
        %eq3A_3008 = arith.cmpi eq, %jit3A_3006, %eq3A_3007 : i32
        %jit3A_3009 = arith.constant 1 : i32
        %select_n3A_3010 = arith.select %eq3A_3008, %jit3A_3009, %jit3A_3006 : i32
        %rem3A_3011 = arith.remsi %sub3A_3005, %select_n3A_3010 : i32
        %ne3A_3012 = arith.constant 0 : i32
        %ne3A_3013 = arith.cmpi ne, %rem3A_3011, %ne3A_3012 : i32
        %lt3A_3014 = arith.constant 0 : i32
        %lt3A_3015 = arith.cmpi slt, %rem3A_3011, %lt3A_3014 : i32
        %lt3A_3016 = arith.constant 0 : i32
        %lt3A_3017 = arith.cmpi slt, %select_n3A_3010, %lt3A_3016 : i32
        %ne3A_3018 = arith.xori %lt3A_3015, %lt3A_3017 : i1
        %and3A_3019 = arith.andi %ne3A_3018, %ne3A_3013 : i1
        %add3A_3020 = arith.addi %rem3A_3011, %select_n3A_3010 : i32
        %select_n3A_3021 = arith.select %and3A_3019, %add3A_3020, %rem3A_3011 : i32
        %broadcast_in_dim3A_3022 = vector.broadcast %squeeze3A_3003 : i32 to vector<16xi32>
        %broadcast_in_dim3A_3023 = vector.broadcast %select_n3A_3021 : i32 to vector<16xi32>
        %gather3A_3024 = arith.constant 7 : i32
        %gather3A_3025 = arith.constant 0 : i32
        %gather3A_3026 = arith.constant 0 : i32
        %gather3A_3027 = tpu.memref_slice %arg10[%gather3A_3024, %gather3A_3025, %gather3A_3026] : memref<8x16x128xf32, #tpu.memory_space<vmem>> -> memref<1x16x128xf32, #tpu.memory_space<vmem>>
        %gather3A_3028 = tpu.memref_squeeze %gather3A_3027 : memref<1x16x128xf32, #tpu.memory_space<vmem>> -> memref<16x128xf32, #tpu.memory_space<vmem>>
        %gather3A_3029 = tpu.vector_load_idx %gather3A_3028[%iota3A, %broadcast_in_dim3A_3022] : memref<16x128xf32, #tpu.memory_space<vmem>>[vector<16xi32>, vector<16xi32>], vector<16xf32>,
        tpu.vector_store_idx %arg13[%iota3A, %broadcast_in_dim3A_3023], %gather3A_3029 : memref<16x128xf32, #tpu.memory_space<vmem>>[vector<16xi32>, vector<16xi32>], vector<16xf32>,
        %add3A_3030 = arith.constant 0 : i32
        %add3A_3031 = vector.broadcast %add3A_3030 : i32 to vector<16xi32>
        %add3A_3032 = arith.addi %iota3A, %add3A_3031 : vector<16xi32>
        %gather3A_3033 = arith.constant 7 : i32
        %gather3A_3034 = arith.constant 0 : i32
        %gather3A_3035 = arith.constant 0 : i32
        %gather3A_3036 = tpu.memref_slice %arg11[%gather3A_3033, %gather3A_3034, %gather3A_3035] : memref<8x32x128xf32, #tpu.memory_space<vmem>> -> memref<1x32x128xf32, #tpu.memory_space<vmem>>
        %gather3A_3037 = tpu.memref_squeeze %gather3A_3036 : memref<1x32x128xf32, #tpu.memory_space<vmem>> -> memref<32x128xf32, #tpu.memory_space<vmem>>
        %gather3A_3038 = tpu.vector_load_idx %gather3A_3037[%add3A_3032, %broadcast_in_dim3A_3022] : memref<32x128xf32, #tpu.memory_space<vmem>>[vector<16xi32>, vector<16xi32>], vector<16xf32>,
        %add3A_3039 = arith.constant 0 : i32
        %add3A_3040 = vector.broadcast %add3A_3039 : i32 to vector<16xi32>
        %add3A_3041 = arith.addi %iota3A, %add3A_3040 : vector<16xi32>
        tpu.vector_store_idx %arg14[%add3A_3041, %broadcast_in_dim3A_3023], %gather3A_3038 : memref<32x128xf32, #tpu.memory_space<vmem>>[vector<16xi32>, vector<16xi32>], vector<16xf32>,
        %add3A_3042 = arith.constant 16 : i32
        %add3A_3043 = vector.broadcast %add3A_3042 : i32 to vector<16xi32>
        %add3A_3044 = arith.addi %iota3A, %add3A_3043 : vector<16xi32>
        %gather3A_3045 = arith.constant 7 : i32
        %gather3A_3046 = arith.constant 0 : i32
        %gather3A_3047 = arith.constant 0 : i32
        %gather3A_3048 = tpu.memref_slice %arg11[%gather3A_3045, %gather3A_3046, %gather3A_3047] : memref<8x32x128xf32, #tpu.memory_space<vmem>> -> memref<1x32x128xf32, #tpu.memory_space<vmem>>
        %gather3A_3049 = tpu.memref_squeeze %gather3A_3048 : memref<1x32x128xf32, #tpu.memory_space<vmem>> -> memref<32x128xf32, #tpu.memory_space<vmem>>
        %gather3A_3050 = tpu.vector_load_idx %gather3A_3049[%add3A_3044, %broadcast_in_dim3A_3022] : memref<32x128xf32, #tpu.memory_space<vmem>>[vector<16xi32>, vector<16xi32>], vector<16xf32>,
        %add3A_3051 = arith.constant 16 : i32
        %add3A_3052 = vector.broadcast %add3A_3051 : i32 to vector<16xi32>
        %add3A_3053 = arith.addi %iota3A, %add3A_3052 : vector<16xi32>
        tpu.vector_store_idx %arg14[%add3A_3053, %broadcast_in_dim3A_3023], %gather3A_3050 : memref<32x128xf32, #tpu.memory_space<vmem>>[vector<16xi32>, vector<16xi32>], vector<16xf32>,
        %add3A_3054 = arith.constant 0 : i32
        %add3A_3055 = vector.broadcast %add3A_3054 : i32 to vector<16xi32>
        %add3A_3056 = arith.addi %iota3A, %add3A_3055 : vector<16xi32>
        %gather3A_3057 = arith.constant 7 : i32
        %gather3A_3058 = arith.constant 0 : i32
        %gather3A_3059 = arith.constant 0 : i32
        %gather3A_3060 = tpu.memref_slice %arg12[%gather3A_3057, %gather3A_3058, %gather3A_3059] : memref<8x64x128xf32, #tpu.memory_space<vmem>> -> memref<1x64x128xf32, #tpu.memory_space<vmem>>
        %gather3A_3061 = tpu.memref_squeeze %gather3A_3060 : memref<1x64x128xf32, #tpu.memory_space<vmem>> -> memref<64x128xf32, #tpu.memory_space<vmem>>
        %gather3A_3062 = tpu.vector_load_idx %gather3A_3061[%add3A_3056, %broadcast_in_dim3A_3022] : memref<64x128xf32, #tpu.memory_space<vmem>>[vector<16xi32>, vector<16xi32>], vector<16xf32>,
        %add3A_3063 = arith.constant 0 : i32
        %add3A_3064 = vector.broadcast %add3A_3063 : i32 to vector<16xi32>
        %add3A_3065 = arith.addi %iota3A, %add3A_3064 : vector<16xi32>
        tpu.vector_store_idx %arg15[%add3A_3065, %broadcast_in_dim3A_3023], %gather3A_3062 : memref<64x128xf32, #tpu.memory_space<vmem>>[vector<16xi32>, vector<16xi32>], vector<16xf32>,
        %add3A_3066 = arith.constant 16 : i32
        %add3A_3067 = vector.broadcast %add3A_3066 : i32 to vector<16xi32>
        %add3A_3068 = arith.addi %iota3A, %add3A_3067 : vector<16xi32>
        %gather3A_3069 = arith.constant 7 : i32
        %gather3A_3070 = arith.constant 0 : i32
        %gather3A_3071 = arith.constant 0 : i32
        %gather3A_3072 = tpu.memref_slice %arg12[%gather3A_3069, %gather3A_3070, %gather3A_3071] : memref<8x64x128xf32, #tpu.memory_space<vmem>> -> memref<1x64x128xf32, #tpu.memory_space<vmem>>
        %gather3A_3073 = tpu.memref_squeeze %gather3A_3072 : memref<1x64x128xf32, #tpu.memory_space<vmem>> -> memref<64x128xf32, #tpu.memory_space<vmem>>
        %gather3A_3074 = tpu.vector_load_idx %gather3A_3073[%add3A_3068, %broadcast_in_dim3A_3022] : memref<64x128xf32, #tpu.memory_space<vmem>>[vector<16xi32>, vector<16xi32>], vector<16xf32>,
        %add3A_3075 = arith.constant 16 : i32
        %add3A_3076 = vector.broadcast %add3A_3075 : i32 to vector<16xi32>
        %add3A_3077 = arith.addi %iota3A, %add3A_3076 : vector<16xi32>
        tpu.vector_store_idx %arg15[%add3A_3077, %broadcast_in_dim3A_3023], %gather3A_3074 : memref<64x128xf32, #tpu.memory_space<vmem>>[vector<16xi32>, vector<16xi32>], vector<16xf32>,
        %add3A_3078 = arith.constant 32 : i32
        %add3A_3079 = vector.broadcast %add3A_3078 : i32 to vector<16xi32>
        %add3A_3080 = arith.addi %iota3A, %add3A_3079 : vector<16xi32>
        %gather3A_3081 = arith.constant 7 : i32
        %gather3A_3082 = arith.constant 0 : i32
        %gather3A_3083 = arith.constant 0 : i32
        %gather3A_3084 = tpu.memref_slice %arg12[%gather3A_3081, %gather3A_3082, %gather3A_3083] : memref<8x64x128xf32, #tpu.memory_space<vmem>> -> memref<1x64x128xf32, #tpu.memory_space<vmem>>
        %gather3A_3085 = tpu.memref_squeeze %gather3A_3084 : memref<1x64x128xf32, #tpu.memory_space<vmem>> -> memref<64x128xf32, #tpu.memory_space<vmem>>
        %gather3A_3086 = tpu.vector_load_idx %gather3A_3085[%add3A_3080, %broadcast_in_dim3A_3022] : memref<64x128xf32, #tpu.memory_space<vmem>>[vector<16xi32>, vector<16xi32>], vector<16xf32>,
        %add3A_3087 = arith.constant 32 : i32
        %add3A_3088 = vector.broadcast %add3A_3087 : i32 to vector<16xi32>
        %add3A_3089 = arith.addi %iota3A, %add3A_3088 : vector<16xi32>
        tpu.vector_store_idx %arg15[%add3A_3089, %broadcast_in_dim3A_3023], %gather3A_3086 : memref<64x128xf32, #tpu.memory_space<vmem>>[vector<16xi32>, vector<16xi32>], vector<16xf32>,
        %add3A_3090 = arith.constant 48 : i32
        %add3A_3091 = vector.broadcast %add3A_3090 : i32 to vector<16xi32>
        %add3A_3092 = arith.addi %iota3A, %add3A_3091 : vector<16xi32>
        %gather3A_3093 = arith.constant 7 : i32
        %gather3A_3094 = arith.constant 0 : i32
        %gather3A_3095 = arith.constant 0 : i32
        %gather3A_3096 = tpu.memref_slice %arg12[%gather3A_3093, %gather3A_3094, %gather3A_3095] : memref<8x64x128xf32, #tpu.memory_space<vmem>> -> memref<1x64x128xf32, #tpu.memory_space<vmem>>
        %gather3A_3097 = tpu.memref_squeeze %gather3A_3096 : memref<1x64x128xf32, #tpu.memory_space<vmem>> -> memref<64x128xf32, #tpu.memory_space<vmem>>
        %gather3A_3098 = tpu.vector_load_idx %gather3A_3097[%add3A_3092, %broadcast_in_dim3A_3022] : memref<64x128xf32, #tpu.memory_space<vmem>>[vector<16xi32>, vector<16xi32>], vector<16xf32>,
        %add3A_3099 = arith.constant 48 : i32
        %add3A_3100 = vector.broadcast %add3A_3099 : i32 to vector<16xi32>
        %add3A_3101 = arith.addi %iota3A, %add3A_3100 : vector<16xi32>
        tpu.vector_store_idx %arg15[%add3A_3101, %broadcast_in_dim3A_3023], %gather3A_3098 : memref<64x128xf32, #tpu.memory_space<vmem>>[vector<16xi32>, vector<16xi32>], vector<16xf32>,
      } else {
      }
      %gt3A_1385 = arith.constant 0 : i32
      %gt3A_1386 = arith.cmpi sgt, %scan3A_1031, %gt3A_1385 : i32
      %jit3A = arith.constant 8 : i32
      %eq3A = arith.constant 0 : i32
      %eq3A_1387 = arith.cmpi eq, %jit3A, %eq3A : i32
      %jit3A_1388 = arith.constant 1 : i32
      %select_n3A = arith.select %eq3A_1387, %jit3A_1388, %jit3A : i32
      %rem3A = arith.remsi %scan3A_1031, %select_n3A : i32
      %ne3A = arith.constant 0 : i32
      %ne3A_1389 = arith.cmpi ne, %rem3A, %ne3A : i32
      %lt3A = arith.constant 0 : i32
      %lt3A_1390 = arith.cmpi slt, %rem3A, %lt3A : i32
      %lt3A_1391 = arith.constant 0 : i32
      %lt3A_1392 = arith.cmpi slt, %select_n3A, %lt3A_1391 : i32
      %ne3A_1393 = arith.xori %lt3A_1390, %lt3A_1392 : i1
      %and3A_1394 = arith.andi %ne3A_1393, %ne3A_1389 : i1
      %add3A_1395 = arith.addi %rem3A, %select_n3A : i32
      %select_n3A_1396 = arith.select %and3A_1394, %add3A_1395, %rem3A : i32
      %eq3A_1397 = arith.constant 0 : i32
      %eq3A_1398 = arith.cmpi eq, %select_n3A_1396, %eq3A_1397 : i32
      %and3A_1399 = arith.andi %gt3A_1386, %eq3A_1398 : i1
      %convert_element_type3A_1400 = arith.extui %and3A_1399 : i1 to i32
      %cond3A_1401 = arith.constant 0 : i32
      %cond3A_1402 = arith.cmpi ne, %convert_element_type3A_1400, %cond3A_1401 : i32
      scf.if %cond3A_1402 {
        %sub3A_2957 = arith.constant 8 : i32
        %sub3A_2958 = arith.subi %scan3A_1031, %sub3A_2957 : i32
        %mul3A_2959 = arith.constant 16 : i32
        %mul3A_2960 = arith.muli %sub3A_2958, %mul3A_2959 : i32
        %add3A_2961 = arith.addi %mul3A_2, %mul3A_2960 : i32
        %multiple_of3A_2962 = tpu.assume_multiple %add3A_2961, 128 : i32
        "tpu.region"() ({
          %run_scoped3A = tpu.sem_alloc : memref<!tpu.dma_semaphore, #tpu.memory_space<semaphore_mem>>
          %dma_start3A_2963 = arith.constant 0 : i32
          %dma_start3A_2964 = tpu.memref_slice %arg6[%dma_start3A_2963, %multiple_of3A_2962] : memref<16x16384xf32, #tpu.memory_space<hbm>> -> memref<16x128xf32, #tpu.memory_space<hbm>>
          %dma_start3A_2965 = arith.constant 0 : i32
          %dma_start3A_2966 = tpu.memref_slice %arg6[%dma_start3A_2965, %multiple_of3A_2962] : memref<16x16384xf32, #tpu.memory_space<hbm>> -> memref<16x128xf32, #tpu.memory_space<hbm>>
          tpu.enqueue_dma source(%arg13 : memref<16x128xf32, #tpu.memory_space<vmem>>) target(%dma_start3A_2966 : memref<16x128xf32, #tpu.memory_space<hbm>>) target_semaphore(%run_scoped3A : memref<!tpu.dma_semaphore, #tpu.memory_space<semaphore_mem>>)
          %dma_wait3A_2967 = arith.constant 0 : i32
          %dma_wait3A_2968 = tpu.memref_slice %arg6[%dma_wait3A_2967, %multiple_of3A_2962] : memref<16x16384xf32, #tpu.memory_space<hbm>> -> memref<16x128xf32, #tpu.memory_space<hbm>>
          %dma_wait3A_2969 = arith.constant 0 : i32
          %dma_wait3A_2970 = tpu.memref_slice %arg6[%dma_wait3A_2969, %multiple_of3A_2962] : memref<16x16384xf32, #tpu.memory_space<hbm>> -> memref<16x128xf32, #tpu.memory_space<hbm>>
          tpu.wait_dma2 semaphore(%run_scoped3A : memref<!tpu.dma_semaphore, #tpu.memory_space<semaphore_mem>>) src(%arg13 : memref<16x128xf32, #tpu.memory_space<vmem>>) dst(%dma_wait3A_2970 : memref<16x128xf32, #tpu.memory_space<hbm>>)
          tpu.yield
        }) : () -> ()
        "tpu.region"() ({
          %run_scoped3A = tpu.sem_alloc : memref<!tpu.dma_semaphore, #tpu.memory_space<semaphore_mem>>
          %dma_start3A_2963 = arith.constant 0 : i32
          %dma_start3A_2964 = tpu.memref_slice %arg7[%dma_start3A_2963, %multiple_of3A_2962] : memref<32x16384xf32, #tpu.memory_space<hbm>> -> memref<32x128xf32, #tpu.memory_space<hbm>>
          %dma_start3A_2965 = arith.constant 0 : i32
          %dma_start3A_2966 = tpu.memref_slice %arg7[%dma_start3A_2965, %multiple_of3A_2962] : memref<32x16384xf32, #tpu.memory_space<hbm>> -> memref<32x128xf32, #tpu.memory_space<hbm>>
          tpu.enqueue_dma source(%arg14 : memref<32x128xf32, #tpu.memory_space<vmem>>) target(%dma_start3A_2966 : memref<32x128xf32, #tpu.memory_space<hbm>>) target_semaphore(%run_scoped3A : memref<!tpu.dma_semaphore, #tpu.memory_space<semaphore_mem>>)
          %dma_wait3A_2967 = arith.constant 0 : i32
          %dma_wait3A_2968 = tpu.memref_slice %arg7[%dma_wait3A_2967, %multiple_of3A_2962] : memref<32x16384xf32, #tpu.memory_space<hbm>> -> memref<32x128xf32, #tpu.memory_space<hbm>>
          %dma_wait3A_2969 = arith.constant 0 : i32
          %dma_wait3A_2970 = tpu.memref_slice %arg7[%dma_wait3A_2969, %multiple_of3A_2962] : memref<32x16384xf32, #tpu.memory_space<hbm>> -> memref<32x128xf32, #tpu.memory_space<hbm>>
          tpu.wait_dma2 semaphore(%run_scoped3A : memref<!tpu.dma_semaphore, #tpu.memory_space<semaphore_mem>>) src(%arg14 : memref<32x128xf32, #tpu.memory_space<vmem>>) dst(%dma_wait3A_2970 : memref<32x128xf32, #tpu.memory_space<hbm>>)
          tpu.yield
        }) : () -> ()
        "tpu.region"() ({
          %run_scoped3A = tpu.sem_alloc : memref<!tpu.dma_semaphore, #tpu.memory_space<semaphore_mem>>
          %dma_start3A_2963 = arith.constant 0 : i32
          %dma_start3A_2964 = tpu.memref_slice %arg8[%dma_start3A_2963, %multiple_of3A_2962] : memref<64x16384xf32, #tpu.memory_space<hbm>> -> memref<64x128xf32, #tpu.memory_space<hbm>>
          %dma_start3A_2965 = arith.constant 0 : i32
          %dma_start3A_2966 = tpu.memref_slice %arg8[%dma_start3A_2965, %multiple_of3A_2962] : memref<64x16384xf32, #tpu.memory_space<hbm>> -> memref<64x128xf32, #tpu.memory_space<hbm>>
          tpu.enqueue_dma source(%arg15 : memref<64x128xf32, #tpu.memory_space<vmem>>) target(%dma_start3A_2966 : memref<64x128xf32, #tpu.memory_space<hbm>>) target_semaphore(%run_scoped3A : memref<!tpu.dma_semaphore, #tpu.memory_space<semaphore_mem>>)
          %dma_wait3A_2967 = arith.constant 0 : i32
          %dma_wait3A_2968 = tpu.memref_slice %arg8[%dma_wait3A_2967, %multiple_of3A_2962] : memref<64x16384xf32, #tpu.memory_space<hbm>> -> memref<64x128xf32, #tpu.memory_space<hbm>>
          %dma_wait3A_2969 = arith.constant 0 : i32
          %dma_wait3A_2970 = tpu.memref_slice %arg8[%dma_wait3A_2969, %multiple_of3A_2962] : memref<64x16384xf32, #tpu.memory_space<hbm>> -> memref<64x128xf32, #tpu.memory_space<hbm>>
          tpu.wait_dma2 semaphore(%run_scoped3A : memref<!tpu.dma_semaphore, #tpu.memory_space<semaphore_mem>>) src(%arg15 : memref<64x128xf32, #tpu.memory_space<vmem>>) dst(%dma_wait3A_2970 : memref<64x128xf32, #tpu.memory_space<hbm>>)
          tpu.yield
        }) : () -> ()
      } else {
      }
      %slice3A_1403 = vector.extract_strided_slice %sub3A {offsets = [7], sizes = [1], strides = [1]} : vector<16xi32> to vector<1xi32>
      %squeeze3A_1404 = vector.extract %slice3A_1403[0] : i32 from vector<1xi32>
      %multiple_of3A_1405 = tpu.assume_multiple %squeeze3A_1404, 128 : i32
      %dma_start3A_1406 = arith.constant 7 : i32
      %dma_start3A_1407 = arith.constant 0 : i32
      %dma_start3A_1408 = arith.constant 0 : i32
      %dma_start3A_1409 = tpu.memref_slice %arg10[%dma_start3A_1406, %dma_start3A_1407, %dma_start3A_1408] : memref<8x16x128xf32, #tpu.memory_space<vmem>> -> memref<1x16x128xf32, #tpu.memory_space<vmem>>
      %dma_start3A_1410 = tpu.memref_squeeze %dma_start3A_1409 : memref<1x16x128xf32, #tpu.memory_space<vmem>> -> memref<16x128xf32, #tpu.memory_space<vmem>>
      %dma_start3A_1411 = arith.constant 0 : i32
      %dma_start3A_1412 = tpu.memref_slice %arg3[%dma_start3A_1411, %multiple_of3A_1405] : memref<16x1000000xf32, #tpu.memory_space<hbm>> -> memref<16x128xf32, #tpu.memory_space<hbm>>
      %dma_start3A_1413 = arith.constant 0 : i32
      %dma_start3A_1414 = arith.constant 0 : i32
      %dma_start3A_1415 = tpu.memref_slice %arg10[%dma_start3A_1406, %dma_start3A_1413, %dma_start3A_1414] : memref<8x16x128xf32, #tpu.memory_space<vmem>> -> memref<1x16x128xf32, #tpu.memory_space<vmem>>
      %dma_start3A_1416 = tpu.memref_squeeze %dma_start3A_1415 : memref<1x16x128xf32, #tpu.memory_space<vmem>> -> memref<16x128xf32, #tpu.memory_space<vmem>>
      %dma_start3A_1417 = arith.constant 0 : i32
      %dma_start3A_1418 = tpu.memref_slice %arg3[%dma_start3A_1417, %multiple_of3A_1405] : memref<16x1000000xf32, #tpu.memory_space<hbm>> -> memref<16x128xf32, #tpu.memory_space<hbm>>
      tpu.enqueue_dma source(%dma_start3A_1418 : memref<16x128xf32, #tpu.memory_space<hbm>>) target(%dma_start3A_1416 : memref<16x128xf32, #tpu.memory_space<vmem>>) target_semaphore(%arg23 : memref<!tpu.dma_semaphore, #tpu.memory_space<semaphore_mem>>)
      %dma_start3A_1419 = arith.constant 7 : i32
      %dma_start3A_1420 = arith.constant 0 : i32
      %dma_start3A_1421 = arith.constant 0 : i32
      %dma_start3A_1422 = tpu.memref_slice %arg11[%dma_start3A_1419, %dma_start3A_1420, %dma_start3A_1421] : memref<8x32x128xf32, #tpu.memory_space<vmem>> -> memref<1x32x128xf32, #tpu.memory_space<vmem>>
      %dma_start3A_1423 = tpu.memref_squeeze %dma_start3A_1422 : memref<1x32x128xf32, #tpu.memory_space<vmem>> -> memref<32x128xf32, #tpu.memory_space<vmem>>
      %dma_start3A_1424 = arith.constant 0 : i32
      %dma_start3A_1425 = tpu.memref_slice %arg4[%dma_start3A_1424, %multiple_of3A_1405] : memref<32x1000000xf32, #tpu.memory_space<hbm>> -> memref<32x128xf32, #tpu.memory_space<hbm>>
      %dma_start3A_1426 = arith.constant 0 : i32
      %dma_start3A_1427 = arith.constant 0 : i32
      %dma_start3A_1428 = tpu.memref_slice %arg11[%dma_start3A_1419, %dma_start3A_1426, %dma_start3A_1427] : memref<8x32x128xf32, #tpu.memory_space<vmem>> -> memref<1x32x128xf32, #tpu.memory_space<vmem>>
      %dma_start3A_1429 = tpu.memref_squeeze %dma_start3A_1428 : memref<1x32x128xf32, #tpu.memory_space<vmem>> -> memref<32x128xf32, #tpu.memory_space<vmem>>
      %dma_start3A_1430 = arith.constant 0 : i32
      %dma_start3A_1431 = tpu.memref_slice %arg4[%dma_start3A_1430, %multiple_of3A_1405] : memref<32x1000000xf32, #tpu.memory_space<hbm>> -> memref<32x128xf32, #tpu.memory_space<hbm>>
      tpu.enqueue_dma source(%dma_start3A_1431 : memref<32x128xf32, #tpu.memory_space<hbm>>) target(%dma_start3A_1429 : memref<32x128xf32, #tpu.memory_space<vmem>>) target_semaphore(%arg23 : memref<!tpu.dma_semaphore, #tpu.memory_space<semaphore_mem>>)
      %dma_start3A_1432 = arith.constant 7 : i32
      %dma_start3A_1433 = arith.constant 0 : i32
      %dma_start3A_1434 = arith.constant 0 : i32
      %dma_start3A_1435 = tpu.memref_slice %arg12[%dma_start3A_1432, %dma_start3A_1433, %dma_start3A_1434] : memref<8x64x128xf32, #tpu.memory_space<vmem>> -> memref<1x64x128xf32, #tpu.memory_space<vmem>>
      %dma_start3A_1436 = tpu.memref_squeeze %dma_start3A_1435 : memref<1x64x128xf32, #tpu.memory_space<vmem>> -> memref<64x128xf32, #tpu.memory_space<vmem>>
      %dma_start3A_1437 = arith.constant 0 : i32
      %dma_start3A_1438 = tpu.memref_slice %arg5[%dma_start3A_1437, %multiple_of3A_1405] : memref<64x1000000xf32, #tpu.memory_space<hbm>> -> memref<64x128xf32, #tpu.memory_space<hbm>>
      %dma_start3A_1439 = arith.constant 0 : i32
      %dma_start3A_1440 = arith.constant 0 : i32
      %dma_start3A_1441 = tpu.memref_slice %arg12[%dma_start3A_1432, %dma_start3A_1439, %dma_start3A_1440] : memref<8x64x128xf32, #tpu.memory_space<vmem>> -> memref<1x64x128xf32, #tpu.memory_space<vmem>>
      %dma_start3A_1442 = tpu.memref_squeeze %dma_start3A_1441 : memref<1x64x128xf32, #tpu.memory_space<vmem>> -> memref<64x128xf32, #tpu.memory_space<vmem>>
      %dma_start3A_1443 = arith.constant 0 : i32
      %dma_start3A_1444 = tpu.memref_slice %arg5[%dma_start3A_1443, %multiple_of3A_1405] : memref<64x1000000xf32, #tpu.memory_space<hbm>> -> memref<64x128xf32, #tpu.memory_space<hbm>>
      tpu.enqueue_dma source(%dma_start3A_1444 : memref<64x128xf32, #tpu.memory_space<hbm>>) target(%dma_start3A_1442 : memref<64x128xf32, #tpu.memory_space<vmem>>) target_semaphore(%arg23 : memref<!tpu.dma_semaphore, #tpu.memory_space<semaphore_mem>>)
      %add3A_1445 = arith.constant 8 : i32
      %add3A_1446 = arith.addi %mul3A_1035, %add3A_1445 : i32
      %dma_wait3A_1447 = arith.constant 0 : i32
      %dma_wait3A_1448 = arith.constant 0 : i32
      %dma_wait3A_1449 = arith.constant 0 : i32
      %dma_wait3A_1450 = tpu.memref_slice %arg10[%dma_wait3A_1447, %dma_wait3A_1448, %dma_wait3A_1449] : memref<8x16x128xf32, #tpu.memory_space<vmem>> -> memref<1x16x128xf32, #tpu.memory_space<vmem>>
      %dma_wait3A_1451 = tpu.memref_squeeze %dma_wait3A_1450 : memref<1x16x128xf32, #tpu.memory_space<vmem>> -> memref<16x128xf32, #tpu.memory_space<vmem>>
      %dma_wait3A_1452 = arith.constant 0 : i32
      %dma_wait3A_1453 = arith.constant 0 : i32
      %dma_wait3A_1454 = tpu.memref_slice %arg3[%dma_wait3A_1452, %dma_wait3A_1453] : memref<16x1000000xf32, #tpu.memory_space<hbm>> -> memref<16x128xf32, #tpu.memory_space<hbm>>
      %dma_wait3A_1455 = arith.constant 0 : i32
      %dma_wait3A_1456 = arith.constant 0 : i32
      %dma_wait3A_1457 = tpu.memref_slice %arg10[%dma_wait3A_1447, %dma_wait3A_1455, %dma_wait3A_1456] : memref<8x16x128xf32, #tpu.memory_space<vmem>> -> memref<1x16x128xf32, #tpu.memory_space<vmem>>
      %dma_wait3A_1458 = tpu.memref_squeeze %dma_wait3A_1457 : memref<1x16x128xf32, #tpu.memory_space<vmem>> -> memref<16x128xf32, #tpu.memory_space<vmem>>
      %dma_wait3A_1459 = arith.constant 0 : i32
      %dma_wait3A_1460 = arith.constant 0 : i32
      %dma_wait3A_1461 = tpu.memref_slice %arg3[%dma_wait3A_1459, %dma_wait3A_1460] : memref<16x1000000xf32, #tpu.memory_space<hbm>> -> memref<16x128xf32, #tpu.memory_space<hbm>>
      tpu.wait_dma2 semaphore(%arg16 : memref<!tpu.dma_semaphore, #tpu.memory_space<semaphore_mem>>) src(%dma_wait3A_1461 : memref<16x128xf32, #tpu.memory_space<hbm>>) dst(%dma_wait3A_1458 : memref<16x128xf32, #tpu.memory_space<vmem>>)
      %dma_wait3A_1462 = arith.constant 0 : i32
      %dma_wait3A_1463 = arith.constant 0 : i32
      %dma_wait3A_1464 = arith.constant 0 : i32
      %dma_wait3A_1465 = tpu.memref_slice %arg11[%dma_wait3A_1462, %dma_wait3A_1463, %dma_wait3A_1464] : memref<8x32x128xf32, #tpu.memory_space<vmem>> -> memref<1x32x128xf32, #tpu.memory_space<vmem>>
      %dma_wait3A_1466 = tpu.memref_squeeze %dma_wait3A_1465 : memref<1x32x128xf32, #tpu.memory_space<vmem>> -> memref<32x128xf32, #tpu.memory_space<vmem>>
      %dma_wait3A_1467 = arith.constant 0 : i32
      %dma_wait3A_1468 = arith.constant 0 : i32
      %dma_wait3A_1469 = tpu.memref_slice %arg4[%dma_wait3A_1467, %dma_wait3A_1468] : memref<32x1000000xf32, #tpu.memory_space<hbm>> -> memref<32x128xf32, #tpu.memory_space<hbm>>
      %dma_wait3A_1470 = arith.constant 0 : i32
      %dma_wait3A_1471 = arith.constant 0 : i32
      %dma_wait3A_1472 = tpu.memref_slice %arg11[%dma_wait3A_1462, %dma_wait3A_1470, %dma_wait3A_1471] : memref<8x32x128xf32, #tpu.memory_space<vmem>> -> memref<1x32x128xf32, #tpu.memory_space<vmem>>
      %dma_wait3A_1473 = tpu.memref_squeeze %dma_wait3A_1472 : memref<1x32x128xf32, #tpu.memory_space<vmem>> -> memref<32x128xf32, #tpu.memory_space<vmem>>
      %dma_wait3A_1474 = arith.constant 0 : i32
      %dma_wait3A_1475 = arith.constant 0 : i32
      %dma_wait3A_1476 = tpu.memref_slice %arg4[%dma_wait3A_1474, %dma_wait3A_1475] : memref<32x1000000xf32, #tpu.memory_space<hbm>> -> memref<32x128xf32, #tpu.memory_space<hbm>>
      tpu.wait_dma2 semaphore(%arg16 : memref<!tpu.dma_semaphore, #tpu.memory_space<semaphore_mem>>) src(%dma_wait3A_1476 : memref<32x128xf32, #tpu.memory_space<hbm>>) dst(%dma_wait3A_1473 : memref<32x128xf32, #tpu.memory_space<vmem>>)
      %dma_wait3A_1477 = arith.constant 0 : i32
      %dma_wait3A_1478 = arith.constant 0 : i32
      %dma_wait3A_1479 = arith.constant 0 : i32
      %dma_wait3A_1480 = tpu.memref_slice %arg12[%dma_wait3A_1477, %dma_wait3A_1478, %dma_wait3A_1479] : memref<8x64x128xf32, #tpu.memory_space<vmem>> -> memref<1x64x128xf32, #tpu.memory_space<vmem>>
      %dma_wait3A_1481 = tpu.memref_squeeze %dma_wait3A_1480 : memref<1x64x128xf32, #tpu.memory_space<vmem>> -> memref<64x128xf32, #tpu.memory_space<vmem>>
      %dma_wait3A_1482 = arith.constant 0 : i32
      %dma_wait3A_1483 = arith.constant 0 : i32
      %dma_wait3A_1484 = tpu.memref_slice %arg5[%dma_wait3A_1482, %dma_wait3A_1483] : memref<64x1000000xf32, #tpu.memory_space<hbm>> -> memref<64x128xf32, #tpu.memory_space<hbm>>
      %dma_wait3A_1485 = arith.constant 0 : i32
      %dma_wait3A_1486 = arith.constant 0 : i32
      %dma_wait3A_1487 = tpu.memref_slice %arg12[%dma_wait3A_1477, %dma_wait3A_1485, %dma_wait3A_1486] : memref<8x64x128xf32, #tpu.memory_space<vmem>> -> memref<1x64x128xf32, #tpu.memory_space<vmem>>
      %dma_wait3A_1488 = tpu.memref_squeeze %dma_wait3A_1487 : memref<1x64x128xf32, #tpu.memory_space<vmem>> -> memref<64x128xf32, #tpu.memory_space<vmem>>
      %dma_wait3A_1489 = arith.constant 0 : i32
      %dma_wait3A_1490 = arith.constant 0 : i32
      %dma_wait3A_1491 = tpu.memref_slice %arg5[%dma_wait3A_1489, %dma_wait3A_1490] : memref<64x1000000xf32, #tpu.memory_space<hbm>> -> memref<64x128xf32, #tpu.memory_space<hbm>>
      tpu.wait_dma2 semaphore(%arg16 : memref<!tpu.dma_semaphore, #tpu.memory_space<semaphore_mem>>) src(%dma_wait3A_1491 : memref<64x128xf32, #tpu.memory_space<hbm>>) dst(%dma_wait3A_1488 : memref<64x128xf32, #tpu.memory_space<vmem>>)
      %slice3A_1492 = vector.extract_strided_slice %and3A_1038 {offsets = [0], sizes = [1], strides = [1]} : vector<16xi32> to vector<1xi32>
      %squeeze3A_1493 = vector.extract %slice3A_1492[0] : i32 from vector<1xi32>
      %sub3A_1494 = arith.constant 8 : i32
      %sub3A_1495 = arith.subi %add3A_1446, %sub3A_1494 : i32
      %jit3A_1496 = arith.constant 128 : i32
      %eq3A_1497 = arith.constant 0 : i32
      %eq3A_1498 = arith.cmpi eq, %jit3A_1496, %eq3A_1497 : i32
      %jit3A_1499 = arith.constant 1 : i32
      %select_n3A_1500 = arith.select %eq3A_1498, %jit3A_1499, %jit3A_1496 : i32
      %rem3A_1501 = arith.remsi %sub3A_1495, %select_n3A_1500 : i32
      %ne3A_1502 = arith.constant 0 : i32
      %ne3A_1503 = arith.cmpi ne, %rem3A_1501, %ne3A_1502 : i32
      %lt3A_1504 = arith.constant 0 : i32
      %lt3A_1505 = arith.cmpi slt, %rem3A_1501, %lt3A_1504 : i32
      %lt3A_1506 = arith.constant 0 : i32
      %lt3A_1507 = arith.cmpi slt, %select_n3A_1500, %lt3A_1506 : i32
      %ne3A_1508 = arith.xori %lt3A_1505, %lt3A_1507 : i1
      %and3A_1509 = arith.andi %ne3A_1508, %ne3A_1503 : i1
      %add3A_1510 = arith.addi %rem3A_1501, %select_n3A_1500 : i32
      %select_n3A_1511 = arith.select %and3A_1509, %add3A_1510, %rem3A_1501 : i32
      %broadcast_in_dim3A_1512 = vector.broadcast %squeeze3A_1493 : i32 to vector<16xi32>
      %broadcast_in_dim3A_1513 = vector.broadcast %select_n3A_1511 : i32 to vector<16xi32>
      %gather3A_1514 = arith.constant 0 : i32
      %gather3A_1515 = arith.constant 0 : i32
      %gather3A_1516 = arith.constant 0 : i32
      %gather3A_1517 = tpu.memref_slice %arg10[%gather3A_1514, %gather3A_1515, %gather3A_1516] : memref<8x16x128xf32, #tpu.memory_space<vmem>> -> memref<1x16x128xf32, #tpu.memory_space<vmem>>
      %gather3A_1518 = tpu.memref_squeeze %gather3A_1517 : memref<1x16x128xf32, #tpu.memory_space<vmem>> -> memref<16x128xf32, #tpu.memory_space<vmem>>
      %gather3A_1519 = tpu.vector_load_idx %gather3A_1518[%iota3A, %broadcast_in_dim3A_1512] : memref<16x128xf32, #tpu.memory_space<vmem>>[vector<16xi32>, vector<16xi32>], vector<16xf32>,
      tpu.vector_store_idx %arg13[%iota3A, %broadcast_in_dim3A_1513], %gather3A_1519 : memref<16x128xf32, #tpu.memory_space<vmem>>[vector<16xi32>, vector<16xi32>], vector<16xf32>,
      %add3A_1520 = arith.constant 0 : i32
      %add3A_1521 = vector.broadcast %add3A_1520 : i32 to vector<16xi32>
      %add3A_1522 = arith.addi %iota3A, %add3A_1521 : vector<16xi32>
      %gather3A_1523 = arith.constant 0 : i32
      %gather3A_1524 = arith.constant 0 : i32
      %gather3A_1525 = arith.constant 0 : i32
      %gather3A_1526 = tpu.memref_slice %arg11[%gather3A_1523, %gather3A_1524, %gather3A_1525] : memref<8x32x128xf32, #tpu.memory_space<vmem>> -> memref<1x32x128xf32, #tpu.memory_space<vmem>>
      %gather3A_1527 = tpu.memref_squeeze %gather3A_1526 : memref<1x32x128xf32, #tpu.memory_space<vmem>> -> memref<32x128xf32, #tpu.memory_space<vmem>>
      %gather3A_1528 = tpu.vector_load_idx %gather3A_1527[%add3A_1522, %broadcast_in_dim3A_1512] : memref<32x128xf32, #tpu.memory_space<vmem>>[vector<16xi32>, vector<16xi32>], vector<16xf32>,
      %add3A_1529 = arith.constant 0 : i32
      %add3A_1530 = vector.broadcast %add3A_1529 : i32 to vector<16xi32>
      %add3A_1531 = arith.addi %iota3A, %add3A_1530 : vector<16xi32>
      tpu.vector_store_idx %arg14[%add3A_1531, %broadcast_in_dim3A_1513], %gather3A_1528 : memref<32x128xf32, #tpu.memory_space<vmem>>[vector<16xi32>, vector<16xi32>], vector<16xf32>,
      %add3A_1532 = arith.constant 16 : i32
      %add3A_1533 = vector.broadcast %add3A_1532 : i32 to vector<16xi32>
      %add3A_1534 = arith.addi %iota3A, %add3A_1533 : vector<16xi32>
      %gather3A_1535 = arith.constant 0 : i32
      %gather3A_1536 = arith.constant 0 : i32
      %gather3A_1537 = arith.constant 0 : i32
      %gather3A_1538 = tpu.memref_slice %arg11[%gather3A_1535, %gather3A_1536, %gather3A_1537] : memref<8x32x128xf32, #tpu.memory_space<vmem>> -> memref<1x32x128xf32, #tpu.memory_space<vmem>>
      %gather3A_1539 = tpu.memref_squeeze %gather3A_1538 : memref<1x32x128xf32, #tpu.memory_space<vmem>> -> memref<32x128xf32, #tpu.memory_space<vmem>>
      %gather3A_1540 = tpu.vector_load_idx %gather3A_1539[%add3A_1534, %broadcast_in_dim3A_1512] : memref<32x128xf32, #tpu.memory_space<vmem>>[vector<16xi32>, vector<16xi32>], vector<16xf32>,
      %add3A_1541 = arith.constant 16 : i32
      %add3A_1542 = vector.broadcast %add3A_1541 : i32 to vector<16xi32>
      %add3A_1543 = arith.addi %iota3A, %add3A_1542 : vector<16xi32>
      tpu.vector_store_idx %arg14[%add3A_1543, %broadcast_in_dim3A_1513], %gather3A_1540 : memref<32x128xf32, #tpu.memory_space<vmem>>[vector<16xi32>, vector<16xi32>], vector<16xf32>,
      %add3A_1544 = arith.constant 0 : i32
      %add3A_1545 = vector.broadcast %add3A_1544 : i32 to vector<16xi32>
      %add3A_1546 = arith.addi %iota3A, %add3A_1545 : vector<16xi32>
      %gather3A_1547 = arith.constant 0 : i32
      %gather3A_1548 = arith.constant 0 : i32
      %gather3A_1549 = arith.constant 0 : i32
      %gather3A_1550 = tpu.memref_slice %arg12[%gather3A_1547, %gather3A_1548, %gather3A_1549] : memref<8x64x128xf32, #tpu.memory_space<vmem>> -> memref<1x64x128xf32, #tpu.memory_space<vmem>>
      %gather3A_1551 = tpu.memref_squeeze %gather3A_1550 : memref<1x64x128xf32, #tpu.memory_space<vmem>> -> memref<64x128xf32, #tpu.memory_space<vmem>>
      %gather3A_1552 = tpu.vector_load_idx %gather3A_1551[%add3A_1546, %broadcast_in_dim3A_1512] : memref<64x128xf32, #tpu.memory_space<vmem>>[vector<16xi32>, vector<16xi32>], vector<16xf32>,
      %add3A_1553 = arith.constant 0 : i32
      %add3A_1554 = vector.broadcast %add3A_1553 : i32 to vector<16xi32>
      %add3A_1555 = arith.addi %iota3A, %add3A_1554 : vector<16xi32>
      tpu.vector_store_idx %arg15[%add3A_1555, %broadcast_in_dim3A_1513], %gather3A_1552 : memref<64x128xf32, #tpu.memory_space<vmem>>[vector<16xi32>, vector<16xi32>], vector<16xf32>,
      %add3A_1556 = arith.constant 16 : i32
      %add3A_1557 = vector.broadcast %add3A_1556 : i32 to vector<16xi32>
      %add3A_1558 = arith.addi %iota3A, %add3A_1557 : vector<16xi32>
      %gather3A_1559 = arith.constant 0 : i32
      %gather3A_1560 = arith.constant 0 : i32
      %gather3A_1561 = arith.constant 0 : i32
      %gather3A_1562 = tpu.memref_slice %arg12[%gather3A_1559, %gather3A_1560, %gather3A_1561] : memref<8x64x128xf32, #tpu.memory_space<vmem>> -> memref<1x64x128xf32, #tpu.memory_space<vmem>>
      %gather3A_1563 = tpu.memref_squeeze %gather3A_1562 : memref<1x64x128xf32, #tpu.memory_space<vmem>> -> memref<64x128xf32, #tpu.memory_space<vmem>>
      %gather3A_1564 = tpu.vector_load_idx %gather3A_1563[%add3A_1558, %broadcast_in_dim3A_1512] : memref<64x128xf32, #tpu.memory_space<vmem>>[vector<16xi32>, vector<16xi32>], vector<16xf32>,
      %add3A_1565 = arith.constant 16 : i32
      %add3A_1566 = vector.broadcast %add3A_1565 : i32 to vector<16xi32>
      %add3A_1567 = arith.addi %iota3A, %add3A_1566 : vector<16xi32>
      tpu.vector_store_idx %arg15[%add3A_1567, %broadcast_in_dim3A_1513], %gather3A_1564 : memref<64x128xf32, #tpu.memory_space<vmem>>[vector<16xi32>, vector<16xi32>], vector<16xf32>,
      %add3A_1568 = arith.constant 32 : i32
      %add3A_1569 = vector.broadcast %add3A_1568 : i32 to vector<16xi32>
      %add3A_1570 = arith.addi %iota3A, %add3A_1569 : vector<16xi32>
      %gather3A_1571 = arith.constant 0 : i32
      %gather3A_1572 = arith.constant 0 : i32
      %gather3A_1573 = arith.constant 0 : i32
      %gather3A_1574 = tpu.memref_slice %arg12[%gather3A_1571, %gather3A_1572, %gather3A_1573] : memref<8x64x128xf32, #tpu.memory_space<vmem>> -> memref<1x64x128xf32, #tpu.memory_space<vmem>>
      %gather3A_1575 = tpu.memref_squeeze %gather3A_1574 : memref<1x64x128xf32, #tpu.memory_space<vmem>> -> memref<64x128xf32, #tpu.memory_space<vmem>>
      %gather3A_1576 = tpu.vector_load_idx %gather3A_1575[%add3A_1570, %broadcast_in_dim3A_1512] : memref<64x128xf32, #tpu.memory_space<vmem>>[vector<16xi32>, vector<16xi32>], vector<16xf32>,
      %add3A_1577 = arith.constant 32 : i32
      %add3A_1578 = vector.broadcast %add3A_1577 : i32 to vector<16xi32>
      %add3A_1579 = arith.addi %iota3A, %add3A_1578 : vector<16xi32>
      tpu.vector_store_idx %arg15[%add3A_1579, %broadcast_in_dim3A_1513], %gather3A_1576 : memref<64x128xf32, #tpu.memory_space<vmem>>[vector<16xi32>, vector<16xi32>], vector<16xf32>,
      %add3A_1580 = arith.constant 48 : i32
      %add3A_1581 = vector.broadcast %add3A_1580 : i32 to vector<16xi32>
      %add3A_1582 = arith.addi %iota3A, %add3A_1581 : vector<16xi32>
      %gather3A_1583 = arith.constant 0 : i32
      %gather3A_1584 = arith.constant 0 : i32
      %gather3A_1585 = arith.constant 0 : i32
      %gather3A_1586 = tpu.memref_slice %arg12[%gather3A_1583, %gather3A_1584, %gather3A_1585] : memref<8x64x128xf32, #tpu.memory_space<vmem>> -> memref<1x64x128xf32, #tpu.memory_space<vmem>>
      %gather3A_1587 = tpu.memref_squeeze %gather3A_1586 : memref<1x64x128xf32, #tpu.memory_space<vmem>> -> memref<64x128xf32, #tpu.memory_space<vmem>>
      %gather3A_1588 = tpu.vector_load_idx %gather3A_1587[%add3A_1582, %broadcast_in_dim3A_1512] : memref<64x128xf32, #tpu.memory_space<vmem>>[vector<16xi32>, vector<16xi32>], vector<16xf32>,
      %add3A_1589 = arith.constant 48 : i32
      %add3A_1590 = vector.broadcast %add3A_1589 : i32 to vector<16xi32>
      %add3A_1591 = arith.addi %iota3A, %add3A_1590 : vector<16xi32>
      tpu.vector_store_idx %arg15[%add3A_1591, %broadcast_in_dim3A_1513], %gather3A_1588 : memref<64x128xf32, #tpu.memory_space<vmem>>[vector<16xi32>, vector<16xi32>], vector<16xf32>,
      %slice3A_1592 = vector.extract_strided_slice %sub3A {offsets = [8], sizes = [1], strides = [1]} : vector<16xi32> to vector<1xi32>
      %squeeze3A_1593 = vector.extract %slice3A_1592[0] : i32 from vector<1xi32>
      %multiple_of3A_1594 = tpu.assume_multiple %squeeze3A_1593, 128 : i32
      %dma_start3A_1595 = arith.constant 0 : i32
      %dma_start3A_1596 = arith.constant 0 : i32
      %dma_start3A_1597 = arith.constant 0 : i32
      %dma_start3A_1598 = tpu.memref_slice %arg10[%dma_start3A_1595, %dma_start3A_1596, %dma_start3A_1597] : memref<8x16x128xf32, #tpu.memory_space<vmem>> -> memref<1x16x128xf32, #tpu.memory_space<vmem>>
      %dma_start3A_1599 = tpu.memref_squeeze %dma_start3A_1598 : memref<1x16x128xf32, #tpu.memory_space<vmem>> -> memref<16x128xf32, #tpu.memory_space<vmem>>
      %dma_start3A_1600 = arith.constant 0 : i32
      %dma_start3A_1601 = tpu.memref_slice %arg3[%dma_start3A_1600, %multiple_of3A_1594] : memref<16x1000000xf32, #tpu.memory_space<hbm>> -> memref<16x128xf32, #tpu.memory_space<hbm>>
      %dma_start3A_1602 = arith.constant 0 : i32
      %dma_start3A_1603 = arith.constant 0 : i32
      %dma_start3A_1604 = tpu.memref_slice %arg10[%dma_start3A_1595, %dma_start3A_1602, %dma_start3A_1603] : memref<8x16x128xf32, #tpu.memory_space<vmem>> -> memref<1x16x128xf32, #tpu.memory_space<vmem>>
      %dma_start3A_1605 = tpu.memref_squeeze %dma_start3A_1604 : memref<1x16x128xf32, #tpu.memory_space<vmem>> -> memref<16x128xf32, #tpu.memory_space<vmem>>
      %dma_start3A_1606 = arith.constant 0 : i32
      %dma_start3A_1607 = tpu.memref_slice %arg3[%dma_start3A_1606, %multiple_of3A_1594] : memref<16x1000000xf32, #tpu.memory_space<hbm>> -> memref<16x128xf32, #tpu.memory_space<hbm>>
      tpu.enqueue_dma source(%dma_start3A_1607 : memref<16x128xf32, #tpu.memory_space<hbm>>) target(%dma_start3A_1605 : memref<16x128xf32, #tpu.memory_space<vmem>>) target_semaphore(%arg16 : memref<!tpu.dma_semaphore, #tpu.memory_space<semaphore_mem>>)
      %dma_start3A_1608 = arith.constant 0 : i32
      %dma_start3A_1609 = arith.constant 0 : i32
      %dma_start3A_1610 = arith.constant 0 : i32
      %dma_start3A_1611 = tpu.memref_slice %arg11[%dma_start3A_1608, %dma_start3A_1609, %dma_start3A_1610] : memref<8x32x128xf32, #tpu.memory_space<vmem>> -> memref<1x32x128xf32, #tpu.memory_space<vmem>>
      %dma_start3A_1612 = tpu.memref_squeeze %dma_start3A_1611 : memref<1x32x128xf32, #tpu.memory_space<vmem>> -> memref<32x128xf32, #tpu.memory_space<vmem>>
      %dma_start3A_1613 = arith.constant 0 : i32
      %dma_start3A_1614 = tpu.memref_slice %arg4[%dma_start3A_1613, %multiple_of3A_1594] : memref<32x1000000xf32, #tpu.memory_space<hbm>> -> memref<32x128xf32, #tpu.memory_space<hbm>>
      %dma_start3A_1615 = arith.constant 0 : i32
      %dma_start3A_1616 = arith.constant 0 : i32
      %dma_start3A_1617 = tpu.memref_slice %arg11[%dma_start3A_1608, %dma_start3A_1615, %dma_start3A_1616] : memref<8x32x128xf32, #tpu.memory_space<vmem>> -> memref<1x32x128xf32, #tpu.memory_space<vmem>>
      %dma_start3A_1618 = tpu.memref_squeeze %dma_start3A_1617 : memref<1x32x128xf32, #tpu.memory_space<vmem>> -> memref<32x128xf32, #tpu.memory_space<vmem>>
      %dma_start3A_1619 = arith.constant 0 : i32
      %dma_start3A_1620 = tpu.memref_slice %arg4[%dma_start3A_1619, %multiple_of3A_1594] : memref<32x1000000xf32, #tpu.memory_space<hbm>> -> memref<32x128xf32, #tpu.memory_space<hbm>>
      tpu.enqueue_dma source(%dma_start3A_1620 : memref<32x128xf32, #tpu.memory_space<hbm>>) target(%dma_start3A_1618 : memref<32x128xf32, #tpu.memory_space<vmem>>) target_semaphore(%arg16 : memref<!tpu.dma_semaphore, #tpu.memory_space<semaphore_mem>>)
      %dma_start3A_1621 = arith.constant 0 : i32
      %dma_start3A_1622 = arith.constant 0 : i32
      %dma_start3A_1623 = arith.constant 0 : i32
      %dma_start3A_1624 = tpu.memref_slice %arg12[%dma_start3A_1621, %dma_start3A_1622, %dma_start3A_1623] : memref<8x64x128xf32, #tpu.memory_space<vmem>> -> memref<1x64x128xf32, #tpu.memory_space<vmem>>
      %dma_start3A_1625 = tpu.memref_squeeze %dma_start3A_1624 : memref<1x64x128xf32, #tpu.memory_space<vmem>> -> memref<64x128xf32, #tpu.memory_space<vmem>>
      %dma_start3A_1626 = arith.constant 0 : i32
      %dma_start3A_1627 = tpu.memref_slice %arg5[%dma_start3A_1626, %multiple_of3A_1594] : memref<64x1000000xf32, #tpu.memory_space<hbm>> -> memref<64x128xf32, #tpu.memory_space<hbm>>
      %dma_start3A_1628 = arith.constant 0 : i32
      %dma_start3A_1629 = arith.constant 0 : i32
      %dma_start3A_1630 = tpu.memref_slice %arg12[%dma_start3A_1621, %dma_start3A_1628, %dma_start3A_1629] : memref<8x64x128xf32, #tpu.memory_space<vmem>> -> memref<1x64x128xf32, #tpu.memory_space<vmem>>
      %dma_start3A_1631 = tpu.memref_squeeze %dma_start3A_1630 : memref<1x64x128xf32, #tpu.memory_space<vmem>> -> memref<64x128xf32, #tpu.memory_space<vmem>>
      %dma_start3A_1632 = arith.constant 0 : i32
      %dma_start3A_1633 = tpu.memref_slice %arg5[%dma_start3A_1632, %multiple_of3A_1594] : memref<64x1000000xf32, #tpu.memory_space<hbm>> -> memref<64x128xf32, #tpu.memory_space<hbm>>
      tpu.enqueue_dma source(%dma_start3A_1633 : memref<64x128xf32, #tpu.memory_space<hbm>>) target(%dma_start3A_1631 : memref<64x128xf32, #tpu.memory_space<vmem>>) target_semaphore(%arg16 : memref<!tpu.dma_semaphore, #tpu.memory_space<semaphore_mem>>)
      %add3A_1634 = arith.constant 9 : i32
      %add3A_1635 = arith.addi %mul3A_1035, %add3A_1634 : i32
      %dma_wait3A_1636 = arith.constant 1 : i32
      %dma_wait3A_1637 = arith.constant 0 : i32
      %dma_wait3A_1638 = arith.constant 0 : i32
      %dma_wait3A_1639 = tpu.memref_slice %arg10[%dma_wait3A_1636, %dma_wait3A_1637, %dma_wait3A_1638] : memref<8x16x128xf32, #tpu.memory_space<vmem>> -> memref<1x16x128xf32, #tpu.memory_space<vmem>>
      %dma_wait3A_1640 = tpu.memref_squeeze %dma_wait3A_1639 : memref<1x16x128xf32, #tpu.memory_space<vmem>> -> memref<16x128xf32, #tpu.memory_space<vmem>>
      %dma_wait3A_1641 = arith.constant 0 : i32
      %dma_wait3A_1642 = arith.constant 0 : i32
      %dma_wait3A_1643 = tpu.memref_slice %arg3[%dma_wait3A_1641, %dma_wait3A_1642] : memref<16x1000000xf32, #tpu.memory_space<hbm>> -> memref<16x128xf32, #tpu.memory_space<hbm>>
      %dma_wait3A_1644 = arith.constant 0 : i32
      %dma_wait3A_1645 = arith.constant 0 : i32
      %dma_wait3A_1646 = tpu.memref_slice %arg10[%dma_wait3A_1636, %dma_wait3A_1644, %dma_wait3A_1645] : memref<8x16x128xf32, #tpu.memory_space<vmem>> -> memref<1x16x128xf32, #tpu.memory_space<vmem>>
      %dma_wait3A_1647 = tpu.memref_squeeze %dma_wait3A_1646 : memref<1x16x128xf32, #tpu.memory_space<vmem>> -> memref<16x128xf32, #tpu.memory_space<vmem>>
      %dma_wait3A_1648 = arith.constant 0 : i32
      %dma_wait3A_1649 = arith.constant 0 : i32
      %dma_wait3A_1650 = tpu.memref_slice %arg3[%dma_wait3A_1648, %dma_wait3A_1649] : memref<16x1000000xf32, #tpu.memory_space<hbm>> -> memref<16x128xf32, #tpu.memory_space<hbm>>
      tpu.wait_dma2 semaphore(%arg17 : memref<!tpu.dma_semaphore, #tpu.memory_space<semaphore_mem>>) src(%dma_wait3A_1650 : memref<16x128xf32, #tpu.memory_space<hbm>>) dst(%dma_wait3A_1647 : memref<16x128xf32, #tpu.memory_space<vmem>>)
      %dma_wait3A_1651 = arith.constant 1 : i32
      %dma_wait3A_1652 = arith.constant 0 : i32
      %dma_wait3A_1653 = arith.constant 0 : i32
      %dma_wait3A_1654 = tpu.memref_slice %arg11[%dma_wait3A_1651, %dma_wait3A_1652, %dma_wait3A_1653] : memref<8x32x128xf32, #tpu.memory_space<vmem>> -> memref<1x32x128xf32, #tpu.memory_space<vmem>>
      %dma_wait3A_1655 = tpu.memref_squeeze %dma_wait3A_1654 : memref<1x32x128xf32, #tpu.memory_space<vmem>> -> memref<32x128xf32, #tpu.memory_space<vmem>>
      %dma_wait3A_1656 = arith.constant 0 : i32
      %dma_wait3A_1657 = arith.constant 0 : i32
      %dma_wait3A_1658 = tpu.memref_slice %arg4[%dma_wait3A_1656, %dma_wait3A_1657] : memref<32x1000000xf32, #tpu.memory_space<hbm>> -> memref<32x128xf32, #tpu.memory_space<hbm>>
      %dma_wait3A_1659 = arith.constant 0 : i32
      %dma_wait3A_1660 = arith.constant 0 : i32
      %dma_wait3A_1661 = tpu.memref_slice %arg11[%dma_wait3A_1651, %dma_wait3A_1659, %dma_wait3A_1660] : memref<8x32x128xf32, #tpu.memory_space<vmem>> -> memref<1x32x128xf32, #tpu.memory_space<vmem>>
      %dma_wait3A_1662 = tpu.memref_squeeze %dma_wait3A_1661 : memref<1x32x128xf32, #tpu.memory_space<vmem>> -> memref<32x128xf32, #tpu.memory_space<vmem>>
      %dma_wait3A_1663 = arith.constant 0 : i32
      %dma_wait3A_1664 = arith.constant 0 : i32
      %dma_wait3A_1665 = tpu.memref_slice %arg4[%dma_wait3A_1663, %dma_wait3A_1664] : memref<32x1000000xf32, #tpu.memory_space<hbm>> -> memref<32x128xf32, #tpu.memory_space<hbm>>
      tpu.wait_dma2 semaphore(%arg17 : memref<!tpu.dma_semaphore, #tpu.memory_space<semaphore_mem>>) src(%dma_wait3A_1665 : memref<32x128xf32, #tpu.memory_space<hbm>>) dst(%dma_wait3A_1662 : memref<32x128xf32, #tpu.memory_space<vmem>>)
      %dma_wait3A_1666 = arith.constant 1 : i32
      %dma_wait3A_1667 = arith.constant 0 : i32
      %dma_wait3A_1668 = arith.constant 0 : i32
      %dma_wait3A_1669 = tpu.memref_slice %arg12[%dma_wait3A_1666, %dma_wait3A_1667, %dma_wait3A_1668] : memref<8x64x128xf32, #tpu.memory_space<vmem>> -> memref<1x64x128xf32, #tpu.memory_space<vmem>>
      %dma_wait3A_1670 = tpu.memref_squeeze %dma_wait3A_1669 : memref<1x64x128xf32, #tpu.memory_space<vmem>> -> memref<64x128xf32, #tpu.memory_space<vmem>>
      %dma_wait3A_1671 = arith.constant 0 : i32
      %dma_wait3A_1672 = arith.constant 0 : i32
      %dma_wait3A_1673 = tpu.memref_slice %arg5[%dma_wait3A_1671, %dma_wait3A_1672] : memref<64x1000000xf32, #tpu.memory_space<hbm>> -> memref<64x128xf32, #tpu.memory_space<hbm>>
      %dma_wait3A_1674 = arith.constant 0 : i32
      %dma_wait3A_1675 = arith.constant 0 : i32
      %dma_wait3A_1676 = tpu.memref_slice %arg12[%dma_wait3A_1666, %dma_wait3A_1674, %dma_wait3A_1675] : memref<8x64x128xf32, #tpu.memory_space<vmem>> -> memref<1x64x128xf32, #tpu.memory_space<vmem>>
      %dma_wait3A_1677 = tpu.memref_squeeze %dma_wait3A_1676 : memref<1x64x128xf32, #tpu.memory_space<vmem>> -> memref<64x128xf32, #tpu.memory_space<vmem>>
      %dma_wait3A_1678 = arith.constant 0 : i32
      %dma_wait3A_1679 = arith.constant 0 : i32
      %dma_wait3A_1680 = tpu.memref_slice %arg5[%dma_wait3A_1678, %dma_wait3A_1679] : memref<64x1000000xf32, #tpu.memory_space<hbm>> -> memref<64x128xf32, #tpu.memory_space<hbm>>
      tpu.wait_dma2 semaphore(%arg17 : memref<!tpu.dma_semaphore, #tpu.memory_space<semaphore_mem>>) src(%dma_wait3A_1680 : memref<64x128xf32, #tpu.memory_space<hbm>>) dst(%dma_wait3A_1677 : memref<64x128xf32, #tpu.memory_space<vmem>>)
      %slice3A_1681 = vector.extract_strided_slice %and3A_1038 {offsets = [1], sizes = [1], strides = [1]} : vector<16xi32> to vector<1xi32>
      %squeeze3A_1682 = vector.extract %slice3A_1681[0] : i32 from vector<1xi32>
      %sub3A_1683 = arith.constant 8 : i32
      %sub3A_1684 = arith.subi %add3A_1635, %sub3A_1683 : i32
      %jit3A_1685 = arith.constant 128 : i32
      %eq3A_1686 = arith.constant 0 : i32
      %eq3A_1687 = arith.cmpi eq, %jit3A_1685, %eq3A_1686 : i32
      %jit3A_1688 = arith.constant 1 : i32
      %select_n3A_1689 = arith.select %eq3A_1687, %jit3A_1688, %jit3A_1685 : i32
      %rem3A_1690 = arith.remsi %sub3A_1684, %select_n3A_1689 : i32
      %ne3A_1691 = arith.constant 0 : i32
      %ne3A_1692 = arith.cmpi ne, %rem3A_1690, %ne3A_1691 : i32
      %lt3A_1693 = arith.constant 0 : i32
      %lt3A_1694 = arith.cmpi slt, %rem3A_1690, %lt3A_1693 : i32
      %lt3A_1695 = arith.constant 0 : i32
      %lt3A_1696 = arith.cmpi slt, %select_n3A_1689, %lt3A_1695 : i32
      %ne3A_1697 = arith.xori %lt3A_1694, %lt3A_1696 : i1
      %and3A_1698 = arith.andi %ne3A_1697, %ne3A_1692 : i1
      %add3A_1699 = arith.addi %rem3A_1690, %select_n3A_1689 : i32
      %select_n3A_1700 = arith.select %and3A_1698, %add3A_1699, %rem3A_1690 : i32
      %broadcast_in_dim3A_1701 = vector.broadcast %squeeze3A_1682 : i32 to vector<16xi32>
      %broadcast_in_dim3A_1702 = vector.broadcast %select_n3A_1700 : i32 to vector<16xi32>
      %gather3A_1703 = arith.constant 1 : i32
      %gather3A_1704 = arith.constant 0 : i32
      %gather3A_1705 = arith.constant 0 : i32
      %gather3A_1706 = tpu.memref_slice %arg10[%gather3A_1703, %gather3A_1704, %gather3A_1705] : memref<8x16x128xf32, #tpu.memory_space<vmem>> -> memref<1x16x128xf32, #tpu.memory_space<vmem>>
      %gather3A_1707 = tpu.memref_squeeze %gather3A_1706 : memref<1x16x128xf32, #tpu.memory_space<vmem>> -> memref<16x128xf32, #tpu.memory_space<vmem>>
      %gather3A_1708 = tpu.vector_load_idx %gather3A_1707[%iota3A, %broadcast_in_dim3A_1701] : memref<16x128xf32, #tpu.memory_space<vmem>>[vector<16xi32>, vector<16xi32>], vector<16xf32>,
      tpu.vector_store_idx %arg13[%iota3A, %broadcast_in_dim3A_1702], %gather3A_1708 : memref<16x128xf32, #tpu.memory_space<vmem>>[vector<16xi32>, vector<16xi32>], vector<16xf32>,
      %add3A_1709 = arith.constant 0 : i32
      %add3A_1710 = vector.broadcast %add3A_1709 : i32 to vector<16xi32>
      %add3A_1711 = arith.addi %iota3A, %add3A_1710 : vector<16xi32>
      %gather3A_1712 = arith.constant 1 : i32
      %gather3A_1713 = arith.constant 0 : i32
      %gather3A_1714 = arith.constant 0 : i32
      %gather3A_1715 = tpu.memref_slice %arg11[%gather3A_1712, %gather3A_1713, %gather3A_1714] : memref<8x32x128xf32, #tpu.memory_space<vmem>> -> memref<1x32x128xf32, #tpu.memory_space<vmem>>
      %gather3A_1716 = tpu.memref_squeeze %gather3A_1715 : memref<1x32x128xf32, #tpu.memory_space<vmem>> -> memref<32x128xf32, #tpu.memory_space<vmem>>
      %gather3A_1717 = tpu.vector_load_idx %gather3A_1716[%add3A_1711, %broadcast_in_dim3A_1701] : memref<32x128xf32, #tpu.memory_space<vmem>>[vector<16xi32>, vector<16xi32>], vector<16xf32>,
      %add3A_1718 = arith.constant 0 : i32
      %add3A_1719 = vector.broadcast %add3A_1718 : i32 to vector<16xi32>
      %add3A_1720 = arith.addi %iota3A, %add3A_1719 : vector<16xi32>
      tpu.vector_store_idx %arg14[%add3A_1720, %broadcast_in_dim3A_1702], %gather3A_1717 : memref<32x128xf32, #tpu.memory_space<vmem>>[vector<16xi32>, vector<16xi32>], vector<16xf32>,
      %add3A_1721 = arith.constant 16 : i32
      %add3A_1722 = vector.broadcast %add3A_1721 : i32 to vector<16xi32>
      %add3A_1723 = arith.addi %iota3A, %add3A_1722 : vector<16xi32>
      %gather3A_1724 = arith.constant 1 : i32
      %gather3A_1725 = arith.constant 0 : i32
      %gather3A_1726 = arith.constant 0 : i32
      %gather3A_1727 = tpu.memref_slice %arg11[%gather3A_1724, %gather3A_1725, %gather3A_1726] : memref<8x32x128xf32, #tpu.memory_space<vmem>> -> memref<1x32x128xf32, #tpu.memory_space<vmem>>
      %gather3A_1728 = tpu.memref_squeeze %gather3A_1727 : memref<1x32x128xf32, #tpu.memory_space<vmem>> -> memref<32x128xf32, #tpu.memory_space<vmem>>
      %gather3A_1729 = tpu.vector_load_idx %gather3A_1728[%add3A_1723, %broadcast_in_dim3A_1701] : memref<32x128xf32, #tpu.memory_space<vmem>>[vector<16xi32>, vector<16xi32>], vector<16xf32>,
      %add3A_1730 = arith.constant 16 : i32
      %add3A_1731 = vector.broadcast %add3A_1730 : i32 to vector<16xi32>
      %add3A_1732 = arith.addi %iota3A, %add3A_1731 : vector<16xi32>
      tpu.vector_store_idx %arg14[%add3A_1732, %broadcast_in_dim3A_1702], %gather3A_1729 : memref<32x128xf32, #tpu.memory_space<vmem>>[vector<16xi32>, vector<16xi32>], vector<16xf32>,
      %add3A_1733 = arith.constant 0 : i32
      %add3A_1734 = vector.broadcast %add3A_1733 : i32 to vector<16xi32>
      %add3A_1735 = arith.addi %iota3A, %add3A_1734 : vector<16xi32>
      %gather3A_1736 = arith.constant 1 : i32
      %gather3A_1737 = arith.constant 0 : i32
      %gather3A_1738 = arith.constant 0 : i32
      %gather3A_1739 = tpu.memref_slice %arg12[%gather3A_1736, %gather3A_1737, %gather3A_1738] : memref<8x64x128xf32, #tpu.memory_space<vmem>> -> memref<1x64x128xf32, #tpu.memory_space<vmem>>
      %gather3A_1740 = tpu.memref_squeeze %gather3A_1739 : memref<1x64x128xf32, #tpu.memory_space<vmem>> -> memref<64x128xf32, #tpu.memory_space<vmem>>
      %gather3A_1741 = tpu.vector_load_idx %gather3A_1740[%add3A_1735, %broadcast_in_dim3A_1701] : memref<64x128xf32, #tpu.memory_space<vmem>>[vector<16xi32>, vector<16xi32>], vector<16xf32>,
      %add3A_1742 = arith.constant 0 : i32
      %add3A_1743 = vector.broadcast %add3A_1742 : i32 to vector<16xi32>
      %add3A_1744 = arith.addi %iota3A, %add3A_1743 : vector<16xi32>
      tpu.vector_store_idx %arg15[%add3A_1744, %broadcast_in_dim3A_1702], %gather3A_1741 : memref<64x128xf32, #tpu.memory_space<vmem>>[vector<16xi32>, vector<16xi32>], vector<16xf32>,
      %add3A_1745 = arith.constant 16 : i32
      %add3A_1746 = vector.broadcast %add3A_1745 : i32 to vector<16xi32>
      %add3A_1747 = arith.addi %iota3A, %add3A_1746 : vector<16xi32>
      %gather3A_1748 = arith.constant 1 : i32
      %gather3A_1749 = arith.constant 0 : i32
      %gather3A_1750 = arith.constant 0 : i32
      %gather3A_1751 = tpu.memref_slice %arg12[%gather3A_1748, %gather3A_1749, %gather3A_1750] : memref<8x64x128xf32, #tpu.memory_space<vmem>> -> memref<1x64x128xf32, #tpu.memory_space<vmem>>
      %gather3A_1752 = tpu.memref_squeeze %gather3A_1751 : memref<1x64x128xf32, #tpu.memory_space<vmem>> -> memref<64x128xf32, #tpu.memory_space<vmem>>
      %gather3A_1753 = tpu.vector_load_idx %gather3A_1752[%add3A_1747, %broadcast_in_dim3A_1701] : memref<64x128xf32, #tpu.memory_space<vmem>>[vector<16xi32>, vector<16xi32>], vector<16xf32>,
      %add3A_1754 = arith.constant 16 : i32
      %add3A_1755 = vector.broadcast %add3A_1754 : i32 to vector<16xi32>
      %add3A_1756 = arith.addi %iota3A, %add3A_1755 : vector<16xi32>
      tpu.vector_store_idx %arg15[%add3A_1756, %broadcast_in_dim3A_1702], %gather3A_1753 : memref<64x128xf32, #tpu.memory_space<vmem>>[vector<16xi32>, vector<16xi32>], vector<16xf32>,
      %add3A_1757 = arith.constant 32 : i32
      %add3A_1758 = vector.broadcast %add3A_1757 : i32 to vector<16xi32>
      %add3A_1759 = arith.addi %iota3A, %add3A_1758 : vector<16xi32>
      %gather3A_1760 = arith.constant 1 : i32
      %gather3A_1761 = arith.constant 0 : i32
      %gather3A_1762 = arith.constant 0 : i32
      %gather3A_1763 = tpu.memref_slice %arg12[%gather3A_1760, %gather3A_1761, %gather3A_1762] : memref<8x64x128xf32, #tpu.memory_space<vmem>> -> memref<1x64x128xf32, #tpu.memory_space<vmem>>
      %gather3A_1764 = tpu.memref_squeeze %gather3A_1763 : memref<1x64x128xf32, #tpu.memory_space<vmem>> -> memref<64x128xf32, #tpu.memory_space<vmem>>
      %gather3A_1765 = tpu.vector_load_idx %gather3A_1764[%add3A_1759, %broadcast_in_dim3A_1701] : memref<64x128xf32, #tpu.memory_space<vmem>>[vector<16xi32>, vector<16xi32>], vector<16xf32>,
      %add3A_1766 = arith.constant 32 : i32
      %add3A_1767 = vector.broadcast %add3A_1766 : i32 to vector<16xi32>
      %add3A_1768 = arith.addi %iota3A, %add3A_1767 : vector<16xi32>
      tpu.vector_store_idx %arg15[%add3A_1768, %broadcast_in_dim3A_1702], %gather3A_1765 : memref<64x128xf32, #tpu.memory_space<vmem>>[vector<16xi32>, vector<16xi32>], vector<16xf32>,
      %add3A_1769 = arith.constant 48 : i32
      %add3A_1770 = vector.broadcast %add3A_1769 : i32 to vector<16xi32>
      %add3A_1771 = arith.addi %iota3A, %add3A_1770 : vector<16xi32>
      %gather3A_1772 = arith.constant 1 : i32
      %gather3A_1773 = arith.constant 0 : i32
      %gather3A_1774 = arith.constant 0 : i32
      %gather3A_1775 = tpu.memref_slice %arg12[%gather3A_1772, %gather3A_1773, %gather3A_1774] : memref<8x64x128xf32, #tpu.memory_space<vmem>> -> memref<1x64x128xf32, #tpu.memory_space<vmem>>
      %gather3A_1776 = tpu.memref_squeeze %gather3A_1775 : memref<1x64x128xf32, #tpu.memory_space<vmem>> -> memref<64x128xf32, #tpu.memory_space<vmem>>
      %gather3A_1777 = tpu.vector_load_idx %gather3A_1776[%add3A_1771, %broadcast_in_dim3A_1701] : memref<64x128xf32, #tpu.memory_space<vmem>>[vector<16xi32>, vector<16xi32>], vector<16xf32>,
      %add3A_1778 = arith.constant 48 : i32
      %add3A_1779 = vector.broadcast %add3A_1778 : i32 to vector<16xi32>
      %add3A_1780 = arith.addi %iota3A, %add3A_1779 : vector<16xi32>
      tpu.vector_store_idx %arg15[%add3A_1780, %broadcast_in_dim3A_1702], %gather3A_1777 : memref<64x128xf32, #tpu.memory_space<vmem>>[vector<16xi32>, vector<16xi32>], vector<16xf32>,
      %slice3A_1781 = vector.extract_strided_slice %sub3A {offsets = [9], sizes = [1], strides = [1]} : vector<16xi32> to vector<1xi32>
      %squeeze3A_1782 = vector.extract %slice3A_1781[0] : i32 from vector<1xi32>
      %multiple_of3A_1783 = tpu.assume_multiple %squeeze3A_1782, 128 : i32
      %dma_start3A_1784 = arith.constant 1 : i32
      %dma_start3A_1785 = arith.constant 0 : i32
      %dma_start3A_1786 = arith.constant 0 : i32
      %dma_start3A_1787 = tpu.memref_slice %arg10[%dma_start3A_1784, %dma_start3A_1785, %dma_start3A_1786] : memref<8x16x128xf32, #tpu.memory_space<vmem>> -> memref<1x16x128xf32, #tpu.memory_space<vmem>>
      %dma_start3A_1788 = tpu.memref_squeeze %dma_start3A_1787 : memref<1x16x128xf32, #tpu.memory_space<vmem>> -> memref<16x128xf32, #tpu.memory_space<vmem>>
      %dma_start3A_1789 = arith.constant 0 : i32
      %dma_start3A_1790 = tpu.memref_slice %arg3[%dma_start3A_1789, %multiple_of3A_1783] : memref<16x1000000xf32, #tpu.memory_space<hbm>> -> memref<16x128xf32, #tpu.memory_space<hbm>>
      %dma_start3A_1791 = arith.constant 0 : i32
      %dma_start3A_1792 = arith.constant 0 : i32
      %dma_start3A_1793 = tpu.memref_slice %arg10[%dma_start3A_1784, %dma_start3A_1791, %dma_start3A_1792] : memref<8x16x128xf32, #tpu.memory_space<vmem>> -> memref<1x16x128xf32, #tpu.memory_space<vmem>>
      %dma_start3A_1794 = tpu.memref_squeeze %dma_start3A_1793 : memref<1x16x128xf32, #tpu.memory_space<vmem>> -> memref<16x128xf32, #tpu.memory_space<vmem>>
      %dma_start3A_1795 = arith.constant 0 : i32
      %dma_start3A_1796 = tpu.memref_slice %arg3[%dma_start3A_1795, %multiple_of3A_1783] : memref<16x1000000xf32, #tpu.memory_space<hbm>> -> memref<16x128xf32, #tpu.memory_space<hbm>>
      tpu.enqueue_dma source(%dma_start3A_1796 : memref<16x128xf32, #tpu.memory_space<hbm>>) target(%dma_start3A_1794 : memref<16x128xf32, #tpu.memory_space<vmem>>) target_semaphore(%arg17 : memref<!tpu.dma_semaphore, #tpu.memory_space<semaphore_mem>>)
      %dma_start3A_1797 = arith.constant 1 : i32
      %dma_start3A_1798 = arith.constant 0 : i32
      %dma_start3A_1799 = arith.constant 0 : i32
      %dma_start3A_1800 = tpu.memref_slice %arg11[%dma_start3A_1797, %dma_start3A_1798, %dma_start3A_1799] : memref<8x32x128xf32, #tpu.memory_space<vmem>> -> memref<1x32x128xf32, #tpu.memory_space<vmem>>
      %dma_start3A_1801 = tpu.memref_squeeze %dma_start3A_1800 : memref<1x32x128xf32, #tpu.memory_space<vmem>> -> memref<32x128xf32, #tpu.memory_space<vmem>>
      %dma_start3A_1802 = arith.constant 0 : i32
      %dma_start3A_1803 = tpu.memref_slice %arg4[%dma_start3A_1802, %multiple_of3A_1783] : memref<32x1000000xf32, #tpu.memory_space<hbm>> -> memref<32x128xf32, #tpu.memory_space<hbm>>
      %dma_start3A_1804 = arith.constant 0 : i32
      %dma_start3A_1805 = arith.constant 0 : i32
      %dma_start3A_1806 = tpu.memref_slice %arg11[%dma_start3A_1797, %dma_start3A_1804, %dma_start3A_1805] : memref<8x32x128xf32, #tpu.memory_space<vmem>> -> memref<1x32x128xf32, #tpu.memory_space<vmem>>
      %dma_start3A_1807 = tpu.memref_squeeze %dma_start3A_1806 : memref<1x32x128xf32, #tpu.memory_space<vmem>> -> memref<32x128xf32, #tpu.memory_space<vmem>>
      %dma_start3A_1808 = arith.constant 0 : i32
      %dma_start3A_1809 = tpu.memref_slice %arg4[%dma_start3A_1808, %multiple_of3A_1783] : memref<32x1000000xf32, #tpu.memory_space<hbm>> -> memref<32x128xf32, #tpu.memory_space<hbm>>
      tpu.enqueue_dma source(%dma_start3A_1809 : memref<32x128xf32, #tpu.memory_space<hbm>>) target(%dma_start3A_1807 : memref<32x128xf32, #tpu.memory_space<vmem>>) target_semaphore(%arg17 : memref<!tpu.dma_semaphore, #tpu.memory_space<semaphore_mem>>)
      %dma_start3A_1810 = arith.constant 1 : i32
      %dma_start3A_1811 = arith.constant 0 : i32
      %dma_start3A_1812 = arith.constant 0 : i32
      %dma_start3A_1813 = tpu.memref_slice %arg12[%dma_start3A_1810, %dma_start3A_1811, %dma_start3A_1812] : memref<8x64x128xf32, #tpu.memory_space<vmem>> -> memref<1x64x128xf32, #tpu.memory_space<vmem>>
      %dma_start3A_1814 = tpu.memref_squeeze %dma_start3A_1813 : memref<1x64x128xf32, #tpu.memory_space<vmem>> -> memref<64x128xf32, #tpu.memory_space<vmem>>
      %dma_start3A_1815 = arith.constant 0 : i32
      %dma_start3A_1816 = tpu.memref_slice %arg5[%dma_start3A_1815, %multiple_of3A_1783] : memref<64x1000000xf32, #tpu.memory_space<hbm>> -> memref<64x128xf32, #tpu.memory_space<hbm>>
      %dma_start3A_1817 = arith.constant 0 : i32
      %dma_start3A_1818 = arith.constant 0 : i32
      %dma_start3A_1819 = tpu.memref_slice %arg12[%dma_start3A_1810, %dma_start3A_1817, %dma_start3A_1818] : memref<8x64x128xf32, #tpu.memory_space<vmem>> -> memref<1x64x128xf32, #tpu.memory_space<vmem>>
      %dma_start3A_1820 = tpu.memref_squeeze %dma_start3A_1819 : memref<1x64x128xf32, #tpu.memory_space<vmem>> -> memref<64x128xf32, #tpu.memory_space<vmem>>
      %dma_start3A_1821 = arith.constant 0 : i32
      %dma_start3A_1822 = tpu.memref_slice %arg5[%dma_start3A_1821, %multiple_of3A_1783] : memref<64x1000000xf32, #tpu.memory_space<hbm>> -> memref<64x128xf32, #tpu.memory_space<hbm>>
      tpu.enqueue_dma source(%dma_start3A_1822 : memref<64x128xf32, #tpu.memory_space<hbm>>) target(%dma_start3A_1820 : memref<64x128xf32, #tpu.memory_space<vmem>>) target_semaphore(%arg17 : memref<!tpu.dma_semaphore, #tpu.memory_space<semaphore_mem>>)
      %add3A_1823 = arith.constant 10 : i32
      %add3A_1824 = arith.addi %mul3A_1035, %add3A_1823 : i32
      %dma_wait3A_1825 = arith.constant 2 : i32
      %dma_wait3A_1826 = arith.constant 0 : i32
      %dma_wait3A_1827 = arith.constant 0 : i32
      %dma_wait3A_1828 = tpu.memref_slice %arg10[%dma_wait3A_1825, %dma_wait3A_1826, %dma_wait3A_1827] : memref<8x16x128xf32, #tpu.memory_space<vmem>> -> memref<1x16x128xf32, #tpu.memory_space<vmem>>
      %dma_wait3A_1829 = tpu.memref_squeeze %dma_wait3A_1828 : memref<1x16x128xf32, #tpu.memory_space<vmem>> -> memref<16x128xf32, #tpu.memory_space<vmem>>
      %dma_wait3A_1830 = arith.constant 0 : i32
      %dma_wait3A_1831 = arith.constant 0 : i32
      %dma_wait3A_1832 = tpu.memref_slice %arg3[%dma_wait3A_1830, %dma_wait3A_1831] : memref<16x1000000xf32, #tpu.memory_space<hbm>> -> memref<16x128xf32, #tpu.memory_space<hbm>>
      %dma_wait3A_1833 = arith.constant 0 : i32
      %dma_wait3A_1834 = arith.constant 0 : i32
      %dma_wait3A_1835 = tpu.memref_slice %arg10[%dma_wait3A_1825, %dma_wait3A_1833, %dma_wait3A_1834] : memref<8x16x128xf32, #tpu.memory_space<vmem>> -> memref<1x16x128xf32, #tpu.memory_space<vmem>>
      %dma_wait3A_1836 = tpu.memref_squeeze %dma_wait3A_1835 : memref<1x16x128xf32, #tpu.memory_space<vmem>> -> memref<16x128xf32, #tpu.memory_space<vmem>>
      %dma_wait3A_1837 = arith.constant 0 : i32
      %dma_wait3A_1838 = arith.constant 0 : i32
      %dma_wait3A_1839 = tpu.memref_slice %arg3[%dma_wait3A_1837, %dma_wait3A_1838] : memref<16x1000000xf32, #tpu.memory_space<hbm>> -> memref<16x128xf32, #tpu.memory_space<hbm>>
      tpu.wait_dma2 semaphore(%arg18 : memref<!tpu.dma_semaphore, #tpu.memory_space<semaphore_mem>>) src(%dma_wait3A_1839 : memref<16x128xf32, #tpu.memory_space<hbm>>) dst(%dma_wait3A_1836 : memref<16x128xf32, #tpu.memory_space<vmem>>)
      %dma_wait3A_1840 = arith.constant 2 : i32
      %dma_wait3A_1841 = arith.constant 0 : i32
      %dma_wait3A_1842 = arith.constant 0 : i32
      %dma_wait3A_1843 = tpu.memref_slice %arg11[%dma_wait3A_1840, %dma_wait3A_1841, %dma_wait3A_1842] : memref<8x32x128xf32, #tpu.memory_space<vmem>> -> memref<1x32x128xf32, #tpu.memory_space<vmem>>
      %dma_wait3A_1844 = tpu.memref_squeeze %dma_wait3A_1843 : memref<1x32x128xf32, #tpu.memory_space<vmem>> -> memref<32x128xf32, #tpu.memory_space<vmem>>
      %dma_wait3A_1845 = arith.constant 0 : i32
      %dma_wait3A_1846 = arith.constant 0 : i32
      %dma_wait3A_1847 = tpu.memref_slice %arg4[%dma_wait3A_1845, %dma_wait3A_1846] : memref<32x1000000xf32, #tpu.memory_space<hbm>> -> memref<32x128xf32, #tpu.memory_space<hbm>>
      %dma_wait3A_1848 = arith.constant 0 : i32
      %dma_wait3A_1849 = arith.constant 0 : i32
      %dma_wait3A_1850 = tpu.memref_slice %arg11[%dma_wait3A_1840, %dma_wait3A_1848, %dma_wait3A_1849] : memref<8x32x128xf32, #tpu.memory_space<vmem>> -> memref<1x32x128xf32, #tpu.memory_space<vmem>>
      %dma_wait3A_1851 = tpu.memref_squeeze %dma_wait3A_1850 : memref<1x32x128xf32, #tpu.memory_space<vmem>> -> memref<32x128xf32, #tpu.memory_space<vmem>>
      %dma_wait3A_1852 = arith.constant 0 : i32
      %dma_wait3A_1853 = arith.constant 0 : i32
      %dma_wait3A_1854 = tpu.memref_slice %arg4[%dma_wait3A_1852, %dma_wait3A_1853] : memref<32x1000000xf32, #tpu.memory_space<hbm>> -> memref<32x128xf32, #tpu.memory_space<hbm>>
      tpu.wait_dma2 semaphore(%arg18 : memref<!tpu.dma_semaphore, #tpu.memory_space<semaphore_mem>>) src(%dma_wait3A_1854 : memref<32x128xf32, #tpu.memory_space<hbm>>) dst(%dma_wait3A_1851 : memref<32x128xf32, #tpu.memory_space<vmem>>)
      %dma_wait3A_1855 = arith.constant 2 : i32
      %dma_wait3A_1856 = arith.constant 0 : i32
      %dma_wait3A_1857 = arith.constant 0 : i32
      %dma_wait3A_1858 = tpu.memref_slice %arg12[%dma_wait3A_1855, %dma_wait3A_1856, %dma_wait3A_1857] : memref<8x64x128xf32, #tpu.memory_space<vmem>> -> memref<1x64x128xf32, #tpu.memory_space<vmem>>
      %dma_wait3A_1859 = tpu.memref_squeeze %dma_wait3A_1858 : memref<1x64x128xf32, #tpu.memory_space<vmem>> -> memref<64x128xf32, #tpu.memory_space<vmem>>
      %dma_wait3A_1860 = arith.constant 0 : i32
      %dma_wait3A_1861 = arith.constant 0 : i32
      %dma_wait3A_1862 = tpu.memref_slice %arg5[%dma_wait3A_1860, %dma_wait3A_1861] : memref<64x1000000xf32, #tpu.memory_space<hbm>> -> memref<64x128xf32, #tpu.memory_space<hbm>>
      %dma_wait3A_1863 = arith.constant 0 : i32
      %dma_wait3A_1864 = arith.constant 0 : i32
      %dma_wait3A_1865 = tpu.memref_slice %arg12[%dma_wait3A_1855, %dma_wait3A_1863, %dma_wait3A_1864] : memref<8x64x128xf32, #tpu.memory_space<vmem>> -> memref<1x64x128xf32, #tpu.memory_space<vmem>>
      %dma_wait3A_1866 = tpu.memref_squeeze %dma_wait3A_1865 : memref<1x64x128xf32, #tpu.memory_space<vmem>> -> memref<64x128xf32, #tpu.memory_space<vmem>>
      %dma_wait3A_1867 = arith.constant 0 : i32
      %dma_wait3A_1868 = arith.constant 0 : i32
      %dma_wait3A_1869 = tpu.memref_slice %arg5[%dma_wait3A_1867, %dma_wait3A_1868] : memref<64x1000000xf32, #tpu.memory_space<hbm>> -> memref<64x128xf32, #tpu.memory_space<hbm>>
      tpu.wait_dma2 semaphore(%arg18 : memref<!tpu.dma_semaphore, #tpu.memory_space<semaphore_mem>>) src(%dma_wait3A_1869 : memref<64x128xf32, #tpu.memory_space<hbm>>) dst(%dma_wait3A_1866 : memref<64x128xf32, #tpu.memory_space<vmem>>)
      %slice3A_1870 = vector.extract_strided_slice %and3A_1038 {offsets = [2], sizes = [1], strides = [1]} : vector<16xi32> to vector<1xi32>
      %squeeze3A_1871 = vector.extract %slice3A_1870[0] : i32 from vector<1xi32>
      %sub3A_1872 = arith.constant 8 : i32
      %sub3A_1873 = arith.subi %add3A_1824, %sub3A_1872 : i32
      %jit3A_1874 = arith.constant 128 : i32
      %eq3A_1875 = arith.constant 0 : i32
      %eq3A_1876 = arith.cmpi eq, %jit3A_1874, %eq3A_1875 : i32
      %jit3A_1877 = arith.constant 1 : i32
      %select_n3A_1878 = arith.select %eq3A_1876, %jit3A_1877, %jit3A_1874 : i32
      %rem3A_1879 = arith.remsi %sub3A_1873, %select_n3A_1878 : i32
      %ne3A_1880 = arith.constant 0 : i32
      %ne3A_1881 = arith.cmpi ne, %rem3A_1879, %ne3A_1880 : i32
      %lt3A_1882 = arith.constant 0 : i32
      %lt3A_1883 = arith.cmpi slt, %rem3A_1879, %lt3A_1882 : i32
      %lt3A_1884 = arith.constant 0 : i32
      %lt3A_1885 = arith.cmpi slt, %select_n3A_1878, %lt3A_1884 : i32
      %ne3A_1886 = arith.xori %lt3A_1883, %lt3A_1885 : i1
      %and3A_1887 = arith.andi %ne3A_1886, %ne3A_1881 : i1
      %add3A_1888 = arith.addi %rem3A_1879, %select_n3A_1878 : i32
      %select_n3A_1889 = arith.select %and3A_1887, %add3A_1888, %rem3A_1879 : i32
      %broadcast_in_dim3A_1890 = vector.broadcast %squeeze3A_1871 : i32 to vector<16xi32>
      %broadcast_in_dim3A_1891 = vector.broadcast %select_n3A_1889 : i32 to vector<16xi32>
      %gather3A_1892 = arith.constant 2 : i32
      %gather3A_1893 = arith.constant 0 : i32
      %gather3A_1894 = arith.constant 0 : i32
      %gather3A_1895 = tpu.memref_slice %arg10[%gather3A_1892, %gather3A_1893, %gather3A_1894] : memref<8x16x128xf32, #tpu.memory_space<vmem>> -> memref<1x16x128xf32, #tpu.memory_space<vmem>>
      %gather3A_1896 = tpu.memref_squeeze %gather3A_1895 : memref<1x16x128xf32, #tpu.memory_space<vmem>> -> memref<16x128xf32, #tpu.memory_space<vmem>>
      %gather3A_1897 = tpu.vector_load_idx %gather3A_1896[%iota3A, %broadcast_in_dim3A_1890] : memref<16x128xf32, #tpu.memory_space<vmem>>[vector<16xi32>, vector<16xi32>], vector<16xf32>,
      tpu.vector_store_idx %arg13[%iota3A, %broadcast_in_dim3A_1891], %gather3A_1897 : memref<16x128xf32, #tpu.memory_space<vmem>>[vector<16xi32>, vector<16xi32>], vector<16xf32>,
      %add3A_1898 = arith.constant 0 : i32
      %add3A_1899 = vector.broadcast %add3A_1898 : i32 to vector<16xi32>
      %add3A_1900 = arith.addi %iota3A, %add3A_1899 : vector<16xi32>
      %gather3A_1901 = arith.constant 2 : i32
      %gather3A_1902 = arith.constant 0 : i32
      %gather3A_1903 = arith.constant 0 : i32
      %gather3A_1904 = tpu.memref_slice %arg11[%gather3A_1901, %gather3A_1902, %gather3A_1903] : memref<8x32x128xf32, #tpu.memory_space<vmem>> -> memref<1x32x128xf32, #tpu.memory_space<vmem>>
      %gather3A_1905 = tpu.memref_squeeze %gather3A_1904 : memref<1x32x128xf32, #tpu.memory_space<vmem>> -> memref<32x128xf32, #tpu.memory_space<vmem>>
      %gather3A_1906 = tpu.vector_load_idx %gather3A_1905[%add3A_1900, %broadcast_in_dim3A_1890] : memref<32x128xf32, #tpu.memory_space<vmem>>[vector<16xi32>, vector<16xi32>], vector<16xf32>,
      %add3A_1907 = arith.constant 0 : i32
      %add3A_1908 = vector.broadcast %add3A_1907 : i32 to vector<16xi32>
      %add3A_1909 = arith.addi %iota3A, %add3A_1908 : vector<16xi32>
      tpu.vector_store_idx %arg14[%add3A_1909, %broadcast_in_dim3A_1891], %gather3A_1906 : memref<32x128xf32, #tpu.memory_space<vmem>>[vector<16xi32>, vector<16xi32>], vector<16xf32>,
      %add3A_1910 = arith.constant 16 : i32
      %add3A_1911 = vector.broadcast %add3A_1910 : i32 to vector<16xi32>
      %add3A_1912 = arith.addi %iota3A, %add3A_1911 : vector<16xi32>
      %gather3A_1913 = arith.constant 2 : i32
      %gather3A_1914 = arith.constant 0 : i32
      %gather3A_1915 = arith.constant 0 : i32
      %gather3A_1916 = tpu.memref_slice %arg11[%gather3A_1913, %gather3A_1914, %gather3A_1915] : memref<8x32x128xf32, #tpu.memory_space<vmem>> -> memref<1x32x128xf32, #tpu.memory_space<vmem>>
      %gather3A_1917 = tpu.memref_squeeze %gather3A_1916 : memref<1x32x128xf32, #tpu.memory_space<vmem>> -> memref<32x128xf32, #tpu.memory_space<vmem>>
      %gather3A_1918 = tpu.vector_load_idx %gather3A_1917[%add3A_1912, %broadcast_in_dim3A_1890] : memref<32x128xf32, #tpu.memory_space<vmem>>[vector<16xi32>, vector<16xi32>], vector<16xf32>,
      %add3A_1919 = arith.constant 16 : i32
      %add3A_1920 = vector.broadcast %add3A_1919 : i32 to vector<16xi32>
      %add3A_1921 = arith.addi %iota3A, %add3A_1920 : vector<16xi32>
      tpu.vector_store_idx %arg14[%add3A_1921, %broadcast_in_dim3A_1891], %gather3A_1918 : memref<32x128xf32, #tpu.memory_space<vmem>>[vector<16xi32>, vector<16xi32>], vector<16xf32>,
      %add3A_1922 = arith.constant 0 : i32
      %add3A_1923 = vector.broadcast %add3A_1922 : i32 to vector<16xi32>
      %add3A_1924 = arith.addi %iota3A, %add3A_1923 : vector<16xi32>
      %gather3A_1925 = arith.constant 2 : i32
      %gather3A_1926 = arith.constant 0 : i32
      %gather3A_1927 = arith.constant 0 : i32
      %gather3A_1928 = tpu.memref_slice %arg12[%gather3A_1925, %gather3A_1926, %gather3A_1927] : memref<8x64x128xf32, #tpu.memory_space<vmem>> -> memref<1x64x128xf32, #tpu.memory_space<vmem>>
      %gather3A_1929 = tpu.memref_squeeze %gather3A_1928 : memref<1x64x128xf32, #tpu.memory_space<vmem>> -> memref<64x128xf32, #tpu.memory_space<vmem>>
      %gather3A_1930 = tpu.vector_load_idx %gather3A_1929[%add3A_1924, %broadcast_in_dim3A_1890] : memref<64x128xf32, #tpu.memory_space<vmem>>[vector<16xi32>, vector<16xi32>], vector<16xf32>,
      %add3A_1931 = arith.constant 0 : i32
      %add3A_1932 = vector.broadcast %add3A_1931 : i32 to vector<16xi32>
      %add3A_1933 = arith.addi %iota3A, %add3A_1932 : vector<16xi32>
      tpu.vector_store_idx %arg15[%add3A_1933, %broadcast_in_dim3A_1891], %gather3A_1930 : memref<64x128xf32, #tpu.memory_space<vmem>>[vector<16xi32>, vector<16xi32>], vector<16xf32>,
      %add3A_1934 = arith.constant 16 : i32
      %add3A_1935 = vector.broadcast %add3A_1934 : i32 to vector<16xi32>
      %add3A_1936 = arith.addi %iota3A, %add3A_1935 : vector<16xi32>
      %gather3A_1937 = arith.constant 2 : i32
      %gather3A_1938 = arith.constant 0 : i32
      %gather3A_1939 = arith.constant 0 : i32
      %gather3A_1940 = tpu.memref_slice %arg12[%gather3A_1937, %gather3A_1938, %gather3A_1939] : memref<8x64x128xf32, #tpu.memory_space<vmem>> -> memref<1x64x128xf32, #tpu.memory_space<vmem>>
      %gather3A_1941 = tpu.memref_squeeze %gather3A_1940 : memref<1x64x128xf32, #tpu.memory_space<vmem>> -> memref<64x128xf32, #tpu.memory_space<vmem>>
      %gather3A_1942 = tpu.vector_load_idx %gather3A_1941[%add3A_1936, %broadcast_in_dim3A_1890] : memref<64x128xf32, #tpu.memory_space<vmem>>[vector<16xi32>, vector<16xi32>], vector<16xf32>,
      %add3A_1943 = arith.constant 16 : i32
      %add3A_1944 = vector.broadcast %add3A_1943 : i32 to vector<16xi32>
      %add3A_1945 = arith.addi %iota3A, %add3A_1944 : vector<16xi32>
      tpu.vector_store_idx %arg15[%add3A_1945, %broadcast_in_dim3A_1891], %gather3A_1942 : memref<64x128xf32, #tpu.memory_space<vmem>>[vector<16xi32>, vector<16xi32>], vector<16xf32>,
      %add3A_1946 = arith.constant 32 : i32
      %add3A_1947 = vector.broadcast %add3A_1946 : i32 to vector<16xi32>
      %add3A_1948 = arith.addi %iota3A, %add3A_1947 : vector<16xi32>
      %gather3A_1949 = arith.constant 2 : i32
      %gather3A_1950 = arith.constant 0 : i32
      %gather3A_1951 = arith.constant 0 : i32
      %gather3A_1952 = tpu.memref_slice %arg12[%gather3A_1949, %gather3A_1950, %gather3A_1951] : memref<8x64x128xf32, #tpu.memory_space<vmem>> -> memref<1x64x128xf32, #tpu.memory_space<vmem>>
      %gather3A_1953 = tpu.memref_squeeze %gather3A_1952 : memref<1x64x128xf32, #tpu.memory_space<vmem>> -> memref<64x128xf32, #tpu.memory_space<vmem>>
      %gather3A_1954 = tpu.vector_load_idx %gather3A_1953[%add3A_1948, %broadcast_in_dim3A_1890] : memref<64x128xf32, #tpu.memory_space<vmem>>[vector<16xi32>, vector<16xi32>], vector<16xf32>,
      %add3A_1955 = arith.constant 32 : i32
      %add3A_1956 = vector.broadcast %add3A_1955 : i32 to vector<16xi32>
      %add3A_1957 = arith.addi %iota3A, %add3A_1956 : vector<16xi32>
      tpu.vector_store_idx %arg15[%add3A_1957, %broadcast_in_dim3A_1891], %gather3A_1954 : memref<64x128xf32, #tpu.memory_space<vmem>>[vector<16xi32>, vector<16xi32>], vector<16xf32>,
      %add3A_1958 = arith.constant 48 : i32
      %add3A_1959 = vector.broadcast %add3A_1958 : i32 to vector<16xi32>
      %add3A_1960 = arith.addi %iota3A, %add3A_1959 : vector<16xi32>
      %gather3A_1961 = arith.constant 2 : i32
      %gather3A_1962 = arith.constant 0 : i32
      %gather3A_1963 = arith.constant 0 : i32
      %gather3A_1964 = tpu.memref_slice %arg12[%gather3A_1961, %gather3A_1962, %gather3A_1963] : memref<8x64x128xf32, #tpu.memory_space<vmem>> -> memref<1x64x128xf32, #tpu.memory_space<vmem>>
      %gather3A_1965 = tpu.memref_squeeze %gather3A_1964 : memref<1x64x128xf32, #tpu.memory_space<vmem>> -> memref<64x128xf32, #tpu.memory_space<vmem>>
      %gather3A_1966 = tpu.vector_load_idx %gather3A_1965[%add3A_1960, %broadcast_in_dim3A_1890] : memref<64x128xf32, #tpu.memory_space<vmem>>[vector<16xi32>, vector<16xi32>], vector<16xf32>,
      %add3A_1967 = arith.constant 48 : i32
      %add3A_1968 = vector.broadcast %add3A_1967 : i32 to vector<16xi32>
      %add3A_1969 = arith.addi %iota3A, %add3A_1968 : vector<16xi32>
      tpu.vector_store_idx %arg15[%add3A_1969, %broadcast_in_dim3A_1891], %gather3A_1966 : memref<64x128xf32, #tpu.memory_space<vmem>>[vector<16xi32>, vector<16xi32>], vector<16xf32>,
      %slice3A_1970 = vector.extract_strided_slice %sub3A {offsets = [10], sizes = [1], strides = [1]} : vector<16xi32> to vector<1xi32>
      %squeeze3A_1971 = vector.extract %slice3A_1970[0] : i32 from vector<1xi32>
      %multiple_of3A_1972 = tpu.assume_multiple %squeeze3A_1971, 128 : i32
      %dma_start3A_1973 = arith.constant 2 : i32
      %dma_start3A_1974 = arith.constant 0 : i32
      %dma_start3A_1975 = arith.constant 0 : i32
      %dma_start3A_1976 = tpu.memref_slice %arg10[%dma_start3A_1973, %dma_start3A_1974, %dma_start3A_1975] : memref<8x16x128xf32, #tpu.memory_space<vmem>> -> memref<1x16x128xf32, #tpu.memory_space<vmem>>
      %dma_start3A_1977 = tpu.memref_squeeze %dma_start3A_1976 : memref<1x16x128xf32, #tpu.memory_space<vmem>> -> memref<16x128xf32, #tpu.memory_space<vmem>>
      %dma_start3A_1978 = arith.constant 0 : i32
      %dma_start3A_1979 = tpu.memref_slice %arg3[%dma_start3A_1978, %multiple_of3A_1972] : memref<16x1000000xf32, #tpu.memory_space<hbm>> -> memref<16x128xf32, #tpu.memory_space<hbm>>
      %dma_start3A_1980 = arith.constant 0 : i32
      %dma_start3A_1981 = arith.constant 0 : i32
      %dma_start3A_1982 = tpu.memref_slice %arg10[%dma_start3A_1973, %dma_start3A_1980, %dma_start3A_1981] : memref<8x16x128xf32, #tpu.memory_space<vmem>> -> memref<1x16x128xf32, #tpu.memory_space<vmem>>
      %dma_start3A_1983 = tpu.memref_squeeze %dma_start3A_1982 : memref<1x16x128xf32, #tpu.memory_space<vmem>> -> memref<16x128xf32, #tpu.memory_space<vmem>>
      %dma_start3A_1984 = arith.constant 0 : i32
      %dma_start3A_1985 = tpu.memref_slice %arg3[%dma_start3A_1984, %multiple_of3A_1972] : memref<16x1000000xf32, #tpu.memory_space<hbm>> -> memref<16x128xf32, #tpu.memory_space<hbm>>
      tpu.enqueue_dma source(%dma_start3A_1985 : memref<16x128xf32, #tpu.memory_space<hbm>>) target(%dma_start3A_1983 : memref<16x128xf32, #tpu.memory_space<vmem>>) target_semaphore(%arg18 : memref<!tpu.dma_semaphore, #tpu.memory_space<semaphore_mem>>)
      %dma_start3A_1986 = arith.constant 2 : i32
      %dma_start3A_1987 = arith.constant 0 : i32
      %dma_start3A_1988 = arith.constant 0 : i32
      %dma_start3A_1989 = tpu.memref_slice %arg11[%dma_start3A_1986, %dma_start3A_1987, %dma_start3A_1988] : memref<8x32x128xf32, #tpu.memory_space<vmem>> -> memref<1x32x128xf32, #tpu.memory_space<vmem>>
      %dma_start3A_1990 = tpu.memref_squeeze %dma_start3A_1989 : memref<1x32x128xf32, #tpu.memory_space<vmem>> -> memref<32x128xf32, #tpu.memory_space<vmem>>
      %dma_start3A_1991 = arith.constant 0 : i32
      %dma_start3A_1992 = tpu.memref_slice %arg4[%dma_start3A_1991, %multiple_of3A_1972] : memref<32x1000000xf32, #tpu.memory_space<hbm>> -> memref<32x128xf32, #tpu.memory_space<hbm>>
      %dma_start3A_1993 = arith.constant 0 : i32
      %dma_start3A_1994 = arith.constant 0 : i32
      %dma_start3A_1995 = tpu.memref_slice %arg11[%dma_start3A_1986, %dma_start3A_1993, %dma_start3A_1994] : memref<8x32x128xf32, #tpu.memory_space<vmem>> -> memref<1x32x128xf32, #tpu.memory_space<vmem>>
      %dma_start3A_1996 = tpu.memref_squeeze %dma_start3A_1995 : memref<1x32x128xf32, #tpu.memory_space<vmem>> -> memref<32x128xf32, #tpu.memory_space<vmem>>
      %dma_start3A_1997 = arith.constant 0 : i32
      %dma_start3A_1998 = tpu.memref_slice %arg4[%dma_start3A_1997, %multiple_of3A_1972] : memref<32x1000000xf32, #tpu.memory_space<hbm>> -> memref<32x128xf32, #tpu.memory_space<hbm>>
      tpu.enqueue_dma source(%dma_start3A_1998 : memref<32x128xf32, #tpu.memory_space<hbm>>) target(%dma_start3A_1996 : memref<32x128xf32, #tpu.memory_space<vmem>>) target_semaphore(%arg18 : memref<!tpu.dma_semaphore, #tpu.memory_space<semaphore_mem>>)
      %dma_start3A_1999 = arith.constant 2 : i32
      %dma_start3A_2000 = arith.constant 0 : i32
      %dma_start3A_2001 = arith.constant 0 : i32
      %dma_start3A_2002 = tpu.memref_slice %arg12[%dma_start3A_1999, %dma_start3A_2000, %dma_start3A_2001] : memref<8x64x128xf32, #tpu.memory_space<vmem>> -> memref<1x64x128xf32, #tpu.memory_space<vmem>>
      %dma_start3A_2003 = tpu.memref_squeeze %dma_start3A_2002 : memref<1x64x128xf32, #tpu.memory_space<vmem>> -> memref<64x128xf32, #tpu.memory_space<vmem>>
      %dma_start3A_2004 = arith.constant 0 : i32
      %dma_start3A_2005 = tpu.memref_slice %arg5[%dma_start3A_2004, %multiple_of3A_1972] : memref<64x1000000xf32, #tpu.memory_space<hbm>> -> memref<64x128xf32, #tpu.memory_space<hbm>>
      %dma_start3A_2006 = arith.constant 0 : i32
      %dma_start3A_2007 = arith.constant 0 : i32
      %dma_start3A_2008 = tpu.memref_slice %arg12[%dma_start3A_1999, %dma_start3A_2006, %dma_start3A_2007] : memref<8x64x128xf32, #tpu.memory_space<vmem>> -> memref<1x64x128xf32, #tpu.memory_space<vmem>>
      %dma_start3A_2009 = tpu.memref_squeeze %dma_start3A_2008 : memref<1x64x128xf32, #tpu.memory_space<vmem>> -> memref<64x128xf32, #tpu.memory_space<vmem>>
      %dma_start3A_2010 = arith.constant 0 : i32
      %dma_start3A_2011 = tpu.memref_slice %arg5[%dma_start3A_2010, %multiple_of3A_1972] : memref<64x1000000xf32, #tpu.memory_space<hbm>> -> memref<64x128xf32, #tpu.memory_space<hbm>>
      tpu.enqueue_dma source(%dma_start3A_2011 : memref<64x128xf32, #tpu.memory_space<hbm>>) target(%dma_start3A_2009 : memref<64x128xf32, #tpu.memory_space<vmem>>) target_semaphore(%arg18 : memref<!tpu.dma_semaphore, #tpu.memory_space<semaphore_mem>>)
      %add3A_2012 = arith.constant 11 : i32
      %add3A_2013 = arith.addi %mul3A_1035, %add3A_2012 : i32
      %dma_wait3A_2014 = arith.constant 3 : i32
      %dma_wait3A_2015 = arith.constant 0 : i32
      %dma_wait3A_2016 = arith.constant 0 : i32
      %dma_wait3A_2017 = tpu.memref_slice %arg10[%dma_wait3A_2014, %dma_wait3A_2015, %dma_wait3A_2016] : memref<8x16x128xf32, #tpu.memory_space<vmem>> -> memref<1x16x128xf32, #tpu.memory_space<vmem>>
      %dma_wait3A_2018 = tpu.memref_squeeze %dma_wait3A_2017 : memref<1x16x128xf32, #tpu.memory_space<vmem>> -> memref<16x128xf32, #tpu.memory_space<vmem>>
      %dma_wait3A_2019 = arith.constant 0 : i32
      %dma_wait3A_2020 = arith.constant 0 : i32
      %dma_wait3A_2021 = tpu.memref_slice %arg3[%dma_wait3A_2019, %dma_wait3A_2020] : memref<16x1000000xf32, #tpu.memory_space<hbm>> -> memref<16x128xf32, #tpu.memory_space<hbm>>
      %dma_wait3A_2022 = arith.constant 0 : i32
      %dma_wait3A_2023 = arith.constant 0 : i32
      %dma_wait3A_2024 = tpu.memref_slice %arg10[%dma_wait3A_2014, %dma_wait3A_2022, %dma_wait3A_2023] : memref<8x16x128xf32, #tpu.memory_space<vmem>> -> memref<1x16x128xf32, #tpu.memory_space<vmem>>
      %dma_wait3A_2025 = tpu.memref_squeeze %dma_wait3A_2024 : memref<1x16x128xf32, #tpu.memory_space<vmem>> -> memref<16x128xf32, #tpu.memory_space<vmem>>
      %dma_wait3A_2026 = arith.constant 0 : i32
      %dma_wait3A_2027 = arith.constant 0 : i32
      %dma_wait3A_2028 = tpu.memref_slice %arg3[%dma_wait3A_2026, %dma_wait3A_2027] : memref<16x1000000xf32, #tpu.memory_space<hbm>> -> memref<16x128xf32, #tpu.memory_space<hbm>>
      tpu.wait_dma2 semaphore(%arg19 : memref<!tpu.dma_semaphore, #tpu.memory_space<semaphore_mem>>) src(%dma_wait3A_2028 : memref<16x128xf32, #tpu.memory_space<hbm>>) dst(%dma_wait3A_2025 : memref<16x128xf32, #tpu.memory_space<vmem>>)
      %dma_wait3A_2029 = arith.constant 3 : i32
      %dma_wait3A_2030 = arith.constant 0 : i32
      %dma_wait3A_2031 = arith.constant 0 : i32
      %dma_wait3A_2032 = tpu.memref_slice %arg11[%dma_wait3A_2029, %dma_wait3A_2030, %dma_wait3A_2031] : memref<8x32x128xf32, #tpu.memory_space<vmem>> -> memref<1x32x128xf32, #tpu.memory_space<vmem>>
      %dma_wait3A_2033 = tpu.memref_squeeze %dma_wait3A_2032 : memref<1x32x128xf32, #tpu.memory_space<vmem>> -> memref<32x128xf32, #tpu.memory_space<vmem>>
      %dma_wait3A_2034 = arith.constant 0 : i32
      %dma_wait3A_2035 = arith.constant 0 : i32
      %dma_wait3A_2036 = tpu.memref_slice %arg4[%dma_wait3A_2034, %dma_wait3A_2035] : memref<32x1000000xf32, #tpu.memory_space<hbm>> -> memref<32x128xf32, #tpu.memory_space<hbm>>
      %dma_wait3A_2037 = arith.constant 0 : i32
      %dma_wait3A_2038 = arith.constant 0 : i32
      %dma_wait3A_2039 = tpu.memref_slice %arg11[%dma_wait3A_2029, %dma_wait3A_2037, %dma_wait3A_2038] : memref<8x32x128xf32, #tpu.memory_space<vmem>> -> memref<1x32x128xf32, #tpu.memory_space<vmem>>
      %dma_wait3A_2040 = tpu.memref_squeeze %dma_wait3A_2039 : memref<1x32x128xf32, #tpu.memory_space<vmem>> -> memref<32x128xf32, #tpu.memory_space<vmem>>
      %dma_wait3A_2041 = arith.constant 0 : i32
      %dma_wait3A_2042 = arith.constant 0 : i32
      %dma_wait3A_2043 = tpu.memref_slice %arg4[%dma_wait3A_2041, %dma_wait3A_2042] : memref<32x1000000xf32, #tpu.memory_space<hbm>> -> memref<32x128xf32, #tpu.memory_space<hbm>>
      tpu.wait_dma2 semaphore(%arg19 : memref<!tpu.dma_semaphore, #tpu.memory_space<semaphore_mem>>) src(%dma_wait3A_2043 : memref<32x128xf32, #tpu.memory_space<hbm>>) dst(%dma_wait3A_2040 : memref<32x128xf32, #tpu.memory_space<vmem>>)
      %dma_wait3A_2044 = arith.constant 3 : i32
      %dma_wait3A_2045 = arith.constant 0 : i32
      %dma_wait3A_2046 = arith.constant 0 : i32
      %dma_wait3A_2047 = tpu.memref_slice %arg12[%dma_wait3A_2044, %dma_wait3A_2045, %dma_wait3A_2046] : memref<8x64x128xf32, #tpu.memory_space<vmem>> -> memref<1x64x128xf32, #tpu.memory_space<vmem>>
      %dma_wait3A_2048 = tpu.memref_squeeze %dma_wait3A_2047 : memref<1x64x128xf32, #tpu.memory_space<vmem>> -> memref<64x128xf32, #tpu.memory_space<vmem>>
      %dma_wait3A_2049 = arith.constant 0 : i32
      %dma_wait3A_2050 = arith.constant 0 : i32
      %dma_wait3A_2051 = tpu.memref_slice %arg5[%dma_wait3A_2049, %dma_wait3A_2050] : memref<64x1000000xf32, #tpu.memory_space<hbm>> -> memref<64x128xf32, #tpu.memory_space<hbm>>
      %dma_wait3A_2052 = arith.constant 0 : i32
      %dma_wait3A_2053 = arith.constant 0 : i32
      %dma_wait3A_2054 = tpu.memref_slice %arg12[%dma_wait3A_2044, %dma_wait3A_2052, %dma_wait3A_2053] : memref<8x64x128xf32, #tpu.memory_space<vmem>> -> memref<1x64x128xf32, #tpu.memory_space<vmem>>
      %dma_wait3A_2055 = tpu.memref_squeeze %dma_wait3A_2054 : memref<1x64x128xf32, #tpu.memory_space<vmem>> -> memref<64x128xf32, #tpu.memory_space<vmem>>
      %dma_wait3A_2056 = arith.constant 0 : i32
      %dma_wait3A_2057 = arith.constant 0 : i32
      %dma_wait3A_2058 = tpu.memref_slice %arg5[%dma_wait3A_2056, %dma_wait3A_2057] : memref<64x1000000xf32, #tpu.memory_space<hbm>> -> memref<64x128xf32, #tpu.memory_space<hbm>>
      tpu.wait_dma2 semaphore(%arg19 : memref<!tpu.dma_semaphore, #tpu.memory_space<semaphore_mem>>) src(%dma_wait3A_2058 : memref<64x128xf32, #tpu.memory_space<hbm>>) dst(%dma_wait3A_2055 : memref<64x128xf32, #tpu.memory_space<vmem>>)
      %slice3A_2059 = vector.extract_strided_slice %and3A_1038 {offsets = [3], sizes = [1], strides = [1]} : vector<16xi32> to vector<1xi32>
      %squeeze3A_2060 = vector.extract %slice3A_2059[0] : i32 from vector<1xi32>
      %sub3A_2061 = arith.constant 8 : i32
      %sub3A_2062 = arith.subi %add3A_2013, %sub3A_2061 : i32
      %jit3A_2063 = arith.constant 128 : i32
      %eq3A_2064 = arith.constant 0 : i32
      %eq3A_2065 = arith.cmpi eq, %jit3A_2063, %eq3A_2064 : i32
      %jit3A_2066 = arith.constant 1 : i32
      %select_n3A_2067 = arith.select %eq3A_2065, %jit3A_2066, %jit3A_2063 : i32
      %rem3A_2068 = arith.remsi %sub3A_2062, %select_n3A_2067 : i32
      %ne3A_2069 = arith.constant 0 : i32
      %ne3A_2070 = arith.cmpi ne, %rem3A_2068, %ne3A_2069 : i32
      %lt3A_2071 = arith.constant 0 : i32
      %lt3A_2072 = arith.cmpi slt, %rem3A_2068, %lt3A_2071 : i32
      %lt3A_2073 = arith.constant 0 : i32
      %lt3A_2074 = arith.cmpi slt, %select_n3A_2067, %lt3A_2073 : i32
      %ne3A_2075 = arith.xori %lt3A_2072, %lt3A_2074 : i1
      %and3A_2076 = arith.andi %ne3A_2075, %ne3A_2070 : i1
      %add3A_2077 = arith.addi %rem3A_2068, %select_n3A_2067 : i32
      %select_n3A_2078 = arith.select %and3A_2076, %add3A_2077, %rem3A_2068 : i32
      %broadcast_in_dim3A_2079 = vector.broadcast %squeeze3A_2060 : i32 to vector<16xi32>
      %broadcast_in_dim3A_2080 = vector.broadcast %select_n3A_2078 : i32 to vector<16xi32>
      %gather3A_2081 = arith.constant 3 : i32
      %gather3A_2082 = arith.constant 0 : i32
      %gather3A_2083 = arith.constant 0 : i32
      %gather3A_2084 = tpu.memref_slice %arg10[%gather3A_2081, %gather3A_2082, %gather3A_2083] : memref<8x16x128xf32, #tpu.memory_space<vmem>> -> memref<1x16x128xf32, #tpu.memory_space<vmem>>
      %gather3A_2085 = tpu.memref_squeeze %gather3A_2084 : memref<1x16x128xf32, #tpu.memory_space<vmem>> -> memref<16x128xf32, #tpu.memory_space<vmem>>
      %gather3A_2086 = tpu.vector_load_idx %gather3A_2085[%iota3A, %broadcast_in_dim3A_2079] : memref<16x128xf32, #tpu.memory_space<vmem>>[vector<16xi32>, vector<16xi32>], vector<16xf32>,
      tpu.vector_store_idx %arg13[%iota3A, %broadcast_in_dim3A_2080], %gather3A_2086 : memref<16x128xf32, #tpu.memory_space<vmem>>[vector<16xi32>, vector<16xi32>], vector<16xf32>,
      %add3A_2087 = arith.constant 0 : i32
      %add3A_2088 = vector.broadcast %add3A_2087 : i32 to vector<16xi32>
      %add3A_2089 = arith.addi %iota3A, %add3A_2088 : vector<16xi32>
      %gather3A_2090 = arith.constant 3 : i32
      %gather3A_2091 = arith.constant 0 : i32
      %gather3A_2092 = arith.constant 0 : i32
      %gather3A_2093 = tpu.memref_slice %arg11[%gather3A_2090, %gather3A_2091, %gather3A_2092] : memref<8x32x128xf32, #tpu.memory_space<vmem>> -> memref<1x32x128xf32, #tpu.memory_space<vmem>>
      %gather3A_2094 = tpu.memref_squeeze %gather3A_2093 : memref<1x32x128xf32, #tpu.memory_space<vmem>> -> memref<32x128xf32, #tpu.memory_space<vmem>>
      %gather3A_2095 = tpu.vector_load_idx %gather3A_2094[%add3A_2089, %broadcast_in_dim3A_2079] : memref<32x128xf32, #tpu.memory_space<vmem>>[vector<16xi32>, vector<16xi32>], vector<16xf32>,
      %add3A_2096 = arith.constant 0 : i32
      %add3A_2097 = vector.broadcast %add3A_2096 : i32 to vector<16xi32>
      %add3A_2098 = arith.addi %iota3A, %add3A_2097 : vector<16xi32>
      tpu.vector_store_idx %arg14[%add3A_2098, %broadcast_in_dim3A_2080], %gather3A_2095 : memref<32x128xf32, #tpu.memory_space<vmem>>[vector<16xi32>, vector<16xi32>], vector<16xf32>,
      %add3A_2099 = arith.constant 16 : i32
      %add3A_2100 = vector.broadcast %add3A_2099 : i32 to vector<16xi32>
      %add3A_2101 = arith.addi %iota3A, %add3A_2100 : vector<16xi32>
      %gather3A_2102 = arith.constant 3 : i32
      %gather3A_2103 = arith.constant 0 : i32
      %gather3A_2104 = arith.constant 0 : i32
      %gather3A_2105 = tpu.memref_slice %arg11[%gather3A_2102, %gather3A_2103, %gather3A_2104] : memref<8x32x128xf32, #tpu.memory_space<vmem>> -> memref<1x32x128xf32, #tpu.memory_space<vmem>>
      %gather3A_2106 = tpu.memref_squeeze %gather3A_2105 : memref<1x32x128xf32, #tpu.memory_space<vmem>> -> memref<32x128xf32, #tpu.memory_space<vmem>>
      %gather3A_2107 = tpu.vector_load_idx %gather3A_2106[%add3A_2101, %broadcast_in_dim3A_2079] : memref<32x128xf32, #tpu.memory_space<vmem>>[vector<16xi32>, vector<16xi32>], vector<16xf32>,
      %add3A_2108 = arith.constant 16 : i32
      %add3A_2109 = vector.broadcast %add3A_2108 : i32 to vector<16xi32>
      %add3A_2110 = arith.addi %iota3A, %add3A_2109 : vector<16xi32>
      tpu.vector_store_idx %arg14[%add3A_2110, %broadcast_in_dim3A_2080], %gather3A_2107 : memref<32x128xf32, #tpu.memory_space<vmem>>[vector<16xi32>, vector<16xi32>], vector<16xf32>,
      %add3A_2111 = arith.constant 0 : i32
      %add3A_2112 = vector.broadcast %add3A_2111 : i32 to vector<16xi32>
      %add3A_2113 = arith.addi %iota3A, %add3A_2112 : vector<16xi32>
      %gather3A_2114 = arith.constant 3 : i32
      %gather3A_2115 = arith.constant 0 : i32
      %gather3A_2116 = arith.constant 0 : i32
      %gather3A_2117 = tpu.memref_slice %arg12[%gather3A_2114, %gather3A_2115, %gather3A_2116] : memref<8x64x128xf32, #tpu.memory_space<vmem>> -> memref<1x64x128xf32, #tpu.memory_space<vmem>>
      %gather3A_2118 = tpu.memref_squeeze %gather3A_2117 : memref<1x64x128xf32, #tpu.memory_space<vmem>> -> memref<64x128xf32, #tpu.memory_space<vmem>>
      %gather3A_2119 = tpu.vector_load_idx %gather3A_2118[%add3A_2113, %broadcast_in_dim3A_2079] : memref<64x128xf32, #tpu.memory_space<vmem>>[vector<16xi32>, vector<16xi32>], vector<16xf32>,
      %add3A_2120 = arith.constant 0 : i32
      %add3A_2121 = vector.broadcast %add3A_2120 : i32 to vector<16xi32>
      %add3A_2122 = arith.addi %iota3A, %add3A_2121 : vector<16xi32>
      tpu.vector_store_idx %arg15[%add3A_2122, %broadcast_in_dim3A_2080], %gather3A_2119 : memref<64x128xf32, #tpu.memory_space<vmem>>[vector<16xi32>, vector<16xi32>], vector<16xf32>,
      %add3A_2123 = arith.constant 16 : i32
      %add3A_2124 = vector.broadcast %add3A_2123 : i32 to vector<16xi32>
      %add3A_2125 = arith.addi %iota3A, %add3A_2124 : vector<16xi32>
      %gather3A_2126 = arith.constant 3 : i32
      %gather3A_2127 = arith.constant 0 : i32
      %gather3A_2128 = arith.constant 0 : i32
      %gather3A_2129 = tpu.memref_slice %arg12[%gather3A_2126, %gather3A_2127, %gather3A_2128] : memref<8x64x128xf32, #tpu.memory_space<vmem>> -> memref<1x64x128xf32, #tpu.memory_space<vmem>>
      %gather3A_2130 = tpu.memref_squeeze %gather3A_2129 : memref<1x64x128xf32, #tpu.memory_space<vmem>> -> memref<64x128xf32, #tpu.memory_space<vmem>>
      %gather3A_2131 = tpu.vector_load_idx %gather3A_2130[%add3A_2125, %broadcast_in_dim3A_2079] : memref<64x128xf32, #tpu.memory_space<vmem>>[vector<16xi32>, vector<16xi32>], vector<16xf32>,
      %add3A_2132 = arith.constant 16 : i32
      %add3A_2133 = vector.broadcast %add3A_2132 : i32 to vector<16xi32>
      %add3A_2134 = arith.addi %iota3A, %add3A_2133 : vector<16xi32>
      tpu.vector_store_idx %arg15[%add3A_2134, %broadcast_in_dim3A_2080], %gather3A_2131 : memref<64x128xf32, #tpu.memory_space<vmem>>[vector<16xi32>, vector<16xi32>], vector<16xf32>,
      %add3A_2135 = arith.constant 32 : i32
      %add3A_2136 = vector.broadcast %add3A_2135 : i32 to vector<16xi32>
      %add3A_2137 = arith.addi %iota3A, %add3A_2136 : vector<16xi32>
      %gather3A_2138 = arith.constant 3 : i32
      %gather3A_2139 = arith.constant 0 : i32
      %gather3A_2140 = arith.constant 0 : i32
      %gather3A_2141 = tpu.memref_slice %arg12[%gather3A_2138, %gather3A_2139, %gather3A_2140] : memref<8x64x128xf32, #tpu.memory_space<vmem>> -> memref<1x64x128xf32, #tpu.memory_space<vmem>>
      %gather3A_2142 = tpu.memref_squeeze %gather3A_2141 : memref<1x64x128xf32, #tpu.memory_space<vmem>> -> memref<64x128xf32, #tpu.memory_space<vmem>>
      %gather3A_2143 = tpu.vector_load_idx %gather3A_2142[%add3A_2137, %broadcast_in_dim3A_2079] : memref<64x128xf32, #tpu.memory_space<vmem>>[vector<16xi32>, vector<16xi32>], vector<16xf32>,
      %add3A_2144 = arith.constant 32 : i32
      %add3A_2145 = vector.broadcast %add3A_2144 : i32 to vector<16xi32>
      %add3A_2146 = arith.addi %iota3A, %add3A_2145 : vector<16xi32>
      tpu.vector_store_idx %arg15[%add3A_2146, %broadcast_in_dim3A_2080], %gather3A_2143 : memref<64x128xf32, #tpu.memory_space<vmem>>[vector<16xi32>, vector<16xi32>], vector<16xf32>,
      %add3A_2147 = arith.constant 48 : i32
      %add3A_2148 = vector.broadcast %add3A_2147 : i32 to vector<16xi32>
      %add3A_2149 = arith.addi %iota3A, %add3A_2148 : vector<16xi32>
      %gather3A_2150 = arith.constant 3 : i32
      %gather3A_2151 = arith.constant 0 : i32
      %gather3A_2152 = arith.constant 0 : i32
      %gather3A_2153 = tpu.memref_slice %arg12[%gather3A_2150, %gather3A_2151, %gather3A_2152] : memref<8x64x128xf32, #tpu.memory_space<vmem>> -> memref<1x64x128xf32, #tpu.memory_space<vmem>>
      %gather3A_2154 = tpu.memref_squeeze %gather3A_2153 : memref<1x64x128xf32, #tpu.memory_space<vmem>> -> memref<64x128xf32, #tpu.memory_space<vmem>>
      %gather3A_2155 = tpu.vector_load_idx %gather3A_2154[%add3A_2149, %broadcast_in_dim3A_2079] : memref<64x128xf32, #tpu.memory_space<vmem>>[vector<16xi32>, vector<16xi32>], vector<16xf32>,
      %add3A_2156 = arith.constant 48 : i32
      %add3A_2157 = vector.broadcast %add3A_2156 : i32 to vector<16xi32>
      %add3A_2158 = arith.addi %iota3A, %add3A_2157 : vector<16xi32>
      tpu.vector_store_idx %arg15[%add3A_2158, %broadcast_in_dim3A_2080], %gather3A_2155 : memref<64x128xf32, #tpu.memory_space<vmem>>[vector<16xi32>, vector<16xi32>], vector<16xf32>,
      %slice3A_2159 = vector.extract_strided_slice %sub3A {offsets = [11], sizes = [1], strides = [1]} : vector<16xi32> to vector<1xi32>
      %squeeze3A_2160 = vector.extract %slice3A_2159[0] : i32 from vector<1xi32>
      %multiple_of3A_2161 = tpu.assume_multiple %squeeze3A_2160, 128 : i32
      %dma_start3A_2162 = arith.constant 3 : i32
      %dma_start3A_2163 = arith.constant 0 : i32
      %dma_start3A_2164 = arith.constant 0 : i32
      %dma_start3A_2165 = tpu.memref_slice %arg10[%dma_start3A_2162, %dma_start3A_2163, %dma_start3A_2164] : memref<8x16x128xf32, #tpu.memory_space<vmem>> -> memref<1x16x128xf32, #tpu.memory_space<vmem>>
      %dma_start3A_2166 = tpu.memref_squeeze %dma_start3A_2165 : memref<1x16x128xf32, #tpu.memory_space<vmem>> -> memref<16x128xf32, #tpu.memory_space<vmem>>
      %dma_start3A_2167 = arith.constant 0 : i32
      %dma_start3A_2168 = tpu.memref_slice %arg3[%dma_start3A_2167, %multiple_of3A_2161] : memref<16x1000000xf32, #tpu.memory_space<hbm>> -> memref<16x128xf32, #tpu.memory_space<hbm>>
      %dma_start3A_2169 = arith.constant 0 : i32
      %dma_start3A_2170 = arith.constant 0 : i32
      %dma_start3A_2171 = tpu.memref_slice %arg10[%dma_start3A_2162, %dma_start3A_2169, %dma_start3A_2170] : memref<8x16x128xf32, #tpu.memory_space<vmem>> -> memref<1x16x128xf32, #tpu.memory_space<vmem>>
      %dma_start3A_2172 = tpu.memref_squeeze %dma_start3A_2171 : memref<1x16x128xf32, #tpu.memory_space<vmem>> -> memref<16x128xf32, #tpu.memory_space<vmem>>
      %dma_start3A_2173 = arith.constant 0 : i32
      %dma_start3A_2174 = tpu.memref_slice %arg3[%dma_start3A_2173, %multiple_of3A_2161] : memref<16x1000000xf32, #tpu.memory_space<hbm>> -> memref<16x128xf32, #tpu.memory_space<hbm>>
      tpu.enqueue_dma source(%dma_start3A_2174 : memref<16x128xf32, #tpu.memory_space<hbm>>) target(%dma_start3A_2172 : memref<16x128xf32, #tpu.memory_space<vmem>>) target_semaphore(%arg19 : memref<!tpu.dma_semaphore, #tpu.memory_space<semaphore_mem>>)
      %dma_start3A_2175 = arith.constant 3 : i32
      %dma_start3A_2176 = arith.constant 0 : i32
      %dma_start3A_2177 = arith.constant 0 : i32
      %dma_start3A_2178 = tpu.memref_slice %arg11[%dma_start3A_2175, %dma_start3A_2176, %dma_start3A_2177] : memref<8x32x128xf32, #tpu.memory_space<vmem>> -> memref<1x32x128xf32, #tpu.memory_space<vmem>>
      %dma_start3A_2179 = tpu.memref_squeeze %dma_start3A_2178 : memref<1x32x128xf32, #tpu.memory_space<vmem>> -> memref<32x128xf32, #tpu.memory_space<vmem>>
      %dma_start3A_2180 = arith.constant 0 : i32
      %dma_start3A_2181 = tpu.memref_slice %arg4[%dma_start3A_2180, %multiple_of3A_2161] : memref<32x1000000xf32, #tpu.memory_space<hbm>> -> memref<32x128xf32, #tpu.memory_space<hbm>>
      %dma_start3A_2182 = arith.constant 0 : i32
      %dma_start3A_2183 = arith.constant 0 : i32
      %dma_start3A_2184 = tpu.memref_slice %arg11[%dma_start3A_2175, %dma_start3A_2182, %dma_start3A_2183] : memref<8x32x128xf32, #tpu.memory_space<vmem>> -> memref<1x32x128xf32, #tpu.memory_space<vmem>>
      %dma_start3A_2185 = tpu.memref_squeeze %dma_start3A_2184 : memref<1x32x128xf32, #tpu.memory_space<vmem>> -> memref<32x128xf32, #tpu.memory_space<vmem>>
      %dma_start3A_2186 = arith.constant 0 : i32
      %dma_start3A_2187 = tpu.memref_slice %arg4[%dma_start3A_2186, %multiple_of3A_2161] : memref<32x1000000xf32, #tpu.memory_space<hbm>> -> memref<32x128xf32, #tpu.memory_space<hbm>>
      tpu.enqueue_dma source(%dma_start3A_2187 : memref<32x128xf32, #tpu.memory_space<hbm>>) target(%dma_start3A_2185 : memref<32x128xf32, #tpu.memory_space<vmem>>) target_semaphore(%arg19 : memref<!tpu.dma_semaphore, #tpu.memory_space<semaphore_mem>>)
      %dma_start3A_2188 = arith.constant 3 : i32
      %dma_start3A_2189 = arith.constant 0 : i32
      %dma_start3A_2190 = arith.constant 0 : i32
      %dma_start3A_2191 = tpu.memref_slice %arg12[%dma_start3A_2188, %dma_start3A_2189, %dma_start3A_2190] : memref<8x64x128xf32, #tpu.memory_space<vmem>> -> memref<1x64x128xf32, #tpu.memory_space<vmem>>
      %dma_start3A_2192 = tpu.memref_squeeze %dma_start3A_2191 : memref<1x64x128xf32, #tpu.memory_space<vmem>> -> memref<64x128xf32, #tpu.memory_space<vmem>>
      %dma_start3A_2193 = arith.constant 0 : i32
      %dma_start3A_2194 = tpu.memref_slice %arg5[%dma_start3A_2193, %multiple_of3A_2161] : memref<64x1000000xf32, #tpu.memory_space<hbm>> -> memref<64x128xf32, #tpu.memory_space<hbm>>
      %dma_start3A_2195 = arith.constant 0 : i32
      %dma_start3A_2196 = arith.constant 0 : i32
      %dma_start3A_2197 = tpu.memref_slice %arg12[%dma_start3A_2188, %dma_start3A_2195, %dma_start3A_2196] : memref<8x64x128xf32, #tpu.memory_space<vmem>> -> memref<1x64x128xf32, #tpu.memory_space<vmem>>
      %dma_start3A_2198 = tpu.memref_squeeze %dma_start3A_2197 : memref<1x64x128xf32, #tpu.memory_space<vmem>> -> memref<64x128xf32, #tpu.memory_space<vmem>>
      %dma_start3A_2199 = arith.constant 0 : i32
      %dma_start3A_2200 = tpu.memref_slice %arg5[%dma_start3A_2199, %multiple_of3A_2161] : memref<64x1000000xf32, #tpu.memory_space<hbm>> -> memref<64x128xf32, #tpu.memory_space<hbm>>
      tpu.enqueue_dma source(%dma_start3A_2200 : memref<64x128xf32, #tpu.memory_space<hbm>>) target(%dma_start3A_2198 : memref<64x128xf32, #tpu.memory_space<vmem>>) target_semaphore(%arg19 : memref<!tpu.dma_semaphore, #tpu.memory_space<semaphore_mem>>)
      %add3A_2201 = arith.constant 12 : i32
      %add3A_2202 = arith.addi %mul3A_1035, %add3A_2201 : i32
      %dma_wait3A_2203 = arith.constant 4 : i32
      %dma_wait3A_2204 = arith.constant 0 : i32
      %dma_wait3A_2205 = arith.constant 0 : i32
      %dma_wait3A_2206 = tpu.memref_slice %arg10[%dma_wait3A_2203, %dma_wait3A_2204, %dma_wait3A_2205] : memref<8x16x128xf32, #tpu.memory_space<vmem>> -> memref<1x16x128xf32, #tpu.memory_space<vmem>>
      %dma_wait3A_2207 = tpu.memref_squeeze %dma_wait3A_2206 : memref<1x16x128xf32, #tpu.memory_space<vmem>> -> memref<16x128xf32, #tpu.memory_space<vmem>>
      %dma_wait3A_2208 = arith.constant 0 : i32
      %dma_wait3A_2209 = arith.constant 0 : i32
      %dma_wait3A_2210 = tpu.memref_slice %arg3[%dma_wait3A_2208, %dma_wait3A_2209] : memref<16x1000000xf32, #tpu.memory_space<hbm>> -> memref<16x128xf32, #tpu.memory_space<hbm>>
      %dma_wait3A_2211 = arith.constant 0 : i32
      %dma_wait3A_2212 = arith.constant 0 : i32
      %dma_wait3A_2213 = tpu.memref_slice %arg10[%dma_wait3A_2203, %dma_wait3A_2211, %dma_wait3A_2212] : memref<8x16x128xf32, #tpu.memory_space<vmem>> -> memref<1x16x128xf32, #tpu.memory_space<vmem>>
      %dma_wait3A_2214 = tpu.memref_squeeze %dma_wait3A_2213 : memref<1x16x128xf32, #tpu.memory_space<vmem>> -> memref<16x128xf32, #tpu.memory_space<vmem>>
      %dma_wait3A_2215 = arith.constant 0 : i32
      %dma_wait3A_2216 = arith.constant 0 : i32
      %dma_wait3A_2217 = tpu.memref_slice %arg3[%dma_wait3A_2215, %dma_wait3A_2216] : memref<16x1000000xf32, #tpu.memory_space<hbm>> -> memref<16x128xf32, #tpu.memory_space<hbm>>
      tpu.wait_dma2 semaphore(%arg20 : memref<!tpu.dma_semaphore, #tpu.memory_space<semaphore_mem>>) src(%dma_wait3A_2217 : memref<16x128xf32, #tpu.memory_space<hbm>>) dst(%dma_wait3A_2214 : memref<16x128xf32, #tpu.memory_space<vmem>>)
      %dma_wait3A_2218 = arith.constant 4 : i32
      %dma_wait3A_2219 = arith.constant 0 : i32
      %dma_wait3A_2220 = arith.constant 0 : i32
      %dma_wait3A_2221 = tpu.memref_slice %arg11[%dma_wait3A_2218, %dma_wait3A_2219, %dma_wait3A_2220] : memref<8x32x128xf32, #tpu.memory_space<vmem>> -> memref<1x32x128xf32, #tpu.memory_space<vmem>>
      %dma_wait3A_2222 = tpu.memref_squeeze %dma_wait3A_2221 : memref<1x32x128xf32, #tpu.memory_space<vmem>> -> memref<32x128xf32, #tpu.memory_space<vmem>>
      %dma_wait3A_2223 = arith.constant 0 : i32
      %dma_wait3A_2224 = arith.constant 0 : i32
      %dma_wait3A_2225 = tpu.memref_slice %arg4[%dma_wait3A_2223, %dma_wait3A_2224] : memref<32x1000000xf32, #tpu.memory_space<hbm>> -> memref<32x128xf32, #tpu.memory_space<hbm>>
      %dma_wait3A_2226 = arith.constant 0 : i32
      %dma_wait3A_2227 = arith.constant 0 : i32
      %dma_wait3A_2228 = tpu.memref_slice %arg11[%dma_wait3A_2218, %dma_wait3A_2226, %dma_wait3A_2227] : memref<8x32x128xf32, #tpu.memory_space<vmem>> -> memref<1x32x128xf32, #tpu.memory_space<vmem>>
      %dma_wait3A_2229 = tpu.memref_squeeze %dma_wait3A_2228 : memref<1x32x128xf32, #tpu.memory_space<vmem>> -> memref<32x128xf32, #tpu.memory_space<vmem>>
      %dma_wait3A_2230 = arith.constant 0 : i32
      %dma_wait3A_2231 = arith.constant 0 : i32
      %dma_wait3A_2232 = tpu.memref_slice %arg4[%dma_wait3A_2230, %dma_wait3A_2231] : memref<32x1000000xf32, #tpu.memory_space<hbm>> -> memref<32x128xf32, #tpu.memory_space<hbm>>
      tpu.wait_dma2 semaphore(%arg20 : memref<!tpu.dma_semaphore, #tpu.memory_space<semaphore_mem>>) src(%dma_wait3A_2232 : memref<32x128xf32, #tpu.memory_space<hbm>>) dst(%dma_wait3A_2229 : memref<32x128xf32, #tpu.memory_space<vmem>>)
      %dma_wait3A_2233 = arith.constant 4 : i32
      %dma_wait3A_2234 = arith.constant 0 : i32
      %dma_wait3A_2235 = arith.constant 0 : i32
      %dma_wait3A_2236 = tpu.memref_slice %arg12[%dma_wait3A_2233, %dma_wait3A_2234, %dma_wait3A_2235] : memref<8x64x128xf32, #tpu.memory_space<vmem>> -> memref<1x64x128xf32, #tpu.memory_space<vmem>>
      %dma_wait3A_2237 = tpu.memref_squeeze %dma_wait3A_2236 : memref<1x64x128xf32, #tpu.memory_space<vmem>> -> memref<64x128xf32, #tpu.memory_space<vmem>>
      %dma_wait3A_2238 = arith.constant 0 : i32
      %dma_wait3A_2239 = arith.constant 0 : i32
      %dma_wait3A_2240 = tpu.memref_slice %arg5[%dma_wait3A_2238, %dma_wait3A_2239] : memref<64x1000000xf32, #tpu.memory_space<hbm>> -> memref<64x128xf32, #tpu.memory_space<hbm>>
      %dma_wait3A_2241 = arith.constant 0 : i32
      %dma_wait3A_2242 = arith.constant 0 : i32
      %dma_wait3A_2243 = tpu.memref_slice %arg12[%dma_wait3A_2233, %dma_wait3A_2241, %dma_wait3A_2242] : memref<8x64x128xf32, #tpu.memory_space<vmem>> -> memref<1x64x128xf32, #tpu.memory_space<vmem>>
      %dma_wait3A_2244 = tpu.memref_squeeze %dma_wait3A_2243 : memref<1x64x128xf32, #tpu.memory_space<vmem>> -> memref<64x128xf32, #tpu.memory_space<vmem>>
      %dma_wait3A_2245 = arith.constant 0 : i32
      %dma_wait3A_2246 = arith.constant 0 : i32
      %dma_wait3A_2247 = tpu.memref_slice %arg5[%dma_wait3A_2245, %dma_wait3A_2246] : memref<64x1000000xf32, #tpu.memory_space<hbm>> -> memref<64x128xf32, #tpu.memory_space<hbm>>
      tpu.wait_dma2 semaphore(%arg20 : memref<!tpu.dma_semaphore, #tpu.memory_space<semaphore_mem>>) src(%dma_wait3A_2247 : memref<64x128xf32, #tpu.memory_space<hbm>>) dst(%dma_wait3A_2244 : memref<64x128xf32, #tpu.memory_space<vmem>>)
      %slice3A_2248 = vector.extract_strided_slice %and3A_1038 {offsets = [4], sizes = [1], strides = [1]} : vector<16xi32> to vector<1xi32>
      %squeeze3A_2249 = vector.extract %slice3A_2248[0] : i32 from vector<1xi32>
      %sub3A_2250 = arith.constant 8 : i32
      %sub3A_2251 = arith.subi %add3A_2202, %sub3A_2250 : i32
      %jit3A_2252 = arith.constant 128 : i32
      %eq3A_2253 = arith.constant 0 : i32
      %eq3A_2254 = arith.cmpi eq, %jit3A_2252, %eq3A_2253 : i32
      %jit3A_2255 = arith.constant 1 : i32
      %select_n3A_2256 = arith.select %eq3A_2254, %jit3A_2255, %jit3A_2252 : i32
      %rem3A_2257 = arith.remsi %sub3A_2251, %select_n3A_2256 : i32
      %ne3A_2258 = arith.constant 0 : i32
      %ne3A_2259 = arith.cmpi ne, %rem3A_2257, %ne3A_2258 : i32
      %lt3A_2260 = arith.constant 0 : i32
      %lt3A_2261 = arith.cmpi slt, %rem3A_2257, %lt3A_2260 : i32
      %lt3A_2262 = arith.constant 0 : i32
      %lt3A_2263 = arith.cmpi slt, %select_n3A_2256, %lt3A_2262 : i32
      %ne3A_2264 = arith.xori %lt3A_2261, %lt3A_2263 : i1
      %and3A_2265 = arith.andi %ne3A_2264, %ne3A_2259 : i1
      %add3A_2266 = arith.addi %rem3A_2257, %select_n3A_2256 : i32
      %select_n3A_2267 = arith.select %and3A_2265, %add3A_2266, %rem3A_2257 : i32
      %broadcast_in_dim3A_2268 = vector.broadcast %squeeze3A_2249 : i32 to vector<16xi32>
      %broadcast_in_dim3A_2269 = vector.broadcast %select_n3A_2267 : i32 to vector<16xi32>
      %gather3A_2270 = arith.constant 4 : i32
      %gather3A_2271 = arith.constant 0 : i32
      %gather3A_2272 = arith.constant 0 : i32
      %gather3A_2273 = tpu.memref_slice %arg10[%gather3A_2270, %gather3A_2271, %gather3A_2272] : memref<8x16x128xf32, #tpu.memory_space<vmem>> -> memref<1x16x128xf32, #tpu.memory_space<vmem>>
      %gather3A_2274 = tpu.memref_squeeze %gather3A_2273 : memref<1x16x128xf32, #tpu.memory_space<vmem>> -> memref<16x128xf32, #tpu.memory_space<vmem>>
      %gather3A_2275 = tpu.vector_load_idx %gather3A_2274[%iota3A, %broadcast_in_dim3A_2268] : memref<16x128xf32, #tpu.memory_space<vmem>>[vector<16xi32>, vector<16xi32>], vector<16xf32>,
      tpu.vector_store_idx %arg13[%iota3A, %broadcast_in_dim3A_2269], %gather3A_2275 : memref<16x128xf32, #tpu.memory_space<vmem>>[vector<16xi32>, vector<16xi32>], vector<16xf32>,
      %add3A_2276 = arith.constant 0 : i32
      %add3A_2277 = vector.broadcast %add3A_2276 : i32 to vector<16xi32>
      %add3A_2278 = arith.addi %iota3A, %add3A_2277 : vector<16xi32>
      %gather3A_2279 = arith.constant 4 : i32
      %gather3A_2280 = arith.constant 0 : i32
      %gather3A_2281 = arith.constant 0 : i32
      %gather3A_2282 = tpu.memref_slice %arg11[%gather3A_2279, %gather3A_2280, %gather3A_2281] : memref<8x32x128xf32, #tpu.memory_space<vmem>> -> memref<1x32x128xf32, #tpu.memory_space<vmem>>
      %gather3A_2283 = tpu.memref_squeeze %gather3A_2282 : memref<1x32x128xf32, #tpu.memory_space<vmem>> -> memref<32x128xf32, #tpu.memory_space<vmem>>
      %gather3A_2284 = tpu.vector_load_idx %gather3A_2283[%add3A_2278, %broadcast_in_dim3A_2268] : memref<32x128xf32, #tpu.memory_space<vmem>>[vector<16xi32>, vector<16xi32>], vector<16xf32>,
      %add3A_2285 = arith.constant 0 : i32
      %add3A_2286 = vector.broadcast %add3A_2285 : i32 to vector<16xi32>
      %add3A_2287 = arith.addi %iota3A, %add3A_2286 : vector<16xi32>
      tpu.vector_store_idx %arg14[%add3A_2287, %broadcast_in_dim3A_2269], %gather3A_2284 : memref<32x128xf32, #tpu.memory_space<vmem>>[vector<16xi32>, vector<16xi32>], vector<16xf32>,
      %add3A_2288 = arith.constant 16 : i32
      %add3A_2289 = vector.broadcast %add3A_2288 : i32 to vector<16xi32>
      %add3A_2290 = arith.addi %iota3A, %add3A_2289 : vector<16xi32>
      %gather3A_2291 = arith.constant 4 : i32
      %gather3A_2292 = arith.constant 0 : i32
      %gather3A_2293 = arith.constant 0 : i32
      %gather3A_2294 = tpu.memref_slice %arg11[%gather3A_2291, %gather3A_2292, %gather3A_2293] : memref<8x32x128xf32, #tpu.memory_space<vmem>> -> memref<1x32x128xf32, #tpu.memory_space<vmem>>
      %gather3A_2295 = tpu.memref_squeeze %gather3A_2294 : memref<1x32x128xf32, #tpu.memory_space<vmem>> -> memref<32x128xf32, #tpu.memory_space<vmem>>
      %gather3A_2296 = tpu.vector_load_idx %gather3A_2295[%add3A_2290, %broadcast_in_dim3A_2268] : memref<32x128xf32, #tpu.memory_space<vmem>>[vector<16xi32>, vector<16xi32>], vector<16xf32>,
      %add3A_2297 = arith.constant 16 : i32
      %add3A_2298 = vector.broadcast %add3A_2297 : i32 to vector<16xi32>
      %add3A_2299 = arith.addi %iota3A, %add3A_2298 : vector<16xi32>
      tpu.vector_store_idx %arg14[%add3A_2299, %broadcast_in_dim3A_2269], %gather3A_2296 : memref<32x128xf32, #tpu.memory_space<vmem>>[vector<16xi32>, vector<16xi32>], vector<16xf32>,
      %add3A_2300 = arith.constant 0 : i32
      %add3A_2301 = vector.broadcast %add3A_2300 : i32 to vector<16xi32>
      %add3A_2302 = arith.addi %iota3A, %add3A_2301 : vector<16xi32>
      %gather3A_2303 = arith.constant 4 : i32
      %gather3A_2304 = arith.constant 0 : i32
      %gather3A_2305 = arith.constant 0 : i32
      %gather3A_2306 = tpu.memref_slice %arg12[%gather3A_2303, %gather3A_2304, %gather3A_2305] : memref<8x64x128xf32, #tpu.memory_space<vmem>> -> memref<1x64x128xf32, #tpu.memory_space<vmem>>
      %gather3A_2307 = tpu.memref_squeeze %gather3A_2306 : memref<1x64x128xf32, #tpu.memory_space<vmem>> -> memref<64x128xf32, #tpu.memory_space<vmem>>
      %gather3A_2308 = tpu.vector_load_idx %gather3A_2307[%add3A_2302, %broadcast_in_dim3A_2268] : memref<64x128xf32, #tpu.memory_space<vmem>>[vector<16xi32>, vector<16xi32>], vector<16xf32>,
      %add3A_2309 = arith.constant 0 : i32
      %add3A_2310 = vector.broadcast %add3A_2309 : i32 to vector<16xi32>
      %add3A_2311 = arith.addi %iota3A, %add3A_2310 : vector<16xi32>
      tpu.vector_store_idx %arg15[%add3A_2311, %broadcast_in_dim3A_2269], %gather3A_2308 : memref<64x128xf32, #tpu.memory_space<vmem>>[vector<16xi32>, vector<16xi32>], vector<16xf32>,
      %add3A_2312 = arith.constant 16 : i32
      %add3A_2313 = vector.broadcast %add3A_2312 : i32 to vector<16xi32>
      %add3A_2314 = arith.addi %iota3A, %add3A_2313 : vector<16xi32>
      %gather3A_2315 = arith.constant 4 : i32
      %gather3A_2316 = arith.constant 0 : i32
      %gather3A_2317 = arith.constant 0 : i32
      %gather3A_2318 = tpu.memref_slice %arg12[%gather3A_2315, %gather3A_2316, %gather3A_2317] : memref<8x64x128xf32, #tpu.memory_space<vmem>> -> memref<1x64x128xf32, #tpu.memory_space<vmem>>
      %gather3A_2319 = tpu.memref_squeeze %gather3A_2318 : memref<1x64x128xf32, #tpu.memory_space<vmem>> -> memref<64x128xf32, #tpu.memory_space<vmem>>
      %gather3A_2320 = tpu.vector_load_idx %gather3A_2319[%add3A_2314, %broadcast_in_dim3A_2268] : memref<64x128xf32, #tpu.memory_space<vmem>>[vector<16xi32>, vector<16xi32>], vector<16xf32>,
      %add3A_2321 = arith.constant 16 : i32
      %add3A_2322 = vector.broadcast %add3A_2321 : i32 to vector<16xi32>
      %add3A_2323 = arith.addi %iota3A, %add3A_2322 : vector<16xi32>
      tpu.vector_store_idx %arg15[%add3A_2323, %broadcast_in_dim3A_2269], %gather3A_2320 : memref<64x128xf32, #tpu.memory_space<vmem>>[vector<16xi32>, vector<16xi32>], vector<16xf32>,
      %add3A_2324 = arith.constant 32 : i32
      %add3A_2325 = vector.broadcast %add3A_2324 : i32 to vector<16xi32>
      %add3A_2326 = arith.addi %iota3A, %add3A_2325 : vector<16xi32>
      %gather3A_2327 = arith.constant 4 : i32
      %gather3A_2328 = arith.constant 0 : i32
      %gather3A_2329 = arith.constant 0 : i32
      %gather3A_2330 = tpu.memref_slice %arg12[%gather3A_2327, %gather3A_2328, %gather3A_2329] : memref<8x64x128xf32, #tpu.memory_space<vmem>> -> memref<1x64x128xf32, #tpu.memory_space<vmem>>
      %gather3A_2331 = tpu.memref_squeeze %gather3A_2330 : memref<1x64x128xf32, #tpu.memory_space<vmem>> -> memref<64x128xf32, #tpu.memory_space<vmem>>
      %gather3A_2332 = tpu.vector_load_idx %gather3A_2331[%add3A_2326, %broadcast_in_dim3A_2268] : memref<64x128xf32, #tpu.memory_space<vmem>>[vector<16xi32>, vector<16xi32>], vector<16xf32>,
      %add3A_2333 = arith.constant 32 : i32
      %add3A_2334 = vector.broadcast %add3A_2333 : i32 to vector<16xi32>
      %add3A_2335 = arith.addi %iota3A, %add3A_2334 : vector<16xi32>
      tpu.vector_store_idx %arg15[%add3A_2335, %broadcast_in_dim3A_2269], %gather3A_2332 : memref<64x128xf32, #tpu.memory_space<vmem>>[vector<16xi32>, vector<16xi32>], vector<16xf32>,
      %add3A_2336 = arith.constant 48 : i32
      %add3A_2337 = vector.broadcast %add3A_2336 : i32 to vector<16xi32>
      %add3A_2338 = arith.addi %iota3A, %add3A_2337 : vector<16xi32>
      %gather3A_2339 = arith.constant 4 : i32
      %gather3A_2340 = arith.constant 0 : i32
      %gather3A_2341 = arith.constant 0 : i32
      %gather3A_2342 = tpu.memref_slice %arg12[%gather3A_2339, %gather3A_2340, %gather3A_2341] : memref<8x64x128xf32, #tpu.memory_space<vmem>> -> memref<1x64x128xf32, #tpu.memory_space<vmem>>
      %gather3A_2343 = tpu.memref_squeeze %gather3A_2342 : memref<1x64x128xf32, #tpu.memory_space<vmem>> -> memref<64x128xf32, #tpu.memory_space<vmem>>
      %gather3A_2344 = tpu.vector_load_idx %gather3A_2343[%add3A_2338, %broadcast_in_dim3A_2268] : memref<64x128xf32, #tpu.memory_space<vmem>>[vector<16xi32>, vector<16xi32>], vector<16xf32>,
      %add3A_2345 = arith.constant 48 : i32
      %add3A_2346 = vector.broadcast %add3A_2345 : i32 to vector<16xi32>
      %add3A_2347 = arith.addi %iota3A, %add3A_2346 : vector<16xi32>
      tpu.vector_store_idx %arg15[%add3A_2347, %broadcast_in_dim3A_2269], %gather3A_2344 : memref<64x128xf32, #tpu.memory_space<vmem>>[vector<16xi32>, vector<16xi32>], vector<16xf32>,
      %slice3A_2348 = vector.extract_strided_slice %sub3A {offsets = [12], sizes = [1], strides = [1]} : vector<16xi32> to vector<1xi32>
      %squeeze3A_2349 = vector.extract %slice3A_2348[0] : i32 from vector<1xi32>
      %multiple_of3A_2350 = tpu.assume_multiple %squeeze3A_2349, 128 : i32
      %dma_start3A_2351 = arith.constant 4 : i32
      %dma_start3A_2352 = arith.constant 0 : i32
      %dma_start3A_2353 = arith.constant 0 : i32
      %dma_start3A_2354 = tpu.memref_slice %arg10[%dma_start3A_2351, %dma_start3A_2352, %dma_start3A_2353] : memref<8x16x128xf32, #tpu.memory_space<vmem>> -> memref<1x16x128xf32, #tpu.memory_space<vmem>>
      %dma_start3A_2355 = tpu.memref_squeeze %dma_start3A_2354 : memref<1x16x128xf32, #tpu.memory_space<vmem>> -> memref<16x128xf32, #tpu.memory_space<vmem>>
      %dma_start3A_2356 = arith.constant 0 : i32
      %dma_start3A_2357 = tpu.memref_slice %arg3[%dma_start3A_2356, %multiple_of3A_2350] : memref<16x1000000xf32, #tpu.memory_space<hbm>> -> memref<16x128xf32, #tpu.memory_space<hbm>>
      %dma_start3A_2358 = arith.constant 0 : i32
      %dma_start3A_2359 = arith.constant 0 : i32
      %dma_start3A_2360 = tpu.memref_slice %arg10[%dma_start3A_2351, %dma_start3A_2358, %dma_start3A_2359] : memref<8x16x128xf32, #tpu.memory_space<vmem>> -> memref<1x16x128xf32, #tpu.memory_space<vmem>>
      %dma_start3A_2361 = tpu.memref_squeeze %dma_start3A_2360 : memref<1x16x128xf32, #tpu.memory_space<vmem>> -> memref<16x128xf32, #tpu.memory_space<vmem>>
      %dma_start3A_2362 = arith.constant 0 : i32
      %dma_start3A_2363 = tpu.memref_slice %arg3[%dma_start3A_2362, %multiple_of3A_2350] : memref<16x1000000xf32, #tpu.memory_space<hbm>> -> memref<16x128xf32, #tpu.memory_space<hbm>>
      tpu.enqueue_dma source(%dma_start3A_2363 : memref<16x128xf32, #tpu.memory_space<hbm>>) target(%dma_start3A_2361 : memref<16x128xf32, #tpu.memory_space<vmem>>) target_semaphore(%arg20 : memref<!tpu.dma_semaphore, #tpu.memory_space<semaphore_mem>>)
      %dma_start3A_2364 = arith.constant 4 : i32
      %dma_start3A_2365 = arith.constant 0 : i32
      %dma_start3A_2366 = arith.constant 0 : i32
      %dma_start3A_2367 = tpu.memref_slice %arg11[%dma_start3A_2364, %dma_start3A_2365, %dma_start3A_2366] : memref<8x32x128xf32, #tpu.memory_space<vmem>> -> memref<1x32x128xf32, #tpu.memory_space<vmem>>
      %dma_start3A_2368 = tpu.memref_squeeze %dma_start3A_2367 : memref<1x32x128xf32, #tpu.memory_space<vmem>> -> memref<32x128xf32, #tpu.memory_space<vmem>>
      %dma_start3A_2369 = arith.constant 0 : i32
      %dma_start3A_2370 = tpu.memref_slice %arg4[%dma_start3A_2369, %multiple_of3A_2350] : memref<32x1000000xf32, #tpu.memory_space<hbm>> -> memref<32x128xf32, #tpu.memory_space<hbm>>
      %dma_start3A_2371 = arith.constant 0 : i32
      %dma_start3A_2372 = arith.constant 0 : i32
      %dma_start3A_2373 = tpu.memref_slice %arg11[%dma_start3A_2364, %dma_start3A_2371, %dma_start3A_2372] : memref<8x32x128xf32, #tpu.memory_space<vmem>> -> memref<1x32x128xf32, #tpu.memory_space<vmem>>
      %dma_start3A_2374 = tpu.memref_squeeze %dma_start3A_2373 : memref<1x32x128xf32, #tpu.memory_space<vmem>> -> memref<32x128xf32, #tpu.memory_space<vmem>>
      %dma_start3A_2375 = arith.constant 0 : i32
      %dma_start3A_2376 = tpu.memref_slice %arg4[%dma_start3A_2375, %multiple_of3A_2350] : memref<32x1000000xf32, #tpu.memory_space<hbm>> -> memref<32x128xf32, #tpu.memory_space<hbm>>
      tpu.enqueue_dma source(%dma_start3A_2376 : memref<32x128xf32, #tpu.memory_space<hbm>>) target(%dma_start3A_2374 : memref<32x128xf32, #tpu.memory_space<vmem>>) target_semaphore(%arg20 : memref<!tpu.dma_semaphore, #tpu.memory_space<semaphore_mem>>)
      %dma_start3A_2377 = arith.constant 4 : i32
      %dma_start3A_2378 = arith.constant 0 : i32
      %dma_start3A_2379 = arith.constant 0 : i32
      %dma_start3A_2380 = tpu.memref_slice %arg12[%dma_start3A_2377, %dma_start3A_2378, %dma_start3A_2379] : memref<8x64x128xf32, #tpu.memory_space<vmem>> -> memref<1x64x128xf32, #tpu.memory_space<vmem>>
      %dma_start3A_2381 = tpu.memref_squeeze %dma_start3A_2380 : memref<1x64x128xf32, #tpu.memory_space<vmem>> -> memref<64x128xf32, #tpu.memory_space<vmem>>
      %dma_start3A_2382 = arith.constant 0 : i32
      %dma_start3A_2383 = tpu.memref_slice %arg5[%dma_start3A_2382, %multiple_of3A_2350] : memref<64x1000000xf32, #tpu.memory_space<hbm>> -> memref<64x128xf32, #tpu.memory_space<hbm>>
      %dma_start3A_2384 = arith.constant 0 : i32
      %dma_start3A_2385 = arith.constant 0 : i32
      %dma_start3A_2386 = tpu.memref_slice %arg12[%dma_start3A_2377, %dma_start3A_2384, %dma_start3A_2385] : memref<8x64x128xf32, #tpu.memory_space<vmem>> -> memref<1x64x128xf32, #tpu.memory_space<vmem>>
      %dma_start3A_2387 = tpu.memref_squeeze %dma_start3A_2386 : memref<1x64x128xf32, #tpu.memory_space<vmem>> -> memref<64x128xf32, #tpu.memory_space<vmem>>
      %dma_start3A_2388 = arith.constant 0 : i32
      %dma_start3A_2389 = tpu.memref_slice %arg5[%dma_start3A_2388, %multiple_of3A_2350] : memref<64x1000000xf32, #tpu.memory_space<hbm>> -> memref<64x128xf32, #tpu.memory_space<hbm>>
      tpu.enqueue_dma source(%dma_start3A_2389 : memref<64x128xf32, #tpu.memory_space<hbm>>) target(%dma_start3A_2387 : memref<64x128xf32, #tpu.memory_space<vmem>>) target_semaphore(%arg20 : memref<!tpu.dma_semaphore, #tpu.memory_space<semaphore_mem>>)
      %add3A_2390 = arith.constant 13 : i32
      %add3A_2391 = arith.addi %mul3A_1035, %add3A_2390 : i32
      %dma_wait3A_2392 = arith.constant 5 : i32
      %dma_wait3A_2393 = arith.constant 0 : i32
      %dma_wait3A_2394 = arith.constant 0 : i32
      %dma_wait3A_2395 = tpu.memref_slice %arg10[%dma_wait3A_2392, %dma_wait3A_2393, %dma_wait3A_2394] : memref<8x16x128xf32, #tpu.memory_space<vmem>> -> memref<1x16x128xf32, #tpu.memory_space<vmem>>
      %dma_wait3A_2396 = tpu.memref_squeeze %dma_wait3A_2395 : memref<1x16x128xf32, #tpu.memory_space<vmem>> -> memref<16x128xf32, #tpu.memory_space<vmem>>
      %dma_wait3A_2397 = arith.constant 0 : i32
      %dma_wait3A_2398 = arith.constant 0 : i32
      %dma_wait3A_2399 = tpu.memref_slice %arg3[%dma_wait3A_2397, %dma_wait3A_2398] : memref<16x1000000xf32, #tpu.memory_space<hbm>> -> memref<16x128xf32, #tpu.memory_space<hbm>>
      %dma_wait3A_2400 = arith.constant 0 : i32
      %dma_wait3A_2401 = arith.constant 0 : i32
      %dma_wait3A_2402 = tpu.memref_slice %arg10[%dma_wait3A_2392, %dma_wait3A_2400, %dma_wait3A_2401] : memref<8x16x128xf32, #tpu.memory_space<vmem>> -> memref<1x16x128xf32, #tpu.memory_space<vmem>>
      %dma_wait3A_2403 = tpu.memref_squeeze %dma_wait3A_2402 : memref<1x16x128xf32, #tpu.memory_space<vmem>> -> memref<16x128xf32, #tpu.memory_space<vmem>>
      %dma_wait3A_2404 = arith.constant 0 : i32
      %dma_wait3A_2405 = arith.constant 0 : i32
      %dma_wait3A_2406 = tpu.memref_slice %arg3[%dma_wait3A_2404, %dma_wait3A_2405] : memref<16x1000000xf32, #tpu.memory_space<hbm>> -> memref<16x128xf32, #tpu.memory_space<hbm>>
      tpu.wait_dma2 semaphore(%arg21 : memref<!tpu.dma_semaphore, #tpu.memory_space<semaphore_mem>>) src(%dma_wait3A_2406 : memref<16x128xf32, #tpu.memory_space<hbm>>) dst(%dma_wait3A_2403 : memref<16x128xf32, #tpu.memory_space<vmem>>)
      %dma_wait3A_2407 = arith.constant 5 : i32
      %dma_wait3A_2408 = arith.constant 0 : i32
      %dma_wait3A_2409 = arith.constant 0 : i32
      %dma_wait3A_2410 = tpu.memref_slice %arg11[%dma_wait3A_2407, %dma_wait3A_2408, %dma_wait3A_2409] : memref<8x32x128xf32, #tpu.memory_space<vmem>> -> memref<1x32x128xf32, #tpu.memory_space<vmem>>
      %dma_wait3A_2411 = tpu.memref_squeeze %dma_wait3A_2410 : memref<1x32x128xf32, #tpu.memory_space<vmem>> -> memref<32x128xf32, #tpu.memory_space<vmem>>
      %dma_wait3A_2412 = arith.constant 0 : i32
      %dma_wait3A_2413 = arith.constant 0 : i32
      %dma_wait3A_2414 = tpu.memref_slice %arg4[%dma_wait3A_2412, %dma_wait3A_2413] : memref<32x1000000xf32, #tpu.memory_space<hbm>> -> memref<32x128xf32, #tpu.memory_space<hbm>>
      %dma_wait3A_2415 = arith.constant 0 : i32
      %dma_wait3A_2416 = arith.constant 0 : i32
      %dma_wait3A_2417 = tpu.memref_slice %arg11[%dma_wait3A_2407, %dma_wait3A_2415, %dma_wait3A_2416] : memref<8x32x128xf32, #tpu.memory_space<vmem>> -> memref<1x32x128xf32, #tpu.memory_space<vmem>>
      %dma_wait3A_2418 = tpu.memref_squeeze %dma_wait3A_2417 : memref<1x32x128xf32, #tpu.memory_space<vmem>> -> memref<32x128xf32, #tpu.memory_space<vmem>>
      %dma_wait3A_2419 = arith.constant 0 : i32
      %dma_wait3A_2420 = arith.constant 0 : i32
      %dma_wait3A_2421 = tpu.memref_slice %arg4[%dma_wait3A_2419, %dma_wait3A_2420] : memref<32x1000000xf32, #tpu.memory_space<hbm>> -> memref<32x128xf32, #tpu.memory_space<hbm>>
      tpu.wait_dma2 semaphore(%arg21 : memref<!tpu.dma_semaphore, #tpu.memory_space<semaphore_mem>>) src(%dma_wait3A_2421 : memref<32x128xf32, #tpu.memory_space<hbm>>) dst(%dma_wait3A_2418 : memref<32x128xf32, #tpu.memory_space<vmem>>)
      %dma_wait3A_2422 = arith.constant 5 : i32
      %dma_wait3A_2423 = arith.constant 0 : i32
      %dma_wait3A_2424 = arith.constant 0 : i32
      %dma_wait3A_2425 = tpu.memref_slice %arg12[%dma_wait3A_2422, %dma_wait3A_2423, %dma_wait3A_2424] : memref<8x64x128xf32, #tpu.memory_space<vmem>> -> memref<1x64x128xf32, #tpu.memory_space<vmem>>
      %dma_wait3A_2426 = tpu.memref_squeeze %dma_wait3A_2425 : memref<1x64x128xf32, #tpu.memory_space<vmem>> -> memref<64x128xf32, #tpu.memory_space<vmem>>
      %dma_wait3A_2427 = arith.constant 0 : i32
      %dma_wait3A_2428 = arith.constant 0 : i32
      %dma_wait3A_2429 = tpu.memref_slice %arg5[%dma_wait3A_2427, %dma_wait3A_2428] : memref<64x1000000xf32, #tpu.memory_space<hbm>> -> memref<64x128xf32, #tpu.memory_space<hbm>>
      %dma_wait3A_2430 = arith.constant 0 : i32
      %dma_wait3A_2431 = arith.constant 0 : i32
      %dma_wait3A_2432 = tpu.memref_slice %arg12[%dma_wait3A_2422, %dma_wait3A_2430, %dma_wait3A_2431] : memref<8x64x128xf32, #tpu.memory_space<vmem>> -> memref<1x64x128xf32, #tpu.memory_space<vmem>>
      %dma_wait3A_2433 = tpu.memref_squeeze %dma_wait3A_2432 : memref<1x64x128xf32, #tpu.memory_space<vmem>> -> memref<64x128xf32, #tpu.memory_space<vmem>>
      %dma_wait3A_2434 = arith.constant 0 : i32
      %dma_wait3A_2435 = arith.constant 0 : i32
      %dma_wait3A_2436 = tpu.memref_slice %arg5[%dma_wait3A_2434, %dma_wait3A_2435] : memref<64x1000000xf32, #tpu.memory_space<hbm>> -> memref<64x128xf32, #tpu.memory_space<hbm>>
      tpu.wait_dma2 semaphore(%arg21 : memref<!tpu.dma_semaphore, #tpu.memory_space<semaphore_mem>>) src(%dma_wait3A_2436 : memref<64x128xf32, #tpu.memory_space<hbm>>) dst(%dma_wait3A_2433 : memref<64x128xf32, #tpu.memory_space<vmem>>)
      %slice3A_2437 = vector.extract_strided_slice %and3A_1038 {offsets = [5], sizes = [1], strides = [1]} : vector<16xi32> to vector<1xi32>
      %squeeze3A_2438 = vector.extract %slice3A_2437[0] : i32 from vector<1xi32>
      %sub3A_2439 = arith.constant 8 : i32
      %sub3A_2440 = arith.subi %add3A_2391, %sub3A_2439 : i32
      %jit3A_2441 = arith.constant 128 : i32
      %eq3A_2442 = arith.constant 0 : i32
      %eq3A_2443 = arith.cmpi eq, %jit3A_2441, %eq3A_2442 : i32
      %jit3A_2444 = arith.constant 1 : i32
      %select_n3A_2445 = arith.select %eq3A_2443, %jit3A_2444, %jit3A_2441 : i32
      %rem3A_2446 = arith.remsi %sub3A_2440, %select_n3A_2445 : i32
      %ne3A_2447 = arith.constant 0 : i32
      %ne3A_2448 = arith.cmpi ne, %rem3A_2446, %ne3A_2447 : i32
      %lt3A_2449 = arith.constant 0 : i32
      %lt3A_2450 = arith.cmpi slt, %rem3A_2446, %lt3A_2449 : i32
      %lt3A_2451 = arith.constant 0 : i32
      %lt3A_2452 = arith.cmpi slt, %select_n3A_2445, %lt3A_2451 : i32
      %ne3A_2453 = arith.xori %lt3A_2450, %lt3A_2452 : i1
      %and3A_2454 = arith.andi %ne3A_2453, %ne3A_2448 : i1
      %add3A_2455 = arith.addi %rem3A_2446, %select_n3A_2445 : i32
      %select_n3A_2456 = arith.select %and3A_2454, %add3A_2455, %rem3A_2446 : i32
      %broadcast_in_dim3A_2457 = vector.broadcast %squeeze3A_2438 : i32 to vector<16xi32>
      %broadcast_in_dim3A_2458 = vector.broadcast %select_n3A_2456 : i32 to vector<16xi32>
      %gather3A_2459 = arith.constant 5 : i32
      %gather3A_2460 = arith.constant 0 : i32
      %gather3A_2461 = arith.constant 0 : i32
      %gather3A_2462 = tpu.memref_slice %arg10[%gather3A_2459, %gather3A_2460, %gather3A_2461] : memref<8x16x128xf32, #tpu.memory_space<vmem>> -> memref<1x16x128xf32, #tpu.memory_space<vmem>>
      %gather3A_2463 = tpu.memref_squeeze %gather3A_2462 : memref<1x16x128xf32, #tpu.memory_space<vmem>> -> memref<16x128xf32, #tpu.memory_space<vmem>>
      %gather3A_2464 = tpu.vector_load_idx %gather3A_2463[%iota3A, %broadcast_in_dim3A_2457] : memref<16x128xf32, #tpu.memory_space<vmem>>[vector<16xi32>, vector<16xi32>], vector<16xf32>,
      tpu.vector_store_idx %arg13[%iota3A, %broadcast_in_dim3A_2458], %gather3A_2464 : memref<16x128xf32, #tpu.memory_space<vmem>>[vector<16xi32>, vector<16xi32>], vector<16xf32>,
      %add3A_2465 = arith.constant 0 : i32
      %add3A_2466 = vector.broadcast %add3A_2465 : i32 to vector<16xi32>
      %add3A_2467 = arith.addi %iota3A, %add3A_2466 : vector<16xi32>
      %gather3A_2468 = arith.constant 5 : i32
      %gather3A_2469 = arith.constant 0 : i32
      %gather3A_2470 = arith.constant 0 : i32
      %gather3A_2471 = tpu.memref_slice %arg11[%gather3A_2468, %gather3A_2469, %gather3A_2470] : memref<8x32x128xf32, #tpu.memory_space<vmem>> -> memref<1x32x128xf32, #tpu.memory_space<vmem>>
      %gather3A_2472 = tpu.memref_squeeze %gather3A_2471 : memref<1x32x128xf32, #tpu.memory_space<vmem>> -> memref<32x128xf32, #tpu.memory_space<vmem>>
      %gather3A_2473 = tpu.vector_load_idx %gather3A_2472[%add3A_2467, %broadcast_in_dim3A_2457] : memref<32x128xf32, #tpu.memory_space<vmem>>[vector<16xi32>, vector<16xi32>], vector<16xf32>,
      %add3A_2474 = arith.constant 0 : i32
      %add3A_2475 = vector.broadcast %add3A_2474 : i32 to vector<16xi32>
      %add3A_2476 = arith.addi %iota3A, %add3A_2475 : vector<16xi32>
      tpu.vector_store_idx %arg14[%add3A_2476, %broadcast_in_dim3A_2458], %gather3A_2473 : memref<32x128xf32, #tpu.memory_space<vmem>>[vector<16xi32>, vector<16xi32>], vector<16xf32>,
      %add3A_2477 = arith.constant 16 : i32
      %add3A_2478 = vector.broadcast %add3A_2477 : i32 to vector<16xi32>
      %add3A_2479 = arith.addi %iota3A, %add3A_2478 : vector<16xi32>
      %gather3A_2480 = arith.constant 5 : i32
      %gather3A_2481 = arith.constant 0 : i32
      %gather3A_2482 = arith.constant 0 : i32
      %gather3A_2483 = tpu.memref_slice %arg11[%gather3A_2480, %gather3A_2481, %gather3A_2482] : memref<8x32x128xf32, #tpu.memory_space<vmem>> -> memref<1x32x128xf32, #tpu.memory_space<vmem>>
      %gather3A_2484 = tpu.memref_squeeze %gather3A_2483 : memref<1x32x128xf32, #tpu.memory_space<vmem>> -> memref<32x128xf32, #tpu.memory_space<vmem>>
      %gather3A_2485 = tpu.vector_load_idx %gather3A_2484[%add3A_2479, %broadcast_in_dim3A_2457] : memref<32x128xf32, #tpu.memory_space<vmem>>[vector<16xi32>, vector<16xi32>], vector<16xf32>,
      %add3A_2486 = arith.constant 16 : i32
      %add3A_2487 = vector.broadcast %add3A_2486 : i32 to vector<16xi32>
      %add3A_2488 = arith.addi %iota3A, %add3A_2487 : vector<16xi32>
      tpu.vector_store_idx %arg14[%add3A_2488, %broadcast_in_dim3A_2458], %gather3A_2485 : memref<32x128xf32, #tpu.memory_space<vmem>>[vector<16xi32>, vector<16xi32>], vector<16xf32>,
      %add3A_2489 = arith.constant 0 : i32
      %add3A_2490 = vector.broadcast %add3A_2489 : i32 to vector<16xi32>
      %add3A_2491 = arith.addi %iota3A, %add3A_2490 : vector<16xi32>
      %gather3A_2492 = arith.constant 5 : i32
      %gather3A_2493 = arith.constant 0 : i32
      %gather3A_2494 = arith.constant 0 : i32
      %gather3A_2495 = tpu.memref_slice %arg12[%gather3A_2492, %gather3A_2493, %gather3A_2494] : memref<8x64x128xf32, #tpu.memory_space<vmem>> -> memref<1x64x128xf32, #tpu.memory_space<vmem>>
      %gather3A_2496 = tpu.memref_squeeze %gather3A_2495 : memref<1x64x128xf32, #tpu.memory_space<vmem>> -> memref<64x128xf32, #tpu.memory_space<vmem>>
      %gather3A_2497 = tpu.vector_load_idx %gather3A_2496[%add3A_2491, %broadcast_in_dim3A_2457] : memref<64x128xf32, #tpu.memory_space<vmem>>[vector<16xi32>, vector<16xi32>], vector<16xf32>,
      %add3A_2498 = arith.constant 0 : i32
      %add3A_2499 = vector.broadcast %add3A_2498 : i32 to vector<16xi32>
      %add3A_2500 = arith.addi %iota3A, %add3A_2499 : vector<16xi32>
      tpu.vector_store_idx %arg15[%add3A_2500, %broadcast_in_dim3A_2458], %gather3A_2497 : memref<64x128xf32, #tpu.memory_space<vmem>>[vector<16xi32>, vector<16xi32>], vector<16xf32>,
      %add3A_2501 = arith.constant 16 : i32
      %add3A_2502 = vector.broadcast %add3A_2501 : i32 to vector<16xi32>
      %add3A_2503 = arith.addi %iota3A, %add3A_2502 : vector<16xi32>
      %gather3A_2504 = arith.constant 5 : i32
      %gather3A_2505 = arith.constant 0 : i32
      %gather3A_2506 = arith.constant 0 : i32
      %gather3A_2507 = tpu.memref_slice %arg12[%gather3A_2504, %gather3A_2505, %gather3A_2506] : memref<8x64x128xf32, #tpu.memory_space<vmem>> -> memref<1x64x128xf32, #tpu.memory_space<vmem>>
      %gather3A_2508 = tpu.memref_squeeze %gather3A_2507 : memref<1x64x128xf32, #tpu.memory_space<vmem>> -> memref<64x128xf32, #tpu.memory_space<vmem>>
      %gather3A_2509 = tpu.vector_load_idx %gather3A_2508[%add3A_2503, %broadcast_in_dim3A_2457] : memref<64x128xf32, #tpu.memory_space<vmem>>[vector<16xi32>, vector<16xi32>], vector<16xf32>,
      %add3A_2510 = arith.constant 16 : i32
      %add3A_2511 = vector.broadcast %add3A_2510 : i32 to vector<16xi32>
      %add3A_2512 = arith.addi %iota3A, %add3A_2511 : vector<16xi32>
      tpu.vector_store_idx %arg15[%add3A_2512, %broadcast_in_dim3A_2458], %gather3A_2509 : memref<64x128xf32, #tpu.memory_space<vmem>>[vector<16xi32>, vector<16xi32>], vector<16xf32>,
      %add3A_2513 = arith.constant 32 : i32
      %add3A_2514 = vector.broadcast %add3A_2513 : i32 to vector<16xi32>
      %add3A_2515 = arith.addi %iota3A, %add3A_2514 : vector<16xi32>
      %gather3A_2516 = arith.constant 5 : i32
      %gather3A_2517 = arith.constant 0 : i32
      %gather3A_2518 = arith.constant 0 : i32
      %gather3A_2519 = tpu.memref_slice %arg12[%gather3A_2516, %gather3A_2517, %gather3A_2518] : memref<8x64x128xf32, #tpu.memory_space<vmem>> -> memref<1x64x128xf32, #tpu.memory_space<vmem>>
      %gather3A_2520 = tpu.memref_squeeze %gather3A_2519 : memref<1x64x128xf32, #tpu.memory_space<vmem>> -> memref<64x128xf32, #tpu.memory_space<vmem>>
      %gather3A_2521 = tpu.vector_load_idx %gather3A_2520[%add3A_2515, %broadcast_in_dim3A_2457] : memref<64x128xf32, #tpu.memory_space<vmem>>[vector<16xi32>, vector<16xi32>], vector<16xf32>,
      %add3A_2522 = arith.constant 32 : i32
      %add3A_2523 = vector.broadcast %add3A_2522 : i32 to vector<16xi32>
      %add3A_2524 = arith.addi %iota3A, %add3A_2523 : vector<16xi32>
      tpu.vector_store_idx %arg15[%add3A_2524, %broadcast_in_dim3A_2458], %gather3A_2521 : memref<64x128xf32, #tpu.memory_space<vmem>>[vector<16xi32>, vector<16xi32>], vector<16xf32>,
      %add3A_2525 = arith.constant 48 : i32
      %add3A_2526 = vector.broadcast %add3A_2525 : i32 to vector<16xi32>
      %add3A_2527 = arith.addi %iota3A, %add3A_2526 : vector<16xi32>
      %gather3A_2528 = arith.constant 5 : i32
      %gather3A_2529 = arith.constant 0 : i32
      %gather3A_2530 = arith.constant 0 : i32
      %gather3A_2531 = tpu.memref_slice %arg12[%gather3A_2528, %gather3A_2529, %gather3A_2530] : memref<8x64x128xf32, #tpu.memory_space<vmem>> -> memref<1x64x128xf32, #tpu.memory_space<vmem>>
      %gather3A_2532 = tpu.memref_squeeze %gather3A_2531 : memref<1x64x128xf32, #tpu.memory_space<vmem>> -> memref<64x128xf32, #tpu.memory_space<vmem>>
      %gather3A_2533 = tpu.vector_load_idx %gather3A_2532[%add3A_2527, %broadcast_in_dim3A_2457] : memref<64x128xf32, #tpu.memory_space<vmem>>[vector<16xi32>, vector<16xi32>], vector<16xf32>,
      %add3A_2534 = arith.constant 48 : i32
      %add3A_2535 = vector.broadcast %add3A_2534 : i32 to vector<16xi32>
      %add3A_2536 = arith.addi %iota3A, %add3A_2535 : vector<16xi32>
      tpu.vector_store_idx %arg15[%add3A_2536, %broadcast_in_dim3A_2458], %gather3A_2533 : memref<64x128xf32, #tpu.memory_space<vmem>>[vector<16xi32>, vector<16xi32>], vector<16xf32>,
      %slice3A_2537 = vector.extract_strided_slice %sub3A {offsets = [13], sizes = [1], strides = [1]} : vector<16xi32> to vector<1xi32>
      %squeeze3A_2538 = vector.extract %slice3A_2537[0] : i32 from vector<1xi32>
      %multiple_of3A_2539 = tpu.assume_multiple %squeeze3A_2538, 128 : i32
      %dma_start3A_2540 = arith.constant 5 : i32
      %dma_start3A_2541 = arith.constant 0 : i32
      %dma_start3A_2542 = arith.constant 0 : i32
      %dma_start3A_2543 = tpu.memref_slice %arg10[%dma_start3A_2540, %dma_start3A_2541, %dma_start3A_2542] : memref<8x16x128xf32, #tpu.memory_space<vmem>> -> memref<1x16x128xf32, #tpu.memory_space<vmem>>
      %dma_start3A_2544 = tpu.memref_squeeze %dma_start3A_2543 : memref<1x16x128xf32, #tpu.memory_space<vmem>> -> memref<16x128xf32, #tpu.memory_space<vmem>>
      %dma_start3A_2545 = arith.constant 0 : i32
      %dma_start3A_2546 = tpu.memref_slice %arg3[%dma_start3A_2545, %multiple_of3A_2539] : memref<16x1000000xf32, #tpu.memory_space<hbm>> -> memref<16x128xf32, #tpu.memory_space<hbm>>
      %dma_start3A_2547 = arith.constant 0 : i32
      %dma_start3A_2548 = arith.constant 0 : i32
      %dma_start3A_2549 = tpu.memref_slice %arg10[%dma_start3A_2540, %dma_start3A_2547, %dma_start3A_2548] : memref<8x16x128xf32, #tpu.memory_space<vmem>> -> memref<1x16x128xf32, #tpu.memory_space<vmem>>
      %dma_start3A_2550 = tpu.memref_squeeze %dma_start3A_2549 : memref<1x16x128xf32, #tpu.memory_space<vmem>> -> memref<16x128xf32, #tpu.memory_space<vmem>>
      %dma_start3A_2551 = arith.constant 0 : i32
      %dma_start3A_2552 = tpu.memref_slice %arg3[%dma_start3A_2551, %multiple_of3A_2539] : memref<16x1000000xf32, #tpu.memory_space<hbm>> -> memref<16x128xf32, #tpu.memory_space<hbm>>
      tpu.enqueue_dma source(%dma_start3A_2552 : memref<16x128xf32, #tpu.memory_space<hbm>>) target(%dma_start3A_2550 : memref<16x128xf32, #tpu.memory_space<vmem>>) target_semaphore(%arg21 : memref<!tpu.dma_semaphore, #tpu.memory_space<semaphore_mem>>)
      %dma_start3A_2553 = arith.constant 5 : i32
      %dma_start3A_2554 = arith.constant 0 : i32
      %dma_start3A_2555 = arith.constant 0 : i32
      %dma_start3A_2556 = tpu.memref_slice %arg11[%dma_start3A_2553, %dma_start3A_2554, %dma_start3A_2555] : memref<8x32x128xf32, #tpu.memory_space<vmem>> -> memref<1x32x128xf32, #tpu.memory_space<vmem>>
      %dma_start3A_2557 = tpu.memref_squeeze %dma_start3A_2556 : memref<1x32x128xf32, #tpu.memory_space<vmem>> -> memref<32x128xf32, #tpu.memory_space<vmem>>
      %dma_start3A_2558 = arith.constant 0 : i32
      %dma_start3A_2559 = tpu.memref_slice %arg4[%dma_start3A_2558, %multiple_of3A_2539] : memref<32x1000000xf32, #tpu.memory_space<hbm>> -> memref<32x128xf32, #tpu.memory_space<hbm>>
      %dma_start3A_2560 = arith.constant 0 : i32
      %dma_start3A_2561 = arith.constant 0 : i32
      %dma_start3A_2562 = tpu.memref_slice %arg11[%dma_start3A_2553, %dma_start3A_2560, %dma_start3A_2561] : memref<8x32x128xf32, #tpu.memory_space<vmem>> -> memref<1x32x128xf32, #tpu.memory_space<vmem>>
      %dma_start3A_2563 = tpu.memref_squeeze %dma_start3A_2562 : memref<1x32x128xf32, #tpu.memory_space<vmem>> -> memref<32x128xf32, #tpu.memory_space<vmem>>
      %dma_start3A_2564 = arith.constant 0 : i32
      %dma_start3A_2565 = tpu.memref_slice %arg4[%dma_start3A_2564, %multiple_of3A_2539] : memref<32x1000000xf32, #tpu.memory_space<hbm>> -> memref<32x128xf32, #tpu.memory_space<hbm>>
      tpu.enqueue_dma source(%dma_start3A_2565 : memref<32x128xf32, #tpu.memory_space<hbm>>) target(%dma_start3A_2563 : memref<32x128xf32, #tpu.memory_space<vmem>>) target_semaphore(%arg21 : memref<!tpu.dma_semaphore, #tpu.memory_space<semaphore_mem>>)
      %dma_start3A_2566 = arith.constant 5 : i32
      %dma_start3A_2567 = arith.constant 0 : i32
      %dma_start3A_2568 = arith.constant 0 : i32
      %dma_start3A_2569 = tpu.memref_slice %arg12[%dma_start3A_2566, %dma_start3A_2567, %dma_start3A_2568] : memref<8x64x128xf32, #tpu.memory_space<vmem>> -> memref<1x64x128xf32, #tpu.memory_space<vmem>>
      %dma_start3A_2570 = tpu.memref_squeeze %dma_start3A_2569 : memref<1x64x128xf32, #tpu.memory_space<vmem>> -> memref<64x128xf32, #tpu.memory_space<vmem>>
      %dma_start3A_2571 = arith.constant 0 : i32
      %dma_start3A_2572 = tpu.memref_slice %arg5[%dma_start3A_2571, %multiple_of3A_2539] : memref<64x1000000xf32, #tpu.memory_space<hbm>> -> memref<64x128xf32, #tpu.memory_space<hbm>>
      %dma_start3A_2573 = arith.constant 0 : i32
      %dma_start3A_2574 = arith.constant 0 : i32
      %dma_start3A_2575 = tpu.memref_slice %arg12[%dma_start3A_2566, %dma_start3A_2573, %dma_start3A_2574] : memref<8x64x128xf32, #tpu.memory_space<vmem>> -> memref<1x64x128xf32, #tpu.memory_space<vmem>>
      %dma_start3A_2576 = tpu.memref_squeeze %dma_start3A_2575 : memref<1x64x128xf32, #tpu.memory_space<vmem>> -> memref<64x128xf32, #tpu.memory_space<vmem>>
      %dma_start3A_2577 = arith.constant 0 : i32
      %dma_start3A_2578 = tpu.memref_slice %arg5[%dma_start3A_2577, %multiple_of3A_2539] : memref<64x1000000xf32, #tpu.memory_space<hbm>> -> memref<64x128xf32, #tpu.memory_space<hbm>>
      tpu.enqueue_dma source(%dma_start3A_2578 : memref<64x128xf32, #tpu.memory_space<hbm>>) target(%dma_start3A_2576 : memref<64x128xf32, #tpu.memory_space<vmem>>) target_semaphore(%arg21 : memref<!tpu.dma_semaphore, #tpu.memory_space<semaphore_mem>>)
      %add3A_2579 = arith.constant 14 : i32
      %add3A_2580 = arith.addi %mul3A_1035, %add3A_2579 : i32
      %dma_wait3A_2581 = arith.constant 6 : i32
      %dma_wait3A_2582 = arith.constant 0 : i32
      %dma_wait3A_2583 = arith.constant 0 : i32
      %dma_wait3A_2584 = tpu.memref_slice %arg10[%dma_wait3A_2581, %dma_wait3A_2582, %dma_wait3A_2583] : memref<8x16x128xf32, #tpu.memory_space<vmem>> -> memref<1x16x128xf32, #tpu.memory_space<vmem>>
      %dma_wait3A_2585 = tpu.memref_squeeze %dma_wait3A_2584 : memref<1x16x128xf32, #tpu.memory_space<vmem>> -> memref<16x128xf32, #tpu.memory_space<vmem>>
      %dma_wait3A_2586 = arith.constant 0 : i32
      %dma_wait3A_2587 = arith.constant 0 : i32
      %dma_wait3A_2588 = tpu.memref_slice %arg3[%dma_wait3A_2586, %dma_wait3A_2587] : memref<16x1000000xf32, #tpu.memory_space<hbm>> -> memref<16x128xf32, #tpu.memory_space<hbm>>
      %dma_wait3A_2589 = arith.constant 0 : i32
      %dma_wait3A_2590 = arith.constant 0 : i32
      %dma_wait3A_2591 = tpu.memref_slice %arg10[%dma_wait3A_2581, %dma_wait3A_2589, %dma_wait3A_2590] : memref<8x16x128xf32, #tpu.memory_space<vmem>> -> memref<1x16x128xf32, #tpu.memory_space<vmem>>
      %dma_wait3A_2592 = tpu.memref_squeeze %dma_wait3A_2591 : memref<1x16x128xf32, #tpu.memory_space<vmem>> -> memref<16x128xf32, #tpu.memory_space<vmem>>
      %dma_wait3A_2593 = arith.constant 0 : i32
      %dma_wait3A_2594 = arith.constant 0 : i32
      %dma_wait3A_2595 = tpu.memref_slice %arg3[%dma_wait3A_2593, %dma_wait3A_2594] : memref<16x1000000xf32, #tpu.memory_space<hbm>> -> memref<16x128xf32, #tpu.memory_space<hbm>>
      tpu.wait_dma2 semaphore(%arg22 : memref<!tpu.dma_semaphore, #tpu.memory_space<semaphore_mem>>) src(%dma_wait3A_2595 : memref<16x128xf32, #tpu.memory_space<hbm>>) dst(%dma_wait3A_2592 : memref<16x128xf32, #tpu.memory_space<vmem>>)
      %dma_wait3A_2596 = arith.constant 6 : i32
      %dma_wait3A_2597 = arith.constant 0 : i32
      %dma_wait3A_2598 = arith.constant 0 : i32
      %dma_wait3A_2599 = tpu.memref_slice %arg11[%dma_wait3A_2596, %dma_wait3A_2597, %dma_wait3A_2598] : memref<8x32x128xf32, #tpu.memory_space<vmem>> -> memref<1x32x128xf32, #tpu.memory_space<vmem>>
      %dma_wait3A_2600 = tpu.memref_squeeze %dma_wait3A_2599 : memref<1x32x128xf32, #tpu.memory_space<vmem>> -> memref<32x128xf32, #tpu.memory_space<vmem>>
      %dma_wait3A_2601 = arith.constant 0 : i32
      %dma_wait3A_2602 = arith.constant 0 : i32
      %dma_wait3A_2603 = tpu.memref_slice %arg4[%dma_wait3A_2601, %dma_wait3A_2602] : memref<32x1000000xf32, #tpu.memory_space<hbm>> -> memref<32x128xf32, #tpu.memory_space<hbm>>
      %dma_wait3A_2604 = arith.constant 0 : i32
      %dma_wait3A_2605 = arith.constant 0 : i32
      %dma_wait3A_2606 = tpu.memref_slice %arg11[%dma_wait3A_2596, %dma_wait3A_2604, %dma_wait3A_2605] : memref<8x32x128xf32, #tpu.memory_space<vmem>> -> memref<1x32x128xf32, #tpu.memory_space<vmem>>
      %dma_wait3A_2607 = tpu.memref_squeeze %dma_wait3A_2606 : memref<1x32x128xf32, #tpu.memory_space<vmem>> -> memref<32x128xf32, #tpu.memory_space<vmem>>
      %dma_wait3A_2608 = arith.constant 0 : i32
      %dma_wait3A_2609 = arith.constant 0 : i32
      %dma_wait3A_2610 = tpu.memref_slice %arg4[%dma_wait3A_2608, %dma_wait3A_2609] : memref<32x1000000xf32, #tpu.memory_space<hbm>> -> memref<32x128xf32, #tpu.memory_space<hbm>>
      tpu.wait_dma2 semaphore(%arg22 : memref<!tpu.dma_semaphore, #tpu.memory_space<semaphore_mem>>) src(%dma_wait3A_2610 : memref<32x128xf32, #tpu.memory_space<hbm>>) dst(%dma_wait3A_2607 : memref<32x128xf32, #tpu.memory_space<vmem>>)
      %dma_wait3A_2611 = arith.constant 6 : i32
      %dma_wait3A_2612 = arith.constant 0 : i32
      %dma_wait3A_2613 = arith.constant 0 : i32
      %dma_wait3A_2614 = tpu.memref_slice %arg12[%dma_wait3A_2611, %dma_wait3A_2612, %dma_wait3A_2613] : memref<8x64x128xf32, #tpu.memory_space<vmem>> -> memref<1x64x128xf32, #tpu.memory_space<vmem>>
      %dma_wait3A_2615 = tpu.memref_squeeze %dma_wait3A_2614 : memref<1x64x128xf32, #tpu.memory_space<vmem>> -> memref<64x128xf32, #tpu.memory_space<vmem>>
      %dma_wait3A_2616 = arith.constant 0 : i32
      %dma_wait3A_2617 = arith.constant 0 : i32
      %dma_wait3A_2618 = tpu.memref_slice %arg5[%dma_wait3A_2616, %dma_wait3A_2617] : memref<64x1000000xf32, #tpu.memory_space<hbm>> -> memref<64x128xf32, #tpu.memory_space<hbm>>
      %dma_wait3A_2619 = arith.constant 0 : i32
      %dma_wait3A_2620 = arith.constant 0 : i32
      %dma_wait3A_2621 = tpu.memref_slice %arg12[%dma_wait3A_2611, %dma_wait3A_2619, %dma_wait3A_2620] : memref<8x64x128xf32, #tpu.memory_space<vmem>> -> memref<1x64x128xf32, #tpu.memory_space<vmem>>
      %dma_wait3A_2622 = tpu.memref_squeeze %dma_wait3A_2621 : memref<1x64x128xf32, #tpu.memory_space<vmem>> -> memref<64x128xf32, #tpu.memory_space<vmem>>
      %dma_wait3A_2623 = arith.constant 0 : i32
      %dma_wait3A_2624 = arith.constant 0 : i32
      %dma_wait3A_2625 = tpu.memref_slice %arg5[%dma_wait3A_2623, %dma_wait3A_2624] : memref<64x1000000xf32, #tpu.memory_space<hbm>> -> memref<64x128xf32, #tpu.memory_space<hbm>>
      tpu.wait_dma2 semaphore(%arg22 : memref<!tpu.dma_semaphore, #tpu.memory_space<semaphore_mem>>) src(%dma_wait3A_2625 : memref<64x128xf32, #tpu.memory_space<hbm>>) dst(%dma_wait3A_2622 : memref<64x128xf32, #tpu.memory_space<vmem>>)
      %slice3A_2626 = vector.extract_strided_slice %and3A_1038 {offsets = [6], sizes = [1], strides = [1]} : vector<16xi32> to vector<1xi32>
      %squeeze3A_2627 = vector.extract %slice3A_2626[0] : i32 from vector<1xi32>
      %sub3A_2628 = arith.constant 8 : i32
      %sub3A_2629 = arith.subi %add3A_2580, %sub3A_2628 : i32
      %jit3A_2630 = arith.constant 128 : i32
      %eq3A_2631 = arith.constant 0 : i32
      %eq3A_2632 = arith.cmpi eq, %jit3A_2630, %eq3A_2631 : i32
      %jit3A_2633 = arith.constant 1 : i32
      %select_n3A_2634 = arith.select %eq3A_2632, %jit3A_2633, %jit3A_2630 : i32
      %rem3A_2635 = arith.remsi %sub3A_2629, %select_n3A_2634 : i32
      %ne3A_2636 = arith.constant 0 : i32
      %ne3A_2637 = arith.cmpi ne, %rem3A_2635, %ne3A_2636 : i32
      %lt3A_2638 = arith.constant 0 : i32
      %lt3A_2639 = arith.cmpi slt, %rem3A_2635, %lt3A_2638 : i32
      %lt3A_2640 = arith.constant 0 : i32
      %lt3A_2641 = arith.cmpi slt, %select_n3A_2634, %lt3A_2640 : i32
      %ne3A_2642 = arith.xori %lt3A_2639, %lt3A_2641 : i1
      %and3A_2643 = arith.andi %ne3A_2642, %ne3A_2637 : i1
      %add3A_2644 = arith.addi %rem3A_2635, %select_n3A_2634 : i32
      %select_n3A_2645 = arith.select %and3A_2643, %add3A_2644, %rem3A_2635 : i32
      %broadcast_in_dim3A_2646 = vector.broadcast %squeeze3A_2627 : i32 to vector<16xi32>
      %broadcast_in_dim3A_2647 = vector.broadcast %select_n3A_2645 : i32 to vector<16xi32>
      %gather3A_2648 = arith.constant 6 : i32
      %gather3A_2649 = arith.constant 0 : i32
      %gather3A_2650 = arith.constant 0 : i32
      %gather3A_2651 = tpu.memref_slice %arg10[%gather3A_2648, %gather3A_2649, %gather3A_2650] : memref<8x16x128xf32, #tpu.memory_space<vmem>> -> memref<1x16x128xf32, #tpu.memory_space<vmem>>
      %gather3A_2652 = tpu.memref_squeeze %gather3A_2651 : memref<1x16x128xf32, #tpu.memory_space<vmem>> -> memref<16x128xf32, #tpu.memory_space<vmem>>
      %gather3A_2653 = tpu.vector_load_idx %gather3A_2652[%iota3A, %broadcast_in_dim3A_2646] : memref<16x128xf32, #tpu.memory_space<vmem>>[vector<16xi32>, vector<16xi32>], vector<16xf32>,
      tpu.vector_store_idx %arg13[%iota3A, %broadcast_in_dim3A_2647], %gather3A_2653 : memref<16x128xf32, #tpu.memory_space<vmem>>[vector<16xi32>, vector<16xi32>], vector<16xf32>,
      %add3A_2654 = arith.constant 0 : i32
      %add3A_2655 = vector.broadcast %add3A_2654 : i32 to vector<16xi32>
      %add3A_2656 = arith.addi %iota3A, %add3A_2655 : vector<16xi32>
      %gather3A_2657 = arith.constant 6 : i32
      %gather3A_2658 = arith.constant 0 : i32
      %gather3A_2659 = arith.constant 0 : i32
      %gather3A_2660 = tpu.memref_slice %arg11[%gather3A_2657, %gather3A_2658, %gather3A_2659] : memref<8x32x128xf32, #tpu.memory_space<vmem>> -> memref<1x32x128xf32, #tpu.memory_space<vmem>>
      %gather3A_2661 = tpu.memref_squeeze %gather3A_2660 : memref<1x32x128xf32, #tpu.memory_space<vmem>> -> memref<32x128xf32, #tpu.memory_space<vmem>>
      %gather3A_2662 = tpu.vector_load_idx %gather3A_2661[%add3A_2656, %broadcast_in_dim3A_2646] : memref<32x128xf32, #tpu.memory_space<vmem>>[vector<16xi32>, vector<16xi32>], vector<16xf32>,
      %add3A_2663 = arith.constant 0 : i32
      %add3A_2664 = vector.broadcast %add3A_2663 : i32 to vector<16xi32>
      %add3A_2665 = arith.addi %iota3A, %add3A_2664 : vector<16xi32>
      tpu.vector_store_idx %arg14[%add3A_2665, %broadcast_in_dim3A_2647], %gather3A_2662 : memref<32x128xf32, #tpu.memory_space<vmem>>[vector<16xi32>, vector<16xi32>], vector<16xf32>,
      %add3A_2666 = arith.constant 16 : i32
      %add3A_2667 = vector.broadcast %add3A_2666 : i32 to vector<16xi32>
      %add3A_2668 = arith.addi %iota3A, %add3A_2667 : vector<16xi32>
      %gather3A_2669 = arith.constant 6 : i32
      %gather3A_2670 = arith.constant 0 : i32
      %gather3A_2671 = arith.constant 0 : i32
      %gather3A_2672 = tpu.memref_slice %arg11[%gather3A_2669, %gather3A_2670, %gather3A_2671] : memref<8x32x128xf32, #tpu.memory_space<vmem>> -> memref<1x32x128xf32, #tpu.memory_space<vmem>>
      %gather3A_2673 = tpu.memref_squeeze %gather3A_2672 : memref<1x32x128xf32, #tpu.memory_space<vmem>> -> memref<32x128xf32, #tpu.memory_space<vmem>>
      %gather3A_2674 = tpu.vector_load_idx %gather3A_2673[%add3A_2668, %broadcast_in_dim3A_2646] : memref<32x128xf32, #tpu.memory_space<vmem>>[vector<16xi32>, vector<16xi32>], vector<16xf32>,
      %add3A_2675 = arith.constant 16 : i32
      %add3A_2676 = vector.broadcast %add3A_2675 : i32 to vector<16xi32>
      %add3A_2677 = arith.addi %iota3A, %add3A_2676 : vector<16xi32>
      tpu.vector_store_idx %arg14[%add3A_2677, %broadcast_in_dim3A_2647], %gather3A_2674 : memref<32x128xf32, #tpu.memory_space<vmem>>[vector<16xi32>, vector<16xi32>], vector<16xf32>,
      %add3A_2678 = arith.constant 0 : i32
      %add3A_2679 = vector.broadcast %add3A_2678 : i32 to vector<16xi32>
      %add3A_2680 = arith.addi %iota3A, %add3A_2679 : vector<16xi32>
      %gather3A_2681 = arith.constant 6 : i32
      %gather3A_2682 = arith.constant 0 : i32
      %gather3A_2683 = arith.constant 0 : i32
      %gather3A_2684 = tpu.memref_slice %arg12[%gather3A_2681, %gather3A_2682, %gather3A_2683] : memref<8x64x128xf32, #tpu.memory_space<vmem>> -> memref<1x64x128xf32, #tpu.memory_space<vmem>>
      %gather3A_2685 = tpu.memref_squeeze %gather3A_2684 : memref<1x64x128xf32, #tpu.memory_space<vmem>> -> memref<64x128xf32, #tpu.memory_space<vmem>>
      %gather3A_2686 = tpu.vector_load_idx %gather3A_2685[%add3A_2680, %broadcast_in_dim3A_2646] : memref<64x128xf32, #tpu.memory_space<vmem>>[vector<16xi32>, vector<16xi32>], vector<16xf32>,
      %add3A_2687 = arith.constant 0 : i32
      %add3A_2688 = vector.broadcast %add3A_2687 : i32 to vector<16xi32>
      %add3A_2689 = arith.addi %iota3A, %add3A_2688 : vector<16xi32>
      tpu.vector_store_idx %arg15[%add3A_2689, %broadcast_in_dim3A_2647], %gather3A_2686 : memref<64x128xf32, #tpu.memory_space<vmem>>[vector<16xi32>, vector<16xi32>], vector<16xf32>,
      %add3A_2690 = arith.constant 16 : i32
      %add3A_2691 = vector.broadcast %add3A_2690 : i32 to vector<16xi32>
      %add3A_2692 = arith.addi %iota3A, %add3A_2691 : vector<16xi32>
      %gather3A_2693 = arith.constant 6 : i32
      %gather3A_2694 = arith.constant 0 : i32
      %gather3A_2695 = arith.constant 0 : i32
      %gather3A_2696 = tpu.memref_slice %arg12[%gather3A_2693, %gather3A_2694, %gather3A_2695] : memref<8x64x128xf32, #tpu.memory_space<vmem>> -> memref<1x64x128xf32, #tpu.memory_space<vmem>>
      %gather3A_2697 = tpu.memref_squeeze %gather3A_2696 : memref<1x64x128xf32, #tpu.memory_space<vmem>> -> memref<64x128xf32, #tpu.memory_space<vmem>>
      %gather3A_2698 = tpu.vector_load_idx %gather3A_2697[%add3A_2692, %broadcast_in_dim3A_2646] : memref<64x128xf32, #tpu.memory_space<vmem>>[vector<16xi32>, vector<16xi32>], vector<16xf32>,
      %add3A_2699 = arith.constant 16 : i32
      %add3A_2700 = vector.broadcast %add3A_2699 : i32 to vector<16xi32>
      %add3A_2701 = arith.addi %iota3A, %add3A_2700 : vector<16xi32>
      tpu.vector_store_idx %arg15[%add3A_2701, %broadcast_in_dim3A_2647], %gather3A_2698 : memref<64x128xf32, #tpu.memory_space<vmem>>[vector<16xi32>, vector<16xi32>], vector<16xf32>,
      %add3A_2702 = arith.constant 32 : i32
      %add3A_2703 = vector.broadcast %add3A_2702 : i32 to vector<16xi32>
      %add3A_2704 = arith.addi %iota3A, %add3A_2703 : vector<16xi32>
      %gather3A_2705 = arith.constant 6 : i32
      %gather3A_2706 = arith.constant 0 : i32
      %gather3A_2707 = arith.constant 0 : i32
      %gather3A_2708 = tpu.memref_slice %arg12[%gather3A_2705, %gather3A_2706, %gather3A_2707] : memref<8x64x128xf32, #tpu.memory_space<vmem>> -> memref<1x64x128xf32, #tpu.memory_space<vmem>>
      %gather3A_2709 = tpu.memref_squeeze %gather3A_2708 : memref<1x64x128xf32, #tpu.memory_space<vmem>> -> memref<64x128xf32, #tpu.memory_space<vmem>>
      %gather3A_2710 = tpu.vector_load_idx %gather3A_2709[%add3A_2704, %broadcast_in_dim3A_2646] : memref<64x128xf32, #tpu.memory_space<vmem>>[vector<16xi32>, vector<16xi32>], vector<16xf32>,
      %add3A_2711 = arith.constant 32 : i32
      %add3A_2712 = vector.broadcast %add3A_2711 : i32 to vector<16xi32>
      %add3A_2713 = arith.addi %iota3A, %add3A_2712 : vector<16xi32>
      tpu.vector_store_idx %arg15[%add3A_2713, %broadcast_in_dim3A_2647], %gather3A_2710 : memref<64x128xf32, #tpu.memory_space<vmem>>[vector<16xi32>, vector<16xi32>], vector<16xf32>,
      %add3A_2714 = arith.constant 48 : i32
      %add3A_2715 = vector.broadcast %add3A_2714 : i32 to vector<16xi32>
      %add3A_2716 = arith.addi %iota3A, %add3A_2715 : vector<16xi32>
      %gather3A_2717 = arith.constant 6 : i32
      %gather3A_2718 = arith.constant 0 : i32
      %gather3A_2719 = arith.constant 0 : i32
      %gather3A_2720 = tpu.memref_slice %arg12[%gather3A_2717, %gather3A_2718, %gather3A_2719] : memref<8x64x128xf32, #tpu.memory_space<vmem>> -> memref<1x64x128xf32, #tpu.memory_space<vmem>>
      %gather3A_2721 = tpu.memref_squeeze %gather3A_2720 : memref<1x64x128xf32, #tpu.memory_space<vmem>> -> memref<64x128xf32, #tpu.memory_space<vmem>>
      %gather3A_2722 = tpu.vector_load_idx %gather3A_2721[%add3A_2716, %broadcast_in_dim3A_2646] : memref<64x128xf32, #tpu.memory_space<vmem>>[vector<16xi32>, vector<16xi32>], vector<16xf32>,
      %add3A_2723 = arith.constant 48 : i32
      %add3A_2724 = vector.broadcast %add3A_2723 : i32 to vector<16xi32>
      %add3A_2725 = arith.addi %iota3A, %add3A_2724 : vector<16xi32>
      tpu.vector_store_idx %arg15[%add3A_2725, %broadcast_in_dim3A_2647], %gather3A_2722 : memref<64x128xf32, #tpu.memory_space<vmem>>[vector<16xi32>, vector<16xi32>], vector<16xf32>,
      %slice3A_2726 = vector.extract_strided_slice %sub3A {offsets = [14], sizes = [1], strides = [1]} : vector<16xi32> to vector<1xi32>
      %squeeze3A_2727 = vector.extract %slice3A_2726[0] : i32 from vector<1xi32>
      %multiple_of3A_2728 = tpu.assume_multiple %squeeze3A_2727, 128 : i32
      %dma_start3A_2729 = arith.constant 6 : i32
      %dma_start3A_2730 = arith.constant 0 : i32
      %dma_start3A_2731 = arith.constant 0 : i32
      %dma_start3A_2732 = tpu.memref_slice %arg10[%dma_start3A_2729, %dma_start3A_2730, %dma_start3A_2731] : memref<8x16x128xf32, #tpu.memory_space<vmem>> -> memref<1x16x128xf32, #tpu.memory_space<vmem>>
      %dma_start3A_2733 = tpu.memref_squeeze %dma_start3A_2732 : memref<1x16x128xf32, #tpu.memory_space<vmem>> -> memref<16x128xf32, #tpu.memory_space<vmem>>
      %dma_start3A_2734 = arith.constant 0 : i32
      %dma_start3A_2735 = tpu.memref_slice %arg3[%dma_start3A_2734, %multiple_of3A_2728] : memref<16x1000000xf32, #tpu.memory_space<hbm>> -> memref<16x128xf32, #tpu.memory_space<hbm>>
      %dma_start3A_2736 = arith.constant 0 : i32
      %dma_start3A_2737 = arith.constant 0 : i32
      %dma_start3A_2738 = tpu.memref_slice %arg10[%dma_start3A_2729, %dma_start3A_2736, %dma_start3A_2737] : memref<8x16x128xf32, #tpu.memory_space<vmem>> -> memref<1x16x128xf32, #tpu.memory_space<vmem>>
      %dma_start3A_2739 = tpu.memref_squeeze %dma_start3A_2738 : memref<1x16x128xf32, #tpu.memory_space<vmem>> -> memref<16x128xf32, #tpu.memory_space<vmem>>
      %dma_start3A_2740 = arith.constant 0 : i32
      %dma_start3A_2741 = tpu.memref_slice %arg3[%dma_start3A_2740, %multiple_of3A_2728] : memref<16x1000000xf32, #tpu.memory_space<hbm>> -> memref<16x128xf32, #tpu.memory_space<hbm>>
      tpu.enqueue_dma source(%dma_start3A_2741 : memref<16x128xf32, #tpu.memory_space<hbm>>) target(%dma_start3A_2739 : memref<16x128xf32, #tpu.memory_space<vmem>>) target_semaphore(%arg22 : memref<!tpu.dma_semaphore, #tpu.memory_space<semaphore_mem>>)
      %dma_start3A_2742 = arith.constant 6 : i32
      %dma_start3A_2743 = arith.constant 0 : i32
      %dma_start3A_2744 = arith.constant 0 : i32
      %dma_start3A_2745 = tpu.memref_slice %arg11[%dma_start3A_2742, %dma_start3A_2743, %dma_start3A_2744] : memref<8x32x128xf32, #tpu.memory_space<vmem>> -> memref<1x32x128xf32, #tpu.memory_space<vmem>>
      %dma_start3A_2746 = tpu.memref_squeeze %dma_start3A_2745 : memref<1x32x128xf32, #tpu.memory_space<vmem>> -> memref<32x128xf32, #tpu.memory_space<vmem>>
      %dma_start3A_2747 = arith.constant 0 : i32
      %dma_start3A_2748 = tpu.memref_slice %arg4[%dma_start3A_2747, %multiple_of3A_2728] : memref<32x1000000xf32, #tpu.memory_space<hbm>> -> memref<32x128xf32, #tpu.memory_space<hbm>>
      %dma_start3A_2749 = arith.constant 0 : i32
      %dma_start3A_2750 = arith.constant 0 : i32
      %dma_start3A_2751 = tpu.memref_slice %arg11[%dma_start3A_2742, %dma_start3A_2749, %dma_start3A_2750] : memref<8x32x128xf32, #tpu.memory_space<vmem>> -> memref<1x32x128xf32, #tpu.memory_space<vmem>>
      %dma_start3A_2752 = tpu.memref_squeeze %dma_start3A_2751 : memref<1x32x128xf32, #tpu.memory_space<vmem>> -> memref<32x128xf32, #tpu.memory_space<vmem>>
      %dma_start3A_2753 = arith.constant 0 : i32
      %dma_start3A_2754 = tpu.memref_slice %arg4[%dma_start3A_2753, %multiple_of3A_2728] : memref<32x1000000xf32, #tpu.memory_space<hbm>> -> memref<32x128xf32, #tpu.memory_space<hbm>>
      tpu.enqueue_dma source(%dma_start3A_2754 : memref<32x128xf32, #tpu.memory_space<hbm>>) target(%dma_start3A_2752 : memref<32x128xf32, #tpu.memory_space<vmem>>) target_semaphore(%arg22 : memref<!tpu.dma_semaphore, #tpu.memory_space<semaphore_mem>>)
      %dma_start3A_2755 = arith.constant 6 : i32
      %dma_start3A_2756 = arith.constant 0 : i32
      %dma_start3A_2757 = arith.constant 0 : i32
      %dma_start3A_2758 = tpu.memref_slice %arg12[%dma_start3A_2755, %dma_start3A_2756, %dma_start3A_2757] : memref<8x64x128xf32, #tpu.memory_space<vmem>> -> memref<1x64x128xf32, #tpu.memory_space<vmem>>
      %dma_start3A_2759 = tpu.memref_squeeze %dma_start3A_2758 : memref<1x64x128xf32, #tpu.memory_space<vmem>> -> memref<64x128xf32, #tpu.memory_space<vmem>>
      %dma_start3A_2760 = arith.constant 0 : i32
      %dma_start3A_2761 = tpu.memref_slice %arg5[%dma_start3A_2760, %multiple_of3A_2728] : memref<64x1000000xf32, #tpu.memory_space<hbm>> -> memref<64x128xf32, #tpu.memory_space<hbm>>
      %dma_start3A_2762 = arith.constant 0 : i32
      %dma_start3A_2763 = arith.constant 0 : i32
      %dma_start3A_2764 = tpu.memref_slice %arg12[%dma_start3A_2755, %dma_start3A_2762, %dma_start3A_2763] : memref<8x64x128xf32, #tpu.memory_space<vmem>> -> memref<1x64x128xf32, #tpu.memory_space<vmem>>
      %dma_start3A_2765 = tpu.memref_squeeze %dma_start3A_2764 : memref<1x64x128xf32, #tpu.memory_space<vmem>> -> memref<64x128xf32, #tpu.memory_space<vmem>>
      %dma_start3A_2766 = arith.constant 0 : i32
      %dma_start3A_2767 = tpu.memref_slice %arg5[%dma_start3A_2766, %multiple_of3A_2728] : memref<64x1000000xf32, #tpu.memory_space<hbm>> -> memref<64x128xf32, #tpu.memory_space<hbm>>
      tpu.enqueue_dma source(%dma_start3A_2767 : memref<64x128xf32, #tpu.memory_space<hbm>>) target(%dma_start3A_2765 : memref<64x128xf32, #tpu.memory_space<vmem>>) target_semaphore(%arg22 : memref<!tpu.dma_semaphore, #tpu.memory_space<semaphore_mem>>)
      %add3A_2768 = arith.constant 15 : i32
      %add3A_2769 = arith.addi %mul3A_1035, %add3A_2768 : i32
      %dma_wait3A_2770 = arith.constant 7 : i32
      %dma_wait3A_2771 = arith.constant 0 : i32
      %dma_wait3A_2772 = arith.constant 0 : i32
      %dma_wait3A_2773 = tpu.memref_slice %arg10[%dma_wait3A_2770, %dma_wait3A_2771, %dma_wait3A_2772] : memref<8x16x128xf32, #tpu.memory_space<vmem>> -> memref<1x16x128xf32, #tpu.memory_space<vmem>>
      %dma_wait3A_2774 = tpu.memref_squeeze %dma_wait3A_2773 : memref<1x16x128xf32, #tpu.memory_space<vmem>> -> memref<16x128xf32, #tpu.memory_space<vmem>>
      %dma_wait3A_2775 = arith.constant 0 : i32
      %dma_wait3A_2776 = arith.constant 0 : i32
      %dma_wait3A_2777 = tpu.memref_slice %arg3[%dma_wait3A_2775, %dma_wait3A_2776] : memref<16x1000000xf32, #tpu.memory_space<hbm>> -> memref<16x128xf32, #tpu.memory_space<hbm>>
      %dma_wait3A_2778 = arith.constant 0 : i32
      %dma_wait3A_2779 = arith.constant 0 : i32
      %dma_wait3A_2780 = tpu.memref_slice %arg10[%dma_wait3A_2770, %dma_wait3A_2778, %dma_wait3A_2779] : memref<8x16x128xf32, #tpu.memory_space<vmem>> -> memref<1x16x128xf32, #tpu.memory_space<vmem>>
      %dma_wait3A_2781 = tpu.memref_squeeze %dma_wait3A_2780 : memref<1x16x128xf32, #tpu.memory_space<vmem>> -> memref<16x128xf32, #tpu.memory_space<vmem>>
      %dma_wait3A_2782 = arith.constant 0 : i32
      %dma_wait3A_2783 = arith.constant 0 : i32
      %dma_wait3A_2784 = tpu.memref_slice %arg3[%dma_wait3A_2782, %dma_wait3A_2783] : memref<16x1000000xf32, #tpu.memory_space<hbm>> -> memref<16x128xf32, #tpu.memory_space<hbm>>
      tpu.wait_dma2 semaphore(%arg23 : memref<!tpu.dma_semaphore, #tpu.memory_space<semaphore_mem>>) src(%dma_wait3A_2784 : memref<16x128xf32, #tpu.memory_space<hbm>>) dst(%dma_wait3A_2781 : memref<16x128xf32, #tpu.memory_space<vmem>>)
      %dma_wait3A_2785 = arith.constant 7 : i32
      %dma_wait3A_2786 = arith.constant 0 : i32
      %dma_wait3A_2787 = arith.constant 0 : i32
      %dma_wait3A_2788 = tpu.memref_slice %arg11[%dma_wait3A_2785, %dma_wait3A_2786, %dma_wait3A_2787] : memref<8x32x128xf32, #tpu.memory_space<vmem>> -> memref<1x32x128xf32, #tpu.memory_space<vmem>>
      %dma_wait3A_2789 = tpu.memref_squeeze %dma_wait3A_2788 : memref<1x32x128xf32, #tpu.memory_space<vmem>> -> memref<32x128xf32, #tpu.memory_space<vmem>>
      %dma_wait3A_2790 = arith.constant 0 : i32
      %dma_wait3A_2791 = arith.constant 0 : i32
      %dma_wait3A_2792 = tpu.memref_slice %arg4[%dma_wait3A_2790, %dma_wait3A_2791] : memref<32x1000000xf32, #tpu.memory_space<hbm>> -> memref<32x128xf32, #tpu.memory_space<hbm>>
      %dma_wait3A_2793 = arith.constant 0 : i32
      %dma_wait3A_2794 = arith.constant 0 : i32
      %dma_wait3A_2795 = tpu.memref_slice %arg11[%dma_wait3A_2785, %dma_wait3A_2793, %dma_wait3A_2794] : memref<8x32x128xf32, #tpu.memory_space<vmem>> -> memref<1x32x128xf32, #tpu.memory_space<vmem>>
      %dma_wait3A_2796 = tpu.memref_squeeze %dma_wait3A_2795 : memref<1x32x128xf32, #tpu.memory_space<vmem>> -> memref<32x128xf32, #tpu.memory_space<vmem>>
      %dma_wait3A_2797 = arith.constant 0 : i32
      %dma_wait3A_2798 = arith.constant 0 : i32
      %dma_wait3A_2799 = tpu.memref_slice %arg4[%dma_wait3A_2797, %dma_wait3A_2798] : memref<32x1000000xf32, #tpu.memory_space<hbm>> -> memref<32x128xf32, #tpu.memory_space<hbm>>
      tpu.wait_dma2 semaphore(%arg23 : memref<!tpu.dma_semaphore, #tpu.memory_space<semaphore_mem>>) src(%dma_wait3A_2799 : memref<32x128xf32, #tpu.memory_space<hbm>>) dst(%dma_wait3A_2796 : memref<32x128xf32, #tpu.memory_space<vmem>>)
      %dma_wait3A_2800 = arith.constant 7 : i32
      %dma_wait3A_2801 = arith.constant 0 : i32
      %dma_wait3A_2802 = arith.constant 0 : i32
      %dma_wait3A_2803 = tpu.memref_slice %arg12[%dma_wait3A_2800, %dma_wait3A_2801, %dma_wait3A_2802] : memref<8x64x128xf32, #tpu.memory_space<vmem>> -> memref<1x64x128xf32, #tpu.memory_space<vmem>>
      %dma_wait3A_2804 = tpu.memref_squeeze %dma_wait3A_2803 : memref<1x64x128xf32, #tpu.memory_space<vmem>> -> memref<64x128xf32, #tpu.memory_space<vmem>>
      %dma_wait3A_2805 = arith.constant 0 : i32
      %dma_wait3A_2806 = arith.constant 0 : i32
      %dma_wait3A_2807 = tpu.memref_slice %arg5[%dma_wait3A_2805, %dma_wait3A_2806] : memref<64x1000000xf32, #tpu.memory_space<hbm>> -> memref<64x128xf32, #tpu.memory_space<hbm>>
      %dma_wait3A_2808 = arith.constant 0 : i32
      %dma_wait3A_2809 = arith.constant 0 : i32
      %dma_wait3A_2810 = tpu.memref_slice %arg12[%dma_wait3A_2800, %dma_wait3A_2808, %dma_wait3A_2809] : memref<8x64x128xf32, #tpu.memory_space<vmem>> -> memref<1x64x128xf32, #tpu.memory_space<vmem>>
      %dma_wait3A_2811 = tpu.memref_squeeze %dma_wait3A_2810 : memref<1x64x128xf32, #tpu.memory_space<vmem>> -> memref<64x128xf32, #tpu.memory_space<vmem>>
      %dma_wait3A_2812 = arith.constant 0 : i32
      %dma_wait3A_2813 = arith.constant 0 : i32
      %dma_wait3A_2814 = tpu.memref_slice %arg5[%dma_wait3A_2812, %dma_wait3A_2813] : memref<64x1000000xf32, #tpu.memory_space<hbm>> -> memref<64x128xf32, #tpu.memory_space<hbm>>
      tpu.wait_dma2 semaphore(%arg23 : memref<!tpu.dma_semaphore, #tpu.memory_space<semaphore_mem>>) src(%dma_wait3A_2814 : memref<64x128xf32, #tpu.memory_space<hbm>>) dst(%dma_wait3A_2811 : memref<64x128xf32, #tpu.memory_space<vmem>>)
      %slice3A_2815 = vector.extract_strided_slice %and3A_1038 {offsets = [7], sizes = [1], strides = [1]} : vector<16xi32> to vector<1xi32>
      %squeeze3A_2816 = vector.extract %slice3A_2815[0] : i32 from vector<1xi32>
      %sub3A_2817 = arith.constant 8 : i32
      %sub3A_2818 = arith.subi %add3A_2769, %sub3A_2817 : i32
      %jit3A_2819 = arith.constant 128 : i32
      %eq3A_2820 = arith.constant 0 : i32
      %eq3A_2821 = arith.cmpi eq, %jit3A_2819, %eq3A_2820 : i32
      %jit3A_2822 = arith.constant 1 : i32
      %select_n3A_2823 = arith.select %eq3A_2821, %jit3A_2822, %jit3A_2819 : i32
      %rem3A_2824 = arith.remsi %sub3A_2818, %select_n3A_2823 : i32
      %ne3A_2825 = arith.constant 0 : i32
      %ne3A_2826 = arith.cmpi ne, %rem3A_2824, %ne3A_2825 : i32
      %lt3A_2827 = arith.constant 0 : i32
      %lt3A_2828 = arith.cmpi slt, %rem3A_2824, %lt3A_2827 : i32
      %lt3A_2829 = arith.constant 0 : i32
      %lt3A_2830 = arith.cmpi slt, %select_n3A_2823, %lt3A_2829 : i32
      %ne3A_2831 = arith.xori %lt3A_2828, %lt3A_2830 : i1
      %and3A_2832 = arith.andi %ne3A_2831, %ne3A_2826 : i1
      %add3A_2833 = arith.addi %rem3A_2824, %select_n3A_2823 : i32
      %select_n3A_2834 = arith.select %and3A_2832, %add3A_2833, %rem3A_2824 : i32
      %broadcast_in_dim3A_2835 = vector.broadcast %squeeze3A_2816 : i32 to vector<16xi32>
      %broadcast_in_dim3A_2836 = vector.broadcast %select_n3A_2834 : i32 to vector<16xi32>
      %gather3A_2837 = arith.constant 7 : i32
      %gather3A_2838 = arith.constant 0 : i32
      %gather3A_2839 = arith.constant 0 : i32
      %gather3A_2840 = tpu.memref_slice %arg10[%gather3A_2837, %gather3A_2838, %gather3A_2839] : memref<8x16x128xf32, #tpu.memory_space<vmem>> -> memref<1x16x128xf32, #tpu.memory_space<vmem>>
      %gather3A_2841 = tpu.memref_squeeze %gather3A_2840 : memref<1x16x128xf32, #tpu.memory_space<vmem>> -> memref<16x128xf32, #tpu.memory_space<vmem>>
      %gather3A_2842 = tpu.vector_load_idx %gather3A_2841[%iota3A, %broadcast_in_dim3A_2835] : memref<16x128xf32, #tpu.memory_space<vmem>>[vector<16xi32>, vector<16xi32>], vector<16xf32>,
      tpu.vector_store_idx %arg13[%iota3A, %broadcast_in_dim3A_2836], %gather3A_2842 : memref<16x128xf32, #tpu.memory_space<vmem>>[vector<16xi32>, vector<16xi32>], vector<16xf32>,
      %add3A_2843 = arith.constant 0 : i32
      %add3A_2844 = vector.broadcast %add3A_2843 : i32 to vector<16xi32>
      %add3A_2845 = arith.addi %iota3A, %add3A_2844 : vector<16xi32>
      %gather3A_2846 = arith.constant 7 : i32
      %gather3A_2847 = arith.constant 0 : i32
      %gather3A_2848 = arith.constant 0 : i32
      %gather3A_2849 = tpu.memref_slice %arg11[%gather3A_2846, %gather3A_2847, %gather3A_2848] : memref<8x32x128xf32, #tpu.memory_space<vmem>> -> memref<1x32x128xf32, #tpu.memory_space<vmem>>
      %gather3A_2850 = tpu.memref_squeeze %gather3A_2849 : memref<1x32x128xf32, #tpu.memory_space<vmem>> -> memref<32x128xf32, #tpu.memory_space<vmem>>
      %gather3A_2851 = tpu.vector_load_idx %gather3A_2850[%add3A_2845, %broadcast_in_dim3A_2835] : memref<32x128xf32, #tpu.memory_space<vmem>>[vector<16xi32>, vector<16xi32>], vector<16xf32>,
      %add3A_2852 = arith.constant 0 : i32
      %add3A_2853 = vector.broadcast %add3A_2852 : i32 to vector<16xi32>
      %add3A_2854 = arith.addi %iota3A, %add3A_2853 : vector<16xi32>
      tpu.vector_store_idx %arg14[%add3A_2854, %broadcast_in_dim3A_2836], %gather3A_2851 : memref<32x128xf32, #tpu.memory_space<vmem>>[vector<16xi32>, vector<16xi32>], vector<16xf32>,
      %add3A_2855 = arith.constant 16 : i32
      %add3A_2856 = vector.broadcast %add3A_2855 : i32 to vector<16xi32>
      %add3A_2857 = arith.addi %iota3A, %add3A_2856 : vector<16xi32>
      %gather3A_2858 = arith.constant 7 : i32
      %gather3A_2859 = arith.constant 0 : i32
      %gather3A_2860 = arith.constant 0 : i32
      %gather3A_2861 = tpu.memref_slice %arg11[%gather3A_2858, %gather3A_2859, %gather3A_2860] : memref<8x32x128xf32, #tpu.memory_space<vmem>> -> memref<1x32x128xf32, #tpu.memory_space<vmem>>
      %gather3A_2862 = tpu.memref_squeeze %gather3A_2861 : memref<1x32x128xf32, #tpu.memory_space<vmem>> -> memref<32x128xf32, #tpu.memory_space<vmem>>
      %gather3A_2863 = tpu.vector_load_idx %gather3A_2862[%add3A_2857, %broadcast_in_dim3A_2835] : memref<32x128xf32, #tpu.memory_space<vmem>>[vector<16xi32>, vector<16xi32>], vector<16xf32>,
      %add3A_2864 = arith.constant 16 : i32
      %add3A_2865 = vector.broadcast %add3A_2864 : i32 to vector<16xi32>
      %add3A_2866 = arith.addi %iota3A, %add3A_2865 : vector<16xi32>
      tpu.vector_store_idx %arg14[%add3A_2866, %broadcast_in_dim3A_2836], %gather3A_2863 : memref<32x128xf32, #tpu.memory_space<vmem>>[vector<16xi32>, vector<16xi32>], vector<16xf32>,
      %add3A_2867 = arith.constant 0 : i32
      %add3A_2868 = vector.broadcast %add3A_2867 : i32 to vector<16xi32>
      %add3A_2869 = arith.addi %iota3A, %add3A_2868 : vector<16xi32>
      %gather3A_2870 = arith.constant 7 : i32
      %gather3A_2871 = arith.constant 0 : i32
      %gather3A_2872 = arith.constant 0 : i32
      %gather3A_2873 = tpu.memref_slice %arg12[%gather3A_2870, %gather3A_2871, %gather3A_2872] : memref<8x64x128xf32, #tpu.memory_space<vmem>> -> memref<1x64x128xf32, #tpu.memory_space<vmem>>
      %gather3A_2874 = tpu.memref_squeeze %gather3A_2873 : memref<1x64x128xf32, #tpu.memory_space<vmem>> -> memref<64x128xf32, #tpu.memory_space<vmem>>
      %gather3A_2875 = tpu.vector_load_idx %gather3A_2874[%add3A_2869, %broadcast_in_dim3A_2835] : memref<64x128xf32, #tpu.memory_space<vmem>>[vector<16xi32>, vector<16xi32>], vector<16xf32>,
      %add3A_2876 = arith.constant 0 : i32
      %add3A_2877 = vector.broadcast %add3A_2876 : i32 to vector<16xi32>
      %add3A_2878 = arith.addi %iota3A, %add3A_2877 : vector<16xi32>
      tpu.vector_store_idx %arg15[%add3A_2878, %broadcast_in_dim3A_2836], %gather3A_2875 : memref<64x128xf32, #tpu.memory_space<vmem>>[vector<16xi32>, vector<16xi32>], vector<16xf32>,
      %add3A_2879 = arith.constant 16 : i32
      %add3A_2880 = vector.broadcast %add3A_2879 : i32 to vector<16xi32>
      %add3A_2881 = arith.addi %iota3A, %add3A_2880 : vector<16xi32>
      %gather3A_2882 = arith.constant 7 : i32
      %gather3A_2883 = arith.constant 0 : i32
      %gather3A_2884 = arith.constant 0 : i32
      %gather3A_2885 = tpu.memref_slice %arg12[%gather3A_2882, %gather3A_2883, %gather3A_2884] : memref<8x64x128xf32, #tpu.memory_space<vmem>> -> memref<1x64x128xf32, #tpu.memory_space<vmem>>
      %gather3A_2886 = tpu.memref_squeeze %gather3A_2885 : memref<1x64x128xf32, #tpu.memory_space<vmem>> -> memref<64x128xf32, #tpu.memory_space<vmem>>
      %gather3A_2887 = tpu.vector_load_idx %gather3A_2886[%add3A_2881, %broadcast_in_dim3A_2835] : memref<64x128xf32, #tpu.memory_space<vmem>>[vector<16xi32>, vector<16xi32>], vector<16xf32>,
      %add3A_2888 = arith.constant 16 : i32
      %add3A_2889 = vector.broadcast %add3A_2888 : i32 to vector<16xi32>
      %add3A_2890 = arith.addi %iota3A, %add3A_2889 : vector<16xi32>
      tpu.vector_store_idx %arg15[%add3A_2890, %broadcast_in_dim3A_2836], %gather3A_2887 : memref<64x128xf32, #tpu.memory_space<vmem>>[vector<16xi32>, vector<16xi32>], vector<16xf32>,
      %add3A_2891 = arith.constant 32 : i32
      %add3A_2892 = vector.broadcast %add3A_2891 : i32 to vector<16xi32>
      %add3A_2893 = arith.addi %iota3A, %add3A_2892 : vector<16xi32>
      %gather3A_2894 = arith.constant 7 : i32
      %gather3A_2895 = arith.constant 0 : i32
      %gather3A_2896 = arith.constant 0 : i32
      %gather3A_2897 = tpu.memref_slice %arg12[%gather3A_2894, %gather3A_2895, %gather3A_2896] : memref<8x64x128xf32, #tpu.memory_space<vmem>> -> memref<1x64x128xf32, #tpu.memory_space<vmem>>
      %gather3A_2898 = tpu.memref_squeeze %gather3A_2897 : memref<1x64x128xf32, #tpu.memory_space<vmem>> -> memref<64x128xf32, #tpu.memory_space<vmem>>
      %gather3A_2899 = tpu.vector_load_idx %gather3A_2898[%add3A_2893, %broadcast_in_dim3A_2835] : memref<64x128xf32, #tpu.memory_space<vmem>>[vector<16xi32>, vector<16xi32>], vector<16xf32>,
      %add3A_2900 = arith.constant 32 : i32
      %add3A_2901 = vector.broadcast %add3A_2900 : i32 to vector<16xi32>
      %add3A_2902 = arith.addi %iota3A, %add3A_2901 : vector<16xi32>
      tpu.vector_store_idx %arg15[%add3A_2902, %broadcast_in_dim3A_2836], %gather3A_2899 : memref<64x128xf32, #tpu.memory_space<vmem>>[vector<16xi32>, vector<16xi32>], vector<16xf32>,
      %add3A_2903 = arith.constant 48 : i32
      %add3A_2904 = vector.broadcast %add3A_2903 : i32 to vector<16xi32>
      %add3A_2905 = arith.addi %iota3A, %add3A_2904 : vector<16xi32>
      %gather3A_2906 = arith.constant 7 : i32
      %gather3A_2907 = arith.constant 0 : i32
      %gather3A_2908 = arith.constant 0 : i32
      %gather3A_2909 = tpu.memref_slice %arg12[%gather3A_2906, %gather3A_2907, %gather3A_2908] : memref<8x64x128xf32, #tpu.memory_space<vmem>> -> memref<1x64x128xf32, #tpu.memory_space<vmem>>
      %gather3A_2910 = tpu.memref_squeeze %gather3A_2909 : memref<1x64x128xf32, #tpu.memory_space<vmem>> -> memref<64x128xf32, #tpu.memory_space<vmem>>
      %gather3A_2911 = tpu.vector_load_idx %gather3A_2910[%add3A_2905, %broadcast_in_dim3A_2835] : memref<64x128xf32, #tpu.memory_space<vmem>>[vector<16xi32>, vector<16xi32>], vector<16xf32>,
      %add3A_2912 = arith.constant 48 : i32
      %add3A_2913 = vector.broadcast %add3A_2912 : i32 to vector<16xi32>
      %add3A_2914 = arith.addi %iota3A, %add3A_2913 : vector<16xi32>
      tpu.vector_store_idx %arg15[%add3A_2914, %broadcast_in_dim3A_2836], %gather3A_2911 : memref<64x128xf32, #tpu.memory_space<vmem>>[vector<16xi32>, vector<16xi32>], vector<16xf32>,
      %slice3A_2915 = vector.extract_strided_slice %sub3A {offsets = [15], sizes = [1], strides = [1]} : vector<16xi32> to vector<1xi32>
      %squeeze3A_2916 = vector.extract %slice3A_2915[0] : i32 from vector<1xi32>
      %multiple_of3A_2917 = tpu.assume_multiple %squeeze3A_2916, 128 : i32
      %dma_start3A_2918 = arith.constant 7 : i32
      %dma_start3A_2919 = arith.constant 0 : i32
      %dma_start3A_2920 = arith.constant 0 : i32
      %dma_start3A_2921 = tpu.memref_slice %arg10[%dma_start3A_2918, %dma_start3A_2919, %dma_start3A_2920] : memref<8x16x128xf32, #tpu.memory_space<vmem>> -> memref<1x16x128xf32, #tpu.memory_space<vmem>>
      %dma_start3A_2922 = tpu.memref_squeeze %dma_start3A_2921 : memref<1x16x128xf32, #tpu.memory_space<vmem>> -> memref<16x128xf32, #tpu.memory_space<vmem>>
      %dma_start3A_2923 = arith.constant 0 : i32
      %dma_start3A_2924 = tpu.memref_slice %arg3[%dma_start3A_2923, %multiple_of3A_2917] : memref<16x1000000xf32, #tpu.memory_space<hbm>> -> memref<16x128xf32, #tpu.memory_space<hbm>>
      %dma_start3A_2925 = arith.constant 0 : i32
      %dma_start3A_2926 = arith.constant 0 : i32
      %dma_start3A_2927 = tpu.memref_slice %arg10[%dma_start3A_2918, %dma_start3A_2925, %dma_start3A_2926] : memref<8x16x128xf32, #tpu.memory_space<vmem>> -> memref<1x16x128xf32, #tpu.memory_space<vmem>>
      %dma_start3A_2928 = tpu.memref_squeeze %dma_start3A_2927 : memref<1x16x128xf32, #tpu.memory_space<vmem>> -> memref<16x128xf32, #tpu.memory_space<vmem>>
      %dma_start3A_2929 = arith.constant 0 : i32
      %dma_start3A_2930 = tpu.memref_slice %arg3[%dma_start3A_2929, %multiple_of3A_2917] : memref<16x1000000xf32, #tpu.memory_space<hbm>> -> memref<16x128xf32, #tpu.memory_space<hbm>>
      tpu.enqueue_dma source(%dma_start3A_2930 : memref<16x128xf32, #tpu.memory_space<hbm>>) target(%dma_start3A_2928 : memref<16x128xf32, #tpu.memory_space<vmem>>) target_semaphore(%arg23 : memref<!tpu.dma_semaphore, #tpu.memory_space<semaphore_mem>>)
      %dma_start3A_2931 = arith.constant 7 : i32
      %dma_start3A_2932 = arith.constant 0 : i32
      %dma_start3A_2933 = arith.constant 0 : i32
      %dma_start3A_2934 = tpu.memref_slice %arg11[%dma_start3A_2931, %dma_start3A_2932, %dma_start3A_2933] : memref<8x32x128xf32, #tpu.memory_space<vmem>> -> memref<1x32x128xf32, #tpu.memory_space<vmem>>
      %dma_start3A_2935 = tpu.memref_squeeze %dma_start3A_2934 : memref<1x32x128xf32, #tpu.memory_space<vmem>> -> memref<32x128xf32, #tpu.memory_space<vmem>>
      %dma_start3A_2936 = arith.constant 0 : i32
      %dma_start3A_2937 = tpu.memref_slice %arg4[%dma_start3A_2936, %multiple_of3A_2917] : memref<32x1000000xf32, #tpu.memory_space<hbm>> -> memref<32x128xf32, #tpu.memory_space<hbm>>
      %dma_start3A_2938 = arith.constant 0 : i32
      %dma_start3A_2939 = arith.constant 0 : i32
      %dma_start3A_2940 = tpu.memref_slice %arg11[%dma_start3A_2931, %dma_start3A_2938, %dma_start3A_2939] : memref<8x32x128xf32, #tpu.memory_space<vmem>> -> memref<1x32x128xf32, #tpu.memory_space<vmem>>
      %dma_start3A_2941 = tpu.memref_squeeze %dma_start3A_2940 : memref<1x32x128xf32, #tpu.memory_space<vmem>> -> memref<32x128xf32, #tpu.memory_space<vmem>>
      %dma_start3A_2942 = arith.constant 0 : i32
      %dma_start3A_2943 = tpu.memref_slice %arg4[%dma_start3A_2942, %multiple_of3A_2917] : memref<32x1000000xf32, #tpu.memory_space<hbm>> -> memref<32x128xf32, #tpu.memory_space<hbm>>
      tpu.enqueue_dma source(%dma_start3A_2943 : memref<32x128xf32, #tpu.memory_space<hbm>>) target(%dma_start3A_2941 : memref<32x128xf32, #tpu.memory_space<vmem>>) target_semaphore(%arg23 : memref<!tpu.dma_semaphore, #tpu.memory_space<semaphore_mem>>)
      %dma_start3A_2944 = arith.constant 7 : i32
      %dma_start3A_2945 = arith.constant 0 : i32
      %dma_start3A_2946 = arith.constant 0 : i32
      %dma_start3A_2947 = tpu.memref_slice %arg12[%dma_start3A_2944, %dma_start3A_2945, %dma_start3A_2946] : memref<8x64x128xf32, #tpu.memory_space<vmem>> -> memref<1x64x128xf32, #tpu.memory_space<vmem>>
      %dma_start3A_2948 = tpu.memref_squeeze %dma_start3A_2947 : memref<1x64x128xf32, #tpu.memory_space<vmem>> -> memref<64x128xf32, #tpu.memory_space<vmem>>
      %dma_start3A_2949 = arith.constant 0 : i32
      %dma_start3A_2950 = tpu.memref_slice %arg5[%dma_start3A_2949, %multiple_of3A_2917] : memref<64x1000000xf32, #tpu.memory_space<hbm>> -> memref<64x128xf32, #tpu.memory_space<hbm>>
      %dma_start3A_2951 = arith.constant 0 : i32
      %dma_start3A_2952 = arith.constant 0 : i32
      %dma_start3A_2953 = tpu.memref_slice %arg12[%dma_start3A_2944, %dma_start3A_2951, %dma_start3A_2952] : memref<8x64x128xf32, #tpu.memory_space<vmem>> -> memref<1x64x128xf32, #tpu.memory_space<vmem>>
      %dma_start3A_2954 = tpu.memref_squeeze %dma_start3A_2953 : memref<1x64x128xf32, #tpu.memory_space<vmem>> -> memref<64x128xf32, #tpu.memory_space<vmem>>
      %dma_start3A_2955 = arith.constant 0 : i32
      %dma_start3A_2956 = tpu.memref_slice %arg5[%dma_start3A_2955, %multiple_of3A_2917] : memref<64x1000000xf32, #tpu.memory_space<hbm>> -> memref<64x128xf32, #tpu.memory_space<hbm>>
      tpu.enqueue_dma source(%dma_start3A_2956 : memref<64x128xf32, #tpu.memory_space<hbm>>) target(%dma_start3A_2954 : memref<64x128xf32, #tpu.memory_space<vmem>>) target_semaphore(%arg23 : memref<!tpu.dma_semaphore, #tpu.memory_space<semaphore_mem>>)
      scf.yield %sub3A, %and3A_1038 : vector<16xi32>, vector<16xi32>
    }
    %scan3A_8 = arith.constant 32 : i32
    %dma_wait3A = arith.constant 0 : i32
    %dma_wait3A_9 = arith.constant 0 : i32
    %dma_wait3A_10 = arith.constant 0 : i32
    %dma_wait3A_11 = tpu.memref_slice %arg10[%dma_wait3A, %dma_wait3A_9, %dma_wait3A_10] : memref<8x16x128xf32, #tpu.memory_space<vmem>> -> memref<1x16x128xf32, #tpu.memory_space<vmem>>
    %dma_wait3A_12 = tpu.memref_squeeze %dma_wait3A_11 : memref<1x16x128xf32, #tpu.memory_space<vmem>> -> memref<16x128xf32, #tpu.memory_space<vmem>>
    %dma_wait3A_13 = arith.constant 0 : i32
    %dma_wait3A_14 = arith.constant 0 : i32
    %dma_wait3A_15 = tpu.memref_slice %arg3[%dma_wait3A_13, %dma_wait3A_14] : memref<16x1000000xf32, #tpu.memory_space<hbm>> -> memref<16x128xf32, #tpu.memory_space<hbm>>
    %dma_wait3A_16 = arith.constant 0 : i32
    %dma_wait3A_17 = arith.constant 0 : i32
    %dma_wait3A_18 = tpu.memref_slice %arg10[%dma_wait3A, %dma_wait3A_16, %dma_wait3A_17] : memref<8x16x128xf32, #tpu.memory_space<vmem>> -> memref<1x16x128xf32, #tpu.memory_space<vmem>>
    %dma_wait3A_19 = tpu.memref_squeeze %dma_wait3A_18 : memref<1x16x128xf32, #tpu.memory_space<vmem>> -> memref<16x128xf32, #tpu.memory_space<vmem>>
    %dma_wait3A_20 = arith.constant 0 : i32
    %dma_wait3A_21 = arith.constant 0 : i32
    %dma_wait3A_22 = tpu.memref_slice %arg3[%dma_wait3A_20, %dma_wait3A_21] : memref<16x1000000xf32, #tpu.memory_space<hbm>> -> memref<16x128xf32, #tpu.memory_space<hbm>>
    tpu.wait_dma2 semaphore(%arg16 : memref<!tpu.dma_semaphore, #tpu.memory_space<semaphore_mem>>) src(%dma_wait3A_22 : memref<16x128xf32, #tpu.memory_space<hbm>>) dst(%dma_wait3A_19 : memref<16x128xf32, #tpu.memory_space<vmem>>)
    %dma_wait3A_23 = arith.constant 0 : i32
    %dma_wait3A_24 = arith.constant 0 : i32
    %dma_wait3A_25 = arith.constant 0 : i32
    %dma_wait3A_26 = tpu.memref_slice %arg11[%dma_wait3A_23, %dma_wait3A_24, %dma_wait3A_25] : memref<8x32x128xf32, #tpu.memory_space<vmem>> -> memref<1x32x128xf32, #tpu.memory_space<vmem>>
    %dma_wait3A_27 = tpu.memref_squeeze %dma_wait3A_26 : memref<1x32x128xf32, #tpu.memory_space<vmem>> -> memref<32x128xf32, #tpu.memory_space<vmem>>
    %dma_wait3A_28 = arith.constant 0 : i32
    %dma_wait3A_29 = arith.constant 0 : i32
    %dma_wait3A_30 = tpu.memref_slice %arg4[%dma_wait3A_28, %dma_wait3A_29] : memref<32x1000000xf32, #tpu.memory_space<hbm>> -> memref<32x128xf32, #tpu.memory_space<hbm>>
    %dma_wait3A_31 = arith.constant 0 : i32
    %dma_wait3A_32 = arith.constant 0 : i32
    %dma_wait3A_33 = tpu.memref_slice %arg11[%dma_wait3A_23, %dma_wait3A_31, %dma_wait3A_32] : memref<8x32x128xf32, #tpu.memory_space<vmem>> -> memref<1x32x128xf32, #tpu.memory_space<vmem>>
    %dma_wait3A_34 = tpu.memref_squeeze %dma_wait3A_33 : memref<1x32x128xf32, #tpu.memory_space<vmem>> -> memref<32x128xf32, #tpu.memory_space<vmem>>
    %dma_wait3A_35 = arith.constant 0 : i32
    %dma_wait3A_36 = arith.constant 0 : i32
    %dma_wait3A_37 = tpu.memref_slice %arg4[%dma_wait3A_35, %dma_wait3A_36] : memref<32x1000000xf32, #tpu.memory_space<hbm>> -> memref<32x128xf32, #tpu.memory_space<hbm>>
    tpu.wait_dma2 semaphore(%arg16 : memref<!tpu.dma_semaphore, #tpu.memory_space<semaphore_mem>>) src(%dma_wait3A_37 : memref<32x128xf32, #tpu.memory_space<hbm>>) dst(%dma_wait3A_34 : memref<32x128xf32, #tpu.memory_space<vmem>>)
    %dma_wait3A_38 = arith.constant 0 : i32
    %dma_wait3A_39 = arith.constant 0 : i32
    %dma_wait3A_40 = arith.constant 0 : i32
    %dma_wait3A_41 = tpu.memref_slice %arg12[%dma_wait3A_38, %dma_wait3A_39, %dma_wait3A_40] : memref<8x64x128xf32, #tpu.memory_space<vmem>> -> memref<1x64x128xf32, #tpu.memory_space<vmem>>
    %dma_wait3A_42 = tpu.memref_squeeze %dma_wait3A_41 : memref<1x64x128xf32, #tpu.memory_space<vmem>> -> memref<64x128xf32, #tpu.memory_space<vmem>>
    %dma_wait3A_43 = arith.constant 0 : i32
    %dma_wait3A_44 = arith.constant 0 : i32
    %dma_wait3A_45 = tpu.memref_slice %arg5[%dma_wait3A_43, %dma_wait3A_44] : memref<64x1000000xf32, #tpu.memory_space<hbm>> -> memref<64x128xf32, #tpu.memory_space<hbm>>
    %dma_wait3A_46 = arith.constant 0 : i32
    %dma_wait3A_47 = arith.constant 0 : i32
    %dma_wait3A_48 = tpu.memref_slice %arg12[%dma_wait3A_38, %dma_wait3A_46, %dma_wait3A_47] : memref<8x64x128xf32, #tpu.memory_space<vmem>> -> memref<1x64x128xf32, #tpu.memory_space<vmem>>
    %dma_wait3A_49 = tpu.memref_squeeze %dma_wait3A_48 : memref<1x64x128xf32, #tpu.memory_space<vmem>> -> memref<64x128xf32, #tpu.memory_space<vmem>>
    %dma_wait3A_50 = arith.constant 0 : i32
    %dma_wait3A_51 = arith.constant 0 : i32
    %dma_wait3A_52 = tpu.memref_slice %arg5[%dma_wait3A_50, %dma_wait3A_51] : memref<64x1000000xf32, #tpu.memory_space<hbm>> -> memref<64x128xf32, #tpu.memory_space<hbm>>
    tpu.wait_dma2 semaphore(%arg16 : memref<!tpu.dma_semaphore, #tpu.memory_space<semaphore_mem>>) src(%dma_wait3A_52 : memref<64x128xf32, #tpu.memory_space<hbm>>) dst(%dma_wait3A_49 : memref<64x128xf32, #tpu.memory_space<vmem>>)
    %slice3A = vector.extract_strided_slice %scan3A_7#1 {offsets = [8], sizes = [1], strides = [1]} : vector<16xi32> to vector<1xi32>
    %squeeze3A = vector.extract %slice3A[0] : i32 from vector<1xi32>
    %broadcast_in_dim3A_53 = vector.broadcast %squeeze3A : i32 to vector<16xi32>
    %broadcast_in_dim3A_54 = arith.constant 120 : i32
    %broadcast_in_dim3A_55 = vector.broadcast %broadcast_in_dim3A_54 : i32 to vector<16xi32>
    %gather3A = arith.constant 0 : i32
    %gather3A_56 = arith.constant 0 : i32
    %gather3A_57 = arith.constant 0 : i32
    %gather3A_58 = tpu.memref_slice %arg10[%gather3A, %gather3A_56, %gather3A_57] : memref<8x16x128xf32, #tpu.memory_space<vmem>> -> memref<1x16x128xf32, #tpu.memory_space<vmem>>
    %gather3A_59 = tpu.memref_squeeze %gather3A_58 : memref<1x16x128xf32, #tpu.memory_space<vmem>> -> memref<16x128xf32, #tpu.memory_space<vmem>>
    %gather3A_60 = tpu.vector_load_idx %gather3A_59[%iota3A, %broadcast_in_dim3A_53] : memref<16x128xf32, #tpu.memory_space<vmem>>[vector<16xi32>, vector<16xi32>], vector<16xf32>,
    tpu.vector_store_idx %arg13[%iota3A, %broadcast_in_dim3A_55], %gather3A_60 : memref<16x128xf32, #tpu.memory_space<vmem>>[vector<16xi32>, vector<16xi32>], vector<16xf32>,
    %add3A_61 = arith.constant 0 : i32
    %add3A_62 = vector.broadcast %add3A_61 : i32 to vector<16xi32>
    %add3A_63 = arith.addi %iota3A, %add3A_62 : vector<16xi32>
    %gather3A_64 = arith.constant 0 : i32
    %gather3A_65 = arith.constant 0 : i32
    %gather3A_66 = arith.constant 0 : i32
    %gather3A_67 = tpu.memref_slice %arg11[%gather3A_64, %gather3A_65, %gather3A_66] : memref<8x32x128xf32, #tpu.memory_space<vmem>> -> memref<1x32x128xf32, #tpu.memory_space<vmem>>
    %gather3A_68 = tpu.memref_squeeze %gather3A_67 : memref<1x32x128xf32, #tpu.memory_space<vmem>> -> memref<32x128xf32, #tpu.memory_space<vmem>>
    %gather3A_69 = tpu.vector_load_idx %gather3A_68[%add3A_63, %broadcast_in_dim3A_53] : memref<32x128xf32, #tpu.memory_space<vmem>>[vector<16xi32>, vector<16xi32>], vector<16xf32>,
    %add3A_70 = arith.constant 0 : i32
    %add3A_71 = vector.broadcast %add3A_70 : i32 to vector<16xi32>
    %add3A_72 = arith.addi %iota3A, %add3A_71 : vector<16xi32>
    tpu.vector_store_idx %arg14[%add3A_72, %broadcast_in_dim3A_55], %gather3A_69 : memref<32x128xf32, #tpu.memory_space<vmem>>[vector<16xi32>, vector<16xi32>], vector<16xf32>,
    %add3A_73 = arith.constant 16 : i32
    %add3A_74 = vector.broadcast %add3A_73 : i32 to vector<16xi32>
    %add3A_75 = arith.addi %iota3A, %add3A_74 : vector<16xi32>
    %gather3A_76 = arith.constant 0 : i32
    %gather3A_77 = arith.constant 0 : i32
    %gather3A_78 = arith.constant 0 : i32
    %gather3A_79 = tpu.memref_slice %arg11[%gather3A_76, %gather3A_77, %gather3A_78] : memref<8x32x128xf32, #tpu.memory_space<vmem>> -> memref<1x32x128xf32, #tpu.memory_space<vmem>>
    %gather3A_80 = tpu.memref_squeeze %gather3A_79 : memref<1x32x128xf32, #tpu.memory_space<vmem>> -> memref<32x128xf32, #tpu.memory_space<vmem>>
    %gather3A_81 = tpu.vector_load_idx %gather3A_80[%add3A_75, %broadcast_in_dim3A_53] : memref<32x128xf32, #tpu.memory_space<vmem>>[vector<16xi32>, vector<16xi32>], vector<16xf32>,
    %add3A_82 = arith.constant 16 : i32
    %add3A_83 = vector.broadcast %add3A_82 : i32 to vector<16xi32>
    %add3A_84 = arith.addi %iota3A, %add3A_83 : vector<16xi32>
    tpu.vector_store_idx %arg14[%add3A_84, %broadcast_in_dim3A_55], %gather3A_81 : memref<32x128xf32, #tpu.memory_space<vmem>>[vector<16xi32>, vector<16xi32>], vector<16xf32>,
    %add3A_85 = arith.constant 0 : i32
    %add3A_86 = vector.broadcast %add3A_85 : i32 to vector<16xi32>
    %add3A_87 = arith.addi %iota3A, %add3A_86 : vector<16xi32>
    %gather3A_88 = arith.constant 0 : i32
    %gather3A_89 = arith.constant 0 : i32
    %gather3A_90 = arith.constant 0 : i32
    %gather3A_91 = tpu.memref_slice %arg12[%gather3A_88, %gather3A_89, %gather3A_90] : memref<8x64x128xf32, #tpu.memory_space<vmem>> -> memref<1x64x128xf32, #tpu.memory_space<vmem>>
    %gather3A_92 = tpu.memref_squeeze %gather3A_91 : memref<1x64x128xf32, #tpu.memory_space<vmem>> -> memref<64x128xf32, #tpu.memory_space<vmem>>
    %gather3A_93 = tpu.vector_load_idx %gather3A_92[%add3A_87, %broadcast_in_dim3A_53] : memref<64x128xf32, #tpu.memory_space<vmem>>[vector<16xi32>, vector<16xi32>], vector<16xf32>,
    %add3A_94 = arith.constant 0 : i32
    %add3A_95 = vector.broadcast %add3A_94 : i32 to vector<16xi32>
    %add3A_96 = arith.addi %iota3A, %add3A_95 : vector<16xi32>
    tpu.vector_store_idx %arg15[%add3A_96, %broadcast_in_dim3A_55], %gather3A_93 : memref<64x128xf32, #tpu.memory_space<vmem>>[vector<16xi32>, vector<16xi32>], vector<16xf32>,
    %add3A_97 = arith.constant 16 : i32
    %add3A_98 = vector.broadcast %add3A_97 : i32 to vector<16xi32>
    %add3A_99 = arith.addi %iota3A, %add3A_98 : vector<16xi32>
    %gather3A_100 = arith.constant 0 : i32
    %gather3A_101 = arith.constant 0 : i32
    %gather3A_102 = arith.constant 0 : i32
    %gather3A_103 = tpu.memref_slice %arg12[%gather3A_100, %gather3A_101, %gather3A_102] : memref<8x64x128xf32, #tpu.memory_space<vmem>> -> memref<1x64x128xf32, #tpu.memory_space<vmem>>
    %gather3A_104 = tpu.memref_squeeze %gather3A_103 : memref<1x64x128xf32, #tpu.memory_space<vmem>> -> memref<64x128xf32, #tpu.memory_space<vmem>>
    %gather3A_105 = tpu.vector_load_idx %gather3A_104[%add3A_99, %broadcast_in_dim3A_53] : memref<64x128xf32, #tpu.memory_space<vmem>>[vector<16xi32>, vector<16xi32>], vector<16xf32>,
    %add3A_106 = arith.constant 16 : i32
    %add3A_107 = vector.broadcast %add3A_106 : i32 to vector<16xi32>
    %add3A_108 = arith.addi %iota3A, %add3A_107 : vector<16xi32>
    tpu.vector_store_idx %arg15[%add3A_108, %broadcast_in_dim3A_55], %gather3A_105 : memref<64x128xf32, #tpu.memory_space<vmem>>[vector<16xi32>, vector<16xi32>], vector<16xf32>,
    %add3A_109 = arith.constant 32 : i32
    %add3A_110 = vector.broadcast %add3A_109 : i32 to vector<16xi32>
    %add3A_111 = arith.addi %iota3A, %add3A_110 : vector<16xi32>
    %gather3A_112 = arith.constant 0 : i32
    %gather3A_113 = arith.constant 0 : i32
    %gather3A_114 = arith.constant 0 : i32
    %gather3A_115 = tpu.memref_slice %arg12[%gather3A_112, %gather3A_113, %gather3A_114] : memref<8x64x128xf32, #tpu.memory_space<vmem>> -> memref<1x64x128xf32, #tpu.memory_space<vmem>>
    %gather3A_116 = tpu.memref_squeeze %gather3A_115 : memref<1x64x128xf32, #tpu.memory_space<vmem>> -> memref<64x128xf32, #tpu.memory_space<vmem>>
    %gather3A_117 = tpu.vector_load_idx %gather3A_116[%add3A_111, %broadcast_in_dim3A_53] : memref<64x128xf32, #tpu.memory_space<vmem>>[vector<16xi32>, vector<16xi32>], vector<16xf32>,
    %add3A_118 = arith.constant 32 : i32
    %add3A_119 = vector.broadcast %add3A_118 : i32 to vector<16xi32>
    %add3A_120 = arith.addi %iota3A, %add3A_119 : vector<16xi32>
    tpu.vector_store_idx %arg15[%add3A_120, %broadcast_in_dim3A_55], %gather3A_117 : memref<64x128xf32, #tpu.memory_space<vmem>>[vector<16xi32>, vector<16xi32>], vector<16xf32>,
    %add3A_121 = arith.constant 48 : i32
    %add3A_122 = vector.broadcast %add3A_121 : i32 to vector<16xi32>
    %add3A_123 = arith.addi %iota3A, %add3A_122 : vector<16xi32>
    %gather3A_124 = arith.constant 0 : i32
    %gather3A_125 = arith.constant 0 : i32
    %gather3A_126 = arith.constant 0 : i32
    %gather3A_127 = tpu.memref_slice %arg12[%gather3A_124, %gather3A_125, %gather3A_126] : memref<8x64x128xf32, #tpu.memory_space<vmem>> -> memref<1x64x128xf32, #tpu.memory_space<vmem>>
    %gather3A_128 = tpu.memref_squeeze %gather3A_127 : memref<1x64x128xf32, #tpu.memory_space<vmem>> -> memref<64x128xf32, #tpu.memory_space<vmem>>
    %gather3A_129 = tpu.vector_load_idx %gather3A_128[%add3A_123, %broadcast_in_dim3A_53] : memref<64x128xf32, #tpu.memory_space<vmem>>[vector<16xi32>, vector<16xi32>], vector<16xf32>,
    %add3A_130 = arith.constant 48 : i32
    %add3A_131 = vector.broadcast %add3A_130 : i32 to vector<16xi32>
    %add3A_132 = arith.addi %iota3A, %add3A_131 : vector<16xi32>
    tpu.vector_store_idx %arg15[%add3A_132, %broadcast_in_dim3A_55], %gather3A_129 : memref<64x128xf32, #tpu.memory_space<vmem>>[vector<16xi32>, vector<16xi32>], vector<16xf32>,
    %dma_wait3A_133 = arith.constant 1 : i32
    %dma_wait3A_134 = arith.constant 0 : i32
    %dma_wait3A_135 = arith.constant 0 : i32
    %dma_wait3A_136 = tpu.memref_slice %arg10[%dma_wait3A_133, %dma_wait3A_134, %dma_wait3A_135] : memref<8x16x128xf32, #tpu.memory_space<vmem>> -> memref<1x16x128xf32, #tpu.memory_space<vmem>>
    %dma_wait3A_137 = tpu.memref_squeeze %dma_wait3A_136 : memref<1x16x128xf32, #tpu.memory_space<vmem>> -> memref<16x128xf32, #tpu.memory_space<vmem>>
    %dma_wait3A_138 = arith.constant 0 : i32
    %dma_wait3A_139 = arith.constant 0 : i32
    %dma_wait3A_140 = tpu.memref_slice %arg3[%dma_wait3A_138, %dma_wait3A_139] : memref<16x1000000xf32, #tpu.memory_space<hbm>> -> memref<16x128xf32, #tpu.memory_space<hbm>>
    %dma_wait3A_141 = arith.constant 0 : i32
    %dma_wait3A_142 = arith.constant 0 : i32
    %dma_wait3A_143 = tpu.memref_slice %arg10[%dma_wait3A_133, %dma_wait3A_141, %dma_wait3A_142] : memref<8x16x128xf32, #tpu.memory_space<vmem>> -> memref<1x16x128xf32, #tpu.memory_space<vmem>>
    %dma_wait3A_144 = tpu.memref_squeeze %dma_wait3A_143 : memref<1x16x128xf32, #tpu.memory_space<vmem>> -> memref<16x128xf32, #tpu.memory_space<vmem>>
    %dma_wait3A_145 = arith.constant 0 : i32
    %dma_wait3A_146 = arith.constant 0 : i32
    %dma_wait3A_147 = tpu.memref_slice %arg3[%dma_wait3A_145, %dma_wait3A_146] : memref<16x1000000xf32, #tpu.memory_space<hbm>> -> memref<16x128xf32, #tpu.memory_space<hbm>>
    tpu.wait_dma2 semaphore(%arg17 : memref<!tpu.dma_semaphore, #tpu.memory_space<semaphore_mem>>) src(%dma_wait3A_147 : memref<16x128xf32, #tpu.memory_space<hbm>>) dst(%dma_wait3A_144 : memref<16x128xf32, #tpu.memory_space<vmem>>)
    %dma_wait3A_148 = arith.constant 1 : i32
    %dma_wait3A_149 = arith.constant 0 : i32
    %dma_wait3A_150 = arith.constant 0 : i32
    %dma_wait3A_151 = tpu.memref_slice %arg11[%dma_wait3A_148, %dma_wait3A_149, %dma_wait3A_150] : memref<8x32x128xf32, #tpu.memory_space<vmem>> -> memref<1x32x128xf32, #tpu.memory_space<vmem>>
    %dma_wait3A_152 = tpu.memref_squeeze %dma_wait3A_151 : memref<1x32x128xf32, #tpu.memory_space<vmem>> -> memref<32x128xf32, #tpu.memory_space<vmem>>
    %dma_wait3A_153 = arith.constant 0 : i32
    %dma_wait3A_154 = arith.constant 0 : i32
    %dma_wait3A_155 = tpu.memref_slice %arg4[%dma_wait3A_153, %dma_wait3A_154] : memref<32x1000000xf32, #tpu.memory_space<hbm>> -> memref<32x128xf32, #tpu.memory_space<hbm>>
    %dma_wait3A_156 = arith.constant 0 : i32
    %dma_wait3A_157 = arith.constant 0 : i32
    %dma_wait3A_158 = tpu.memref_slice %arg11[%dma_wait3A_148, %dma_wait3A_156, %dma_wait3A_157] : memref<8x32x128xf32, #tpu.memory_space<vmem>> -> memref<1x32x128xf32, #tpu.memory_space<vmem>>
    %dma_wait3A_159 = tpu.memref_squeeze %dma_wait3A_158 : memref<1x32x128xf32, #tpu.memory_space<vmem>> -> memref<32x128xf32, #tpu.memory_space<vmem>>
    %dma_wait3A_160 = arith.constant 0 : i32
    %dma_wait3A_161 = arith.constant 0 : i32
    %dma_wait3A_162 = tpu.memref_slice %arg4[%dma_wait3A_160, %dma_wait3A_161] : memref<32x1000000xf32, #tpu.memory_space<hbm>> -> memref<32x128xf32, #tpu.memory_space<hbm>>
    tpu.wait_dma2 semaphore(%arg17 : memref<!tpu.dma_semaphore, #tpu.memory_space<semaphore_mem>>) src(%dma_wait3A_162 : memref<32x128xf32, #tpu.memory_space<hbm>>) dst(%dma_wait3A_159 : memref<32x128xf32, #tpu.memory_space<vmem>>)
    %dma_wait3A_163 = arith.constant 1 : i32
    %dma_wait3A_164 = arith.constant 0 : i32
    %dma_wait3A_165 = arith.constant 0 : i32
    %dma_wait3A_166 = tpu.memref_slice %arg12[%dma_wait3A_163, %dma_wait3A_164, %dma_wait3A_165] : memref<8x64x128xf32, #tpu.memory_space<vmem>> -> memref<1x64x128xf32, #tpu.memory_space<vmem>>
    %dma_wait3A_167 = tpu.memref_squeeze %dma_wait3A_166 : memref<1x64x128xf32, #tpu.memory_space<vmem>> -> memref<64x128xf32, #tpu.memory_space<vmem>>
    %dma_wait3A_168 = arith.constant 0 : i32
    %dma_wait3A_169 = arith.constant 0 : i32
    %dma_wait3A_170 = tpu.memref_slice %arg5[%dma_wait3A_168, %dma_wait3A_169] : memref<64x1000000xf32, #tpu.memory_space<hbm>> -> memref<64x128xf32, #tpu.memory_space<hbm>>
    %dma_wait3A_171 = arith.constant 0 : i32
    %dma_wait3A_172 = arith.constant 0 : i32
    %dma_wait3A_173 = tpu.memref_slice %arg12[%dma_wait3A_163, %dma_wait3A_171, %dma_wait3A_172] : memref<8x64x128xf32, #tpu.memory_space<vmem>> -> memref<1x64x128xf32, #tpu.memory_space<vmem>>
    %dma_wait3A_174 = tpu.memref_squeeze %dma_wait3A_173 : memref<1x64x128xf32, #tpu.memory_space<vmem>> -> memref<64x128xf32, #tpu.memory_space<vmem>>
    %dma_wait3A_175 = arith.constant 0 : i32
    %dma_wait3A_176 = arith.constant 0 : i32
    %dma_wait3A_177 = tpu.memref_slice %arg5[%dma_wait3A_175, %dma_wait3A_176] : memref<64x1000000xf32, #tpu.memory_space<hbm>> -> memref<64x128xf32, #tpu.memory_space<hbm>>
    tpu.wait_dma2 semaphore(%arg17 : memref<!tpu.dma_semaphore, #tpu.memory_space<semaphore_mem>>) src(%dma_wait3A_177 : memref<64x128xf32, #tpu.memory_space<hbm>>) dst(%dma_wait3A_174 : memref<64x128xf32, #tpu.memory_space<vmem>>)
    %slice3A_178 = vector.extract_strided_slice %scan3A_7#1 {offsets = [9], sizes = [1], strides = [1]} : vector<16xi32> to vector<1xi32>
    %squeeze3A_179 = vector.extract %slice3A_178[0] : i32 from vector<1xi32>
    %broadcast_in_dim3A_180 = vector.broadcast %squeeze3A_179 : i32 to vector<16xi32>
    %broadcast_in_dim3A_181 = arith.constant 121 : i32
    %broadcast_in_dim3A_182 = vector.broadcast %broadcast_in_dim3A_181 : i32 to vector<16xi32>
    %gather3A_183 = arith.constant 1 : i32
    %gather3A_184 = arith.constant 0 : i32
    %gather3A_185 = arith.constant 0 : i32
    %gather3A_186 = tpu.memref_slice %arg10[%gather3A_183, %gather3A_184, %gather3A_185] : memref<8x16x128xf32, #tpu.memory_space<vmem>> -> memref<1x16x128xf32, #tpu.memory_space<vmem>>
    %gather3A_187 = tpu.memref_squeeze %gather3A_186 : memref<1x16x128xf32, #tpu.memory_space<vmem>> -> memref<16x128xf32, #tpu.memory_space<vmem>>
    %gather3A_188 = tpu.vector_load_idx %gather3A_187[%iota3A, %broadcast_in_dim3A_180] : memref<16x128xf32, #tpu.memory_space<vmem>>[vector<16xi32>, vector<16xi32>], vector<16xf32>,
    tpu.vector_store_idx %arg13[%iota3A, %broadcast_in_dim3A_182], %gather3A_188 : memref<16x128xf32, #tpu.memory_space<vmem>>[vector<16xi32>, vector<16xi32>], vector<16xf32>,
    %add3A_189 = arith.constant 0 : i32
    %add3A_190 = vector.broadcast %add3A_189 : i32 to vector<16xi32>
    %add3A_191 = arith.addi %iota3A, %add3A_190 : vector<16xi32>
    %gather3A_192 = arith.constant 1 : i32
    %gather3A_193 = arith.constant 0 : i32
    %gather3A_194 = arith.constant 0 : i32
    %gather3A_195 = tpu.memref_slice %arg11[%gather3A_192, %gather3A_193, %gather3A_194] : memref<8x32x128xf32, #tpu.memory_space<vmem>> -> memref<1x32x128xf32, #tpu.memory_space<vmem>>
    %gather3A_196 = tpu.memref_squeeze %gather3A_195 : memref<1x32x128xf32, #tpu.memory_space<vmem>> -> memref<32x128xf32, #tpu.memory_space<vmem>>
    %gather3A_197 = tpu.vector_load_idx %gather3A_196[%add3A_191, %broadcast_in_dim3A_180] : memref<32x128xf32, #tpu.memory_space<vmem>>[vector<16xi32>, vector<16xi32>], vector<16xf32>,
    %add3A_198 = arith.constant 0 : i32
    %add3A_199 = vector.broadcast %add3A_198 : i32 to vector<16xi32>
    %add3A_200 = arith.addi %iota3A, %add3A_199 : vector<16xi32>
    tpu.vector_store_idx %arg14[%add3A_200, %broadcast_in_dim3A_182], %gather3A_197 : memref<32x128xf32, #tpu.memory_space<vmem>>[vector<16xi32>, vector<16xi32>], vector<16xf32>,
    %add3A_201 = arith.constant 16 : i32
    %add3A_202 = vector.broadcast %add3A_201 : i32 to vector<16xi32>
    %add3A_203 = arith.addi %iota3A, %add3A_202 : vector<16xi32>
    %gather3A_204 = arith.constant 1 : i32
    %gather3A_205 = arith.constant 0 : i32
    %gather3A_206 = arith.constant 0 : i32
    %gather3A_207 = tpu.memref_slice %arg11[%gather3A_204, %gather3A_205, %gather3A_206] : memref<8x32x128xf32, #tpu.memory_space<vmem>> -> memref<1x32x128xf32, #tpu.memory_space<vmem>>
    %gather3A_208 = tpu.memref_squeeze %gather3A_207 : memref<1x32x128xf32, #tpu.memory_space<vmem>> -> memref<32x128xf32, #tpu.memory_space<vmem>>
    %gather3A_209 = tpu.vector_load_idx %gather3A_208[%add3A_203, %broadcast_in_dim3A_180] : memref<32x128xf32, #tpu.memory_space<vmem>>[vector<16xi32>, vector<16xi32>], vector<16xf32>,
    %add3A_210 = arith.constant 16 : i32
    %add3A_211 = vector.broadcast %add3A_210 : i32 to vector<16xi32>
    %add3A_212 = arith.addi %iota3A, %add3A_211 : vector<16xi32>
    tpu.vector_store_idx %arg14[%add3A_212, %broadcast_in_dim3A_182], %gather3A_209 : memref<32x128xf32, #tpu.memory_space<vmem>>[vector<16xi32>, vector<16xi32>], vector<16xf32>,
    %add3A_213 = arith.constant 0 : i32
    %add3A_214 = vector.broadcast %add3A_213 : i32 to vector<16xi32>
    %add3A_215 = arith.addi %iota3A, %add3A_214 : vector<16xi32>
    %gather3A_216 = arith.constant 1 : i32
    %gather3A_217 = arith.constant 0 : i32
    %gather3A_218 = arith.constant 0 : i32
    %gather3A_219 = tpu.memref_slice %arg12[%gather3A_216, %gather3A_217, %gather3A_218] : memref<8x64x128xf32, #tpu.memory_space<vmem>> -> memref<1x64x128xf32, #tpu.memory_space<vmem>>
    %gather3A_220 = tpu.memref_squeeze %gather3A_219 : memref<1x64x128xf32, #tpu.memory_space<vmem>> -> memref<64x128xf32, #tpu.memory_space<vmem>>
    %gather3A_221 = tpu.vector_load_idx %gather3A_220[%add3A_215, %broadcast_in_dim3A_180] : memref<64x128xf32, #tpu.memory_space<vmem>>[vector<16xi32>, vector<16xi32>], vector<16xf32>,
    %add3A_222 = arith.constant 0 : i32
    %add3A_223 = vector.broadcast %add3A_222 : i32 to vector<16xi32>
    %add3A_224 = arith.addi %iota3A, %add3A_223 : vector<16xi32>
    tpu.vector_store_idx %arg15[%add3A_224, %broadcast_in_dim3A_182], %gather3A_221 : memref<64x128xf32, #tpu.memory_space<vmem>>[vector<16xi32>, vector<16xi32>], vector<16xf32>,
    %add3A_225 = arith.constant 16 : i32
    %add3A_226 = vector.broadcast %add3A_225 : i32 to vector<16xi32>
    %add3A_227 = arith.addi %iota3A, %add3A_226 : vector<16xi32>
    %gather3A_228 = arith.constant 1 : i32
    %gather3A_229 = arith.constant 0 : i32
    %gather3A_230 = arith.constant 0 : i32
    %gather3A_231 = tpu.memref_slice %arg12[%gather3A_228, %gather3A_229, %gather3A_230] : memref<8x64x128xf32, #tpu.memory_space<vmem>> -> memref<1x64x128xf32, #tpu.memory_space<vmem>>
    %gather3A_232 = tpu.memref_squeeze %gather3A_231 : memref<1x64x128xf32, #tpu.memory_space<vmem>> -> memref<64x128xf32, #tpu.memory_space<vmem>>
    %gather3A_233 = tpu.vector_load_idx %gather3A_232[%add3A_227, %broadcast_in_dim3A_180] : memref<64x128xf32, #tpu.memory_space<vmem>>[vector<16xi32>, vector<16xi32>], vector<16xf32>,
    %add3A_234 = arith.constant 16 : i32
    %add3A_235 = vector.broadcast %add3A_234 : i32 to vector<16xi32>
    %add3A_236 = arith.addi %iota3A, %add3A_235 : vector<16xi32>
    tpu.vector_store_idx %arg15[%add3A_236, %broadcast_in_dim3A_182], %gather3A_233 : memref<64x128xf32, #tpu.memory_space<vmem>>[vector<16xi32>, vector<16xi32>], vector<16xf32>,
    %add3A_237 = arith.constant 32 : i32
    %add3A_238 = vector.broadcast %add3A_237 : i32 to vector<16xi32>
    %add3A_239 = arith.addi %iota3A, %add3A_238 : vector<16xi32>
    %gather3A_240 = arith.constant 1 : i32
    %gather3A_241 = arith.constant 0 : i32
    %gather3A_242 = arith.constant 0 : i32
    %gather3A_243 = tpu.memref_slice %arg12[%gather3A_240, %gather3A_241, %gather3A_242] : memref<8x64x128xf32, #tpu.memory_space<vmem>> -> memref<1x64x128xf32, #tpu.memory_space<vmem>>
    %gather3A_244 = tpu.memref_squeeze %gather3A_243 : memref<1x64x128xf32, #tpu.memory_space<vmem>> -> memref<64x128xf32, #tpu.memory_space<vmem>>
    %gather3A_245 = tpu.vector_load_idx %gather3A_244[%add3A_239, %broadcast_in_dim3A_180] : memref<64x128xf32, #tpu.memory_space<vmem>>[vector<16xi32>, vector<16xi32>], vector<16xf32>,
    %add3A_246 = arith.constant 32 : i32
    %add3A_247 = vector.broadcast %add3A_246 : i32 to vector<16xi32>
    %add3A_248 = arith.addi %iota3A, %add3A_247 : vector<16xi32>
    tpu.vector_store_idx %arg15[%add3A_248, %broadcast_in_dim3A_182], %gather3A_245 : memref<64x128xf32, #tpu.memory_space<vmem>>[vector<16xi32>, vector<16xi32>], vector<16xf32>,
    %add3A_249 = arith.constant 48 : i32
    %add3A_250 = vector.broadcast %add3A_249 : i32 to vector<16xi32>
    %add3A_251 = arith.addi %iota3A, %add3A_250 : vector<16xi32>
    %gather3A_252 = arith.constant 1 : i32
    %gather3A_253 = arith.constant 0 : i32
    %gather3A_254 = arith.constant 0 : i32
    %gather3A_255 = tpu.memref_slice %arg12[%gather3A_252, %gather3A_253, %gather3A_254] : memref<8x64x128xf32, #tpu.memory_space<vmem>> -> memref<1x64x128xf32, #tpu.memory_space<vmem>>
    %gather3A_256 = tpu.memref_squeeze %gather3A_255 : memref<1x64x128xf32, #tpu.memory_space<vmem>> -> memref<64x128xf32, #tpu.memory_space<vmem>>
    %gather3A_257 = tpu.vector_load_idx %gather3A_256[%add3A_251, %broadcast_in_dim3A_180] : memref<64x128xf32, #tpu.memory_space<vmem>>[vector<16xi32>, vector<16xi32>], vector<16xf32>,
    %add3A_258 = arith.constant 48 : i32
    %add3A_259 = vector.broadcast %add3A_258 : i32 to vector<16xi32>
    %add3A_260 = arith.addi %iota3A, %add3A_259 : vector<16xi32>
    tpu.vector_store_idx %arg15[%add3A_260, %broadcast_in_dim3A_182], %gather3A_257 : memref<64x128xf32, #tpu.memory_space<vmem>>[vector<16xi32>, vector<16xi32>], vector<16xf32>,
    %dma_wait3A_261 = arith.constant 2 : i32
    %dma_wait3A_262 = arith.constant 0 : i32
    %dma_wait3A_263 = arith.constant 0 : i32
    %dma_wait3A_264 = tpu.memref_slice %arg10[%dma_wait3A_261, %dma_wait3A_262, %dma_wait3A_263] : memref<8x16x128xf32, #tpu.memory_space<vmem>> -> memref<1x16x128xf32, #tpu.memory_space<vmem>>
    %dma_wait3A_265 = tpu.memref_squeeze %dma_wait3A_264 : memref<1x16x128xf32, #tpu.memory_space<vmem>> -> memref<16x128xf32, #tpu.memory_space<vmem>>
    %dma_wait3A_266 = arith.constant 0 : i32
    %dma_wait3A_267 = arith.constant 0 : i32
    %dma_wait3A_268 = tpu.memref_slice %arg3[%dma_wait3A_266, %dma_wait3A_267] : memref<16x1000000xf32, #tpu.memory_space<hbm>> -> memref<16x128xf32, #tpu.memory_space<hbm>>
    %dma_wait3A_269 = arith.constant 0 : i32
    %dma_wait3A_270 = arith.constant 0 : i32
    %dma_wait3A_271 = tpu.memref_slice %arg10[%dma_wait3A_261, %dma_wait3A_269, %dma_wait3A_270] : memref<8x16x128xf32, #tpu.memory_space<vmem>> -> memref<1x16x128xf32, #tpu.memory_space<vmem>>
    %dma_wait3A_272 = tpu.memref_squeeze %dma_wait3A_271 : memref<1x16x128xf32, #tpu.memory_space<vmem>> -> memref<16x128xf32, #tpu.memory_space<vmem>>
    %dma_wait3A_273 = arith.constant 0 : i32
    %dma_wait3A_274 = arith.constant 0 : i32
    %dma_wait3A_275 = tpu.memref_slice %arg3[%dma_wait3A_273, %dma_wait3A_274] : memref<16x1000000xf32, #tpu.memory_space<hbm>> -> memref<16x128xf32, #tpu.memory_space<hbm>>
    tpu.wait_dma2 semaphore(%arg18 : memref<!tpu.dma_semaphore, #tpu.memory_space<semaphore_mem>>) src(%dma_wait3A_275 : memref<16x128xf32, #tpu.memory_space<hbm>>) dst(%dma_wait3A_272 : memref<16x128xf32, #tpu.memory_space<vmem>>)
    %dma_wait3A_276 = arith.constant 2 : i32
    %dma_wait3A_277 = arith.constant 0 : i32
    %dma_wait3A_278 = arith.constant 0 : i32
    %dma_wait3A_279 = tpu.memref_slice %arg11[%dma_wait3A_276, %dma_wait3A_277, %dma_wait3A_278] : memref<8x32x128xf32, #tpu.memory_space<vmem>> -> memref<1x32x128xf32, #tpu.memory_space<vmem>>
    %dma_wait3A_280 = tpu.memref_squeeze %dma_wait3A_279 : memref<1x32x128xf32, #tpu.memory_space<vmem>> -> memref<32x128xf32, #tpu.memory_space<vmem>>
    %dma_wait3A_281 = arith.constant 0 : i32
    %dma_wait3A_282 = arith.constant 0 : i32
    %dma_wait3A_283 = tpu.memref_slice %arg4[%dma_wait3A_281, %dma_wait3A_282] : memref<32x1000000xf32, #tpu.memory_space<hbm>> -> memref<32x128xf32, #tpu.memory_space<hbm>>
    %dma_wait3A_284 = arith.constant 0 : i32
    %dma_wait3A_285 = arith.constant 0 : i32
    %dma_wait3A_286 = tpu.memref_slice %arg11[%dma_wait3A_276, %dma_wait3A_284, %dma_wait3A_285] : memref<8x32x128xf32, #tpu.memory_space<vmem>> -> memref<1x32x128xf32, #tpu.memory_space<vmem>>
    %dma_wait3A_287 = tpu.memref_squeeze %dma_wait3A_286 : memref<1x32x128xf32, #tpu.memory_space<vmem>> -> memref<32x128xf32, #tpu.memory_space<vmem>>
    %dma_wait3A_288 = arith.constant 0 : i32
    %dma_wait3A_289 = arith.constant 0 : i32
    %dma_wait3A_290 = tpu.memref_slice %arg4[%dma_wait3A_288, %dma_wait3A_289] : memref<32x1000000xf32, #tpu.memory_space<hbm>> -> memref<32x128xf32, #tpu.memory_space<hbm>>
    tpu.wait_dma2 semaphore(%arg18 : memref<!tpu.dma_semaphore, #tpu.memory_space<semaphore_mem>>) src(%dma_wait3A_290 : memref<32x128xf32, #tpu.memory_space<hbm>>) dst(%dma_wait3A_287 : memref<32x128xf32, #tpu.memory_space<vmem>>)
    %dma_wait3A_291 = arith.constant 2 : i32
    %dma_wait3A_292 = arith.constant 0 : i32
    %dma_wait3A_293 = arith.constant 0 : i32
    %dma_wait3A_294 = tpu.memref_slice %arg12[%dma_wait3A_291, %dma_wait3A_292, %dma_wait3A_293] : memref<8x64x128xf32, #tpu.memory_space<vmem>> -> memref<1x64x128xf32, #tpu.memory_space<vmem>>
    %dma_wait3A_295 = tpu.memref_squeeze %dma_wait3A_294 : memref<1x64x128xf32, #tpu.memory_space<vmem>> -> memref<64x128xf32, #tpu.memory_space<vmem>>
    %dma_wait3A_296 = arith.constant 0 : i32
    %dma_wait3A_297 = arith.constant 0 : i32
    %dma_wait3A_298 = tpu.memref_slice %arg5[%dma_wait3A_296, %dma_wait3A_297] : memref<64x1000000xf32, #tpu.memory_space<hbm>> -> memref<64x128xf32, #tpu.memory_space<hbm>>
    %dma_wait3A_299 = arith.constant 0 : i32
    %dma_wait3A_300 = arith.constant 0 : i32
    %dma_wait3A_301 = tpu.memref_slice %arg12[%dma_wait3A_291, %dma_wait3A_299, %dma_wait3A_300] : memref<8x64x128xf32, #tpu.memory_space<vmem>> -> memref<1x64x128xf32, #tpu.memory_space<vmem>>
    %dma_wait3A_302 = tpu.memref_squeeze %dma_wait3A_301 : memref<1x64x128xf32, #tpu.memory_space<vmem>> -> memref<64x128xf32, #tpu.memory_space<vmem>>
    %dma_wait3A_303 = arith.constant 0 : i32
    %dma_wait3A_304 = arith.constant 0 : i32
    %dma_wait3A_305 = tpu.memref_slice %arg5[%dma_wait3A_303, %dma_wait3A_304] : memref<64x1000000xf32, #tpu.memory_space<hbm>> -> memref<64x128xf32, #tpu.memory_space<hbm>>
    tpu.wait_dma2 semaphore(%arg18 : memref<!tpu.dma_semaphore, #tpu.memory_space<semaphore_mem>>) src(%dma_wait3A_305 : memref<64x128xf32, #tpu.memory_space<hbm>>) dst(%dma_wait3A_302 : memref<64x128xf32, #tpu.memory_space<vmem>>)
    %slice3A_306 = vector.extract_strided_slice %scan3A_7#1 {offsets = [10], sizes = [1], strides = [1]} : vector<16xi32> to vector<1xi32>
    %squeeze3A_307 = vector.extract %slice3A_306[0] : i32 from vector<1xi32>
    %broadcast_in_dim3A_308 = vector.broadcast %squeeze3A_307 : i32 to vector<16xi32>
    %broadcast_in_dim3A_309 = arith.constant 122 : i32
    %broadcast_in_dim3A_310 = vector.broadcast %broadcast_in_dim3A_309 : i32 to vector<16xi32>
    %gather3A_311 = arith.constant 2 : i32
    %gather3A_312 = arith.constant 0 : i32
    %gather3A_313 = arith.constant 0 : i32
    %gather3A_314 = tpu.memref_slice %arg10[%gather3A_311, %gather3A_312, %gather3A_313] : memref<8x16x128xf32, #tpu.memory_space<vmem>> -> memref<1x16x128xf32, #tpu.memory_space<vmem>>
    %gather3A_315 = tpu.memref_squeeze %gather3A_314 : memref<1x16x128xf32, #tpu.memory_space<vmem>> -> memref<16x128xf32, #tpu.memory_space<vmem>>
    %gather3A_316 = tpu.vector_load_idx %gather3A_315[%iota3A, %broadcast_in_dim3A_308] : memref<16x128xf32, #tpu.memory_space<vmem>>[vector<16xi32>, vector<16xi32>], vector<16xf32>,
    tpu.vector_store_idx %arg13[%iota3A, %broadcast_in_dim3A_310], %gather3A_316 : memref<16x128xf32, #tpu.memory_space<vmem>>[vector<16xi32>, vector<16xi32>], vector<16xf32>,
    %add3A_317 = arith.constant 0 : i32
    %add3A_318 = vector.broadcast %add3A_317 : i32 to vector<16xi32>
    %add3A_319 = arith.addi %iota3A, %add3A_318 : vector<16xi32>
    %gather3A_320 = arith.constant 2 : i32
    %gather3A_321 = arith.constant 0 : i32
    %gather3A_322 = arith.constant 0 : i32
    %gather3A_323 = tpu.memref_slice %arg11[%gather3A_320, %gather3A_321, %gather3A_322] : memref<8x32x128xf32, #tpu.memory_space<vmem>> -> memref<1x32x128xf32, #tpu.memory_space<vmem>>
    %gather3A_324 = tpu.memref_squeeze %gather3A_323 : memref<1x32x128xf32, #tpu.memory_space<vmem>> -> memref<32x128xf32, #tpu.memory_space<vmem>>
    %gather3A_325 = tpu.vector_load_idx %gather3A_324[%add3A_319, %broadcast_in_dim3A_308] : memref<32x128xf32, #tpu.memory_space<vmem>>[vector<16xi32>, vector<16xi32>], vector<16xf32>,
    %add3A_326 = arith.constant 0 : i32
    %add3A_327 = vector.broadcast %add3A_326 : i32 to vector<16xi32>
    %add3A_328 = arith.addi %iota3A, %add3A_327 : vector<16xi32>
    tpu.vector_store_idx %arg14[%add3A_328, %broadcast_in_dim3A_310], %gather3A_325 : memref<32x128xf32, #tpu.memory_space<vmem>>[vector<16xi32>, vector<16xi32>], vector<16xf32>,
    %add3A_329 = arith.constant 16 : i32
    %add3A_330 = vector.broadcast %add3A_329 : i32 to vector<16xi32>
    %add3A_331 = arith.addi %iota3A, %add3A_330 : vector<16xi32>
    %gather3A_332 = arith.constant 2 : i32
    %gather3A_333 = arith.constant 0 : i32
    %gather3A_334 = arith.constant 0 : i32
    %gather3A_335 = tpu.memref_slice %arg11[%gather3A_332, %gather3A_333, %gather3A_334] : memref<8x32x128xf32, #tpu.memory_space<vmem>> -> memref<1x32x128xf32, #tpu.memory_space<vmem>>
    %gather3A_336 = tpu.memref_squeeze %gather3A_335 : memref<1x32x128xf32, #tpu.memory_space<vmem>> -> memref<32x128xf32, #tpu.memory_space<vmem>>
    %gather3A_337 = tpu.vector_load_idx %gather3A_336[%add3A_331, %broadcast_in_dim3A_308] : memref<32x128xf32, #tpu.memory_space<vmem>>[vector<16xi32>, vector<16xi32>], vector<16xf32>,
    %add3A_338 = arith.constant 16 : i32
    %add3A_339 = vector.broadcast %add3A_338 : i32 to vector<16xi32>
    %add3A_340 = arith.addi %iota3A, %add3A_339 : vector<16xi32>
    tpu.vector_store_idx %arg14[%add3A_340, %broadcast_in_dim3A_310], %gather3A_337 : memref<32x128xf32, #tpu.memory_space<vmem>>[vector<16xi32>, vector<16xi32>], vector<16xf32>,
    %add3A_341 = arith.constant 0 : i32
    %add3A_342 = vector.broadcast %add3A_341 : i32 to vector<16xi32>
    %add3A_343 = arith.addi %iota3A, %add3A_342 : vector<16xi32>
    %gather3A_344 = arith.constant 2 : i32
    %gather3A_345 = arith.constant 0 : i32
    %gather3A_346 = arith.constant 0 : i32
    %gather3A_347 = tpu.memref_slice %arg12[%gather3A_344, %gather3A_345, %gather3A_346] : memref<8x64x128xf32, #tpu.memory_space<vmem>> -> memref<1x64x128xf32, #tpu.memory_space<vmem>>
    %gather3A_348 = tpu.memref_squeeze %gather3A_347 : memref<1x64x128xf32, #tpu.memory_space<vmem>> -> memref<64x128xf32, #tpu.memory_space<vmem>>
    %gather3A_349 = tpu.vector_load_idx %gather3A_348[%add3A_343, %broadcast_in_dim3A_308] : memref<64x128xf32, #tpu.memory_space<vmem>>[vector<16xi32>, vector<16xi32>], vector<16xf32>,
    %add3A_350 = arith.constant 0 : i32
    %add3A_351 = vector.broadcast %add3A_350 : i32 to vector<16xi32>
    %add3A_352 = arith.addi %iota3A, %add3A_351 : vector<16xi32>
    tpu.vector_store_idx %arg15[%add3A_352, %broadcast_in_dim3A_310], %gather3A_349 : memref<64x128xf32, #tpu.memory_space<vmem>>[vector<16xi32>, vector<16xi32>], vector<16xf32>,
    %add3A_353 = arith.constant 16 : i32
    %add3A_354 = vector.broadcast %add3A_353 : i32 to vector<16xi32>
    %add3A_355 = arith.addi %iota3A, %add3A_354 : vector<16xi32>
    %gather3A_356 = arith.constant 2 : i32
    %gather3A_357 = arith.constant 0 : i32
    %gather3A_358 = arith.constant 0 : i32
    %gather3A_359 = tpu.memref_slice %arg12[%gather3A_356, %gather3A_357, %gather3A_358] : memref<8x64x128xf32, #tpu.memory_space<vmem>> -> memref<1x64x128xf32, #tpu.memory_space<vmem>>
    %gather3A_360 = tpu.memref_squeeze %gather3A_359 : memref<1x64x128xf32, #tpu.memory_space<vmem>> -> memref<64x128xf32, #tpu.memory_space<vmem>>
    %gather3A_361 = tpu.vector_load_idx %gather3A_360[%add3A_355, %broadcast_in_dim3A_308] : memref<64x128xf32, #tpu.memory_space<vmem>>[vector<16xi32>, vector<16xi32>], vector<16xf32>,
    %add3A_362 = arith.constant 16 : i32
    %add3A_363 = vector.broadcast %add3A_362 : i32 to vector<16xi32>
    %add3A_364 = arith.addi %iota3A, %add3A_363 : vector<16xi32>
    tpu.vector_store_idx %arg15[%add3A_364, %broadcast_in_dim3A_310], %gather3A_361 : memref<64x128xf32, #tpu.memory_space<vmem>>[vector<16xi32>, vector<16xi32>], vector<16xf32>,
    %add3A_365 = arith.constant 32 : i32
    %add3A_366 = vector.broadcast %add3A_365 : i32 to vector<16xi32>
    %add3A_367 = arith.addi %iota3A, %add3A_366 : vector<16xi32>
    %gather3A_368 = arith.constant 2 : i32
    %gather3A_369 = arith.constant 0 : i32
    %gather3A_370 = arith.constant 0 : i32
    %gather3A_371 = tpu.memref_slice %arg12[%gather3A_368, %gather3A_369, %gather3A_370] : memref<8x64x128xf32, #tpu.memory_space<vmem>> -> memref<1x64x128xf32, #tpu.memory_space<vmem>>
    %gather3A_372 = tpu.memref_squeeze %gather3A_371 : memref<1x64x128xf32, #tpu.memory_space<vmem>> -> memref<64x128xf32, #tpu.memory_space<vmem>>
    %gather3A_373 = tpu.vector_load_idx %gather3A_372[%add3A_367, %broadcast_in_dim3A_308] : memref<64x128xf32, #tpu.memory_space<vmem>>[vector<16xi32>, vector<16xi32>], vector<16xf32>,
    %add3A_374 = arith.constant 32 : i32
    %add3A_375 = vector.broadcast %add3A_374 : i32 to vector<16xi32>
    %add3A_376 = arith.addi %iota3A, %add3A_375 : vector<16xi32>
    tpu.vector_store_idx %arg15[%add3A_376, %broadcast_in_dim3A_310], %gather3A_373 : memref<64x128xf32, #tpu.memory_space<vmem>>[vector<16xi32>, vector<16xi32>], vector<16xf32>,
    %add3A_377 = arith.constant 48 : i32
    %add3A_378 = vector.broadcast %add3A_377 : i32 to vector<16xi32>
    %add3A_379 = arith.addi %iota3A, %add3A_378 : vector<16xi32>
    %gather3A_380 = arith.constant 2 : i32
    %gather3A_381 = arith.constant 0 : i32
    %gather3A_382 = arith.constant 0 : i32
    %gather3A_383 = tpu.memref_slice %arg12[%gather3A_380, %gather3A_381, %gather3A_382] : memref<8x64x128xf32, #tpu.memory_space<vmem>> -> memref<1x64x128xf32, #tpu.memory_space<vmem>>
    %gather3A_384 = tpu.memref_squeeze %gather3A_383 : memref<1x64x128xf32, #tpu.memory_space<vmem>> -> memref<64x128xf32, #tpu.memory_space<vmem>>
    %gather3A_385 = tpu.vector_load_idx %gather3A_384[%add3A_379, %broadcast_in_dim3A_308] : memref<64x128xf32, #tpu.memory_space<vmem>>[vector<16xi32>, vector<16xi32>], vector<16xf32>,
    %add3A_386 = arith.constant 48 : i32
    %add3A_387 = vector.broadcast %add3A_386 : i32 to vector<16xi32>
    %add3A_388 = arith.addi %iota3A, %add3A_387 : vector<16xi32>
    tpu.vector_store_idx %arg15[%add3A_388, %broadcast_in_dim3A_310], %gather3A_385 : memref<64x128xf32, #tpu.memory_space<vmem>>[vector<16xi32>, vector<16xi32>], vector<16xf32>,
    %dma_wait3A_389 = arith.constant 3 : i32
    %dma_wait3A_390 = arith.constant 0 : i32
    %dma_wait3A_391 = arith.constant 0 : i32
    %dma_wait3A_392 = tpu.memref_slice %arg10[%dma_wait3A_389, %dma_wait3A_390, %dma_wait3A_391] : memref<8x16x128xf32, #tpu.memory_space<vmem>> -> memref<1x16x128xf32, #tpu.memory_space<vmem>>
    %dma_wait3A_393 = tpu.memref_squeeze %dma_wait3A_392 : memref<1x16x128xf32, #tpu.memory_space<vmem>> -> memref<16x128xf32, #tpu.memory_space<vmem>>
    %dma_wait3A_394 = arith.constant 0 : i32
    %dma_wait3A_395 = arith.constant 0 : i32
    %dma_wait3A_396 = tpu.memref_slice %arg3[%dma_wait3A_394, %dma_wait3A_395] : memref<16x1000000xf32, #tpu.memory_space<hbm>> -> memref<16x128xf32, #tpu.memory_space<hbm>>
    %dma_wait3A_397 = arith.constant 0 : i32
    %dma_wait3A_398 = arith.constant 0 : i32
    %dma_wait3A_399 = tpu.memref_slice %arg10[%dma_wait3A_389, %dma_wait3A_397, %dma_wait3A_398] : memref<8x16x128xf32, #tpu.memory_space<vmem>> -> memref<1x16x128xf32, #tpu.memory_space<vmem>>
    %dma_wait3A_400 = tpu.memref_squeeze %dma_wait3A_399 : memref<1x16x128xf32, #tpu.memory_space<vmem>> -> memref<16x128xf32, #tpu.memory_space<vmem>>
    %dma_wait3A_401 = arith.constant 0 : i32
    %dma_wait3A_402 = arith.constant 0 : i32
    %dma_wait3A_403 = tpu.memref_slice %arg3[%dma_wait3A_401, %dma_wait3A_402] : memref<16x1000000xf32, #tpu.memory_space<hbm>> -> memref<16x128xf32, #tpu.memory_space<hbm>>
    tpu.wait_dma2 semaphore(%arg19 : memref<!tpu.dma_semaphore, #tpu.memory_space<semaphore_mem>>) src(%dma_wait3A_403 : memref<16x128xf32, #tpu.memory_space<hbm>>) dst(%dma_wait3A_400 : memref<16x128xf32, #tpu.memory_space<vmem>>)
    %dma_wait3A_404 = arith.constant 3 : i32
    %dma_wait3A_405 = arith.constant 0 : i32
    %dma_wait3A_406 = arith.constant 0 : i32
    %dma_wait3A_407 = tpu.memref_slice %arg11[%dma_wait3A_404, %dma_wait3A_405, %dma_wait3A_406] : memref<8x32x128xf32, #tpu.memory_space<vmem>> -> memref<1x32x128xf32, #tpu.memory_space<vmem>>
    %dma_wait3A_408 = tpu.memref_squeeze %dma_wait3A_407 : memref<1x32x128xf32, #tpu.memory_space<vmem>> -> memref<32x128xf32, #tpu.memory_space<vmem>>
    %dma_wait3A_409 = arith.constant 0 : i32
    %dma_wait3A_410 = arith.constant 0 : i32
    %dma_wait3A_411 = tpu.memref_slice %arg4[%dma_wait3A_409, %dma_wait3A_410] : memref<32x1000000xf32, #tpu.memory_space<hbm>> -> memref<32x128xf32, #tpu.memory_space<hbm>>
    %dma_wait3A_412 = arith.constant 0 : i32
    %dma_wait3A_413 = arith.constant 0 : i32
    %dma_wait3A_414 = tpu.memref_slice %arg11[%dma_wait3A_404, %dma_wait3A_412, %dma_wait3A_413] : memref<8x32x128xf32, #tpu.memory_space<vmem>> -> memref<1x32x128xf32, #tpu.memory_space<vmem>>
    %dma_wait3A_415 = tpu.memref_squeeze %dma_wait3A_414 : memref<1x32x128xf32, #tpu.memory_space<vmem>> -> memref<32x128xf32, #tpu.memory_space<vmem>>
    %dma_wait3A_416 = arith.constant 0 : i32
    %dma_wait3A_417 = arith.constant 0 : i32
    %dma_wait3A_418 = tpu.memref_slice %arg4[%dma_wait3A_416, %dma_wait3A_417] : memref<32x1000000xf32, #tpu.memory_space<hbm>> -> memref<32x128xf32, #tpu.memory_space<hbm>>
    tpu.wait_dma2 semaphore(%arg19 : memref<!tpu.dma_semaphore, #tpu.memory_space<semaphore_mem>>) src(%dma_wait3A_418 : memref<32x128xf32, #tpu.memory_space<hbm>>) dst(%dma_wait3A_415 : memref<32x128xf32, #tpu.memory_space<vmem>>)
    %dma_wait3A_419 = arith.constant 3 : i32
    %dma_wait3A_420 = arith.constant 0 : i32
    %dma_wait3A_421 = arith.constant 0 : i32
    %dma_wait3A_422 = tpu.memref_slice %arg12[%dma_wait3A_419, %dma_wait3A_420, %dma_wait3A_421] : memref<8x64x128xf32, #tpu.memory_space<vmem>> -> memref<1x64x128xf32, #tpu.memory_space<vmem>>
    %dma_wait3A_423 = tpu.memref_squeeze %dma_wait3A_422 : memref<1x64x128xf32, #tpu.memory_space<vmem>> -> memref<64x128xf32, #tpu.memory_space<vmem>>
    %dma_wait3A_424 = arith.constant 0 : i32
    %dma_wait3A_425 = arith.constant 0 : i32
    %dma_wait3A_426 = tpu.memref_slice %arg5[%dma_wait3A_424, %dma_wait3A_425] : memref<64x1000000xf32, #tpu.memory_space<hbm>> -> memref<64x128xf32, #tpu.memory_space<hbm>>
    %dma_wait3A_427 = arith.constant 0 : i32
    %dma_wait3A_428 = arith.constant 0 : i32
    %dma_wait3A_429 = tpu.memref_slice %arg12[%dma_wait3A_419, %dma_wait3A_427, %dma_wait3A_428] : memref<8x64x128xf32, #tpu.memory_space<vmem>> -> memref<1x64x128xf32, #tpu.memory_space<vmem>>
    %dma_wait3A_430 = tpu.memref_squeeze %dma_wait3A_429 : memref<1x64x128xf32, #tpu.memory_space<vmem>> -> memref<64x128xf32, #tpu.memory_space<vmem>>
    %dma_wait3A_431 = arith.constant 0 : i32
    %dma_wait3A_432 = arith.constant 0 : i32
    %dma_wait3A_433 = tpu.memref_slice %arg5[%dma_wait3A_431, %dma_wait3A_432] : memref<64x1000000xf32, #tpu.memory_space<hbm>> -> memref<64x128xf32, #tpu.memory_space<hbm>>
    tpu.wait_dma2 semaphore(%arg19 : memref<!tpu.dma_semaphore, #tpu.memory_space<semaphore_mem>>) src(%dma_wait3A_433 : memref<64x128xf32, #tpu.memory_space<hbm>>) dst(%dma_wait3A_430 : memref<64x128xf32, #tpu.memory_space<vmem>>)
    %slice3A_434 = vector.extract_strided_slice %scan3A_7#1 {offsets = [11], sizes = [1], strides = [1]} : vector<16xi32> to vector<1xi32>
    %squeeze3A_435 = vector.extract %slice3A_434[0] : i32 from vector<1xi32>
    %broadcast_in_dim3A_436 = vector.broadcast %squeeze3A_435 : i32 to vector<16xi32>
    %broadcast_in_dim3A_437 = arith.constant 123 : i32
    %broadcast_in_dim3A_438 = vector.broadcast %broadcast_in_dim3A_437 : i32 to vector<16xi32>
    %gather3A_439 = arith.constant 3 : i32
    %gather3A_440 = arith.constant 0 : i32
    %gather3A_441 = arith.constant 0 : i32
    %gather3A_442 = tpu.memref_slice %arg10[%gather3A_439, %gather3A_440, %gather3A_441] : memref<8x16x128xf32, #tpu.memory_space<vmem>> -> memref<1x16x128xf32, #tpu.memory_space<vmem>>
    %gather3A_443 = tpu.memref_squeeze %gather3A_442 : memref<1x16x128xf32, #tpu.memory_space<vmem>> -> memref<16x128xf32, #tpu.memory_space<vmem>>
    %gather3A_444 = tpu.vector_load_idx %gather3A_443[%iota3A, %broadcast_in_dim3A_436] : memref<16x128xf32, #tpu.memory_space<vmem>>[vector<16xi32>, vector<16xi32>], vector<16xf32>,
    tpu.vector_store_idx %arg13[%iota3A, %broadcast_in_dim3A_438], %gather3A_444 : memref<16x128xf32, #tpu.memory_space<vmem>>[vector<16xi32>, vector<16xi32>], vector<16xf32>,
    %add3A_445 = arith.constant 0 : i32
    %add3A_446 = vector.broadcast %add3A_445 : i32 to vector<16xi32>
    %add3A_447 = arith.addi %iota3A, %add3A_446 : vector<16xi32>
    %gather3A_448 = arith.constant 3 : i32
    %gather3A_449 = arith.constant 0 : i32
    %gather3A_450 = arith.constant 0 : i32
    %gather3A_451 = tpu.memref_slice %arg11[%gather3A_448, %gather3A_449, %gather3A_450] : memref<8x32x128xf32, #tpu.memory_space<vmem>> -> memref<1x32x128xf32, #tpu.memory_space<vmem>>
    %gather3A_452 = tpu.memref_squeeze %gather3A_451 : memref<1x32x128xf32, #tpu.memory_space<vmem>> -> memref<32x128xf32, #tpu.memory_space<vmem>>
    %gather3A_453 = tpu.vector_load_idx %gather3A_452[%add3A_447, %broadcast_in_dim3A_436] : memref<32x128xf32, #tpu.memory_space<vmem>>[vector<16xi32>, vector<16xi32>], vector<16xf32>,
    %add3A_454 = arith.constant 0 : i32
    %add3A_455 = vector.broadcast %add3A_454 : i32 to vector<16xi32>
    %add3A_456 = arith.addi %iota3A, %add3A_455 : vector<16xi32>
    tpu.vector_store_idx %arg14[%add3A_456, %broadcast_in_dim3A_438], %gather3A_453 : memref<32x128xf32, #tpu.memory_space<vmem>>[vector<16xi32>, vector<16xi32>], vector<16xf32>,
    %add3A_457 = arith.constant 16 : i32
    %add3A_458 = vector.broadcast %add3A_457 : i32 to vector<16xi32>
    %add3A_459 = arith.addi %iota3A, %add3A_458 : vector<16xi32>
    %gather3A_460 = arith.constant 3 : i32
    %gather3A_461 = arith.constant 0 : i32
    %gather3A_462 = arith.constant 0 : i32
    %gather3A_463 = tpu.memref_slice %arg11[%gather3A_460, %gather3A_461, %gather3A_462] : memref<8x32x128xf32, #tpu.memory_space<vmem>> -> memref<1x32x128xf32, #tpu.memory_space<vmem>>
    %gather3A_464 = tpu.memref_squeeze %gather3A_463 : memref<1x32x128xf32, #tpu.memory_space<vmem>> -> memref<32x128xf32, #tpu.memory_space<vmem>>
    %gather3A_465 = tpu.vector_load_idx %gather3A_464[%add3A_459, %broadcast_in_dim3A_436] : memref<32x128xf32, #tpu.memory_space<vmem>>[vector<16xi32>, vector<16xi32>], vector<16xf32>,
    %add3A_466 = arith.constant 16 : i32
    %add3A_467 = vector.broadcast %add3A_466 : i32 to vector<16xi32>
    %add3A_468 = arith.addi %iota3A, %add3A_467 : vector<16xi32>
    tpu.vector_store_idx %arg14[%add3A_468, %broadcast_in_dim3A_438], %gather3A_465 : memref<32x128xf32, #tpu.memory_space<vmem>>[vector<16xi32>, vector<16xi32>], vector<16xf32>,
    %add3A_469 = arith.constant 0 : i32
    %add3A_470 = vector.broadcast %add3A_469 : i32 to vector<16xi32>
    %add3A_471 = arith.addi %iota3A, %add3A_470 : vector<16xi32>
    %gather3A_472 = arith.constant 3 : i32
    %gather3A_473 = arith.constant 0 : i32
    %gather3A_474 = arith.constant 0 : i32
    %gather3A_475 = tpu.memref_slice %arg12[%gather3A_472, %gather3A_473, %gather3A_474] : memref<8x64x128xf32, #tpu.memory_space<vmem>> -> memref<1x64x128xf32, #tpu.memory_space<vmem>>
    %gather3A_476 = tpu.memref_squeeze %gather3A_475 : memref<1x64x128xf32, #tpu.memory_space<vmem>> -> memref<64x128xf32, #tpu.memory_space<vmem>>
    %gather3A_477 = tpu.vector_load_idx %gather3A_476[%add3A_471, %broadcast_in_dim3A_436] : memref<64x128xf32, #tpu.memory_space<vmem>>[vector<16xi32>, vector<16xi32>], vector<16xf32>,
    %add3A_478 = arith.constant 0 : i32
    %add3A_479 = vector.broadcast %add3A_478 : i32 to vector<16xi32>
    %add3A_480 = arith.addi %iota3A, %add3A_479 : vector<16xi32>
    tpu.vector_store_idx %arg15[%add3A_480, %broadcast_in_dim3A_438], %gather3A_477 : memref<64x128xf32, #tpu.memory_space<vmem>>[vector<16xi32>, vector<16xi32>], vector<16xf32>,
    %add3A_481 = arith.constant 16 : i32
    %add3A_482 = vector.broadcast %add3A_481 : i32 to vector<16xi32>
    %add3A_483 = arith.addi %iota3A, %add3A_482 : vector<16xi32>
    %gather3A_484 = arith.constant 3 : i32
    %gather3A_485 = arith.constant 0 : i32
    %gather3A_486 = arith.constant 0 : i32
    %gather3A_487 = tpu.memref_slice %arg12[%gather3A_484, %gather3A_485, %gather3A_486] : memref<8x64x128xf32, #tpu.memory_space<vmem>> -> memref<1x64x128xf32, #tpu.memory_space<vmem>>
    %gather3A_488 = tpu.memref_squeeze %gather3A_487 : memref<1x64x128xf32, #tpu.memory_space<vmem>> -> memref<64x128xf32, #tpu.memory_space<vmem>>
    %gather3A_489 = tpu.vector_load_idx %gather3A_488[%add3A_483, %broadcast_in_dim3A_436] : memref<64x128xf32, #tpu.memory_space<vmem>>[vector<16xi32>, vector<16xi32>], vector<16xf32>,
    %add3A_490 = arith.constant 16 : i32
    %add3A_491 = vector.broadcast %add3A_490 : i32 to vector<16xi32>
    %add3A_492 = arith.addi %iota3A, %add3A_491 : vector<16xi32>
    tpu.vector_store_idx %arg15[%add3A_492, %broadcast_in_dim3A_438], %gather3A_489 : memref<64x128xf32, #tpu.memory_space<vmem>>[vector<16xi32>, vector<16xi32>], vector<16xf32>,
    %add3A_493 = arith.constant 32 : i32
    %add3A_494 = vector.broadcast %add3A_493 : i32 to vector<16xi32>
    %add3A_495 = arith.addi %iota3A, %add3A_494 : vector<16xi32>
    %gather3A_496 = arith.constant 3 : i32
    %gather3A_497 = arith.constant 0 : i32
    %gather3A_498 = arith.constant 0 : i32
    %gather3A_499 = tpu.memref_slice %arg12[%gather3A_496, %gather3A_497, %gather3A_498] : memref<8x64x128xf32, #tpu.memory_space<vmem>> -> memref<1x64x128xf32, #tpu.memory_space<vmem>>
    %gather3A_500 = tpu.memref_squeeze %gather3A_499 : memref<1x64x128xf32, #tpu.memory_space<vmem>> -> memref<64x128xf32, #tpu.memory_space<vmem>>
    %gather3A_501 = tpu.vector_load_idx %gather3A_500[%add3A_495, %broadcast_in_dim3A_436] : memref<64x128xf32, #tpu.memory_space<vmem>>[vector<16xi32>, vector<16xi32>], vector<16xf32>,
    %add3A_502 = arith.constant 32 : i32
    %add3A_503 = vector.broadcast %add3A_502 : i32 to vector<16xi32>
    %add3A_504 = arith.addi %iota3A, %add3A_503 : vector<16xi32>
    tpu.vector_store_idx %arg15[%add3A_504, %broadcast_in_dim3A_438], %gather3A_501 : memref<64x128xf32, #tpu.memory_space<vmem>>[vector<16xi32>, vector<16xi32>], vector<16xf32>,
    %add3A_505 = arith.constant 48 : i32
    %add3A_506 = vector.broadcast %add3A_505 : i32 to vector<16xi32>
    %add3A_507 = arith.addi %iota3A, %add3A_506 : vector<16xi32>
    %gather3A_508 = arith.constant 3 : i32
    %gather3A_509 = arith.constant 0 : i32
    %gather3A_510 = arith.constant 0 : i32
    %gather3A_511 = tpu.memref_slice %arg12[%gather3A_508, %gather3A_509, %gather3A_510] : memref<8x64x128xf32, #tpu.memory_space<vmem>> -> memref<1x64x128xf32, #tpu.memory_space<vmem>>
    %gather3A_512 = tpu.memref_squeeze %gather3A_511 : memref<1x64x128xf32, #tpu.memory_space<vmem>> -> memref<64x128xf32, #tpu.memory_space<vmem>>
    %gather3A_513 = tpu.vector_load_idx %gather3A_512[%add3A_507, %broadcast_in_dim3A_436] : memref<64x128xf32, #tpu.memory_space<vmem>>[vector<16xi32>, vector<16xi32>], vector<16xf32>,
    %add3A_514 = arith.constant 48 : i32
    %add3A_515 = vector.broadcast %add3A_514 : i32 to vector<16xi32>
    %add3A_516 = arith.addi %iota3A, %add3A_515 : vector<16xi32>
    tpu.vector_store_idx %arg15[%add3A_516, %broadcast_in_dim3A_438], %gather3A_513 : memref<64x128xf32, #tpu.memory_space<vmem>>[vector<16xi32>, vector<16xi32>], vector<16xf32>,
    %dma_wait3A_517 = arith.constant 4 : i32
    %dma_wait3A_518 = arith.constant 0 : i32
    %dma_wait3A_519 = arith.constant 0 : i32
    %dma_wait3A_520 = tpu.memref_slice %arg10[%dma_wait3A_517, %dma_wait3A_518, %dma_wait3A_519] : memref<8x16x128xf32, #tpu.memory_space<vmem>> -> memref<1x16x128xf32, #tpu.memory_space<vmem>>
    %dma_wait3A_521 = tpu.memref_squeeze %dma_wait3A_520 : memref<1x16x128xf32, #tpu.memory_space<vmem>> -> memref<16x128xf32, #tpu.memory_space<vmem>>
    %dma_wait3A_522 = arith.constant 0 : i32
    %dma_wait3A_523 = arith.constant 0 : i32
    %dma_wait3A_524 = tpu.memref_slice %arg3[%dma_wait3A_522, %dma_wait3A_523] : memref<16x1000000xf32, #tpu.memory_space<hbm>> -> memref<16x128xf32, #tpu.memory_space<hbm>>
    %dma_wait3A_525 = arith.constant 0 : i32
    %dma_wait3A_526 = arith.constant 0 : i32
    %dma_wait3A_527 = tpu.memref_slice %arg10[%dma_wait3A_517, %dma_wait3A_525, %dma_wait3A_526] : memref<8x16x128xf32, #tpu.memory_space<vmem>> -> memref<1x16x128xf32, #tpu.memory_space<vmem>>
    %dma_wait3A_528 = tpu.memref_squeeze %dma_wait3A_527 : memref<1x16x128xf32, #tpu.memory_space<vmem>> -> memref<16x128xf32, #tpu.memory_space<vmem>>
    %dma_wait3A_529 = arith.constant 0 : i32
    %dma_wait3A_530 = arith.constant 0 : i32
    %dma_wait3A_531 = tpu.memref_slice %arg3[%dma_wait3A_529, %dma_wait3A_530] : memref<16x1000000xf32, #tpu.memory_space<hbm>> -> memref<16x128xf32, #tpu.memory_space<hbm>>
    tpu.wait_dma2 semaphore(%arg20 : memref<!tpu.dma_semaphore, #tpu.memory_space<semaphore_mem>>) src(%dma_wait3A_531 : memref<16x128xf32, #tpu.memory_space<hbm>>) dst(%dma_wait3A_528 : memref<16x128xf32, #tpu.memory_space<vmem>>)
    %dma_wait3A_532 = arith.constant 4 : i32
    %dma_wait3A_533 = arith.constant 0 : i32
    %dma_wait3A_534 = arith.constant 0 : i32
    %dma_wait3A_535 = tpu.memref_slice %arg11[%dma_wait3A_532, %dma_wait3A_533, %dma_wait3A_534] : memref<8x32x128xf32, #tpu.memory_space<vmem>> -> memref<1x32x128xf32, #tpu.memory_space<vmem>>
    %dma_wait3A_536 = tpu.memref_squeeze %dma_wait3A_535 : memref<1x32x128xf32, #tpu.memory_space<vmem>> -> memref<32x128xf32, #tpu.memory_space<vmem>>
    %dma_wait3A_537 = arith.constant 0 : i32
    %dma_wait3A_538 = arith.constant 0 : i32
    %dma_wait3A_539 = tpu.memref_slice %arg4[%dma_wait3A_537, %dma_wait3A_538] : memref<32x1000000xf32, #tpu.memory_space<hbm>> -> memref<32x128xf32, #tpu.memory_space<hbm>>
    %dma_wait3A_540 = arith.constant 0 : i32
    %dma_wait3A_541 = arith.constant 0 : i32
    %dma_wait3A_542 = tpu.memref_slice %arg11[%dma_wait3A_532, %dma_wait3A_540, %dma_wait3A_541] : memref<8x32x128xf32, #tpu.memory_space<vmem>> -> memref<1x32x128xf32, #tpu.memory_space<vmem>>
    %dma_wait3A_543 = tpu.memref_squeeze %dma_wait3A_542 : memref<1x32x128xf32, #tpu.memory_space<vmem>> -> memref<32x128xf32, #tpu.memory_space<vmem>>
    %dma_wait3A_544 = arith.constant 0 : i32
    %dma_wait3A_545 = arith.constant 0 : i32
    %dma_wait3A_546 = tpu.memref_slice %arg4[%dma_wait3A_544, %dma_wait3A_545] : memref<32x1000000xf32, #tpu.memory_space<hbm>> -> memref<32x128xf32, #tpu.memory_space<hbm>>
    tpu.wait_dma2 semaphore(%arg20 : memref<!tpu.dma_semaphore, #tpu.memory_space<semaphore_mem>>) src(%dma_wait3A_546 : memref<32x128xf32, #tpu.memory_space<hbm>>) dst(%dma_wait3A_543 : memref<32x128xf32, #tpu.memory_space<vmem>>)
    %dma_wait3A_547 = arith.constant 4 : i32
    %dma_wait3A_548 = arith.constant 0 : i32
    %dma_wait3A_549 = arith.constant 0 : i32
    %dma_wait3A_550 = tpu.memref_slice %arg12[%dma_wait3A_547, %dma_wait3A_548, %dma_wait3A_549] : memref<8x64x128xf32, #tpu.memory_space<vmem>> -> memref<1x64x128xf32, #tpu.memory_space<vmem>>
    %dma_wait3A_551 = tpu.memref_squeeze %dma_wait3A_550 : memref<1x64x128xf32, #tpu.memory_space<vmem>> -> memref<64x128xf32, #tpu.memory_space<vmem>>
    %dma_wait3A_552 = arith.constant 0 : i32
    %dma_wait3A_553 = arith.constant 0 : i32
    %dma_wait3A_554 = tpu.memref_slice %arg5[%dma_wait3A_552, %dma_wait3A_553] : memref<64x1000000xf32, #tpu.memory_space<hbm>> -> memref<64x128xf32, #tpu.memory_space<hbm>>
    %dma_wait3A_555 = arith.constant 0 : i32
    %dma_wait3A_556 = arith.constant 0 : i32
    %dma_wait3A_557 = tpu.memref_slice %arg12[%dma_wait3A_547, %dma_wait3A_555, %dma_wait3A_556] : memref<8x64x128xf32, #tpu.memory_space<vmem>> -> memref<1x64x128xf32, #tpu.memory_space<vmem>>
    %dma_wait3A_558 = tpu.memref_squeeze %dma_wait3A_557 : memref<1x64x128xf32, #tpu.memory_space<vmem>> -> memref<64x128xf32, #tpu.memory_space<vmem>>
    %dma_wait3A_559 = arith.constant 0 : i32
    %dma_wait3A_560 = arith.constant 0 : i32
    %dma_wait3A_561 = tpu.memref_slice %arg5[%dma_wait3A_559, %dma_wait3A_560] : memref<64x1000000xf32, #tpu.memory_space<hbm>> -> memref<64x128xf32, #tpu.memory_space<hbm>>
    tpu.wait_dma2 semaphore(%arg20 : memref<!tpu.dma_semaphore, #tpu.memory_space<semaphore_mem>>) src(%dma_wait3A_561 : memref<64x128xf32, #tpu.memory_space<hbm>>) dst(%dma_wait3A_558 : memref<64x128xf32, #tpu.memory_space<vmem>>)
    %slice3A_562 = vector.extract_strided_slice %scan3A_7#1 {offsets = [12], sizes = [1], strides = [1]} : vector<16xi32> to vector<1xi32>
    %squeeze3A_563 = vector.extract %slice3A_562[0] : i32 from vector<1xi32>
    %broadcast_in_dim3A_564 = vector.broadcast %squeeze3A_563 : i32 to vector<16xi32>
    %broadcast_in_dim3A_565 = arith.constant 124 : i32
    %broadcast_in_dim3A_566 = vector.broadcast %broadcast_in_dim3A_565 : i32 to vector<16xi32>
    %gather3A_567 = arith.constant 4 : i32
    %gather3A_568 = arith.constant 0 : i32
    %gather3A_569 = arith.constant 0 : i32
    %gather3A_570 = tpu.memref_slice %arg10[%gather3A_567, %gather3A_568, %gather3A_569] : memref<8x16x128xf32, #tpu.memory_space<vmem>> -> memref<1x16x128xf32, #tpu.memory_space<vmem>>
    %gather3A_571 = tpu.memref_squeeze %gather3A_570 : memref<1x16x128xf32, #tpu.memory_space<vmem>> -> memref<16x128xf32, #tpu.memory_space<vmem>>
    %gather3A_572 = tpu.vector_load_idx %gather3A_571[%iota3A, %broadcast_in_dim3A_564] : memref<16x128xf32, #tpu.memory_space<vmem>>[vector<16xi32>, vector<16xi32>], vector<16xf32>,
    tpu.vector_store_idx %arg13[%iota3A, %broadcast_in_dim3A_566], %gather3A_572 : memref<16x128xf32, #tpu.memory_space<vmem>>[vector<16xi32>, vector<16xi32>], vector<16xf32>,
    %add3A_573 = arith.constant 0 : i32
    %add3A_574 = vector.broadcast %add3A_573 : i32 to vector<16xi32>
    %add3A_575 = arith.addi %iota3A, %add3A_574 : vector<16xi32>
    %gather3A_576 = arith.constant 4 : i32
    %gather3A_577 = arith.constant 0 : i32
    %gather3A_578 = arith.constant 0 : i32
    %gather3A_579 = tpu.memref_slice %arg11[%gather3A_576, %gather3A_577, %gather3A_578] : memref<8x32x128xf32, #tpu.memory_space<vmem>> -> memref<1x32x128xf32, #tpu.memory_space<vmem>>
    %gather3A_580 = tpu.memref_squeeze %gather3A_579 : memref<1x32x128xf32, #tpu.memory_space<vmem>> -> memref<32x128xf32, #tpu.memory_space<vmem>>
    %gather3A_581 = tpu.vector_load_idx %gather3A_580[%add3A_575, %broadcast_in_dim3A_564] : memref<32x128xf32, #tpu.memory_space<vmem>>[vector<16xi32>, vector<16xi32>], vector<16xf32>,
    %add3A_582 = arith.constant 0 : i32
    %add3A_583 = vector.broadcast %add3A_582 : i32 to vector<16xi32>
    %add3A_584 = arith.addi %iota3A, %add3A_583 : vector<16xi32>
    tpu.vector_store_idx %arg14[%add3A_584, %broadcast_in_dim3A_566], %gather3A_581 : memref<32x128xf32, #tpu.memory_space<vmem>>[vector<16xi32>, vector<16xi32>], vector<16xf32>,
    %add3A_585 = arith.constant 16 : i32
    %add3A_586 = vector.broadcast %add3A_585 : i32 to vector<16xi32>
    %add3A_587 = arith.addi %iota3A, %add3A_586 : vector<16xi32>
    %gather3A_588 = arith.constant 4 : i32
    %gather3A_589 = arith.constant 0 : i32
    %gather3A_590 = arith.constant 0 : i32
    %gather3A_591 = tpu.memref_slice %arg11[%gather3A_588, %gather3A_589, %gather3A_590] : memref<8x32x128xf32, #tpu.memory_space<vmem>> -> memref<1x32x128xf32, #tpu.memory_space<vmem>>
    %gather3A_592 = tpu.memref_squeeze %gather3A_591 : memref<1x32x128xf32, #tpu.memory_space<vmem>> -> memref<32x128xf32, #tpu.memory_space<vmem>>
    %gather3A_593 = tpu.vector_load_idx %gather3A_592[%add3A_587, %broadcast_in_dim3A_564] : memref<32x128xf32, #tpu.memory_space<vmem>>[vector<16xi32>, vector<16xi32>], vector<16xf32>,
    %add3A_594 = arith.constant 16 : i32
    %add3A_595 = vector.broadcast %add3A_594 : i32 to vector<16xi32>
    %add3A_596 = arith.addi %iota3A, %add3A_595 : vector<16xi32>
    tpu.vector_store_idx %arg14[%add3A_596, %broadcast_in_dim3A_566], %gather3A_593 : memref<32x128xf32, #tpu.memory_space<vmem>>[vector<16xi32>, vector<16xi32>], vector<16xf32>,
    %add3A_597 = arith.constant 0 : i32
    %add3A_598 = vector.broadcast %add3A_597 : i32 to vector<16xi32>
    %add3A_599 = arith.addi %iota3A, %add3A_598 : vector<16xi32>
    %gather3A_600 = arith.constant 4 : i32
    %gather3A_601 = arith.constant 0 : i32
    %gather3A_602 = arith.constant 0 : i32
    %gather3A_603 = tpu.memref_slice %arg12[%gather3A_600, %gather3A_601, %gather3A_602] : memref<8x64x128xf32, #tpu.memory_space<vmem>> -> memref<1x64x128xf32, #tpu.memory_space<vmem>>
    %gather3A_604 = tpu.memref_squeeze %gather3A_603 : memref<1x64x128xf32, #tpu.memory_space<vmem>> -> memref<64x128xf32, #tpu.memory_space<vmem>>
    %gather3A_605 = tpu.vector_load_idx %gather3A_604[%add3A_599, %broadcast_in_dim3A_564] : memref<64x128xf32, #tpu.memory_space<vmem>>[vector<16xi32>, vector<16xi32>], vector<16xf32>,
    %add3A_606 = arith.constant 0 : i32
    %add3A_607 = vector.broadcast %add3A_606 : i32 to vector<16xi32>
    %add3A_608 = arith.addi %iota3A, %add3A_607 : vector<16xi32>
    tpu.vector_store_idx %arg15[%add3A_608, %broadcast_in_dim3A_566], %gather3A_605 : memref<64x128xf32, #tpu.memory_space<vmem>>[vector<16xi32>, vector<16xi32>], vector<16xf32>,
    %add3A_609 = arith.constant 16 : i32
    %add3A_610 = vector.broadcast %add3A_609 : i32 to vector<16xi32>
    %add3A_611 = arith.addi %iota3A, %add3A_610 : vector<16xi32>
    %gather3A_612 = arith.constant 4 : i32
    %gather3A_613 = arith.constant 0 : i32
    %gather3A_614 = arith.constant 0 : i32
    %gather3A_615 = tpu.memref_slice %arg12[%gather3A_612, %gather3A_613, %gather3A_614] : memref<8x64x128xf32, #tpu.memory_space<vmem>> -> memref<1x64x128xf32, #tpu.memory_space<vmem>>
    %gather3A_616 = tpu.memref_squeeze %gather3A_615 : memref<1x64x128xf32, #tpu.memory_space<vmem>> -> memref<64x128xf32, #tpu.memory_space<vmem>>
    %gather3A_617 = tpu.vector_load_idx %gather3A_616[%add3A_611, %broadcast_in_dim3A_564] : memref<64x128xf32, #tpu.memory_space<vmem>>[vector<16xi32>, vector<16xi32>], vector<16xf32>,
    %add3A_618 = arith.constant 16 : i32
    %add3A_619 = vector.broadcast %add3A_618 : i32 to vector<16xi32>
    %add3A_620 = arith.addi %iota3A, %add3A_619 : vector<16xi32>
    tpu.vector_store_idx %arg15[%add3A_620, %broadcast_in_dim3A_566], %gather3A_617 : memref<64x128xf32, #tpu.memory_space<vmem>>[vector<16xi32>, vector<16xi32>], vector<16xf32>,
    %add3A_621 = arith.constant 32 : i32
    %add3A_622 = vector.broadcast %add3A_621 : i32 to vector<16xi32>
    %add3A_623 = arith.addi %iota3A, %add3A_622 : vector<16xi32>
    %gather3A_624 = arith.constant 4 : i32
    %gather3A_625 = arith.constant 0 : i32
    %gather3A_626 = arith.constant 0 : i32
    %gather3A_627 = tpu.memref_slice %arg12[%gather3A_624, %gather3A_625, %gather3A_626] : memref<8x64x128xf32, #tpu.memory_space<vmem>> -> memref<1x64x128xf32, #tpu.memory_space<vmem>>
    %gather3A_628 = tpu.memref_squeeze %gather3A_627 : memref<1x64x128xf32, #tpu.memory_space<vmem>> -> memref<64x128xf32, #tpu.memory_space<vmem>>
    %gather3A_629 = tpu.vector_load_idx %gather3A_628[%add3A_623, %broadcast_in_dim3A_564] : memref<64x128xf32, #tpu.memory_space<vmem>>[vector<16xi32>, vector<16xi32>], vector<16xf32>,
    %add3A_630 = arith.constant 32 : i32
    %add3A_631 = vector.broadcast %add3A_630 : i32 to vector<16xi32>
    %add3A_632 = arith.addi %iota3A, %add3A_631 : vector<16xi32>
    tpu.vector_store_idx %arg15[%add3A_632, %broadcast_in_dim3A_566], %gather3A_629 : memref<64x128xf32, #tpu.memory_space<vmem>>[vector<16xi32>, vector<16xi32>], vector<16xf32>,
    %add3A_633 = arith.constant 48 : i32
    %add3A_634 = vector.broadcast %add3A_633 : i32 to vector<16xi32>
    %add3A_635 = arith.addi %iota3A, %add3A_634 : vector<16xi32>
    %gather3A_636 = arith.constant 4 : i32
    %gather3A_637 = arith.constant 0 : i32
    %gather3A_638 = arith.constant 0 : i32
    %gather3A_639 = tpu.memref_slice %arg12[%gather3A_636, %gather3A_637, %gather3A_638] : memref<8x64x128xf32, #tpu.memory_space<vmem>> -> memref<1x64x128xf32, #tpu.memory_space<vmem>>
    %gather3A_640 = tpu.memref_squeeze %gather3A_639 : memref<1x64x128xf32, #tpu.memory_space<vmem>> -> memref<64x128xf32, #tpu.memory_space<vmem>>
    %gather3A_641 = tpu.vector_load_idx %gather3A_640[%add3A_635, %broadcast_in_dim3A_564] : memref<64x128xf32, #tpu.memory_space<vmem>>[vector<16xi32>, vector<16xi32>], vector<16xf32>,
    %add3A_642 = arith.constant 48 : i32
    %add3A_643 = vector.broadcast %add3A_642 : i32 to vector<16xi32>
    %add3A_644 = arith.addi %iota3A, %add3A_643 : vector<16xi32>
    tpu.vector_store_idx %arg15[%add3A_644, %broadcast_in_dim3A_566], %gather3A_641 : memref<64x128xf32, #tpu.memory_space<vmem>>[vector<16xi32>, vector<16xi32>], vector<16xf32>,
    %dma_wait3A_645 = arith.constant 5 : i32
    %dma_wait3A_646 = arith.constant 0 : i32
    %dma_wait3A_647 = arith.constant 0 : i32
    %dma_wait3A_648 = tpu.memref_slice %arg10[%dma_wait3A_645, %dma_wait3A_646, %dma_wait3A_647] : memref<8x16x128xf32, #tpu.memory_space<vmem>> -> memref<1x16x128xf32, #tpu.memory_space<vmem>>
    %dma_wait3A_649 = tpu.memref_squeeze %dma_wait3A_648 : memref<1x16x128xf32, #tpu.memory_space<vmem>> -> memref<16x128xf32, #tpu.memory_space<vmem>>
    %dma_wait3A_650 = arith.constant 0 : i32
    %dma_wait3A_651 = arith.constant 0 : i32
    %dma_wait3A_652 = tpu.memref_slice %arg3[%dma_wait3A_650, %dma_wait3A_651] : memref<16x1000000xf32, #tpu.memory_space<hbm>> -> memref<16x128xf32, #tpu.memory_space<hbm>>
    %dma_wait3A_653 = arith.constant 0 : i32
    %dma_wait3A_654 = arith.constant 0 : i32
    %dma_wait3A_655 = tpu.memref_slice %arg10[%dma_wait3A_645, %dma_wait3A_653, %dma_wait3A_654] : memref<8x16x128xf32, #tpu.memory_space<vmem>> -> memref<1x16x128xf32, #tpu.memory_space<vmem>>
    %dma_wait3A_656 = tpu.memref_squeeze %dma_wait3A_655 : memref<1x16x128xf32, #tpu.memory_space<vmem>> -> memref<16x128xf32, #tpu.memory_space<vmem>>
    %dma_wait3A_657 = arith.constant 0 : i32
    %dma_wait3A_658 = arith.constant 0 : i32
    %dma_wait3A_659 = tpu.memref_slice %arg3[%dma_wait3A_657, %dma_wait3A_658] : memref<16x1000000xf32, #tpu.memory_space<hbm>> -> memref<16x128xf32, #tpu.memory_space<hbm>>
    tpu.wait_dma2 semaphore(%arg21 : memref<!tpu.dma_semaphore, #tpu.memory_space<semaphore_mem>>) src(%dma_wait3A_659 : memref<16x128xf32, #tpu.memory_space<hbm>>) dst(%dma_wait3A_656 : memref<16x128xf32, #tpu.memory_space<vmem>>)
    %dma_wait3A_660 = arith.constant 5 : i32
    %dma_wait3A_661 = arith.constant 0 : i32
    %dma_wait3A_662 = arith.constant 0 : i32
    %dma_wait3A_663 = tpu.memref_slice %arg11[%dma_wait3A_660, %dma_wait3A_661, %dma_wait3A_662] : memref<8x32x128xf32, #tpu.memory_space<vmem>> -> memref<1x32x128xf32, #tpu.memory_space<vmem>>
    %dma_wait3A_664 = tpu.memref_squeeze %dma_wait3A_663 : memref<1x32x128xf32, #tpu.memory_space<vmem>> -> memref<32x128xf32, #tpu.memory_space<vmem>>
    %dma_wait3A_665 = arith.constant 0 : i32
    %dma_wait3A_666 = arith.constant 0 : i32
    %dma_wait3A_667 = tpu.memref_slice %arg4[%dma_wait3A_665, %dma_wait3A_666] : memref<32x1000000xf32, #tpu.memory_space<hbm>> -> memref<32x128xf32, #tpu.memory_space<hbm>>
    %dma_wait3A_668 = arith.constant 0 : i32
    %dma_wait3A_669 = arith.constant 0 : i32
    %dma_wait3A_670 = tpu.memref_slice %arg11[%dma_wait3A_660, %dma_wait3A_668, %dma_wait3A_669] : memref<8x32x128xf32, #tpu.memory_space<vmem>> -> memref<1x32x128xf32, #tpu.memory_space<vmem>>
    %dma_wait3A_671 = tpu.memref_squeeze %dma_wait3A_670 : memref<1x32x128xf32, #tpu.memory_space<vmem>> -> memref<32x128xf32, #tpu.memory_space<vmem>>
    %dma_wait3A_672 = arith.constant 0 : i32
    %dma_wait3A_673 = arith.constant 0 : i32
    %dma_wait3A_674 = tpu.memref_slice %arg4[%dma_wait3A_672, %dma_wait3A_673] : memref<32x1000000xf32, #tpu.memory_space<hbm>> -> memref<32x128xf32, #tpu.memory_space<hbm>>
    tpu.wait_dma2 semaphore(%arg21 : memref<!tpu.dma_semaphore, #tpu.memory_space<semaphore_mem>>) src(%dma_wait3A_674 : memref<32x128xf32, #tpu.memory_space<hbm>>) dst(%dma_wait3A_671 : memref<32x128xf32, #tpu.memory_space<vmem>>)
    %dma_wait3A_675 = arith.constant 5 : i32
    %dma_wait3A_676 = arith.constant 0 : i32
    %dma_wait3A_677 = arith.constant 0 : i32
    %dma_wait3A_678 = tpu.memref_slice %arg12[%dma_wait3A_675, %dma_wait3A_676, %dma_wait3A_677] : memref<8x64x128xf32, #tpu.memory_space<vmem>> -> memref<1x64x128xf32, #tpu.memory_space<vmem>>
    %dma_wait3A_679 = tpu.memref_squeeze %dma_wait3A_678 : memref<1x64x128xf32, #tpu.memory_space<vmem>> -> memref<64x128xf32, #tpu.memory_space<vmem>>
    %dma_wait3A_680 = arith.constant 0 : i32
    %dma_wait3A_681 = arith.constant 0 : i32
    %dma_wait3A_682 = tpu.memref_slice %arg5[%dma_wait3A_680, %dma_wait3A_681] : memref<64x1000000xf32, #tpu.memory_space<hbm>> -> memref<64x128xf32, #tpu.memory_space<hbm>>
    %dma_wait3A_683 = arith.constant 0 : i32
    %dma_wait3A_684 = arith.constant 0 : i32
    %dma_wait3A_685 = tpu.memref_slice %arg12[%dma_wait3A_675, %dma_wait3A_683, %dma_wait3A_684] : memref<8x64x128xf32, #tpu.memory_space<vmem>> -> memref<1x64x128xf32, #tpu.memory_space<vmem>>
    %dma_wait3A_686 = tpu.memref_squeeze %dma_wait3A_685 : memref<1x64x128xf32, #tpu.memory_space<vmem>> -> memref<64x128xf32, #tpu.memory_space<vmem>>
    %dma_wait3A_687 = arith.constant 0 : i32
    %dma_wait3A_688 = arith.constant 0 : i32
    %dma_wait3A_689 = tpu.memref_slice %arg5[%dma_wait3A_687, %dma_wait3A_688] : memref<64x1000000xf32, #tpu.memory_space<hbm>> -> memref<64x128xf32, #tpu.memory_space<hbm>>
    tpu.wait_dma2 semaphore(%arg21 : memref<!tpu.dma_semaphore, #tpu.memory_space<semaphore_mem>>) src(%dma_wait3A_689 : memref<64x128xf32, #tpu.memory_space<hbm>>) dst(%dma_wait3A_686 : memref<64x128xf32, #tpu.memory_space<vmem>>)
    %slice3A_690 = vector.extract_strided_slice %scan3A_7#1 {offsets = [13], sizes = [1], strides = [1]} : vector<16xi32> to vector<1xi32>
    %squeeze3A_691 = vector.extract %slice3A_690[0] : i32 from vector<1xi32>
    %broadcast_in_dim3A_692 = vector.broadcast %squeeze3A_691 : i32 to vector<16xi32>
    %broadcast_in_dim3A_693 = arith.constant 125 : i32
    %broadcast_in_dim3A_694 = vector.broadcast %broadcast_in_dim3A_693 : i32 to vector<16xi32>
    %gather3A_695 = arith.constant 5 : i32
    %gather3A_696 = arith.constant 0 : i32
    %gather3A_697 = arith.constant 0 : i32
    %gather3A_698 = tpu.memref_slice %arg10[%gather3A_695, %gather3A_696, %gather3A_697] : memref<8x16x128xf32, #tpu.memory_space<vmem>> -> memref<1x16x128xf32, #tpu.memory_space<vmem>>
    %gather3A_699 = tpu.memref_squeeze %gather3A_698 : memref<1x16x128xf32, #tpu.memory_space<vmem>> -> memref<16x128xf32, #tpu.memory_space<vmem>>
    %gather3A_700 = tpu.vector_load_idx %gather3A_699[%iota3A, %broadcast_in_dim3A_692] : memref<16x128xf32, #tpu.memory_space<vmem>>[vector<16xi32>, vector<16xi32>], vector<16xf32>,
    tpu.vector_store_idx %arg13[%iota3A, %broadcast_in_dim3A_694], %gather3A_700 : memref<16x128xf32, #tpu.memory_space<vmem>>[vector<16xi32>, vector<16xi32>], vector<16xf32>,
    %add3A_701 = arith.constant 0 : i32
    %add3A_702 = vector.broadcast %add3A_701 : i32 to vector<16xi32>
    %add3A_703 = arith.addi %iota3A, %add3A_702 : vector<16xi32>
    %gather3A_704 = arith.constant 5 : i32
    %gather3A_705 = arith.constant 0 : i32
    %gather3A_706 = arith.constant 0 : i32
    %gather3A_707 = tpu.memref_slice %arg11[%gather3A_704, %gather3A_705, %gather3A_706] : memref<8x32x128xf32, #tpu.memory_space<vmem>> -> memref<1x32x128xf32, #tpu.memory_space<vmem>>
    %gather3A_708 = tpu.memref_squeeze %gather3A_707 : memref<1x32x128xf32, #tpu.memory_space<vmem>> -> memref<32x128xf32, #tpu.memory_space<vmem>>
    %gather3A_709 = tpu.vector_load_idx %gather3A_708[%add3A_703, %broadcast_in_dim3A_692] : memref<32x128xf32, #tpu.memory_space<vmem>>[vector<16xi32>, vector<16xi32>], vector<16xf32>,
    %add3A_710 = arith.constant 0 : i32
    %add3A_711 = vector.broadcast %add3A_710 : i32 to vector<16xi32>
    %add3A_712 = arith.addi %iota3A, %add3A_711 : vector<16xi32>
    tpu.vector_store_idx %arg14[%add3A_712, %broadcast_in_dim3A_694], %gather3A_709 : memref<32x128xf32, #tpu.memory_space<vmem>>[vector<16xi32>, vector<16xi32>], vector<16xf32>,
    %add3A_713 = arith.constant 16 : i32
    %add3A_714 = vector.broadcast %add3A_713 : i32 to vector<16xi32>
    %add3A_715 = arith.addi %iota3A, %add3A_714 : vector<16xi32>
    %gather3A_716 = arith.constant 5 : i32
    %gather3A_717 = arith.constant 0 : i32
    %gather3A_718 = arith.constant 0 : i32
    %gather3A_719 = tpu.memref_slice %arg11[%gather3A_716, %gather3A_717, %gather3A_718] : memref<8x32x128xf32, #tpu.memory_space<vmem>> -> memref<1x32x128xf32, #tpu.memory_space<vmem>>
    %gather3A_720 = tpu.memref_squeeze %gather3A_719 : memref<1x32x128xf32, #tpu.memory_space<vmem>> -> memref<32x128xf32, #tpu.memory_space<vmem>>
    %gather3A_721 = tpu.vector_load_idx %gather3A_720[%add3A_715, %broadcast_in_dim3A_692] : memref<32x128xf32, #tpu.memory_space<vmem>>[vector<16xi32>, vector<16xi32>], vector<16xf32>,
    %add3A_722 = arith.constant 16 : i32
    %add3A_723 = vector.broadcast %add3A_722 : i32 to vector<16xi32>
    %add3A_724 = arith.addi %iota3A, %add3A_723 : vector<16xi32>
    tpu.vector_store_idx %arg14[%add3A_724, %broadcast_in_dim3A_694], %gather3A_721 : memref<32x128xf32, #tpu.memory_space<vmem>>[vector<16xi32>, vector<16xi32>], vector<16xf32>,
    %add3A_725 = arith.constant 0 : i32
    %add3A_726 = vector.broadcast %add3A_725 : i32 to vector<16xi32>
    %add3A_727 = arith.addi %iota3A, %add3A_726 : vector<16xi32>
    %gather3A_728 = arith.constant 5 : i32
    %gather3A_729 = arith.constant 0 : i32
    %gather3A_730 = arith.constant 0 : i32
    %gather3A_731 = tpu.memref_slice %arg12[%gather3A_728, %gather3A_729, %gather3A_730] : memref<8x64x128xf32, #tpu.memory_space<vmem>> -> memref<1x64x128xf32, #tpu.memory_space<vmem>>
    %gather3A_732 = tpu.memref_squeeze %gather3A_731 : memref<1x64x128xf32, #tpu.memory_space<vmem>> -> memref<64x128xf32, #tpu.memory_space<vmem>>
    %gather3A_733 = tpu.vector_load_idx %gather3A_732[%add3A_727, %broadcast_in_dim3A_692] : memref<64x128xf32, #tpu.memory_space<vmem>>[vector<16xi32>, vector<16xi32>], vector<16xf32>,
    %add3A_734 = arith.constant 0 : i32
    %add3A_735 = vector.broadcast %add3A_734 : i32 to vector<16xi32>
    %add3A_736 = arith.addi %iota3A, %add3A_735 : vector<16xi32>
    tpu.vector_store_idx %arg15[%add3A_736, %broadcast_in_dim3A_694], %gather3A_733 : memref<64x128xf32, #tpu.memory_space<vmem>>[vector<16xi32>, vector<16xi32>], vector<16xf32>,
    %add3A_737 = arith.constant 16 : i32
    %add3A_738 = vector.broadcast %add3A_737 : i32 to vector<16xi32>
    %add3A_739 = arith.addi %iota3A, %add3A_738 : vector<16xi32>
    %gather3A_740 = arith.constant 5 : i32
    %gather3A_741 = arith.constant 0 : i32
    %gather3A_742 = arith.constant 0 : i32
    %gather3A_743 = tpu.memref_slice %arg12[%gather3A_740, %gather3A_741, %gather3A_742] : memref<8x64x128xf32, #tpu.memory_space<vmem>> -> memref<1x64x128xf32, #tpu.memory_space<vmem>>
    %gather3A_744 = tpu.memref_squeeze %gather3A_743 : memref<1x64x128xf32, #tpu.memory_space<vmem>> -> memref<64x128xf32, #tpu.memory_space<vmem>>
    %gather3A_745 = tpu.vector_load_idx %gather3A_744[%add3A_739, %broadcast_in_dim3A_692] : memref<64x128xf32, #tpu.memory_space<vmem>>[vector<16xi32>, vector<16xi32>], vector<16xf32>,
    %add3A_746 = arith.constant 16 : i32
    %add3A_747 = vector.broadcast %add3A_746 : i32 to vector<16xi32>
    %add3A_748 = arith.addi %iota3A, %add3A_747 : vector<16xi32>
    tpu.vector_store_idx %arg15[%add3A_748, %broadcast_in_dim3A_694], %gather3A_745 : memref<64x128xf32, #tpu.memory_space<vmem>>[vector<16xi32>, vector<16xi32>], vector<16xf32>,
    %add3A_749 = arith.constant 32 : i32
    %add3A_750 = vector.broadcast %add3A_749 : i32 to vector<16xi32>
    %add3A_751 = arith.addi %iota3A, %add3A_750 : vector<16xi32>
    %gather3A_752 = arith.constant 5 : i32
    %gather3A_753 = arith.constant 0 : i32
    %gather3A_754 = arith.constant 0 : i32
    %gather3A_755 = tpu.memref_slice %arg12[%gather3A_752, %gather3A_753, %gather3A_754] : memref<8x64x128xf32, #tpu.memory_space<vmem>> -> memref<1x64x128xf32, #tpu.memory_space<vmem>>
    %gather3A_756 = tpu.memref_squeeze %gather3A_755 : memref<1x64x128xf32, #tpu.memory_space<vmem>> -> memref<64x128xf32, #tpu.memory_space<vmem>>
    %gather3A_757 = tpu.vector_load_idx %gather3A_756[%add3A_751, %broadcast_in_dim3A_692] : memref<64x128xf32, #tpu.memory_space<vmem>>[vector<16xi32>, vector<16xi32>], vector<16xf32>,
    %add3A_758 = arith.constant 32 : i32
    %add3A_759 = vector.broadcast %add3A_758 : i32 to vector<16xi32>
    %add3A_760 = arith.addi %iota3A, %add3A_759 : vector<16xi32>
    tpu.vector_store_idx %arg15[%add3A_760, %broadcast_in_dim3A_694], %gather3A_757 : memref<64x128xf32, #tpu.memory_space<vmem>>[vector<16xi32>, vector<16xi32>], vector<16xf32>,
    %add3A_761 = arith.constant 48 : i32
    %add3A_762 = vector.broadcast %add3A_761 : i32 to vector<16xi32>
    %add3A_763 = arith.addi %iota3A, %add3A_762 : vector<16xi32>
    %gather3A_764 = arith.constant 5 : i32
    %gather3A_765 = arith.constant 0 : i32
    %gather3A_766 = arith.constant 0 : i32
    %gather3A_767 = tpu.memref_slice %arg12[%gather3A_764, %gather3A_765, %gather3A_766] : memref<8x64x128xf32, #tpu.memory_space<vmem>> -> memref<1x64x128xf32, #tpu.memory_space<vmem>>
    %gather3A_768 = tpu.memref_squeeze %gather3A_767 : memref<1x64x128xf32, #tpu.memory_space<vmem>> -> memref<64x128xf32, #tpu.memory_space<vmem>>
    %gather3A_769 = tpu.vector_load_idx %gather3A_768[%add3A_763, %broadcast_in_dim3A_692] : memref<64x128xf32, #tpu.memory_space<vmem>>[vector<16xi32>, vector<16xi32>], vector<16xf32>,
    %add3A_770 = arith.constant 48 : i32
    %add3A_771 = vector.broadcast %add3A_770 : i32 to vector<16xi32>
    %add3A_772 = arith.addi %iota3A, %add3A_771 : vector<16xi32>
    tpu.vector_store_idx %arg15[%add3A_772, %broadcast_in_dim3A_694], %gather3A_769 : memref<64x128xf32, #tpu.memory_space<vmem>>[vector<16xi32>, vector<16xi32>], vector<16xf32>,
    %dma_wait3A_773 = arith.constant 6 : i32
    %dma_wait3A_774 = arith.constant 0 : i32
    %dma_wait3A_775 = arith.constant 0 : i32
    %dma_wait3A_776 = tpu.memref_slice %arg10[%dma_wait3A_773, %dma_wait3A_774, %dma_wait3A_775] : memref<8x16x128xf32, #tpu.memory_space<vmem>> -> memref<1x16x128xf32, #tpu.memory_space<vmem>>
    %dma_wait3A_777 = tpu.memref_squeeze %dma_wait3A_776 : memref<1x16x128xf32, #tpu.memory_space<vmem>> -> memref<16x128xf32, #tpu.memory_space<vmem>>
    %dma_wait3A_778 = arith.constant 0 : i32
    %dma_wait3A_779 = arith.constant 0 : i32
    %dma_wait3A_780 = tpu.memref_slice %arg3[%dma_wait3A_778, %dma_wait3A_779] : memref<16x1000000xf32, #tpu.memory_space<hbm>> -> memref<16x128xf32, #tpu.memory_space<hbm>>
    %dma_wait3A_781 = arith.constant 0 : i32
    %dma_wait3A_782 = arith.constant 0 : i32
    %dma_wait3A_783 = tpu.memref_slice %arg10[%dma_wait3A_773, %dma_wait3A_781, %dma_wait3A_782] : memref<8x16x128xf32, #tpu.memory_space<vmem>> -> memref<1x16x128xf32, #tpu.memory_space<vmem>>
    %dma_wait3A_784 = tpu.memref_squeeze %dma_wait3A_783 : memref<1x16x128xf32, #tpu.memory_space<vmem>> -> memref<16x128xf32, #tpu.memory_space<vmem>>
    %dma_wait3A_785 = arith.constant 0 : i32
    %dma_wait3A_786 = arith.constant 0 : i32
    %dma_wait3A_787 = tpu.memref_slice %arg3[%dma_wait3A_785, %dma_wait3A_786] : memref<16x1000000xf32, #tpu.memory_space<hbm>> -> memref<16x128xf32, #tpu.memory_space<hbm>>
    tpu.wait_dma2 semaphore(%arg22 : memref<!tpu.dma_semaphore, #tpu.memory_space<semaphore_mem>>) src(%dma_wait3A_787 : memref<16x128xf32, #tpu.memory_space<hbm>>) dst(%dma_wait3A_784 : memref<16x128xf32, #tpu.memory_space<vmem>>)
    %dma_wait3A_788 = arith.constant 6 : i32
    %dma_wait3A_789 = arith.constant 0 : i32
    %dma_wait3A_790 = arith.constant 0 : i32
    %dma_wait3A_791 = tpu.memref_slice %arg11[%dma_wait3A_788, %dma_wait3A_789, %dma_wait3A_790] : memref<8x32x128xf32, #tpu.memory_space<vmem>> -> memref<1x32x128xf32, #tpu.memory_space<vmem>>
    %dma_wait3A_792 = tpu.memref_squeeze %dma_wait3A_791 : memref<1x32x128xf32, #tpu.memory_space<vmem>> -> memref<32x128xf32, #tpu.memory_space<vmem>>
    %dma_wait3A_793 = arith.constant 0 : i32
    %dma_wait3A_794 = arith.constant 0 : i32
    %dma_wait3A_795 = tpu.memref_slice %arg4[%dma_wait3A_793, %dma_wait3A_794] : memref<32x1000000xf32, #tpu.memory_space<hbm>> -> memref<32x128xf32, #tpu.memory_space<hbm>>
    %dma_wait3A_796 = arith.constant 0 : i32
    %dma_wait3A_797 = arith.constant 0 : i32
    %dma_wait3A_798 = tpu.memref_slice %arg11[%dma_wait3A_788, %dma_wait3A_796, %dma_wait3A_797] : memref<8x32x128xf32, #tpu.memory_space<vmem>> -> memref<1x32x128xf32, #tpu.memory_space<vmem>>
    %dma_wait3A_799 = tpu.memref_squeeze %dma_wait3A_798 : memref<1x32x128xf32, #tpu.memory_space<vmem>> -> memref<32x128xf32, #tpu.memory_space<vmem>>
    %dma_wait3A_800 = arith.constant 0 : i32
    %dma_wait3A_801 = arith.constant 0 : i32
    %dma_wait3A_802 = tpu.memref_slice %arg4[%dma_wait3A_800, %dma_wait3A_801] : memref<32x1000000xf32, #tpu.memory_space<hbm>> -> memref<32x128xf32, #tpu.memory_space<hbm>>
    tpu.wait_dma2 semaphore(%arg22 : memref<!tpu.dma_semaphore, #tpu.memory_space<semaphore_mem>>) src(%dma_wait3A_802 : memref<32x128xf32, #tpu.memory_space<hbm>>) dst(%dma_wait3A_799 : memref<32x128xf32, #tpu.memory_space<vmem>>)
    %dma_wait3A_803 = arith.constant 6 : i32
    %dma_wait3A_804 = arith.constant 0 : i32
    %dma_wait3A_805 = arith.constant 0 : i32
    %dma_wait3A_806 = tpu.memref_slice %arg12[%dma_wait3A_803, %dma_wait3A_804, %dma_wait3A_805] : memref<8x64x128xf32, #tpu.memory_space<vmem>> -> memref<1x64x128xf32, #tpu.memory_space<vmem>>
    %dma_wait3A_807 = tpu.memref_squeeze %dma_wait3A_806 : memref<1x64x128xf32, #tpu.memory_space<vmem>> -> memref<64x128xf32, #tpu.memory_space<vmem>>
    %dma_wait3A_808 = arith.constant 0 : i32
    %dma_wait3A_809 = arith.constant 0 : i32
    %dma_wait3A_810 = tpu.memref_slice %arg5[%dma_wait3A_808, %dma_wait3A_809] : memref<64x1000000xf32, #tpu.memory_space<hbm>> -> memref<64x128xf32, #tpu.memory_space<hbm>>
    %dma_wait3A_811 = arith.constant 0 : i32
    %dma_wait3A_812 = arith.constant 0 : i32
    %dma_wait3A_813 = tpu.memref_slice %arg12[%dma_wait3A_803, %dma_wait3A_811, %dma_wait3A_812] : memref<8x64x128xf32, #tpu.memory_space<vmem>> -> memref<1x64x128xf32, #tpu.memory_space<vmem>>
    %dma_wait3A_814 = tpu.memref_squeeze %dma_wait3A_813 : memref<1x64x128xf32, #tpu.memory_space<vmem>> -> memref<64x128xf32, #tpu.memory_space<vmem>>
    %dma_wait3A_815 = arith.constant 0 : i32
    %dma_wait3A_816 = arith.constant 0 : i32
    %dma_wait3A_817 = tpu.memref_slice %arg5[%dma_wait3A_815, %dma_wait3A_816] : memref<64x1000000xf32, #tpu.memory_space<hbm>> -> memref<64x128xf32, #tpu.memory_space<hbm>>
    tpu.wait_dma2 semaphore(%arg22 : memref<!tpu.dma_semaphore, #tpu.memory_space<semaphore_mem>>) src(%dma_wait3A_817 : memref<64x128xf32, #tpu.memory_space<hbm>>) dst(%dma_wait3A_814 : memref<64x128xf32, #tpu.memory_space<vmem>>)
    %slice3A_818 = vector.extract_strided_slice %scan3A_7#1 {offsets = [14], sizes = [1], strides = [1]} : vector<16xi32> to vector<1xi32>
    %squeeze3A_819 = vector.extract %slice3A_818[0] : i32 from vector<1xi32>
    %broadcast_in_dim3A_820 = vector.broadcast %squeeze3A_819 : i32 to vector<16xi32>
    %broadcast_in_dim3A_821 = arith.constant 126 : i32
    %broadcast_in_dim3A_822 = vector.broadcast %broadcast_in_dim3A_821 : i32 to vector<16xi32>
    %gather3A_823 = arith.constant 6 : i32
    %gather3A_824 = arith.constant 0 : i32
    %gather3A_825 = arith.constant 0 : i32
    %gather3A_826 = tpu.memref_slice %arg10[%gather3A_823, %gather3A_824, %gather3A_825] : memref<8x16x128xf32, #tpu.memory_space<vmem>> -> memref<1x16x128xf32, #tpu.memory_space<vmem>>
    %gather3A_827 = tpu.memref_squeeze %gather3A_826 : memref<1x16x128xf32, #tpu.memory_space<vmem>> -> memref<16x128xf32, #tpu.memory_space<vmem>>
    %gather3A_828 = tpu.vector_load_idx %gather3A_827[%iota3A, %broadcast_in_dim3A_820] : memref<16x128xf32, #tpu.memory_space<vmem>>[vector<16xi32>, vector<16xi32>], vector<16xf32>,
    tpu.vector_store_idx %arg13[%iota3A, %broadcast_in_dim3A_822], %gather3A_828 : memref<16x128xf32, #tpu.memory_space<vmem>>[vector<16xi32>, vector<16xi32>], vector<16xf32>,
    %add3A_829 = arith.constant 0 : i32
    %add3A_830 = vector.broadcast %add3A_829 : i32 to vector<16xi32>
    %add3A_831 = arith.addi %iota3A, %add3A_830 : vector<16xi32>
    %gather3A_832 = arith.constant 6 : i32
    %gather3A_833 = arith.constant 0 : i32
    %gather3A_834 = arith.constant 0 : i32
    %gather3A_835 = tpu.memref_slice %arg11[%gather3A_832, %gather3A_833, %gather3A_834] : memref<8x32x128xf32, #tpu.memory_space<vmem>> -> memref<1x32x128xf32, #tpu.memory_space<vmem>>
    %gather3A_836 = tpu.memref_squeeze %gather3A_835 : memref<1x32x128xf32, #tpu.memory_space<vmem>> -> memref<32x128xf32, #tpu.memory_space<vmem>>
    %gather3A_837 = tpu.vector_load_idx %gather3A_836[%add3A_831, %broadcast_in_dim3A_820] : memref<32x128xf32, #tpu.memory_space<vmem>>[vector<16xi32>, vector<16xi32>], vector<16xf32>,
    %add3A_838 = arith.constant 0 : i32
    %add3A_839 = vector.broadcast %add3A_838 : i32 to vector<16xi32>
    %add3A_840 = arith.addi %iota3A, %add3A_839 : vector<16xi32>
    tpu.vector_store_idx %arg14[%add3A_840, %broadcast_in_dim3A_822], %gather3A_837 : memref<32x128xf32, #tpu.memory_space<vmem>>[vector<16xi32>, vector<16xi32>], vector<16xf32>,
    %add3A_841 = arith.constant 16 : i32
    %add3A_842 = vector.broadcast %add3A_841 : i32 to vector<16xi32>
    %add3A_843 = arith.addi %iota3A, %add3A_842 : vector<16xi32>
    %gather3A_844 = arith.constant 6 : i32
    %gather3A_845 = arith.constant 0 : i32
    %gather3A_846 = arith.constant 0 : i32
    %gather3A_847 = tpu.memref_slice %arg11[%gather3A_844, %gather3A_845, %gather3A_846] : memref<8x32x128xf32, #tpu.memory_space<vmem>> -> memref<1x32x128xf32, #tpu.memory_space<vmem>>
    %gather3A_848 = tpu.memref_squeeze %gather3A_847 : memref<1x32x128xf32, #tpu.memory_space<vmem>> -> memref<32x128xf32, #tpu.memory_space<vmem>>
    %gather3A_849 = tpu.vector_load_idx %gather3A_848[%add3A_843, %broadcast_in_dim3A_820] : memref<32x128xf32, #tpu.memory_space<vmem>>[vector<16xi32>, vector<16xi32>], vector<16xf32>,
    %add3A_850 = arith.constant 16 : i32
    %add3A_851 = vector.broadcast %add3A_850 : i32 to vector<16xi32>
    %add3A_852 = arith.addi %iota3A, %add3A_851 : vector<16xi32>
    tpu.vector_store_idx %arg14[%add3A_852, %broadcast_in_dim3A_822], %gather3A_849 : memref<32x128xf32, #tpu.memory_space<vmem>>[vector<16xi32>, vector<16xi32>], vector<16xf32>,
    %add3A_853 = arith.constant 0 : i32
    %add3A_854 = vector.broadcast %add3A_853 : i32 to vector<16xi32>
    %add3A_855 = arith.addi %iota3A, %add3A_854 : vector<16xi32>
    %gather3A_856 = arith.constant 6 : i32
    %gather3A_857 = arith.constant 0 : i32
    %gather3A_858 = arith.constant 0 : i32
    %gather3A_859 = tpu.memref_slice %arg12[%gather3A_856, %gather3A_857, %gather3A_858] : memref<8x64x128xf32, #tpu.memory_space<vmem>> -> memref<1x64x128xf32, #tpu.memory_space<vmem>>
    %gather3A_860 = tpu.memref_squeeze %gather3A_859 : memref<1x64x128xf32, #tpu.memory_space<vmem>> -> memref<64x128xf32, #tpu.memory_space<vmem>>
    %gather3A_861 = tpu.vector_load_idx %gather3A_860[%add3A_855, %broadcast_in_dim3A_820] : memref<64x128xf32, #tpu.memory_space<vmem>>[vector<16xi32>, vector<16xi32>], vector<16xf32>,
    %add3A_862 = arith.constant 0 : i32
    %add3A_863 = vector.broadcast %add3A_862 : i32 to vector<16xi32>
    %add3A_864 = arith.addi %iota3A, %add3A_863 : vector<16xi32>
    tpu.vector_store_idx %arg15[%add3A_864, %broadcast_in_dim3A_822], %gather3A_861 : memref<64x128xf32, #tpu.memory_space<vmem>>[vector<16xi32>, vector<16xi32>], vector<16xf32>,
    %add3A_865 = arith.constant 16 : i32
    %add3A_866 = vector.broadcast %add3A_865 : i32 to vector<16xi32>
    %add3A_867 = arith.addi %iota3A, %add3A_866 : vector<16xi32>
    %gather3A_868 = arith.constant 6 : i32
    %gather3A_869 = arith.constant 0 : i32
    %gather3A_870 = arith.constant 0 : i32
    %gather3A_871 = tpu.memref_slice %arg12[%gather3A_868, %gather3A_869, %gather3A_870] : memref<8x64x128xf32, #tpu.memory_space<vmem>> -> memref<1x64x128xf32, #tpu.memory_space<vmem>>
    %gather3A_872 = tpu.memref_squeeze %gather3A_871 : memref<1x64x128xf32, #tpu.memory_space<vmem>> -> memref<64x128xf32, #tpu.memory_space<vmem>>
    %gather3A_873 = tpu.vector_load_idx %gather3A_872[%add3A_867, %broadcast_in_dim3A_820] : memref<64x128xf32, #tpu.memory_space<vmem>>[vector<16xi32>, vector<16xi32>], vector<16xf32>,
    %add3A_874 = arith.constant 16 : i32
    %add3A_875 = vector.broadcast %add3A_874 : i32 to vector<16xi32>
    %add3A_876 = arith.addi %iota3A, %add3A_875 : vector<16xi32>
    tpu.vector_store_idx %arg15[%add3A_876, %broadcast_in_dim3A_822], %gather3A_873 : memref<64x128xf32, #tpu.memory_space<vmem>>[vector<16xi32>, vector<16xi32>], vector<16xf32>,
    %add3A_877 = arith.constant 32 : i32
    %add3A_878 = vector.broadcast %add3A_877 : i32 to vector<16xi32>
    %add3A_879 = arith.addi %iota3A, %add3A_878 : vector<16xi32>
    %gather3A_880 = arith.constant 6 : i32
    %gather3A_881 = arith.constant 0 : i32
    %gather3A_882 = arith.constant 0 : i32
    %gather3A_883 = tpu.memref_slice %arg12[%gather3A_880, %gather3A_881, %gather3A_882] : memref<8x64x128xf32, #tpu.memory_space<vmem>> -> memref<1x64x128xf32, #tpu.memory_space<vmem>>
    %gather3A_884 = tpu.memref_squeeze %gather3A_883 : memref<1x64x128xf32, #tpu.memory_space<vmem>> -> memref<64x128xf32, #tpu.memory_space<vmem>>
    %gather3A_885 = tpu.vector_load_idx %gather3A_884[%add3A_879, %broadcast_in_dim3A_820] : memref<64x128xf32, #tpu.memory_space<vmem>>[vector<16xi32>, vector<16xi32>], vector<16xf32>,
    %add3A_886 = arith.constant 32 : i32
    %add3A_887 = vector.broadcast %add3A_886 : i32 to vector<16xi32>
    %add3A_888 = arith.addi %iota3A, %add3A_887 : vector<16xi32>
    tpu.vector_store_idx %arg15[%add3A_888, %broadcast_in_dim3A_822], %gather3A_885 : memref<64x128xf32, #tpu.memory_space<vmem>>[vector<16xi32>, vector<16xi32>], vector<16xf32>,
    %add3A_889 = arith.constant 48 : i32
    %add3A_890 = vector.broadcast %add3A_889 : i32 to vector<16xi32>
    %add3A_891 = arith.addi %iota3A, %add3A_890 : vector<16xi32>
    %gather3A_892 = arith.constant 6 : i32
    %gather3A_893 = arith.constant 0 : i32
    %gather3A_894 = arith.constant 0 : i32
    %gather3A_895 = tpu.memref_slice %arg12[%gather3A_892, %gather3A_893, %gather3A_894] : memref<8x64x128xf32, #tpu.memory_space<vmem>> -> memref<1x64x128xf32, #tpu.memory_space<vmem>>
    %gather3A_896 = tpu.memref_squeeze %gather3A_895 : memref<1x64x128xf32, #tpu.memory_space<vmem>> -> memref<64x128xf32, #tpu.memory_space<vmem>>
    %gather3A_897 = tpu.vector_load_idx %gather3A_896[%add3A_891, %broadcast_in_dim3A_820] : memref<64x128xf32, #tpu.memory_space<vmem>>[vector<16xi32>, vector<16xi32>], vector<16xf32>,
    %add3A_898 = arith.constant 48 : i32
    %add3A_899 = vector.broadcast %add3A_898 : i32 to vector<16xi32>
    %add3A_900 = arith.addi %iota3A, %add3A_899 : vector<16xi32>
    tpu.vector_store_idx %arg15[%add3A_900, %broadcast_in_dim3A_822], %gather3A_897 : memref<64x128xf32, #tpu.memory_space<vmem>>[vector<16xi32>, vector<16xi32>], vector<16xf32>,
    %dma_wait3A_901 = arith.constant 7 : i32
    %dma_wait3A_902 = arith.constant 0 : i32
    %dma_wait3A_903 = arith.constant 0 : i32
    %dma_wait3A_904 = tpu.memref_slice %arg10[%dma_wait3A_901, %dma_wait3A_902, %dma_wait3A_903] : memref<8x16x128xf32, #tpu.memory_space<vmem>> -> memref<1x16x128xf32, #tpu.memory_space<vmem>>
    %dma_wait3A_905 = tpu.memref_squeeze %dma_wait3A_904 : memref<1x16x128xf32, #tpu.memory_space<vmem>> -> memref<16x128xf32, #tpu.memory_space<vmem>>
    %dma_wait3A_906 = arith.constant 0 : i32
    %dma_wait3A_907 = arith.constant 0 : i32
    %dma_wait3A_908 = tpu.memref_slice %arg3[%dma_wait3A_906, %dma_wait3A_907] : memref<16x1000000xf32, #tpu.memory_space<hbm>> -> memref<16x128xf32, #tpu.memory_space<hbm>>
    %dma_wait3A_909 = arith.constant 0 : i32
    %dma_wait3A_910 = arith.constant 0 : i32
    %dma_wait3A_911 = tpu.memref_slice %arg10[%dma_wait3A_901, %dma_wait3A_909, %dma_wait3A_910] : memref<8x16x128xf32, #tpu.memory_space<vmem>> -> memref<1x16x128xf32, #tpu.memory_space<vmem>>
    %dma_wait3A_912 = tpu.memref_squeeze %dma_wait3A_911 : memref<1x16x128xf32, #tpu.memory_space<vmem>> -> memref<16x128xf32, #tpu.memory_space<vmem>>
    %dma_wait3A_913 = arith.constant 0 : i32
    %dma_wait3A_914 = arith.constant 0 : i32
    %dma_wait3A_915 = tpu.memref_slice %arg3[%dma_wait3A_913, %dma_wait3A_914] : memref<16x1000000xf32, #tpu.memory_space<hbm>> -> memref<16x128xf32, #tpu.memory_space<hbm>>
    tpu.wait_dma2 semaphore(%arg23 : memref<!tpu.dma_semaphore, #tpu.memory_space<semaphore_mem>>) src(%dma_wait3A_915 : memref<16x128xf32, #tpu.memory_space<hbm>>) dst(%dma_wait3A_912 : memref<16x128xf32, #tpu.memory_space<vmem>>)
    %dma_wait3A_916 = arith.constant 7 : i32
    %dma_wait3A_917 = arith.constant 0 : i32
    %dma_wait3A_918 = arith.constant 0 : i32
    %dma_wait3A_919 = tpu.memref_slice %arg11[%dma_wait3A_916, %dma_wait3A_917, %dma_wait3A_918] : memref<8x32x128xf32, #tpu.memory_space<vmem>> -> memref<1x32x128xf32, #tpu.memory_space<vmem>>
    %dma_wait3A_920 = tpu.memref_squeeze %dma_wait3A_919 : memref<1x32x128xf32, #tpu.memory_space<vmem>> -> memref<32x128xf32, #tpu.memory_space<vmem>>
    %dma_wait3A_921 = arith.constant 0 : i32
    %dma_wait3A_922 = arith.constant 0 : i32
    %dma_wait3A_923 = tpu.memref_slice %arg4[%dma_wait3A_921, %dma_wait3A_922] : memref<32x1000000xf32, #tpu.memory_space<hbm>> -> memref<32x128xf32, #tpu.memory_space<hbm>>
    %dma_wait3A_924 = arith.constant 0 : i32
    %dma_wait3A_925 = arith.constant 0 : i32
    %dma_wait3A_926 = tpu.memref_slice %arg11[%dma_wait3A_916, %dma_wait3A_924, %dma_wait3A_925] : memref<8x32x128xf32, #tpu.memory_space<vmem>> -> memref<1x32x128xf32, #tpu.memory_space<vmem>>
    %dma_wait3A_927 = tpu.memref_squeeze %dma_wait3A_926 : memref<1x32x128xf32, #tpu.memory_space<vmem>> -> memref<32x128xf32, #tpu.memory_space<vmem>>
    %dma_wait3A_928 = arith.constant 0 : i32
    %dma_wait3A_929 = arith.constant 0 : i32
    %dma_wait3A_930 = tpu.memref_slice %arg4[%dma_wait3A_928, %dma_wait3A_929] : memref<32x1000000xf32, #tpu.memory_space<hbm>> -> memref<32x128xf32, #tpu.memory_space<hbm>>
    tpu.wait_dma2 semaphore(%arg23 : memref<!tpu.dma_semaphore, #tpu.memory_space<semaphore_mem>>) src(%dma_wait3A_930 : memref<32x128xf32, #tpu.memory_space<hbm>>) dst(%dma_wait3A_927 : memref<32x128xf32, #tpu.memory_space<vmem>>)
    %dma_wait3A_931 = arith.constant 7 : i32
    %dma_wait3A_932 = arith.constant 0 : i32
    %dma_wait3A_933 = arith.constant 0 : i32
    %dma_wait3A_934 = tpu.memref_slice %arg12[%dma_wait3A_931, %dma_wait3A_932, %dma_wait3A_933] : memref<8x64x128xf32, #tpu.memory_space<vmem>> -> memref<1x64x128xf32, #tpu.memory_space<vmem>>
    %dma_wait3A_935 = tpu.memref_squeeze %dma_wait3A_934 : memref<1x64x128xf32, #tpu.memory_space<vmem>> -> memref<64x128xf32, #tpu.memory_space<vmem>>
    %dma_wait3A_936 = arith.constant 0 : i32
    %dma_wait3A_937 = arith.constant 0 : i32
    %dma_wait3A_938 = tpu.memref_slice %arg5[%dma_wait3A_936, %dma_wait3A_937] : memref<64x1000000xf32, #tpu.memory_space<hbm>> -> memref<64x128xf32, #tpu.memory_space<hbm>>
    %dma_wait3A_939 = arith.constant 0 : i32
    %dma_wait3A_940 = arith.constant 0 : i32
    %dma_wait3A_941 = tpu.memref_slice %arg12[%dma_wait3A_931, %dma_wait3A_939, %dma_wait3A_940] : memref<8x64x128xf32, #tpu.memory_space<vmem>> -> memref<1x64x128xf32, #tpu.memory_space<vmem>>
    %dma_wait3A_942 = tpu.memref_squeeze %dma_wait3A_941 : memref<1x64x128xf32, #tpu.memory_space<vmem>> -> memref<64x128xf32, #tpu.memory_space<vmem>>
    %dma_wait3A_943 = arith.constant 0 : i32
    %dma_wait3A_944 = arith.constant 0 : i32
    %dma_wait3A_945 = tpu.memref_slice %arg5[%dma_wait3A_943, %dma_wait3A_944] : memref<64x1000000xf32, #tpu.memory_space<hbm>> -> memref<64x128xf32, #tpu.memory_space<hbm>>
    tpu.wait_dma2 semaphore(%arg23 : memref<!tpu.dma_semaphore, #tpu.memory_space<semaphore_mem>>) src(%dma_wait3A_945 : memref<64x128xf32, #tpu.memory_space<hbm>>) dst(%dma_wait3A_942 : memref<64x128xf32, #tpu.memory_space<vmem>>)
    %slice3A_946 = vector.extract_strided_slice %scan3A_7#1 {offsets = [15], sizes = [1], strides = [1]} : vector<16xi32> to vector<1xi32>
    %squeeze3A_947 = vector.extract %slice3A_946[0] : i32 from vector<1xi32>
    %broadcast_in_dim3A_948 = vector.broadcast %squeeze3A_947 : i32 to vector<16xi32>
    %broadcast_in_dim3A_949 = arith.constant 127 : i32
    %broadcast_in_dim3A_950 = vector.broadcast %broadcast_in_dim3A_949 : i32 to vector<16xi32>
    %gather3A_951 = arith.constant 7 : i32
    %gather3A_952 = arith.constant 0 : i32
    %gather3A_953 = arith.constant 0 : i32
    %gather3A_954 = tpu.memref_slice %arg10[%gather3A_951, %gather3A_952, %gather3A_953] : memref<8x16x128xf32, #tpu.memory_space<vmem>> -> memref<1x16x128xf32, #tpu.memory_space<vmem>>
    %gather3A_955 = tpu.memref_squeeze %gather3A_954 : memref<1x16x128xf32, #tpu.memory_space<vmem>> -> memref<16x128xf32, #tpu.memory_space<vmem>>
    %gather3A_956 = tpu.vector_load_idx %gather3A_955[%iota3A, %broadcast_in_dim3A_948] : memref<16x128xf32, #tpu.memory_space<vmem>>[vector<16xi32>, vector<16xi32>], vector<16xf32>,
    tpu.vector_store_idx %arg13[%iota3A, %broadcast_in_dim3A_950], %gather3A_956 : memref<16x128xf32, #tpu.memory_space<vmem>>[vector<16xi32>, vector<16xi32>], vector<16xf32>,
    %add3A_957 = arith.constant 0 : i32
    %add3A_958 = vector.broadcast %add3A_957 : i32 to vector<16xi32>
    %add3A_959 = arith.addi %iota3A, %add3A_958 : vector<16xi32>
    %gather3A_960 = arith.constant 7 : i32
    %gather3A_961 = arith.constant 0 : i32
    %gather3A_962 = arith.constant 0 : i32
    %gather3A_963 = tpu.memref_slice %arg11[%gather3A_960, %gather3A_961, %gather3A_962] : memref<8x32x128xf32, #tpu.memory_space<vmem>> -> memref<1x32x128xf32, #tpu.memory_space<vmem>>
    %gather3A_964 = tpu.memref_squeeze %gather3A_963 : memref<1x32x128xf32, #tpu.memory_space<vmem>> -> memref<32x128xf32, #tpu.memory_space<vmem>>
    %gather3A_965 = tpu.vector_load_idx %gather3A_964[%add3A_959, %broadcast_in_dim3A_948] : memref<32x128xf32, #tpu.memory_space<vmem>>[vector<16xi32>, vector<16xi32>], vector<16xf32>,
    %add3A_966 = arith.constant 0 : i32
    %add3A_967 = vector.broadcast %add3A_966 : i32 to vector<16xi32>
    %add3A_968 = arith.addi %iota3A, %add3A_967 : vector<16xi32>
    tpu.vector_store_idx %arg14[%add3A_968, %broadcast_in_dim3A_950], %gather3A_965 : memref<32x128xf32, #tpu.memory_space<vmem>>[vector<16xi32>, vector<16xi32>], vector<16xf32>,
    %add3A_969 = arith.constant 16 : i32
    %add3A_970 = vector.broadcast %add3A_969 : i32 to vector<16xi32>
    %add3A_971 = arith.addi %iota3A, %add3A_970 : vector<16xi32>
    %gather3A_972 = arith.constant 7 : i32
    %gather3A_973 = arith.constant 0 : i32
    %gather3A_974 = arith.constant 0 : i32
    %gather3A_975 = tpu.memref_slice %arg11[%gather3A_972, %gather3A_973, %gather3A_974] : memref<8x32x128xf32, #tpu.memory_space<vmem>> -> memref<1x32x128xf32, #tpu.memory_space<vmem>>
    %gather3A_976 = tpu.memref_squeeze %gather3A_975 : memref<1x32x128xf32, #tpu.memory_space<vmem>> -> memref<32x128xf32, #tpu.memory_space<vmem>>
    %gather3A_977 = tpu.vector_load_idx %gather3A_976[%add3A_971, %broadcast_in_dim3A_948] : memref<32x128xf32, #tpu.memory_space<vmem>>[vector<16xi32>, vector<16xi32>], vector<16xf32>,
    %add3A_978 = arith.constant 16 : i32
    %add3A_979 = vector.broadcast %add3A_978 : i32 to vector<16xi32>
    %add3A_980 = arith.addi %iota3A, %add3A_979 : vector<16xi32>
    tpu.vector_store_idx %arg14[%add3A_980, %broadcast_in_dim3A_950], %gather3A_977 : memref<32x128xf32, #tpu.memory_space<vmem>>[vector<16xi32>, vector<16xi32>], vector<16xf32>,
    %add3A_981 = arith.constant 0 : i32
    %add3A_982 = vector.broadcast %add3A_981 : i32 to vector<16xi32>
    %add3A_983 = arith.addi %iota3A, %add3A_982 : vector<16xi32>
    %gather3A_984 = arith.constant 7 : i32
    %gather3A_985 = arith.constant 0 : i32
    %gather3A_986 = arith.constant 0 : i32
    %gather3A_987 = tpu.memref_slice %arg12[%gather3A_984, %gather3A_985, %gather3A_986] : memref<8x64x128xf32, #tpu.memory_space<vmem>> -> memref<1x64x128xf32, #tpu.memory_space<vmem>>
    %gather3A_988 = tpu.memref_squeeze %gather3A_987 : memref<1x64x128xf32, #tpu.memory_space<vmem>> -> memref<64x128xf32, #tpu.memory_space<vmem>>
    %gather3A_989 = tpu.vector_load_idx %gather3A_988[%add3A_983, %broadcast_in_dim3A_948] : memref<64x128xf32, #tpu.memory_space<vmem>>[vector<16xi32>, vector<16xi32>], vector<16xf32>,
    %add3A_990 = arith.constant 0 : i32
    %add3A_991 = vector.broadcast %add3A_990 : i32 to vector<16xi32>
    %add3A_992 = arith.addi %iota3A, %add3A_991 : vector<16xi32>
    tpu.vector_store_idx %arg15[%add3A_992, %broadcast_in_dim3A_950], %gather3A_989 : memref<64x128xf32, #tpu.memory_space<vmem>>[vector<16xi32>, vector<16xi32>], vector<16xf32>,
    %add3A_993 = arith.constant 16 : i32
    %add3A_994 = vector.broadcast %add3A_993 : i32 to vector<16xi32>
    %add3A_995 = arith.addi %iota3A, %add3A_994 : vector<16xi32>
    %gather3A_996 = arith.constant 7 : i32
    %gather3A_997 = arith.constant 0 : i32
    %gather3A_998 = arith.constant 0 : i32
    %gather3A_999 = tpu.memref_slice %arg12[%gather3A_996, %gather3A_997, %gather3A_998] : memref<8x64x128xf32, #tpu.memory_space<vmem>> -> memref<1x64x128xf32, #tpu.memory_space<vmem>>
    %gather3A_1000 = tpu.memref_squeeze %gather3A_999 : memref<1x64x128xf32, #tpu.memory_space<vmem>> -> memref<64x128xf32, #tpu.memory_space<vmem>>
    %gather3A_1001 = tpu.vector_load_idx %gather3A_1000[%add3A_995, %broadcast_in_dim3A_948] : memref<64x128xf32, #tpu.memory_space<vmem>>[vector<16xi32>, vector<16xi32>], vector<16xf32>,
    %add3A_1002 = arith.constant 16 : i32
    %add3A_1003 = vector.broadcast %add3A_1002 : i32 to vector<16xi32>
    %add3A_1004 = arith.addi %iota3A, %add3A_1003 : vector<16xi32>
    tpu.vector_store_idx %arg15[%add3A_1004, %broadcast_in_dim3A_950], %gather3A_1001 : memref<64x128xf32, #tpu.memory_space<vmem>>[vector<16xi32>, vector<16xi32>], vector<16xf32>,
    %add3A_1005 = arith.constant 32 : i32
    %add3A_1006 = vector.broadcast %add3A_1005 : i32 to vector<16xi32>
    %add3A_1007 = arith.addi %iota3A, %add3A_1006 : vector<16xi32>
    %gather3A_1008 = arith.constant 7 : i32
    %gather3A_1009 = arith.constant 0 : i32
    %gather3A_1010 = arith.constant 0 : i32
    %gather3A_1011 = tpu.memref_slice %arg12[%gather3A_1008, %gather3A_1009, %gather3A_1010] : memref<8x64x128xf32, #tpu.memory_space<vmem>> -> memref<1x64x128xf32, #tpu.memory_space<vmem>>
    %gather3A_1012 = tpu.memref_squeeze %gather3A_1011 : memref<1x64x128xf32, #tpu.memory_space<vmem>> -> memref<64x128xf32, #tpu.memory_space<vmem>>
    %gather3A_1013 = tpu.vector_load_idx %gather3A_1012[%add3A_1007, %broadcast_in_dim3A_948] : memref<64x128xf32, #tpu.memory_space<vmem>>[vector<16xi32>, vector<16xi32>], vector<16xf32>,
    %add3A_1014 = arith.constant 32 : i32
    %add3A_1015 = vector.broadcast %add3A_1014 : i32 to vector<16xi32>
    %add3A_1016 = arith.addi %iota3A, %add3A_1015 : vector<16xi32>
    tpu.vector_store_idx %arg15[%add3A_1016, %broadcast_in_dim3A_950], %gather3A_1013 : memref<64x128xf32, #tpu.memory_space<vmem>>[vector<16xi32>, vector<16xi32>], vector<16xf32>,
    %add3A_1017 = arith.constant 48 : i32
    %add3A_1018 = vector.broadcast %add3A_1017 : i32 to vector<16xi32>
    %add3A_1019 = arith.addi %iota3A, %add3A_1018 : vector<16xi32>
    %gather3A_1020 = arith.constant 7 : i32
    %gather3A_1021 = arith.constant 0 : i32
    %gather3A_1022 = arith.constant 0 : i32
    %gather3A_1023 = tpu.memref_slice %arg12[%gather3A_1020, %gather3A_1021, %gather3A_1022] : memref<8x64x128xf32, #tpu.memory_space<vmem>> -> memref<1x64x128xf32, #tpu.memory_space<vmem>>
    %gather3A_1024 = tpu.memref_squeeze %gather3A_1023 : memref<1x64x128xf32, #tpu.memory_space<vmem>> -> memref<64x128xf32, #tpu.memory_space<vmem>>
    %gather3A_1025 = tpu.vector_load_idx %gather3A_1024[%add3A_1019, %broadcast_in_dim3A_948] : memref<64x128xf32, #tpu.memory_space<vmem>>[vector<16xi32>, vector<16xi32>], vector<16xf32>,
    %add3A_1026 = arith.constant 48 : i32
    %add3A_1027 = vector.broadcast %add3A_1026 : i32 to vector<16xi32>
    %add3A_1028 = arith.addi %iota3A, %add3A_1027 : vector<16xi32>
    tpu.vector_store_idx %arg15[%add3A_1028, %broadcast_in_dim3A_950], %gather3A_1025 : memref<64x128xf32, #tpu.memory_space<vmem>>[vector<16xi32>, vector<16xi32>], vector<16xf32>,
    %add3A_1029 = arith.constant 384 : i32
    %add3A_1030 = arith.addi %mul3A_2, %add3A_1029 : i32
    %multiple_of3A = tpu.assume_multiple %add3A_1030, 128 : i32
    "tpu.region"() ({
      %run_scoped3A = tpu.sem_alloc : memref<!tpu.dma_semaphore, #tpu.memory_space<semaphore_mem>>
      %dma_start3A = arith.constant 0 : i32
      %dma_start3A_1031 = tpu.memref_slice %arg6[%dma_start3A, %multiple_of3A] : memref<16x16384xf32, #tpu.memory_space<hbm>> -> memref<16x128xf32, #tpu.memory_space<hbm>>
      %dma_start3A_1032 = arith.constant 0 : i32
      %dma_start3A_1033 = tpu.memref_slice %arg6[%dma_start3A_1032, %multiple_of3A] : memref<16x16384xf32, #tpu.memory_space<hbm>> -> memref<16x128xf32, #tpu.memory_space<hbm>>
      tpu.enqueue_dma source(%arg13 : memref<16x128xf32, #tpu.memory_space<vmem>>) target(%dma_start3A_1033 : memref<16x128xf32, #tpu.memory_space<hbm>>) target_semaphore(%run_scoped3A : memref<!tpu.dma_semaphore, #tpu.memory_space<semaphore_mem>>)
      %dma_wait3A_1034 = arith.constant 0 : i32
      %dma_wait3A_1035 = tpu.memref_slice %arg6[%dma_wait3A_1034, %multiple_of3A] : memref<16x16384xf32, #tpu.memory_space<hbm>> -> memref<16x128xf32, #tpu.memory_space<hbm>>
      %dma_wait3A_1036 = arith.constant 0 : i32
      %dma_wait3A_1037 = tpu.memref_slice %arg6[%dma_wait3A_1036, %multiple_of3A] : memref<16x16384xf32, #tpu.memory_space<hbm>> -> memref<16x128xf32, #tpu.memory_space<hbm>>
      tpu.wait_dma2 semaphore(%run_scoped3A : memref<!tpu.dma_semaphore, #tpu.memory_space<semaphore_mem>>) src(%arg13 : memref<16x128xf32, #tpu.memory_space<vmem>>) dst(%dma_wait3A_1037 : memref<16x128xf32, #tpu.memory_space<hbm>>)
      tpu.yield
    }) : () -> ()
    "tpu.region"() ({
      %run_scoped3A = tpu.sem_alloc : memref<!tpu.dma_semaphore, #tpu.memory_space<semaphore_mem>>
      %dma_start3A = arith.constant 0 : i32
      %dma_start3A_1031 = tpu.memref_slice %arg7[%dma_start3A, %multiple_of3A] : memref<32x16384xf32, #tpu.memory_space<hbm>> -> memref<32x128xf32, #tpu.memory_space<hbm>>
      %dma_start3A_1032 = arith.constant 0 : i32
      %dma_start3A_1033 = tpu.memref_slice %arg7[%dma_start3A_1032, %multiple_of3A] : memref<32x16384xf32, #tpu.memory_space<hbm>> -> memref<32x128xf32, #tpu.memory_space<hbm>>
      tpu.enqueue_dma source(%arg14 : memref<32x128xf32, #tpu.memory_space<vmem>>) target(%dma_start3A_1033 : memref<32x128xf32, #tpu.memory_space<hbm>>) target_semaphore(%run_scoped3A : memref<!tpu.dma_semaphore, #tpu.memory_space<semaphore_mem>>)
      %dma_wait3A_1034 = arith.constant 0 : i32
      %dma_wait3A_1035 = tpu.memref_slice %arg7[%dma_wait3A_1034, %multiple_of3A] : memref<32x16384xf32, #tpu.memory_space<hbm>> -> memref<32x128xf32, #tpu.memory_space<hbm>>
      %dma_wait3A_1036 = arith.constant 0 : i32
      %dma_wait3A_1037 = tpu.memref_slice %arg7[%dma_wait3A_1036, %multiple_of3A] : memref<32x16384xf32, #tpu.memory_space<hbm>> -> memref<32x128xf32, #tpu.memory_space<hbm>>
      tpu.wait_dma2 semaphore(%run_scoped3A : memref<!tpu.dma_semaphore, #tpu.memory_space<semaphore_mem>>) src(%arg14 : memref<32x128xf32, #tpu.memory_space<vmem>>) dst(%dma_wait3A_1037 : memref<32x128xf32, #tpu.memory_space<hbm>>)
      tpu.yield
    }) : () -> ()
    "tpu.region"() ({
      %run_scoped3A = tpu.sem_alloc : memref<!tpu.dma_semaphore, #tpu.memory_space<semaphore_mem>>
      %dma_start3A = arith.constant 0 : i32
      %dma_start3A_1031 = tpu.memref_slice %arg8[%dma_start3A, %multiple_of3A] : memref<64x16384xf32, #tpu.memory_space<hbm>> -> memref<64x128xf32, #tpu.memory_space<hbm>>
      %dma_start3A_1032 = arith.constant 0 : i32
      %dma_start3A_1033 = tpu.memref_slice %arg8[%dma_start3A_1032, %multiple_of3A] : memref<64x16384xf32, #tpu.memory_space<hbm>> -> memref<64x128xf32, #tpu.memory_space<hbm>>
      tpu.enqueue_dma source(%arg15 : memref<64x128xf32, #tpu.memory_space<vmem>>) target(%dma_start3A_1033 : memref<64x128xf32, #tpu.memory_space<hbm>>) target_semaphore(%run_scoped3A : memref<!tpu.dma_semaphore, #tpu.memory_space<semaphore_mem>>)
      %dma_wait3A_1034 = arith.constant 0 : i32
      %dma_wait3A_1035 = tpu.memref_slice %arg8[%dma_wait3A_1034, %multiple_of3A] : memref<64x16384xf32, #tpu.memory_space<hbm>> -> memref<64x128xf32, #tpu.memory_space<hbm>>
      %dma_wait3A_1036 = arith.constant 0 : i32
      %dma_wait3A_1037 = tpu.memref_slice %arg8[%dma_wait3A_1036, %multiple_of3A] : memref<64x16384xf32, #tpu.memory_space<hbm>> -> memref<64x128xf32, #tpu.memory_space<hbm>>
      tpu.wait_dma2 semaphore(%run_scoped3A : memref<!tpu.dma_semaphore, #tpu.memory_space<semaphore_mem>>) src(%arg15 : memref<64x128xf32, #tpu.memory_space<vmem>>) dst(%dma_wait3A_1037 : memref<64x128xf32, #tpu.memory_space<hbm>>)
      tpu.yield
    }) : () -> ()
    return
  }
}

</mosaic_0001>

<sc_bundles>
// kernel: kernel.3.cloned.1.call-start
scs
__scs_entry_jumppad:
0x0: {  	(pc) =	sbr.rel $0x88, $3  }
0x1: {  	(tag) =	ssettag $0x0;
	lr =	simm.s32 $0x1  }
0x2: {  	[smem:$0x3F9D] =	sst lr;
	_ =	strace $0xD0000000  }
0x3: {  	_ = 	snop  }
0x4: {  	_ = 	snop  }
0x5: {  	_ = 	snop  }
0x6: {  	_ = 	snop  }
0x7: {  	_ = 	snop  }
__scs_overlays_trampoline_lowered:
0x8: {  	[smem:$0x3FAC] =	sst s0  }
0x9: {  	[smem:$0x3FAD] =	sst s1  }
0xa: {  	[smem:$0x3FAE] =	sst s2  }
0xb: {  	[smem:$0x3FAF] =	sst s3  }
0xc: {  	[smem:$0x3FB0] =	sst s4  }
0xd: {  	[smem:$0x3FB1] =	sst s5  }
0xe: {  	[smem:$0x3FB2] =	sst s6  }
0xf: {  	[smem:$0x3FB3] =	sst s7  }
0x10: {  	[smem:$0x3FB4] =	sst s8  }
0x11: {  	[smem:$0x3FB5] =	sst s9;
	s0 =	simm.s32 @!p0 $0x0  }
0x12: {  	s1 =	sld [smem:$0x3F9B];
	s0 =	simm.s32 @p0 $0x1  }
0x13: {  	[smem:$0x3FB6] =	sst s0;
	s0 =	simm.s32 @!p1 $0x0  }
0x14: {  	s2 =	sld [smem:$0x3F9A];
	s0 =	simm.s32 @p1 $0x1  }
0x15: {  	[smem:$0x3FB7] =	sst s0;
	s0 =	simm.s32 @!p2 $0x0  }
0x16: {  	s3 =	sld [smem:$0x3FDB];
	s0 =	simm.s32 @p2 $0x1  }
0x17: {  	s4 =	simm.s32 $0x1BF5;
	[smem:$0x3FB9] =	sst s0  }
0x18: {  	s0 =	sld [smem:$0x3F9C];
	_ =	swait.ge [sflag:s4], $0x0  }
0x19: {  	s7 =	sld [smem:$0x3F9D]  }
0x1a: {  	s8 =	sadd.s32 $0xFFFFE003, lr  }
0x1b: {  	s9 =	sadd.s32 $0xFFFFFEF7, lr;
	s5 =	simm.s32 $0xFFFFFFFF;
	p2 =	slt.u32 s8, $0xFFFFF086  }
0x1c: {  	p1 =	slt.u32 s9, $0xF7A;
	s5 =	simm.s32 @!p2 $0x0  }
0x1d: {  	s5 =	simm.s32 @p1 $0x1;
	p0 =	seq.s32 s7, s2  }
0x1e: {  	s7 =	smul.u32 @!p0 $0xF7A, s2;
	p2 =	seq.s32 @!p0 s5, $0x0  }
0x1f: {  	s9 =	smul.u32 $0xF7A, s1;
	s8 =	simm.s32 @!p0 $0x1BF5;
	p2 =	por !p2, p0  }
0x20: {  	[sflag:s8] =	ssyncset.s32 @!p0 $0xFFFFF086;
	s6 =	sadd.s32 @!p0 s3, s7;
	s7 =	simm.s32 @!p0 $0x108  }
0x21: {  	s3 =	sadd.s32 s3, s9;
	s6 =	sadd.s32 @!p0 $0x88, s6;
	s7 =	simm.s32 @p2 $0x1082  }
0x22: {  	[simem:s7], [sflag:s8] =	dma.local @!p0 [hbm:s6], $0xF7A  }
0x23: {  	s9 =	sor.u32 $0xD0000000, s2;
	s6 =	simm.s32 $0x108;
	_ =	swait.ge @!p0 [sflag:s8], $0x0  }
0x24: {  	s3 =	sadd.s32 $0x88, s3;
	s6 =	simm.s32 @!p1 $0x1082;
	[sflag:s4] =	ssyncset.s32 $0xFFFFF086  }
0x25: {  	[simem:s6], [sflag:s4] =	dma.local [hbm:s3], $0xF7A  }
0x26: {  	[smem:$0x3F9D] =	sst s1;
	(tag) =	ssettag s2;
	_ =	strace s9  }
0x27: {  	s1 =	sld [smem:$0x3FAD]  }
0x28: {  	s2 =	sld [smem:$0x3FAE]  }
0x29: {  	s4 =	sld [smem:$0x3FB0]  }
0x2a: {  	p0 =	seq.s32 s5, $0x0;
	s5 =	sld [smem:$0x3FB1]  }
0x2b: {  	s6 =	sld [smem:$0x3FB2]  }
0x2c: {  	s7 =	sld [smem:$0x3FB3]  }
0x2d: {  	s3 =	simm.s32 $0x108;
	s8 =	sld [smem:$0x3FB4]  }
0x2e: {  	s3 =	simm.s32 @!p0 $0x1082;
	s9 =	sld [smem:$0x3FB5]  }
0x2f: {  	lr =	sadd.s32 s0, s3;
	s0 =	sld [smem:$0x3FAC]  }
0x30: {  	s3 =	sld [smem:$0x3FAF]  }
0x31: {  	[smem:$0x3FB8] =	sst s10  }
0x32: {  	s10 =	sld [smem:$0x3FB6];
	_ =	sdelay $0x3  }
0x33: {  	p0 =	seq.s32 s10, $0x1;
	s10 =	sld [smem:$0x3FB8];
	_ =	sdelay $0x3  }
0x34: {  	[smem:$0x3FB8] =	sst s10  }
0x35: {  	s10 =	sld [smem:$0x3FB7];
	_ =	sdelay $0x3  }
0x36: {  	p1 =	seq.s32 s10, $0x1;
	s10 =	sld [smem:$0x3FB8];
	_ =	sdelay $0x3  }
0x37: {  	[smem:$0x3FB8] =	sst s10  }
0x38: {  	s10 =	sld [smem:$0x3FB9]  }
0x39: {  	_ = 	snop;
	(pc) =	sbr.ind lr, $3  }
0x3a: {  	_ = 	snop  }
0x3b: {  	_ = 	snop  }
0x3c: {  	p2 =	seq.s32 s10, $0x1;
	s10 =	sld [smem:$0x3FB8]  }
0x3d: {  	_ =	shalt  }
0x3e: {  	_ =	shalt  }
0x3f: {  	_ =	shalt  }
0x40: {  	_ =	shalt  }
0x41: {  	_ =	shalt  }
0x42: {  	_ =	shalt  }
0x43: {  	_ =	shalt  }
0x44: {  	_ =	shalt  }
0x45: {  	_ =	shalt  }
0x46: {  	_ =	shalt  }
0x47: {  	_ =	shalt  }
0x48: {  	_ =	shalt  }
0x49: {  	_ =	shalt  }
0x4a: {  	_ =	shalt  }
0x4b: {  	_ =	shalt  }
0x4c: {  	_ =	shalt  }
0x4d: {  	_ =	shalt  }
0x4e: {  	_ =	shalt  }
0x4f: {  	_ =	shalt  }
0x50: {  	_ =	shalt  }
0x51: {  	_ =	shalt  }
0x52: {  	_ =	shalt  }
0x53: {  	_ =	shalt  }
0x54: {  	_ =	shalt  }
0x55: {  	_ =	shalt  }
0x56: {  	_ =	shalt  }
0x57: {  	_ =	shalt  }
0x58: {  	_ =	shalt  }
0x59: {  	_ =	shalt  }
0x5a: {  	_ =	shalt  }
0x5b: {  	_ =	shalt  }
0x5c: {  	_ =	shalt  }
0x5d: {  	_ =	shalt  }
0x5e: {  	_ =	shalt  }
0x5f: {  	_ =	shalt  }
0x60: {  	_ =	shalt  }
0x61: {  	_ =	shalt  }
0x62: {  	_ =	shalt  }
0x63: {  	_ =	shalt  }
0x64: {  	_ =	shalt  }
0x65: {  	_ =	shalt  }
0x66: {  	_ =	shalt  }
0x67: {  	_ =	shalt  }
0x68: {  	_ =	shalt  }
0x69: {  	_ =	shalt  }
0x6a: {  	_ =	shalt  }
0x6b: {  	_ =	shalt  }
0x6c: {  	_ =	shalt  }
0x6d: {  	_ =	shalt  }
0x6e: {  	_ =	shalt  }
0x6f: {  	_ =	shalt  }
0x70: {  	_ =	shalt  }
0x71: {  	_ =	shalt  }
0x72: {  	_ =	shalt  }
0x73: {  	_ =	shalt  }
0x74: {  	_ =	shalt  }
0x75: {  	_ =	shalt  }
0x76: {  	_ =	shalt  }
0x77: {  	_ =	shalt  }
0x78: {  	_ =	shalt  }
0x79: {  	_ =	shalt  }
0x7a: {  	_ =	shalt  }
0x7b: {  	_ =	shalt  }
0x7c: {  	_ =	shalt  }
0x7d: {  	_ =	shalt  }
0x7e: {  	_ =	shalt  }
0x7f: {  	_ =	shalt  }
0x80: {  	_ =	shalt  }
0x81: {  	_ =	shalt  }
0x82: {  	_ =	shalt  }
0x83: {  	_ =	shalt  }
0x84: {  	_ =	shalt  }
0x85: {  	_ =	shalt  }
0x86: {  	_ =	shalt  }
0x87: {  	_ =	shalt  }
.Lfunc_end0:
.L_simem_size_0:
called_computation_lowered:
.L_overlay_start_0:
0x88: {  	s2 =	sld [smem:$0x3FD9]  }
0x89: {  	s3 =	sld [smem:$0x3FFE];
	_ =	sdelay $0x1  }
0x8a: {  	s1 =	srdreg.scid  }
0x8b: {  	s0 =	sand.u32 $0x1, s1  }
0x8c: {  	s15 =	sshll.u32 s0, $0xA;
	s2 =	sadd.s32 s3, s2  }
0x8d: {  	s2 =	sadd.s32 s2, s15  }
0x8e: {  	[smem:$0x3FC4] =	sst s2  }
0x8f: {  	_ = 	snop  }
0x90: {  	s2 =	sld [smem:$0x3FC9]  }
0x91: {  	s16 =	sld [smem:$0x3FD0]  }
0x92: {  	s4 =	sld [smem:$0x3FC8]  }
0x93: {  	s5 =	sld [smem:$0x3FC7]  }
0x94: {  	s7 =	simm.s32 $0xA;
	s8 =	simm.s32 $0x10;
	s6 =	sld [smem:$0x3FC6]  }
0x95: {  	[smem:s8], [sflag:s7] =	dma.local [hbm:s16], $0x1  }
0x96: {  	_ =	swait.eq [sflag:s7], $0x1  }
0x97: {  	s17 =	sld [smem:$0x10];
	[sflag:s7] =	ssyncset.done $0x0  }
0x98: {  	s18 =	sld [smem:$0x11];
	[sflag:s7] =	ssyncadd.s32 $0xFFFFFFFF  }
0x99: {  	s19 =	sld [smem:$0x12];
	(tm) =	ssettm $0x1  }
0x9a: {  	s9 =	sld [smem:$0x3FFB];
	_ =	sdelay $0x3  }
0x9b: {  	_ =	strace s9  }
0x9c: {  	s9 =	sld [smem:$0x3FFC];
	_ =	sdelay $0x3  }
0x9d: {  	_ =	strace s9  }
0x9e: {  	s9 =	sld [smem:$0x3FFD];
	_ =	sdelay $0x3  }
0x9f: {  	_ =	strace s9  }
0xa0: {  	_ =	strace $0x8FFFFFFF  }
0xa1: {  	s20 =	sld [smem:$0x3FDB];
	_ =	sdelay $0x1  }
0xa2: {  	s10 =	simm.s32 $_scs_section_size  }
0xa3: {  	s11 =	simm.s32 $_size__tile_overlayer_lowered;
	s12 =	simm.s32 $_tile_overlayer_lowered  }
0xa4: {  	s23 =	simm.s32 $0x1BFF;
	s22 =	sshll.u32 s12, $0x1;
	s9 =	sadd.s32 s10, s20  }
0xa5: {  	s13 =	simm.s32 $0x0;
	s21 =	sshll.u32 s11, $0x1;
	s11 =	sadd.s32 s22, s9  }
0xa6: {  	[timem:s13], [sflag:s23] =	dma.local [hbm:s11], s21  }
0xa7: {  	_ =	swait.ge [sflag:s23], s21  }
0xa8: {  	s10 =	ssub.s32 $0x0, s21;
	[sflag:s23] =	ssyncset.done $0x0  }
0xa9: {  	[sflag:s23] =	ssyncadd.s32 s10;
	_ =	sdelay $0x1  }
0xaa: {  	s24 =	simm.s32 $0x1B8B  }
0xab: {  	_ =	swait.ge [sflag:s24], $0x1  }
0xac: {  	[sflag:s24] =	ssyncset.done $0x0  }
0xad: {  	s25 =	simm.s32 $0x1B8E;
	[sflag:s24] =	ssyncadd.s32 $0xFFFFFFFF  }
0xae: {  	s26 =	simm.s32 $execute0_lowered;
	[smem:$0x3FD2] =	sst s25  }
0xaf: {  	s10 =	sshll.u32 s26, $0x1;
	_ =	strace $0x80000046;
	[dreg:$0x1] =	wrdreg $0xFFFFFFFF  }
0xb0: {  	s28 =	simm.s32 $_size_execute0_lowered;
	s9 =	sadd.s32 s9, s10;
	[dreg:$0x0] =	wrdreg $0x0  }
0xb1: {  	s10 =	sshll.u32 s28, $0x1;
	[dreg:$0x2] =	wrdreg s9  }
0xb2: {  	[dreg:$0x3] =	wrdreg s10  }
0xb3: {  	[dreg:$0x4] =	wrdreg $0xC0  }
0xb4: {  	_ =	task [dreg:s13], $0x5FFFF  }
0xb5: {  	[dreg:$0x1] =	wrdreg $0xFFFFFFFF  }
0xb6: {  	[dreg:$0x0] =	wrdreg $0x60  }
0xb7: {  	[dreg:$0x2] =	wrdreg s2  }
0xb8: {  	[dreg:$0x3] =	wrdreg s4  }
0xb9: {  	[dreg:$0x4] =	wrdreg s5  }
0xba: {  	[dreg:$0x5] =	wrdreg s6  }
0xbb: {  	[dreg:$0x6] =	wrdreg s17  }
0xbc: {  	[dreg:$0x7] =	wrdreg s18  }
0xbd: {  	[dreg:$0x8] =	wrdreg s19  }
0xbe: {  	[dreg:$0x9] =	wrdreg $0x9  }
0xbf: {  	_ =	task.clear_ibuf [dreg:s13], $0xAFFFF;
	_ =	strace $0x90000046  }
0xc0: {  	s29 =	simm.s32 $0x9;
	_ =	strace $0x80000048  }
0xc1: {  	_ =	swait.ge [sflag:s29], $0x1  }
0xc2: {  	[sflag:s29] =	ssyncadd.s32 $0xFFFFFFFF  }
0xc3: {  	_ =	strace $0x90000048  }
0xc4: {  	_ =	sfence  }
0xc5: {  	s30 =	sld [smem:$0x0];
	_ =	sdelay $0x2  }
0xc6: {  	s31 =	sshll.u32 s1, $0xD;
	s1 =	sshrl.u32 s1, $0x2  }
0xc7: {  	s3 =	sand.u32 $0x4000, s31;
	s1 =	sadd.s32 s1, s30  }
0xc8: {  	s0 =	sor.u32 s3, s0;
	s1 =	sshll.u32 s1, $0x11  }
0xc9: {  	s0 =	sor.u32 s1, s0  }
0xca: {  	s0 =	sadd.s32 $0x8F2B, s0  }
0xcb: {  	[sflag:s0] =	ssyncadd.remote.s32 $0x1  }
0xcc: {  	_ =	sfence.sel $0xFFFF  }
0xcd: {  	[dreg:$0x0] =	wrdreg $0xFFFFFFFF;
	(pc) =	sbr.abs _section_cstart, $3  }
0xce: {  	[dreg:$0x1] =	wrdreg $0xFFFFFFFF  }
0xcf: {  	_ =	task.clear_ibuf [dreg:s13], $0x2FFFF;
	_ =	strace $0x9FFFFFFF  }
0xd0: {  	(tm) =	ssettm $0x7FFFFFFF  }
0xd1: {  	_ =	shalt  }
tec
execute0_lowered:
.L_overlay_start_1:
0x0: {  	(tag) =	ssettag $0x1  }
0x1: {  	s0 =	rddreg [dreg:$0x0]  }
0x2: {  	s4 =	rddreg [dreg:$0x4]  }
0x3: {  	s5 =	rddreg [dreg:$0x5]  }
0x4: {  	s6 =	rddreg [dreg:$0x6]  }
0x5: {  	s8 =	simm.s32 $0x0;
	s7 =	srdreg.scid;
	s9 =	stileid.u32  }
0x6: {  	s14 =	simm.s32 $0x9;
	s15 =	simm.s32 $0x400;
	s7 =	sand.u32 $0x1, s7  }
0x7: {  	[smem:$0x7FF] =	sst s8;
	s9 =	sshll.u32 s9, $0xA;
	s19 =	ssub.s32 $0x2, s7  }
0x8: {  	s7 =	sshll.u32 s7, $0x9;
	_ =	strace $0x80000047;
	s28 =	sadd.s32 s9, s6  }
0x9: {  	s25 =	sadd.s32 s9, s4;
	s11 =	sor.u32 s7, s9;
	s30 =	sadd.s32 s7, s28  }
0xa: {  	s26 =	sadd.s32 s9, s5;
	s20 =	sshrl.u32 s11, $0x3;
	s31 =	sadd.s32 $0xFFFFFF80, s30  }
0xb: {  	s11 =	sor.u32 $0x180, s11;
	s0 =	sadd.s32 s0, s20;
	[dreg:$0xf] =	wrdreg s31  }
0xc: {  	s10 =	sshrl.u32 s19, $0x1;
	s21 =	sadd.s32 s4, s11;
	[dreg:$0x8] =	wrdreg s0  }
0xd: {  	s8 =	ssub.s32 s19, s10;
	s22 =	sadd.s32 s5, s11;
	[dreg:$0x9] =	wrdreg s21  }
.Ltmp0:
0xe: {  	s23 =	sadd.s32 s6, s11;
	[dreg:$0xa] =	wrdreg s22;
	(pc) =	sbr.rel .LBB2_1-.Ltmp0, $4  }
0xf: {  	s24 =	smax.u32 s8, $0x1;
	[dreg:$0xb] =	wrdreg s23;
	s0 =	sadd.s32 s7, s25  }
0x10: {  	s29 =	sadd.s32 s7, s26;
	[dreg:$0xc] =	wrdreg s24;
	s0 =	sadd.s32 $0xFFFFFF80, s0  }
0x11: {  	s16 =	simm.s32 $0x7A1400;
	v0 =	vlaneseq.u32;
	[dreg:$0xd] =	wrdreg s0;
	s0 =	sadd.s32 $0xFFFFFF80, s29  }
0x12: {  	v0 =	vmul.u32 $0x80, v0;
	s20 =	simm.s32 $0x1DA00;
	[dreg:$0xe] =	wrdreg s0;
	s0 =	simm.s32 $0x0  }
.LBB2_5:
0x13: {  	s2 =	simm.s32 $0x1  }
0x14: {  	_ =	swait.ge [sflag:s2], $0x800  }
0x15: {  	[sflag:s2] =	ssyncset.done $0x0  }
0x16: {  	v2 =	vbroadcast v1, $0x8;
	[sflag:s2] =	ssyncadd.s32 $0xFFFFF800  }
0x17: {  	_ =	swait.ge [sflag:s2], $0x1000  }
0x18: {  	v6 =	vor.u32 v0, v2;
	[sflag:s2] =	ssyncset.done $0x0  }
0x19: {  	[sflag:s2] =	ssyncadd.s32 $0xFFFFF000  }
0x1a: {  	_ =	swait.ge [sflag:s2], $0x2000  }
0x1b: {  	[sflag:s2] =	ssyncset.done $0x0  }
0x1c: {  	s1 =	simm.s32 $0x200;
	[sflag:s2] =	ssyncadd.s32 $0xFFFFE000  }
0x1d: {  	v8 =	vor.u32 $0x78, v0;
	v7 =	vld.idx.msk [tilespmem:v6+s1+$0x0], $0xffff;
	_ =	sdelay $0x3  }
0x1e: {  	s3 =	simm.s32 $0x1C200  }
0x1f: {  	s25 =	simm.s32 $0x4200;
	[tilespmem:v8+s3+$0x0] =	vst.idx.msk $0xffff, v7  }
0x20: {  	v7 =	vld.idx.msk [tilespmem:v6+s25+$0x0], $0xffff  }
0x21: {  	v9 =	vor.u32 v3, v2;
	_ =	sdelay $0x2  }
0x22: {  	s2 =	simm.s32 $0x1CA00  }
0x23: {  	[tilespmem:v8+s2+$0x0] =	vst.idx.msk $0xffff, v7  }
0x24: {  	v10 =	vor.u32 $0x878, v0;
	v7 =	vld.idx.msk [tilespmem:v9+s25+$0x0], $0xffff;
	_ =	sdelay $0x4  }
0x25: {  	[tilespmem:v10+s2+$0x0] =	vst.idx.msk $0xffff, v7  }
0x26: {  	v6 =	vld.idx.msk [tilespmem:v6+s19+$0x0], $0xffff;
	_ =	sdelay $0x4  }
0x27: {  	[tilespmem:v8+s20+$0x0] =	vst.idx.msk $0xffff, v6  }
0x28: {  	v6 =	vld.idx.msk [tilespmem:v9+s19+$0x0], $0xffff  }
0x29: {  	v9 =	vor.u32 v4, v2;
	_ =	sdelay $0x3  }
0x2a: {  	[tilespmem:v10+s20+$0x0] =	vst.idx.msk $0xffff, v6  }
0x2b: {  	v11 =	vor.u32 $0x1078, v0;
	v6 =	vld.idx.msk [tilespmem:v9+s19+$0x0], $0xffff  }
0x2c: {  	v2 =	vor.u32 v5, v2;
	_ =	sdelay $0x3  }
0x2d: {  	[tilespmem:v11+s20+$0x0] =	vst.idx.msk $0xffff, v6  }
0x2e: {  	v12 =	vor.u32 $0x1878, v0;
	v2 =	vld.idx.msk [tilespmem:v2+s19+$0x0], $0xffff;
	_ =	sdelay $0x4  }
0x2f: {  	s31 =	simm.s32 $0x2;
	[tilespmem:v12+s20+$0x0] =	vst.idx.msk $0xffff, v2  }
0x30: {  	_ =	swait.ge [sflag:s31], $0x800  }
0x31: {  	[sflag:s31] =	ssyncset.done $0x0  }
0x32: {  	v2 =	vbroadcast v1, $0x9;
	[sflag:s31] =	ssyncadd.s32 $0xFFFFF800  }
0x33: {  	_ =	swait.ge [sflag:s31], $0x1000  }
0x34: {  	v13 =	vor.u32 v0, v2;
	[sflag:s31] =	ssyncset.done $0x0  }
0x35: {  	[sflag:s31] =	ssyncadd.s32 $0xFFFFF000  }
0x36: {  	_ =	swait.ge [sflag:s31], $0x2000  }
0x37: {  	[sflag:s31] =	ssyncset.done $0x0  }
0x38: {  	s5 =	simm.s32 $0xA00;
	[sflag:s31] =	ssyncadd.s32 $0xFFFFE000  }
0x39: {  	v15 =	vor.u32 $0x79, v0;
	v14 =	vld.idx.msk [tilespmem:v13+s5+$0x0], $0xffff;
	_ =	sdelay $0x4  }
0x3a: {  	[tilespmem:v15+s3+$0x0] =	vst.idx.msk $0xffff, v14  }
0x3b: {  	v7 =	vld.idx.msk [tilespmem:v13+s29+$0x0], $0xffff  }
0x3c: {  	v16 =	vor.u32 v3, v2;
	_ =	sdelay $0x3  }
0x3d: {  	[tilespmem:v15+s2+$0x0] =	vst.idx.msk $0xffff, v7  }
0x3e: {  	v17 =	vor.u32 $0x879, v0;
	v7 =	vld.idx.msk [tilespmem:v16+s29+$0x0], $0xffff;
	_ =	sdelay $0x4  }
0x3f: {  	[tilespmem:v17+s2+$0x0] =	vst.idx.msk $0xffff, v7  }
0x40: {  	v6 =	vld.idx.msk [tilespmem:v13+s0+$0x0], $0xffff;
	_ =	sdelay $0x4  }
0x41: {  	[tilespmem:v15+s20+$0x0] =	vst.idx.msk $0xffff, v6  }
0x42: {  	v6 =	vld.idx.msk [tilespmem:v16+s0+$0x0], $0xffff  }
0x43: {  	v18 =	vor.u32 v4, v2;
	_ =	sdelay $0x3  }
0x44: {  	[tilespmem:v17+s20+$0x0] =	vst.idx.msk $0xffff, v6  }
0x45: {  	v19 =	vor.u32 $0x1079, v0;
	v6 =	vld.idx.msk [tilespmem:v18+s0+$0x0], $0xffff  }
0x46: {  	v2 =	vor.u32 v5, v2;
	_ =	sdelay $0x3  }
0x47: {  	[tilespmem:v19+s20+$0x0] =	vst.idx.msk $0xffff, v6  }
0x48: {  	v20 =	vor.u32 $0x1879, v0;
	v2 =	vld.idx.msk [tilespmem:v2+s0+$0x0], $0xffff;
	_ =	sdelay $0x4  }
0x49: {  	s8 =	simm.s32 $0x3;
	[tilespmem:v20+s20+$0x0] =	vst.idx.msk $0xffff, v2  }
0x4a: {  	_ =	swait.ge [sflag:s8], $0x800  }
0x4b: {  	[sflag:s8] =	ssyncset.done $0x0  }
0x4c: {  	v2 =	vbroadcast v1, $0xA;
	[sflag:s8] =	ssyncadd.s32 $0xFFFFF800  }
0x4d: {  	_ =	swait.ge [sflag:s8], $0x1000  }
0x4e: {  	v21 =	vor.u32 v0, v2;
	[sflag:s8] =	ssyncset.done $0x0  }
0x4f: {  	[sflag:s8] =	ssyncadd.s32 $0xFFFFF000  }
0x50: {  	_ =	swait.ge [sflag:s8], $0x2000  }
0x51: {  	[sflag:s8] =	ssyncset.done $0x0  }
0x52: {  	[sflag:s8] =	ssyncadd.s32 $0xFFFFE000  }
0x53: {  	v23 =	vor.u32 $0x7A, v0;
	v22 =	vld.idx.msk [tilespmem:v21+s6+$0x0], $0xffff;
	_ =	sdelay $0x4  }
0x54: {  	[tilespmem:v23+s3+$0x0] =	vst.idx.msk $0xffff, v22  }
0x55: {  	v7 =	vld.idx.msk [tilespmem:v21+s9+$0x0], $0xffff  }
0x56: {  	v24 =	vor.u32 v3, v2;
	_ =	sdelay $0x3  }
0x57: {  	[tilespmem:v23+s2+$0x0] =	vst.idx.msk $0xffff, v7  }
0x58: {  	v25 =	vor.u32 $0x87A, v0;
	v7 =	vld.idx.msk [tilespmem:v24+s9+$0x0], $0xffff;
	_ =	sdelay $0x4  }
0x59: {  	[tilespmem:v25+s2+$0x0] =	vst.idx.msk $0xffff, v7  }
0x5a: {  	v6 =	vld.idx.msk [tilespmem:v21+s11+$0x0], $0xffff;
	_ =	sdelay $0x4  }
0x5b: {  	[tilespmem:v23+s20+$0x0] =	vst.idx.msk $0xffff, v6  }
0x5c: {  	v6 =	vld.idx.msk [tilespmem:v24+s11+$0x0], $0xffff  }
0x5d: {  	v26 =	vor.u32 v4, v2;
	_ =	sdelay $0x3  }
0x5e: {  	[tilespmem:v25+s20+$0x0] =	vst.idx.msk $0xffff, v6  }
0x5f: {  	v27 =	vor.u32 $0x107A, v0;
	v6 =	vld.idx.msk [tilespmem:v26+s11+$0x0], $0xffff  }
0x60: {  	v2 =	vor.u32 v5, v2;
	_ =	sdelay $0x3  }
0x61: {  	[tilespmem:v27+s20+$0x0] =	vst.idx.msk $0xffff, v6  }
0x62: {  	v28 =	vor.u32 $0x187A, v0;
	v2 =	vld.idx.msk [tilespmem:v2+s11+$0x0], $0xffff;
	_ =	sdelay $0x4  }
0x63: {  	s11 =	simm.s32 $0x4;
	[tilespmem:v28+s20+$0x0] =	vst.idx.msk $0xffff, v2  }
0x64: {  	_ =	swait.ge [sflag:s11], $0x800  }
0x65: {  	[sflag:s11] =	ssyncset.done $0x0  }
0x66: {  	v2 =	vbroadcast v1, $0xB;
	[sflag:s11] =	ssyncadd.s32 $0xFFFFF800  }
0x67: {  	_ =	swait.ge [sflag:s11], $0x1000  }
0x68: {  	v29 =	vor.u32 v0, v2;
	[sflag:s11] =	ssyncset.done $0x0  }
0x69: {  	[sflag:s11] =	ssyncadd.s32 $0xFFFFF000  }
0x6a: {  	_ =	swait.ge [sflag:s11], $0x2000  }
0x6b: {  	[sflag:s11] =	ssyncset.done $0x0  }
0x6c: {  	[sflag:s11] =	ssyncadd.s32 $0xFFFFE000  }
0x6d: {  	v31 =	vor.u32 $0x7B, v0;
	v30 =	vld.idx.msk [tilespmem:v29+s13+$0x0], $0xffff;
	_ =	sdelay $0x4  }
0x6e: {  	[tilespmem:v31+s3+$0x0] =	vst.idx.msk $0xffff, v30  }
0x6f: {  	v7 =	vld.idx.msk [tilespmem:v29+s12+$0x0], $0xffff  }
0x70: {  	v32 =	vor.u32 v3, v2;
	_ =	sdelay $0x3  }
0x71: {  	[tilespmem:v31+s2+$0x0] =	vst.idx.msk $0xffff, v7  }
0x72: {  	v33 =	vor.u32 $0x87B, v0;
	v7 =	vld.idx.msk [tilespmem:v32+s12+$0x0], $0xffff;
	_ =	sdelay $0x4  }
0x73: {  	[tilespmem:v33+s2+$0x0] =	vst.idx.msk $0xffff, v7  }
0x74: {  	v6 =	vld.idx.msk [tilespmem:v29+s23+$0x0], $0xffff;
	_ =	sdelay $0x4  }
0x75: {  	[tilespmem:v31+s20+$0x0] =	vst.idx.msk $0xffff, v6  }
0x76: {  	v6 =	vld.idx.msk [tilespmem:v32+s23+$0x0], $0xffff  }
0x77: {  	v34 =	vor.u32 v4, v2;
	_ =	sdelay $0x3  }
0x78: {  	[tilespmem:v33+s20+$0x0] =	vst.idx.msk $0xffff, v6  }
0x79: {  	v35 =	vor.u32 $0x107B, v0;
	v6 =	vld.idx.msk [tilespmem:v34+s23+$0x0], $0xffff  }
0x7a: {  	v2 =	vor.u32 v5, v2;
	_ =	sdelay $0x3  }
0x7b: {  	[tilespmem:v35+s20+$0x0] =	vst.idx.msk $0xffff, v6  }
0x7c: {  	v36 =	vor.u32 $0x187B, v0;
	v2 =	vld.idx.msk [tilespmem:v2+s23+$0x0], $0xffff;
	_ =	sdelay $0x4  }
0x7d: {  	s13 =	simm.s32 $0x5;
	[tilespmem:v36+s20+$0x0] =	vst.idx.msk $0xffff, v2  }
0x7e: {  	_ =	swait.ge [sflag:s13], $0x800  }
0x7f: {  	[sflag:s13] =	ssyncset.done $0x0  }
0x80: {  	v2 =	vbroadcast v1, $0xC;
	[sflag:s13] =	ssyncadd.s32 $0xFFFFF800  }
0x81: {  	_ =	swait.ge [sflag:s13], $0x1000  }
0x82: {  	v37 =	vor.u32 v0, v2;
	[sflag:s13] =	ssyncset.done $0x0  }
0x83: {  	[sflag:s13] =	ssyncadd.s32 $0xFFFFF000  }
0x84: {  	_ =	swait.ge [sflag:s13], $0x2000  }
0x85: {  	[sflag:s13] =	ssyncset.done $0x0  }
0x86: {  	s14 =	simm.s32 $0x2200;
	[sflag:s13] =	ssyncadd.s32 $0xFFFFE000  }
0x87: {  	v39 =	vor.u32 $0x7C, v0;
	v38 =	vld.idx.msk [tilespmem:v37+s14+$0x0], $0xffff;
	_ =	sdelay $0x4  }
0x88: {  	[tilespmem:v39+s3+$0x0] =	vst.idx.msk $0xffff, v38  }
0x89: {  	v7 =	vld.idx.msk [tilespmem:v37+s30+$0x0], $0xffff  }
0x8a: {  	v40 =	vor.u32 v3, v2;
	_ =	sdelay $0x3  }
0x8b: {  	[tilespmem:v39+s2+$0x0] =	vst.idx.msk $0xffff, v7  }
0x8c: {  	v41 =	vor.u32 $0x87C, v0;
	v7 =	vld.idx.msk [tilespmem:v40+s30+$0x0], $0xffff;
	_ =	sdelay $0x4  }
0x8d: {  	[tilespmem:v41+s2+$0x0] =	vst.idx.msk $0xffff, v7  }
0x8e: {  	v6 =	vld.idx.msk [tilespmem:v37+s4+$0x0], $0xffff;
	_ =	sdelay $0x4  }
0x8f: {  	[tilespmem:v39+s20+$0x0] =	vst.idx.msk $0xffff, v6  }
0x90: {  	v6 =	vld.idx.msk [tilespmem:v40+s4+$0x0], $0xffff  }
0x91: {  	v42 =	vor.u32 v4, v2;
	_ =	sdelay $0x3  }
0x92: {  	[tilespmem:v41+s20+$0x0] =	vst.idx.msk $0xffff, v6  }
0x93: {  	v43 =	vor.u32 $0x107C, v0;
	v6 =	vld.idx.msk [tilespmem:v42+s4+$0x0], $0xffff  }
0x94: {  	v2 =	vor.u32 v5, v2;
	_ =	sdelay $0x3  }
0x95: {  	[tilespmem:v43+s20+$0x0] =	vst.idx.msk $0xffff, v6  }
0x96: {  	v44 =	vor.u32 $0x187C, v0;
	v2 =	vld.idx.msk [tilespmem:v2+s4+$0x0], $0xffff;
	_ =	sdelay $0x4  }
0x97: {  	s17 =	simm.s32 $0x6;
	[tilespmem:v44+s20+$0x0] =	vst.idx.msk $0xffff, v2  }
0x98: {  	_ =	swait.ge [sflag:s17], $0x800  }
0x99: {  	[sflag:s17] =	ssyncset.done $0x0  }
0x9a: {  	v2 =	vbroadcast v1, $0xD;
	[sflag:s17] =	ssyncadd.s32 $0xFFFFF800  }
0x9b: {  	_ =	swait.ge [sflag:s17], $0x1000  }
0x9c: {  	v45 =	vor.u32 v0, v2;
	[sflag:s17] =	ssyncset.done $0x0  }
0x9d: {  	[sflag:s17] =	ssyncadd.s32 $0xFFFFF000  }
0x9e: {  	_ =	swait.ge [sflag:s17], $0x2000  }
0x9f: {  	[sflag:s17] =	ssyncset.done $0x0  }
0xa0: {  	[sflag:s17] =	ssyncadd.s32 $0xFFFFE000  }
0xa1: {  	v47 =	vor.u32 $0x7D, v0;
	v46 =	vld.idx.msk [tilespmem:v45+s7+$0x0], $0xffff;
	_ =	sdelay $0x4  }
0xa2: {  	[tilespmem:v47+s3+$0x0] =	vst.idx.msk $0xffff, v46  }
0xa3: {  	v7 =	vld.idx.msk [tilespmem:v45+s10+$0x0], $0xffff  }
0xa4: {  	v48 =	vor.u32 v3, v2;
	_ =	sdelay $0x3  }
0xa5: {  	[tilespmem:v47+s2+$0x0] =	vst.idx.msk $0xffff, v7  }
0xa6: {  	v49 =	vor.u32 $0x87D, v0;
	v7 =	vld.idx.msk [tilespmem:v48+s10+$0x0], $0xffff;
	_ =	sdelay $0x4  }
0xa7: {  	[tilespmem:v49+s2+$0x0] =	vst.idx.msk $0xffff, v7  }
0xa8: {  	v6 =	vld.idx.msk [tilespmem:v45+s18+$0x0], $0xffff;
	_ =	sdelay $0x4  }
0xa9: {  	[tilespmem:v47+s20+$0x0] =	vst.idx.msk $0xffff, v6  }
0xaa: {  	v6 =	vld.idx.msk [tilespmem:v48+s18+$0x0], $0xffff  }
0xab: {  	v50 =	vor.u32 v4, v2;
	_ =	sdelay $0x3  }
0xac: {  	[tilespmem:v49+s20+$0x0] =	vst.idx.msk $0xffff, v6  }
0xad: {  	v51 =	vor.u32 $0x107D, v0;
	v6 =	vld.idx.msk [tilespmem:v50+s18+$0x0], $0xffff  }
0xae: {  	v2 =	vor.u32 v5, v2;
	_ =	sdelay $0x3  }
0xaf: {  	[tilespmem:v51+s20+$0x0] =	vst.idx.msk $0xffff, v6  }
0xb0: {  	v52 =	vor.u32 $0x187D, v0;
	v2 =	vld.idx.msk [tilespmem:v2+s18+$0x0], $0xffff;
	_ =	sdelay $0x4  }
0xb1: {  	s19 =	simm.s32 $0x7;
	[tilespmem:v52+s20+$0x0] =	vst.idx.msk $0xffff, v2  }
0xb2: {  	_ =	swait.ge [sflag:s19], $0x800  }
0xb3: {  	[sflag:s19] =	ssyncset.done $0x0  }
0xb4: {  	v2 =	vbroadcast v1, $0xE;
	[sflag:s19] =	ssyncadd.s32 $0xFFFFF800  }
0xb5: {  	_ =	swait.ge [sflag:s19], $0x1000  }
0xb6: {  	v53 =	vor.u32 v0, v2;
	[sflag:s19] =	ssyncset.done $0x0  }
0xb7: {  	[sflag:s19] =	ssyncadd.s32 $0xFFFFF000  }
0xb8: {  	_ =	swait.ge [sflag:s19], $0x2000  }
0xb9: {  	[sflag:s19] =	ssyncset.done $0x0  }
0xba: {  	[sflag:s19] =	ssyncadd.s32 $0xFFFFE000  }
0xbb: {  	v55 =	vor.u32 $0x7E, v0;
	v54 =	vld.idx.msk [tilespmem:v53+s26+$0x0], $0xffff;
	_ =	sdelay $0x4  }
0xbc: {  	[tilespmem:v55+s3+$0x0] =	vst.idx.msk $0xffff, v54  }
0xbd: {  	v7 =	vld.idx.msk [tilespmem:v53+s28+$0x0], $0xffff  }
0xbe: {  	v56 =	vor.u32 v3, v2;
	_ =	sdelay $0x3  }
0xbf: {  	[tilespmem:v55+s2+$0x0] =	vst.idx.msk $0xffff, v7  }
0xc0: {  	v57 =	vor.u32 $0x87E, v0;
	v7 =	vld.idx.msk [tilespmem:v56+s28+$0x0], $0xffff;
	_ =	sdelay $0x4  }
0xc1: {  	[tilespmem:v57+s2+$0x0] =	vst.idx.msk $0xffff, v7  }
0xc2: {  	v6 =	vld.idx.msk [tilespmem:v53+s21+$0x0], $0xffff;
	_ =	sdelay $0x4  }
0xc3: {  	[tilespmem:v55+s20+$0x0] =	vst.idx.msk $0xffff, v6  }
0xc4: {  	v6 =	vld.idx.msk [tilespmem:v56+s21+$0x0], $0xffff  }
0xc5: {  	v58 =	vor.u32 v4, v2;
	_ =	sdelay $0x3  }
0xc6: {  	[tilespmem:v57+s20+$0x0] =	vst.idx.msk $0xffff, v6  }
0xc7: {  	v59 =	vor.u32 $0x107E, v0;
	v6 =	vld.idx.msk [tilespmem:v58+s21+$0x0], $0xffff  }
0xc8: {  	v2 =	vor.u32 v5, v2;
	_ =	sdelay $0x3  }
0xc9: {  	[tilespmem:v59+s20+$0x0] =	vst.idx.msk $0xffff, v6  }
0xca: {  	v60 =	vor.u32 $0x187E, v0;
	v2 =	vld.idx.msk [tilespmem:v2+s21+$0x0], $0xffff;
	_ =	sdelay $0x4  }
0xcb: {  	s22 =	simm.s32 $0x8;
	[tilespmem:v60+s20+$0x0] =	vst.idx.msk $0xffff, v2  }
0xcc: {  	_ =	swait.ge [sflag:s22], $0x800  }
0xcd: {  	[sflag:s22] =	ssyncset.done $0x0  }
0xce: {  	v1 =	vbroadcast v1, $0xF;
	[sflag:s22] =	ssyncadd.s32 $0xFFFFF800  }
0xcf: {  	_ =	swait.ge [sflag:s22], $0x1000  }
0xd0: {  	v2 =	vor.u32 v0, v1;
	[sflag:s22] =	ssyncset.done $0x0  }
0xd1: {  	[sflag:s22] =	ssyncadd.s32 $0xFFFFF000  }
0xd2: {  	_ =	swait.ge [sflag:s22], $0x2000  }
0xd3: {  	[sflag:s22] =	ssyncset.done $0x0  }
0xd4: {  	s23 =	simm.s32 $0x3A00;
	[sflag:s22] =	ssyncadd.s32 $0xFFFFE000  }
0xd5: {  	v62 =	vor.u32 $0x7F, v0;
	v61 =	vld.idx.msk [tilespmem:v2+s23+$0x0], $0xffff;
	_ =	sdelay $0x4  }
0xd6: {  	s24 =	simm.s32 $0xB200;
	[tilespmem:v62+s3+$0x0] =	vst.idx.msk $0xffff, v61  }
0xd7: {  	v6 =	vld.idx.msk [tilespmem:v2+s24+$0x0], $0xffff  }
0xd8: {  	v3 =	vor.u32 v3, v1;
	_ =	sdelay $0x3  }
0xd9: {  	[tilespmem:v62+s2+$0x0] =	vst.idx.msk $0xffff, v6  }
0xda: {  	v63 =	vor.u32 $0x87F, v0;
	v6 =	vld.idx.msk [tilespmem:v3+s24+$0x0], $0xffff;
	_ =	sdelay $0x4  }
0xdb: {  	s25 =	simm.s32 $0x1A200;
	[tilespmem:v63+s2+$0x0] =	vst.idx.msk $0xffff, v6  }
0xdc: {  	v2 =	vld.idx.msk [tilespmem:v2+s25+$0x0], $0xffff;
	_ =	sdelay $0x4  }
0xdd: {  	[tilespmem:v62+s20+$0x0] =	vst.idx.msk $0xffff, v2  }
0xde: {  	v2 =	vld.idx.msk [tilespmem:v3+s25+$0x0], $0xffff  }
0xdf: {  	v3 =	vor.u32 v4, v1;
	_ =	sdelay $0x3  }
0xe0: {  	[tilespmem:v63+s20+$0x0] =	vst.idx.msk $0xffff, v2  }
0xe1: {  	v2 =	vld.idx.msk [tilespmem:v3+s25+$0x0], $0xffff;
	v3 =	vor.u32 $0x107F, v0  }
0xe2: {  	v1 =	vor.u32 v5, v1;
	_ =	sdelay $0x3  }
0xe3: {  	[tilespmem:v3+s20+$0x0] =	vst.idx.msk $0xffff, v2  }
0xe4: {  	v2 =	vor.u32 $0x187F, v0;
	v1 =	vld.idx.msk [tilespmem:v1+s25+$0x0], $0xffff;
	_ =	sdelay $0x4  }
0xe5: {  	s14 =	simm.s32 $0x9;
	s26 =	simm.s32 $0x20000;
	s5 =	rddreg [dreg:$0x9];
	[tilespmem:v2+s20+$0x0] =	vst.idx.msk $0xffff, v1  }
0xe6: {  	[hbm4b:s5+s15] =	stream.strided.scatter [tilespmem:s3], [sflag:$0x9], $0x800, s26, s15, $0x38;
	[tilespmem:$0x1FA00] =	vst v63  }
0xe7: {  	_ =	swait.ge [sflag:s14], $0x800  }
0xe8: {  	[sflag:s14] =	ssyncset.done $0x0  }
0xe9: {  	s28 =	rddreg [dreg:$0xa];
	[sflag:s14] =	ssyncadd.s32 $0xFFFFF800  }
0xea: {  	[hbm4b:s28+s15] =	stream.strided.scatter [tilespmem:s2], [sflag:$0x9], $0x1000, s26, s15, $0x38;
	[tilespmem:$0x1FA00] =	vst v63  }
0xeb: {  	_ =	swait.ge [sflag:s14], $0x1000  }
0xec: {  	[sflag:s14] =	ssyncset.done $0x0  }
0xed: {  	s29 =	rddreg [dreg:$0xb];
	[sflag:s14] =	ssyncadd.s32 $0xFFFFF000  }
0xee: {  	[hbm4b:s29+s15] =	stream.strided.scatter [tilespmem:s20], [sflag:$0x9], $0x2000, s26, s15, $0x38;
	[tilespmem:$0x1FA00] =	vst v63  }
0xef: {  	_ =	swait.ge [sflag:s14], $0x2000  }
0xf0: {  	s30 =	rddreg [dreg:$0x10]  }
0xf1: {  	s31 =	rddreg [dreg:$0xc];
	s0 =	sadd.s32 $0x1, s30  }
0xf2: {  	p0 =	sne.s32 s0, s31  }
.Ltmp1:
0xf3: {  	_ = 	snop;
	(pc) =	sbr.rel @!p0 .LBB2_6-.Ltmp1, $3  }
0xf4: {  	_ =	sdelay $0x1  }
0xf5: {  	[sflag:s14] =	ssyncset.done $0x0  }
0xf6: {  	[sflag:s14] =	ssyncadd.s32 $0xFFFFE000  }
.LBB2_1:
0xf7: {  	[dreg:$0x10] =	wrdreg s0;
	s5 =	simm.s32 $0x0  }
0xf8: {  	s29 =	simm.s32 $0x5200;
	s6 =	simm.s32 $0x1200;
	s9 =	simm.s32 $0x6200  }
0xf9: {  	s11 =	simm.s32 $0x10200;
	s13 =	simm.s32 $0x1A00;
	s12 =	simm.s32 $0x7200  }
0xfa: {  	s23 =	simm.s32 $0x12200;
	s30 =	simm.s32 $0x8200;
	s8 =	rddreg [dreg:$0x8]  }
0xfb: {  	[tilespmem:s5], [sflag:$0x9] =	stream.linear.gather [hbm4b:s8+s5], $0x200, $0x38;
	[tilespmem:$0x1FA00] =	vst v63  }
0xfc: {  	s4 =	simm.s32 $0x14200;
	s7 =	simm.s32 $0x2A00;
	_ =	swait.ge [sflag:s14], $0x200  }
.Ltmp2:
0xfd: {  	s10 =	simm.s32 $0x9200;
	[sflag:s14] =	ssyncset.done $0x0;
	(pc) =	sbr.rel .LBB2_2-.Ltmp2, $4  }
0xfe: {  	s18 =	simm.s32 $0x16200;
	s26 =	simm.s32 $0x3200;
	[sflag:s14] =	ssyncadd.s32 $0xFFFFFE00  }
0xff: {  	s28 =	simm.s32 $0xA200;
	s21 =	simm.s32 $0x18200;
	s2 =	rddreg [dreg:$0x1]  }
0x100: {  	s0 =	simm.s32 $0xE200;
	s1 =	simm.s32 $0x0;
	s3 =	rddreg [dreg:$0x2]  }
0x101: {  	v1 =	vimm.s32 $0x0;
	s24 =	simm.s32 $0x0;
	s5 =	simm.s32 $0x0;
	s17 =	rddreg [dreg:$0x3]  }
.LBB2_4:
0x102: {  	(v2sf) =	vpush v2, $0x7;
	_ =	sdelay $0xe  }
0x103: {  	s5 =	spop (v2sf)  }
0x104: {  	s8 =	sadd.s32 s2, s5  }
0x105: {  	[tilespmem:s0], [sflag:$0x8] =	stream.strided.gather [hbm4b:s8+s15], $0x800, s16, s15, $0x38;
	[tilespmem:$0x1FA00] =	vst v63  }
0x106: {  	s9 =	sadd.s32 s3, s5  }
0x107: {  	[tilespmem:s4], [sflag:$0x8] =	stream.strided.gather [hbm4b:s9+s15], $0x1000, s16, s15, $0x38;
	[tilespmem:$0x1FA00] =	vst v63  }
0x108: {  	s10 =	simm.s32 $0x1;
	s5 =	sadd.s32 s17, s5  }
0x109: {  	[tilespmem:s6], [sflag:$0x8] =	stream.strided.gather [hbm4b:s5+s15], $0x2000, s16, s15, $0x38;
	[tilespmem:$0x1FA00] =	vst v63  }
0x10a: {  	_ =	swait.ge [sflag:s10], $0x800  }
0x10b: {  	v1 =	vand.u32 $0x7F, v3;
	[sflag:s10] =	ssyncset.done $0x0  }
0x10c: {  	v6 =	vbroadcast v1, $0x0;
	[sflag:s10] =	ssyncadd.s32 $0xFFFFF800  }
0x10d: {  	_ =	swait.ge [sflag:s10], $0x1000  }
0x10e: {  	v4 =	vor.u32 v0, v6;
	[sflag:s10] =	ssyncset.done $0x0  }
0x10f: {  	[sflag:s10] =	ssyncadd.s32 $0xFFFFF000  }
0x110: {  	_ =	swait.ge [sflag:s10], $0x2000  }
0x111: {  	[sflag:s10] =	ssyncset.done $0x0  }
0x112: {  	s31 =	sand.u32 $0x70, s24;
	s11 =	simm.s32 $0x200;
	[sflag:s10] =	ssyncadd.s32 $0xFFFFE000  }
0x113: {  	v5 =	vor.u32 s31, v0;
	v3 =	vld.idx.msk [tilespmem:v4+s11+$0x0], $0xffff;
	_ =	sdelay $0x4  }
0x114: {  	[tilespmem:v5+s7+$0x0] =	vst.idx.msk $0xffff, v3  }
0x115: {  	v3 =	vor.u32 $0x800, v0;
	v7 =	vld.idx.msk [tilespmem:v4+s22+$0x0], $0xffff  }
0x116: {  	v8 =	vor.u32 v3, v6;
	_ =	sdelay $0x3  }
0x117: {  	[tilespmem:v5+s1+$0x0] =	vst.idx.msk $0xffff, v7  }
0x118: {  	v9 =	vor.u32 s31, v3;
	v7 =	vld.idx.msk [tilespmem:v8+s22+$0x0], $0xffff;
	_ =	sdelay $0x4  }
0x119: {  	s19 =	simm.s32 $0xC200;
	[tilespmem:v9+s1+$0x0] =	vst.idx.msk $0xffff, v7  }
0x11a: {  	v4 =	vld.idx.msk [tilespmem:v4+s19+$0x0], $0xffff;
	_ =	sdelay $0x4  }
0x11b: {  	[tilespmem:v5+s20+$0x0] =	vst.idx.msk $0xffff, v4  }
0x11c: {  	v4 =	vor.u32 $0x1000, v0;
	v5 =	vld.idx.msk [tilespmem:v8+s19+$0x0], $0xffff  }
0x11d: {  	(v2sf) =	vpush v2, $0x8;
	v7 =	vor.u32 v4, v6;
	_ =	sdelay $0x3  }
0x11e: {  	[tilespmem:v9+s20+$0x0] =	vst.idx.msk $0xffff, v5  }
0x11f: {  	v24 =	vor.u32 s31, v4;
	v5 =	vor.u32 $0x1800, v0;
	v7 =	vld.idx.msk [tilespmem:v7+s19+$0x0], $0xffff  }
0x120: {  	v6 =	vor.u32 v5, v6;
	_ =	sdelay $0x3  }
0x121: {  	[tilespmem:v24+s20+$0x0] =	vst.idx.msk $0xffff, v7  }
0x122: {  	v7 =	vor.u32 s31, v5;
	v6 =	vld.idx.msk [tilespmem:v6+s19+$0x0], $0xffff;
	_ =	sdelay $0x3  }
0x123: {  	s12 =	spop (v2sf)  }
0x124: {  	s13 =	sadd.s32 s2, s12;
	[tilespmem:v7+s20+$0x0] =	vst.idx.msk $0xffff, v6  }
0x125: {  	[tilespmem:s11], [sflag:$0x1] =	stream.strided.gather [hbm4b:s13+s15], $0x800, s16, s15, $0x38;
	[tilespmem:$0x1FA00] =	vst v63  }
0x126: {  	s14 =	sadd.s32 s3, s12  }
0x127: {  	[tilespmem:s22], [sflag:$0x1] =	stream.strided.gather [hbm4b:s14+s15], $0x1000, s16, s15, $0x38;
	[tilespmem:$0x1FA00] =	vst v63  }
0x128: {  	s18 =	simm.s32 $0x2;
	s5 =	sadd.s32 s17, s12  }
0x129: {  	[tilespmem:s19], [sflag:$0x1] =	stream.strided.gather [hbm4b:s5+s15], $0x2000, s16, s15, $0x38;
	[tilespmem:$0x1FA00] =	vst v63  }
0x12a: {  	_ =	swait.ge [sflag:s18], $0x800  }
0x12b: {  	[sflag:s18] =	ssyncset.done $0x0  }
0x12c: {  	v6 =	vbroadcast v1, $0x1;
	[sflag:s18] =	ssyncadd.s32 $0xFFFFF800  }
0x12d: {  	_ =	swait.ge [sflag:s18], $0x1000  }
0x12e: {  	v7 =	vor.u32 v0, v6;
	[sflag:s18] =	ssyncset.done $0x0  }
0x12f: {  	[sflag:s18] =	ssyncadd.s32 $0xFFFFF000  }
0x130: {  	_ =	swait.ge [sflag:s18], $0x2000  }
0x131: {  	[sflag:s18] =	ssyncset.done $0x0  }
0x132: {  	s21 =	sor.u32 $0x1, s31;
	[sflag:s18] =	ssyncadd.s32 $0xFFFFE000  }
0x133: {  	v26 =	vor.u32 s21, v0;
	v25 =	vld.idx.msk [tilespmem:v7+s25+$0x0], $0xffff;
	_ =	sdelay $0x4  }
0x134: {  	s29 =	simm.s32 $0x5200;
	[tilespmem:v26+s7+$0x0] =	vst.idx.msk $0xffff, v25  }
0x135: {  	v8 =	vld.idx.msk [tilespmem:v7+s29+$0x0], $0xffff  }
0x136: {  	v10 =	vor.u32 v3, v6;
	_ =	sdelay $0x3  }
0x137: {  	[tilespmem:v26+s1+$0x0] =	vst.idx.msk $0xffff, v8  }
0x138: {  	v11 =	vor.u32 s21, v3;
	v8 =	vld.idx.msk [tilespmem:v10+s29+$0x0], $0xffff;
	_ =	sdelay $0x4  }
0x139: {  	s0 =	simm.s32 $0xE200;
	[tilespmem:v11+s1+$0x0] =	vst.idx.msk $0xffff, v8  }
0x13a: {  	v7 =	vld.idx.msk [tilespmem:v7+s0+$0x0], $0xffff;
	_ =	sdelay $0x4  }
0x13b: {  	[tilespmem:v26+s20+$0x0] =	vst.idx.msk $0xffff, v7  }
0x13c: {  	v7 =	vld.idx.msk [tilespmem:v10+s0+$0x0], $0xffff  }
0x13d: {  	v27 =	vor.u32 v4, v6;
	(v2sf) =	vpush v2, $0x9;
	_ =	sdelay $0x3  }
0x13e: {  	[tilespmem:v11+s20+$0x0] =	vst.idx.msk $0xffff, v7  }
0x13f: {  	v28 =	vor.u32 s21, v4;
	v7 =	vld.idx.msk [tilespmem:v27+s0+$0x0], $0xffff  }
0x140: {  	v6 =	vor.u32 v5, v6;
	_ =	sdelay $0x3  }
0x141: {  	[tilespmem:v28+s20+$0x0] =	vst.idx.msk $0xffff, v7  }
0x142: {  	v7 =	vor.u32 s21, v5;
	v6 =	vld.idx.msk [tilespmem:v6+s0+$0x0], $0xffff;
	_ =	sdelay $0x3  }
0x143: {  	s23 =	spop (v2sf)  }
0x144: {  	s4 =	sadd.s32 s2, s23;
	[tilespmem:v7+s20+$0x0] =	vst.idx.msk $0xffff, v6  }
0x145: {  	[tilespmem:s25], [sflag:$0x2] =	stream.strided.gather [hbm4b:s4+s15], $0x800, s16, s15, $0x38;
	[tilespmem:$0x1FA00] =	vst v63  }
0x146: {  	s6 =	sadd.s32 s3, s23  }
0x147: {  	[tilespmem:s29], [sflag:$0x2] =	stream.strided.gather [hbm4b:s6+s15], $0x1000, s16, s15, $0x38;
	[tilespmem:$0x1FA00] =	vst v63  }
0x148: {  	s7 =	simm.s32 $0x3;
	s5 =	sadd.s32 s17, s23  }
0x149: {  	[tilespmem:s0], [sflag:$0x2] =	stream.strided.gather [hbm4b:s5+s15], $0x2000, s16, s15, $0x38;
	[tilespmem:$0x1FA00] =	vst v63  }
0x14a: {  	_ =	swait.ge [sflag:s7], $0x800  }
0x14b: {  	[sflag:s7] =	ssyncset.done $0x0  }
0x14c: {  	v6 =	vbroadcast v1, $0x2;
	[sflag:s7] =	ssyncadd.s32 $0xFFFFF800  }
0x14d: {  	_ =	swait.ge [sflag:s7], $0x1000  }
0x14e: {  	v7 =	vor.u32 v0, v6;
	[sflag:s7] =	ssyncset.done $0x0  }
0x14f: {  	[sflag:s7] =	ssyncadd.s32 $0xFFFFF000  }
0x150: {  	_ =	swait.ge [sflag:s7], $0x2000  }
0x151: {  	[sflag:s7] =	ssyncset.done $0x0  }
0x152: {  	s8 =	sor.u32 $0x2, s31;
	s6 =	simm.s32 $0x1200;
	[sflag:s7] =	ssyncadd.s32 $0xFFFFE000  }
0x153: {  	v30 =	vor.u32 s8, v0;
	v29 =	vld.idx.msk [tilespmem:v7+s6+$0x0], $0xffff;
	_ =	sdelay $0x3  }
0x154: {  	s1 =	simm.s32 $0x1C200  }
0x155: {  	s9 =	simm.s32 $0x6200;
	[tilespmem:v30+s1+$0x0] =	vst.idx.msk $0xffff, v29  }
0x156: {  	v8 =	vld.idx.msk [tilespmem:v7+s9+$0x0], $0xffff  }
0x157: {  	v31 =	vor.u32 v3, v6;
	_ =	sdelay $0x2  }
0x158: {  	s22 =	simm.s32 $0x1CA00  }
0x159: {  	[tilespmem:v30+s22+$0x0] =	vst.idx.msk $0xffff, v8  }
0x15a: {  	v32 =	vor.u32 s8, v3;
	v8 =	vld.idx.msk [tilespmem:v31+s9+$0x0], $0xffff;
	_ =	sdelay $0x4  }
0x15b: {  	s11 =	simm.s32 $0x10200;
	[tilespmem:v32+s22+$0x0] =	vst.idx.msk $0xffff, v8  }
0x15c: {  	v7 =	vld.idx.msk [tilespmem:v7+s11+$0x0], $0xffff;
	_ =	sdelay $0x4  }
0x15d: {  	[tilespmem:v30+s20+$0x0] =	vst.idx.msk $0xffff, v7  }
0x15e: {  	v7 =	vld.idx.msk [tilespmem:v31+s11+$0x0], $0xffff  }
0x15f: {  	v33 =	vor.u32 v4, v6;
	(v2sf) =	vpush v2, $0xA;
	_ =	sdelay $0x3  }
0x160: {  	[tilespmem:v32+s20+$0x0] =	vst.idx.msk $0xffff, v7  }
0x161: {  	v34 =	vor.u32 s8, v4;
	v7 =	vld.idx.msk [tilespmem:v33+s11+$0x0], $0xffff  }
0x162: {  	v6 =	vor.u32 v5, v6;
	_ =	sdelay $0x3  }
0x163: {  	[tilespmem:v34+s20+$0x0] =	vst.idx.msk $0xffff, v7  }
0x164: {  	v7 =	vor.u32 s8, v5;
	v6 =	vld.idx.msk [tilespmem:v6+s11+$0x0], $0xffff;
	_ =	sdelay $0x3  }
0x165: {  	s10 =	spop (v2sf)  }
0x166: {  	s12 =	sadd.s32 s2, s10;
	[tilespmem:v7+s20+$0x0] =	vst.idx.msk $0xffff, v6  }
0x167: {  	[tilespmem:s6], [sflag:$0x3] =	stream.strided.gather [hbm4b:s12+s15], $0x800, s16, s15, $0x38;
	[tilespmem:$0x1FA00] =	vst v63  }
0x168: {  	s13 =	sadd.s32 s3, s10  }
0x169: {  	[tilespmem:s9], [sflag:$0x3] =	stream.strided.gather [hbm4b:s13+s15], $0x1000, s16, s15, $0x38;
	[tilespmem:$0x1FA00] =	vst v63  }
0x16a: {  	s14 =	simm.s32 $0x4;
	s5 =	sadd.s32 s17, s10  }
0x16b: {  	[tilespmem:s11], [sflag:$0x3] =	stream.strided.gather [hbm4b:s5+s15], $0x2000, s16, s15, $0x38;
	[tilespmem:$0x1FA00] =	vst v63  }
0x16c: {  	_ =	swait.ge [sflag:s14], $0x800  }
0x16d: {  	[sflag:s14] =	ssyncset.done $0x0  }
0x16e: {  	v6 =	vbroadcast v1, $0x3;
	[sflag:s14] =	ssyncadd.s32 $0xFFFFF800  }
0x16f: {  	_ =	swait.ge [sflag:s14], $0x1000  }
0x170: {  	v7 =	vor.u32 v0, v6;
	[sflag:s14] =	ssyncset.done $0x0  }
0x171: {  	[sflag:s14] =	ssyncadd.s32 $0xFFFFF000  }
0x172: {  	_ =	swait.ge [sflag:s14], $0x2000  }
0x173: {  	[sflag:s14] =	ssyncset.done $0x0  }
0x174: {  	s18 =	sor.u32 $0x3, s31;
	s13 =	simm.s32 $0x1A00;
	[sflag:s14] =	ssyncadd.s32 $0xFFFFE000  }
0x175: {  	v36 =	vor.u32 s18, v0;
	v35 =	vld.idx.msk [tilespmem:v7+s13+$0x0], $0xffff;
	_ =	sdelay $0x4  }
0x176: {  	s12 =	simm.s32 $0x7200;
	[tilespmem:v36+s1+$0x0] =	vst.idx.msk $0xffff, v35  }
0x177: {  	v8 =	vld.idx.msk [tilespmem:v7+s12+$0x0], $0xffff  }
0x178: {  	v37 =	vor.u32 v3, v6;
	_ =	sdelay $0x3  }
0x179: {  	[tilespmem:v36+s22+$0x0] =	vst.idx.msk $0xffff, v8  }
0x17a: {  	v38 =	vor.u32 s18, v3;
	v8 =	vld.idx.msk [tilespmem:v37+s12+$0x0], $0xffff;
	_ =	sdelay $0x4  }
0x17b: {  	s23 =	simm.s32 $0x12200;
	[tilespmem:v38+s22+$0x0] =	vst.idx.msk $0xffff, v8  }
0x17c: {  	v7 =	vld.idx.msk [tilespmem:v7+s23+$0x0], $0xffff;
	_ =	sdelay $0x4  }
0x17d: {  	[tilespmem:v36+s20+$0x0] =	vst.idx.msk $0xffff, v7  }
0x17e: {  	v7 =	vld.idx.msk [tilespmem:v37+s23+$0x0], $0xffff  }
0x17f: {  	v39 =	vor.u32 v4, v6;
	(v2sf) =	vpush v2, $0xB;
	_ =	sdelay $0x3  }
0x180: {  	[tilespmem:v38+s20+$0x0] =	vst.idx.msk $0xffff, v7  }
0x181: {  	v40 =	vor.u32 s18, v4;
	v7 =	vld.idx.msk [tilespmem:v39+s23+$0x0], $0xffff  }
0x182: {  	v6 =	vor.u32 v5, v6;
	_ =	sdelay $0x3  }
0x183: {  	[tilespmem:v40+s20+$0x0] =	vst.idx.msk $0xffff, v7  }
0x184: {  	v7 =	vor.u32 s18, v5;
	v6 =	vld.idx.msk [tilespmem:v6+s23+$0x0], $0xffff;
	_ =	sdelay $0x3  }
0x185: {  	s21 =	spop (v2sf)  }
0x186: {  	s4 =	sadd.s32 s2, s21;
	[tilespmem:v7+s20+$0x0] =	vst.idx.msk $0xffff, v6  }
0x187: {  	[tilespmem:s13], [sflag:$0x4] =	stream.strided.gather [hbm4b:s4+s15], $0x800, s16, s15, $0x38;
	[tilespmem:$0x1FA00] =	vst v63  }
0x188: {  	s7 =	sadd.s32 s3, s21  }
0x189: {  	[tilespmem:s12], [sflag:$0x4] =	stream.strided.gather [hbm4b:s7+s15], $0x1000, s16, s15, $0x38;
	[tilespmem:$0x1FA00] =	vst v63  }
0x18a: {  	s8 =	simm.s32 $0x5;
	s5 =	sadd.s32 s17, s21  }
0x18b: {  	[tilespmem:s23], [sflag:$0x4] =	stream.strided.gather [hbm4b:s5+s15], $0x2000, s16, s15, $0x38;
	[tilespmem:$0x1FA00] =	vst v63  }
0x18c: {  	_ =	swait.ge [sflag:s8], $0x800  }
0x18d: {  	[sflag:s8] =	ssyncset.done $0x0  }
0x18e: {  	v6 =	vbroadcast v1, $0x4;
	[sflag:s8] =	ssyncadd.s32 $0xFFFFF800  }
0x18f: {  	_ =	swait.ge [sflag:s8], $0x1000  }
0x190: {  	v7 =	vor.u32 v0, v6;
	[sflag:s8] =	ssyncset.done $0x0  }
0x191: {  	[sflag:s8] =	ssyncadd.s32 $0xFFFFF000  }
0x192: {  	_ =	swait.ge [sflag:s8], $0x2000  }
0x193: {  	[sflag:s8] =	ssyncset.done $0x0  }
0x194: {  	s10 =	sor.u32 $0x4, s31;
	s18 =	simm.s32 $0x2200;
	[sflag:s8] =	ssyncadd.s32 $0xFFFFE000  }
0x195: {  	v42 =	vor.u32 s10, v0;
	v41 =	vld.idx.msk [tilespmem:v7+s18+$0x0], $0xffff;
	_ =	sdelay $0x4  }
0x196: {  	s30 =	simm.s32 $0x8200;
	[tilespmem:v42+s1+$0x0] =	vst.idx.msk $0xffff, v41  }
0x197: {  	v8 =	vld.idx.msk [tilespmem:v7+s30+$0x0], $0xffff  }
0x198: {  	v43 =	vor.u32 v3, v6;
	_ =	sdelay $0x3  }
0x199: {  	[tilespmem:v42+s22+$0x0] =	vst.idx.msk $0xffff, v8  }
0x19a: {  	v44 =	vor.u32 s10, v3;
	v8 =	vld.idx.msk [tilespmem:v43+s30+$0x0], $0xffff;
	_ =	sdelay $0x4  }
0x19b: {  	s4 =	simm.s32 $0x14200;
	[tilespmem:v44+s22+$0x0] =	vst.idx.msk $0xffff, v8  }
0x19c: {  	v7 =	vld.idx.msk [tilespmem:v7+s4+$0x0], $0xffff;
	_ =	sdelay $0x4  }
0x19d: {  	[tilespmem:v42+s20+$0x0] =	vst.idx.msk $0xffff, v7  }
0x19e: {  	v7 =	vld.idx.msk [tilespmem:v43+s4+$0x0], $0xffff  }
0x19f: {  	v45 =	vor.u32 v4, v6;
	(v2sf) =	vpush v2, $0xC;
	_ =	sdelay $0x3  }
0x1a0: {  	[tilespmem:v44+s20+$0x0] =	vst.idx.msk $0xffff, v7  }
0x1a1: {  	v46 =	vor.u32 s10, v4;
	v7 =	vld.idx.msk [tilespmem:v45+s4+$0x0], $0xffff  }
0x1a2: {  	v6 =	vor.u32 v5, v6;
	_ =	sdelay $0x3  }
0x1a3: {  	[tilespmem:v46+s20+$0x0] =	vst.idx.msk $0xffff, v7  }
0x1a4: {  	v7 =	vor.u32 s10, v5;
	v6 =	vld.idx.msk [tilespmem:v6+s4+$0x0], $0xffff;
	_ =	sdelay $0x3  }
0x1a5: {  	s21 =	spop (v2sf)  }
0x1a6: {  	s10 =	sadd.s32 s2, s21;
	[tilespmem:v7+s20+$0x0] =	vst.idx.msk $0xffff, v6  }
0x1a7: {  	[tilespmem:s18], [sflag:$0x5] =	stream.strided.gather [hbm4b:s10+s15], $0x800, s16, s15, $0x38;
	[tilespmem:$0x1FA00] =	vst v63  }
0x1a8: {  	s18 =	sadd.s32 s3, s21  }
0x1a9: {  	[tilespmem:s30], [sflag:$0x5] =	stream.strided.gather [hbm4b:s18+s15], $0x1000, s16, s15, $0x38;
	[tilespmem:$0x1FA00] =	vst v63  }
0x1aa: {  	s5 =	sadd.s32 s17, s21;
	s21 =	simm.s32 $0x6  }
0x1ab: {  	[tilespmem:s4], [sflag:$0x5] =	stream.strided.gather [hbm4b:s5+s15], $0x2000, s16, s15, $0x38;
	[tilespmem:$0x1FA00] =	vst v63  }
0x1ac: {  	_ =	swait.ge [sflag:s21], $0x800  }
0x1ad: {  	[sflag:s21] =	ssyncset.done $0x0  }
0x1ae: {  	v6 =	vbroadcast v1, $0x5;
	[sflag:s21] =	ssyncadd.s32 $0xFFFFF800  }
0x1af: {  	_ =	swait.ge [sflag:s21], $0x1000  }
0x1b0: {  	v7 =	vor.u32 v0, v6;
	[sflag:s21] =	ssyncset.done $0x0  }
0x1b1: {  	[sflag:s21] =	ssyncadd.s32 $0xFFFFF000  }
0x1b2: {  	_ =	swait.ge [sflag:s21], $0x2000  }
0x1b3: {  	[sflag:s21] =	ssyncset.done $0x0  }
0x1b4: {  	s7 =	sor.u32 $0x5, s31;
	s8 =	simm.s32 $0x2A00;
	[sflag:s21] =	ssyncadd.s32 $0xFFFFE000  }
0x1b5: {  	v48 =	vor.u32 s7, v0;
	v47 =	vld.idx.msk [tilespmem:v7+s8+$0x0], $0xffff;
	_ =	sdelay $0x4  }
0x1b6: {  	s10 =	simm.s32 $0x9200;
	[tilespmem:v48+s1+$0x0] =	vst.idx.msk $0xffff, v47  }
0x1b7: {  	v8 =	vld.idx.msk [tilespmem:v7+s10+$0x0], $0xffff  }
0x1b8: {  	v49 =	vor.u32 v3, v6;
	_ =	sdelay $0x3  }
0x1b9: {  	[tilespmem:v48+s22+$0x0] =	vst.idx.msk $0xffff, v8  }
0x1ba: {  	v50 =	vor.u32 s7, v3;
	v8 =	vld.idx.msk [tilespmem:v49+s10+$0x0], $0xffff;
	_ =	sdelay $0x4  }
0x1bb: {  	s18 =	simm.s32 $0x16200;
	[tilespmem:v50+s22+$0x0] =	vst.idx.msk $0xffff, v8  }
0x1bc: {  	v7 =	vld.idx.msk [tilespmem:v7+s18+$0x0], $0xffff;
	_ =	sdelay $0x4  }
0x1bd: {  	[tilespmem:v48+s20+$0x0] =	vst.idx.msk $0xffff, v7  }
0x1be: {  	v7 =	vld.idx.msk [tilespmem:v49+s18+$0x0], $0xffff  }
0x1bf: {  	v51 =	vor.u32 v4, v6;
	(v2sf) =	vpush v2, $0xD;
	_ =	sdelay $0x3  }
0x1c0: {  	[tilespmem:v50+s20+$0x0] =	vst.idx.msk $0xffff, v7  }
0x1c1: {  	v52 =	vor.u32 s7, v4;
	v7 =	vld.idx.msk [tilespmem:v51+s18+$0x0], $0xffff  }
0x1c2: {  	v6 =	vor.u32 v5, v6;
	_ =	sdelay $0x3  }
0x1c3: {  	[tilespmem:v52+s20+$0x0] =	vst.idx.msk $0xffff, v7  }
0x1c4: {  	v7 =	vor.u32 s7, v5;
	v6 =	vld.idx.msk [tilespmem:v6+s18+$0x0], $0xffff;
	_ =	sdelay $0x3  }
0x1c5: {  	s5 =	spop (v2sf)  }
0x1c6: {  	s21 =	sadd.s32 s2, s5;
	[tilespmem:v7+s20+$0x0] =	vst.idx.msk $0xffff, v6  }
0x1c7: {  	[tilespmem:s8], [sflag:$0x6] =	stream.strided.gather [hbm4b:s21+s15], $0x800, s16, s15, $0x38;
	[tilespmem:$0x1FA00] =	vst v63  }
0x1c8: {  	s21 =	sadd.s32 s3, s5  }
0x1c9: {  	[tilespmem:s10], [sflag:$0x6] =	stream.strided.gather [hbm4b:s21+s15], $0x1000, s16, s15, $0x38;
	[tilespmem:$0x1FA00] =	vst v63  }
0x1ca: {  	s7 =	simm.s32 $0x7;
	s5 =	sadd.s32 s17, s5  }
0x1cb: {  	[tilespmem:s18], [sflag:$0x6] =	stream.strided.gather [hbm4b:s5+s15], $0x2000, s16, s15, $0x38;
	[tilespmem:$0x1FA00] =	vst v63  }
0x1cc: {  	_ =	swait.ge [sflag:s7], $0x800  }
0x1cd: {  	[sflag:s7] =	ssyncset.done $0x0  }
0x1ce: {  	v6 =	vbroadcast v1, $0x6;
	[sflag:s7] =	ssyncadd.s32 $0xFFFFF800  }
0x1cf: {  	_ =	swait.ge [sflag:s7], $0x1000  }
0x1d0: {  	v7 =	vor.u32 v0, v6;
	[sflag:s7] =	ssyncset.done $0x0  }
0x1d1: {  	[sflag:s7] =	ssyncadd.s32 $0xFFFFF000  }
0x1d2: {  	_ =	swait.ge [sflag:s7], $0x2000  }
0x1d3: {  	[sflag:s7] =	ssyncset.done $0x0  }
0x1d4: {  	s8 =	sor.u32 $0x6, s31;
	[sflag:s7] =	ssyncadd.s32 $0xFFFFE000;
	s7 =	simm.s32 $0x3200  }
0x1d5: {  	v54 =	vor.u32 s8, v0;
	v53 =	vld.idx.msk [tilespmem:v7+s7+$0x0], $0xffff;
	_ =	sdelay $0x4  }
0x1d6: {  	s28 =	simm.s32 $0xA200;
	[tilespmem:v54+s1+$0x0] =	vst.idx.msk $0xffff, v53  }
0x1d7: {  	v8 =	vld.idx.msk [tilespmem:v7+s28+$0x0], $0xffff  }
0x1d8: {  	v55 =	vor.u32 v3, v6;
	_ =	sdelay $0x3  }
0x1d9: {  	[tilespmem:v54+s22+$0x0] =	vst.idx.msk $0xffff, v8  }
0x1da: {  	v56 =	vor.u32 s8, v3;
	v8 =	vld.idx.msk [tilespmem:v55+s28+$0x0], $0xffff;
	_ =	sdelay $0x4  }
0x1db: {  	s21 =	simm.s32 $0x18200;
	[tilespmem:v56+s22+$0x0] =	vst.idx.msk $0xffff, v8  }
0x1dc: {  	v7 =	vld.idx.msk [tilespmem:v7+s21+$0x0], $0xffff;
	_ =	sdelay $0x4  }
0x1dd: {  	[tilespmem:v54+s20+$0x0] =	vst.idx.msk $0xffff, v7  }
0x1de: {  	v7 =	vld.idx.msk [tilespmem:v55+s21+$0x0], $0xffff  }
0x1df: {  	v57 =	vor.u32 v4, v6;
	(v2sf) =	vpush v2, $0xE;
	_ =	sdelay $0x3  }
0x1e0: {  	[tilespmem:v56+s20+$0x0] =	vst.idx.msk $0xffff, v7  }
0x1e1: {  	v58 =	vor.u32 s8, v4;
	v7 =	vld.idx.msk [tilespmem:v57+s21+$0x0], $0xffff  }
0x1e2: {  	v6 =	vor.u32 v5, v6;
	_ =	sdelay $0x3  }
0x1e3: {  	[tilespmem:v58+s20+$0x0] =	vst.idx.msk $0xffff, v7  }
0x1e4: {  	v7 =	vor.u32 s8, v5;
	v6 =	vld.idx.msk [tilespmem:v6+s21+$0x0], $0xffff;
	_ =	sdelay $0x3  }
0x1e5: {  	s5 =	spop (v2sf)  }
0x1e6: {  	s8 =	sadd.s32 s2, s5;
	[tilespmem:v7+s20+$0x0] =	vst.idx.msk $0xffff, v6  }
0x1e7: {  	[tilespmem:s7], [sflag:$0x7] =	stream.strided.gather [hbm4b:s8+s15], $0x800, s16, s15, $0x38;
	[tilespmem:$0x1FA00] =	vst v63  }
0x1e8: {  	s8 =	sadd.s32 s3, s5  }
0x1e9: {  	[tilespmem:s28], [sflag:$0x7] =	stream.strided.gather [hbm4b:s8+s15], $0x1000, s16, s15, $0x38;
	[tilespmem:$0x1FA00] =	vst v63  }
0x1ea: {  	s5 =	sadd.s32 s17, s5  }
0x1eb: {  	[tilespmem:s21], [sflag:$0x7] =	stream.strided.gather [hbm4b:s5+s15], $0x2000, s16, s15, $0x38;
	[tilespmem:$0x1FA00] =	vst v63  }
0x1ec: {  	_ =	swait.ge [sflag:s26], $0x800  }
0x1ed: {  	[sflag:s26] =	ssyncset.done $0x0  }
0x1ee: {  	v6 =	vbroadcast v1, $0x7;
	[sflag:s26] =	ssyncadd.s32 $0xFFFFF800  }
0x1ef: {  	_ =	swait.ge [sflag:s26], $0x1000  }
0x1f0: {  	v7 =	vor.u32 v0, v6;
	[sflag:s26] =	ssyncset.done $0x0  }
0x1f1: {  	[sflag:s26] =	ssyncadd.s32 $0xFFFFF000  }
0x1f2: {  	_ =	swait.ge [sflag:s26], $0x2000  }
0x1f3: {  	[sflag:s26] =	ssyncset.done $0x0  }
0x1f4: {  	s8 =	simm.s32 $0x3A00;
	s5 =	sor.u32 $0x7, s31;
	[sflag:s26] =	ssyncadd.s32 $0xFFFFE000  }
0x1f5: {  	v60 =	vor.u32 s5, v0;
	v59 =	vld.idx.msk [tilespmem:v7+s8+$0x0], $0xffff;
	_ =	sdelay $0x4  }
0x1f6: {  	s14 =	simm.s32 $0xB200;
	[tilespmem:v60+s1+$0x0] =	vst.idx.msk $0xffff, v59  }
0x1f7: {  	v8 =	vld.idx.msk [tilespmem:v7+s14+$0x0], $0xffff  }
0x1f8: {  	v61 =	vor.u32 v3, v6;
	_ =	sdelay $0x3  }
0x1f9: {  	[tilespmem:v60+s22+$0x0] =	vst.idx.msk $0xffff, v8  }
0x1fa: {  	v62 =	vor.u32 s5, v3;
	v8 =	vld.idx.msk [tilespmem:v61+s14+$0x0], $0xffff;
	_ =	sdelay $0x4  }
0x1fb: {  	s25 =	simm.s32 $0x1A200;
	[tilespmem:v62+s22+$0x0] =	vst.idx.msk $0xffff, v8  }
0x1fc: {  	v7 =	vld.idx.msk [tilespmem:v7+s25+$0x0], $0xffff;
	_ =	sdelay $0x4  }
0x1fd: {  	[tilespmem:v60+s20+$0x0] =	vst.idx.msk $0xffff, v7  }
0x1fe: {  	v7 =	vld.idx.msk [tilespmem:v61+s25+$0x0], $0xffff  }
0x1ff: {  	v63 =	vor.u32 v4, v6;
	(v2sf) =	vpush v2, $0xF;
	_ =	sdelay $0x3  }
0x200: {  	[tilespmem:v62+s20+$0x0] =	vst.idx.msk $0xffff, v7  }
0x201: {  	v7 =	vor.u32 s5, v4;
	v2 =	vld.idx.msk [tilespmem:v63+s25+$0x0], $0xffff  }
0x202: {  	v6 =	vor.u32 v5, v6;
	_ =	sdelay $0x3  }
0x203: {  	[tilespmem:v7+s20+$0x0] =	vst.idx.msk $0xffff, v2  }
0x204: {  	v2 =	vld.idx.msk [tilespmem:v6+s25+$0x0], $0xffff;
	v6 =	vor.u32 s5, v5;
	_ =	sdelay $0x3  }
0x205: {  	s5 =	spop (v2sf)  }
0x206: {  	s24 =	sadd.s32 $0x10, s24;
	s1 =	sadd.s32 s2, s5;
	[tilespmem:v6+s20+$0x0] =	vst.idx.msk $0xffff, v2  }
0x207: {  	[tilespmem:s8], [sflag:$0x8] =	stream.strided.gather [hbm4b:s1+s15], $0x800, s16, s15, $0x38;
	[tilespmem:$0x1FA00] =	vst v63  }
0x208: {  	p0 =	sne.s32 s24, $0x200;
	s22 =	sadd.s32 s3, s5  }
0x209: {  	[tilespmem:s14], [sflag:$0x8] =	stream.strided.gather [hbm4b:s22+s15], $0x1000, s16, s15, $0x38;
	[tilespmem:$0x1FA00] =	vst v63  }
.Ltmp3:
0x20a: {  	_ = 	snop;
	(pc) =	sbr.rel @!p0 .LBB2_5-.Ltmp3, $4  }
0x20b: {  	s31 =	rddreg [dreg:$0x11];
	s5 =	sadd.s32 s17, s5  }
0x20c: {  	[tilespmem:s25], [sflag:$0x8] =	stream.strided.gather [hbm4b:s5+s15], $0x2000, s16, s15, $0x38;
	[tilespmem:$0x1FA00] =	vst v63  }
0x20d: {  	s7 =	simm.s32 $0x2A00;
	s25 =	rddreg [dreg:$0x12]  }
0x20e: {  	s26 =	simm.s32 $0x3200;
	s1 =	sadd.s32 $0x10, s31;
	s5 =	sadd.s32 $0x1, s25  }
.LBB2_2:
0x20f: {  	[dreg:$0x12] =	wrdreg s5;
	p0 =	seq.s32 s24, $0x0  }
0x210: {  	[dreg:$0x11] =	wrdreg s1;
	s5 =	simm.s32 @!p0 $0x1  }
0x211: {  	v3 =	vld [tilespmem:s1+$0x0];
	_ =	swait.ge @!p0 [sflag:s5], $0x800  }
0x212: {  	v2 =	vlaneseq.u32 @!p0;
	[sflag:s5] =	ssyncset.done @!p0 $0x0  }
0x213: {  	v8 =	vbroadcast @!p0 v1, $0x8;
	v4 =	vmul.u32 @!p0 $0x80, v2;
	[sflag:s5] =	ssyncadd.s32 @!p0 $0xFFFFF800  }
0x214: {  	_ =	swait.ge @!p0 [sflag:s5], $0x1000  }
0x215: {  	v2 =	vor.u32 @!p0 v4, v8;
	[sflag:s5] =	ssyncset.done @!p0 $0x0  }
0x216: {  	[sflag:s5] =	ssyncadd.s32 @!p0 $0xFFFFF000  }
0x217: {  	_ =	swait.ge @!p0 [sflag:s5], $0x2000  }
0x218: {  	s8 =	sadd.s32 @!p0 $0x78, s24;
	[sflag:s5] =	ssyncset.done @!p0 $0x0  }
0x219: {  	s14 =	sand.u32 @!p0 $0x78, s8;
	[sflag:s5] =	ssyncadd.s32 @!p0 $0xFFFFE000;
	s5 =	simm.s32 @!p0 $0x200  }
0x21a: {  	v6 =	vor.u32 @!p0 s14, v4;
	v5 =	vld.idx.msk @!p0 [tilespmem:v2+s5+$0x0], $0xffff;
	_ =	sdelay $0x3  }
0x21b: {  	s8 =	simm.s32 @!p0 $0x1C200  }
0x21c: {  	s31 =	simm.s32 @!p0 $0x4200;
	[tilespmem:v6+s8+$0x0] =	vst.idx.msk @!p0 $0xffff, v5  }
0x21d: {  	v5 =	vor.u32 @!p0 $0x800, v4;
	v7 =	vld.idx.msk @!p0 [tilespmem:v2+s31+$0x0], $0xffff  }
0x21e: {  	v9 =	vor.u32 @!p0 v5, v8;
	_ =	sdelay $0x2  }
0x21f: {  	s5 =	simm.s32 @!p0 $0x1CA00  }
0x220: {  	[tilespmem:v6+s5+$0x0] =	vst.idx.msk @!p0 $0xffff, v7  }
0x221: {  	v10 =	vor.u32 @!p0 s14, v5;
	v7 =	vld.idx.msk @!p0 [tilespmem:v9+s31+$0x0], $0xffff;
	_ =	sdelay $0x4  }
0x222: {  	s19 =	simm.s32 @!p0 $0xC200;
	[tilespmem:v10+s5+$0x0] =	vst.idx.msk @!p0 $0xffff, v7  }
0x223: {  	v2 =	vld.idx.msk @!p0 [tilespmem:v2+s19+$0x0], $0xffff;
	_ =	sdelay $0x3  }
0x224: {  	s31 =	simm.s32 @!p0 $0x1DA00  }
0x225: {  	[tilespmem:v6+s31+$0x0] =	vst.idx.msk @!p0 $0xffff, v2  }
0x226: {  	v2 =	vand.u32 $0xFFFFFF80, v3;
	v6 =	vor.u32 @!p0 $0x1000, v4;
	v7 =	vld.idx.msk @!p0 [tilespmem:v9+s19+$0x0], $0xffff  }
0x227: {  	v9 =	vor.u32 @!p0 v6, v8;
	(v2sf) =	vpush v2, $0x0;
	_ =	sdelay $0x3  }
0x228: {  	[tilespmem:v10+s31+$0x0] =	vst.idx.msk @!p0 $0xffff, v7  }
0x229: {  	v10 =	vor.u32 @!p0 s14, v6;
	v7 =	vor.u32 @!p0 $0x1800, v4;
	v9 =	vld.idx.msk @!p0 [tilespmem:v9+s19+$0x0], $0xffff  }
0x22a: {  	v8 =	vor.u32 @!p0 v7, v8;
	_ =	sdelay $0x3  }
0x22b: {  	[tilespmem:v10+s31+$0x0] =	vst.idx.msk @!p0 $0xffff, v9  }
0x22c: {  	v9 =	vor.u32 @!p0 s14, v7;
	v8 =	vld.idx.msk @!p0 [tilespmem:v8+s19+$0x0], $0xffff;
	_ =	sdelay $0x3  }
0x22d: {  	s14 =	spop (v2sf)  }
0x22e: {  	s22 =	simm.s32 $0x200;
	s1 =	sadd.s32 s2, s14;
	[tilespmem:v9+s31+$0x0] =	vst.idx.msk @!p0 $0xffff, v8  }
0x22f: {  	[tilespmem:s22], [sflag:$0x1] =	stream.strided.gather [hbm4b:s1+s15], $0x800, s16, s15, $0x38;
	[tilespmem:$0x1FA00] =	vst v63  }
0x230: {  	s22 =	simm.s32 $0x4200;
	s1 =	sadd.s32 s3, s14  }
0x231: {  	[tilespmem:s22], [sflag:$0x1] =	stream.strided.gather [hbm4b:s1+s15], $0x1000, s16, s15, $0x38;
	[tilespmem:$0x1FA00] =	vst v63  }
0x232: {  	s25 =	simm.s32 $0xC200;
	s14 =	sadd.s32 s17, s14  }
0x233: {  	[tilespmem:s25], [sflag:$0x1] =	stream.strided.gather [hbm4b:s14+s15], $0x2000, s16, s15, $0x38;
	[tilespmem:$0x1FA00] =	vst v63  }
0x234: {  	s14 =	simm.s32 @!p0 $0x2  }
0x235: {  	_ =	swait.ge @!p0 [sflag:s14], $0x800  }
0x236: {  	[sflag:s14] =	ssyncset.done @!p0 $0x0  }
0x237: {  	v8 =	vbroadcast @!p0 v1, $0x9;
	[sflag:s14] =	ssyncadd.s32 @!p0 $0xFFFFF800  }
0x238: {  	_ =	swait.ge @!p0 [sflag:s14], $0x1000  }
0x239: {  	v9 =	vor.u32 @!p0 v4, v8;
	[sflag:s14] =	ssyncset.done @!p0 $0x0  }
0x23a: {  	[sflag:s14] =	ssyncadd.s32 @!p0 $0xFFFFF000  }
0x23b: {  	_ =	swait.ge @!p0 [sflag:s14], $0x2000  }
0x23c: {  	s19 =	sadd.s32 @!p0 $0x79, s24;
	[sflag:s14] =	ssyncset.done @!p0 $0x0  }
0x23d: {  	[sflag:s14] =	ssyncadd.s32 @!p0 $0xFFFFE000;
	s14 =	sand.u32 @!p0 $0x79, s19;
	s19 =	simm.s32 @!p0 $0xA00  }
0x23e: {  	v10 =	vld.idx.msk @!p0 [tilespmem:v9+s19+$0x0], $0xffff;
	v11 =	vor.u32 @!p0 s14, v4;
	_ =	sdelay $0x4  }
0x23f: {  	s19 =	simm.s32 @!p0 $0x5200;
	[tilespmem:v11+s8+$0x0] =	vst.idx.msk @!p0 $0xffff, v10  }
0x240: {  	v10 =	vld.idx.msk @!p0 [tilespmem:v9+s19+$0x0], $0xffff  }
0x241: {  	v12 =	vor.u32 @!p0 v5, v8;
	_ =	sdelay $0x3  }
0x242: {  	[tilespmem:v11+s5+$0x0] =	vst.idx.msk @!p0 $0xffff, v10  }
0x243: {  	v13 =	vor.u32 @!p0 s14, v5;
	v10 =	vld.idx.msk @!p0 [tilespmem:v12+s19+$0x0], $0xffff;
	_ =	sdelay $0x4  }
0x244: {  	s19 =	simm.s32 @!p0 $0xE200;
	[tilespmem:v13+s5+$0x0] =	vst.idx.msk @!p0 $0xffff, v10  }
0x245: {  	v9 =	vld.idx.msk @!p0 [tilespmem:v9+s19+$0x0], $0xffff;
	_ =	sdelay $0x4  }
0x246: {  	[tilespmem:v11+s31+$0x0] =	vst.idx.msk @!p0 $0xffff, v9  }
0x247: {  	v9 =	vld.idx.msk @!p0 [tilespmem:v12+s19+$0x0], $0xffff  }
0x248: {  	(v2sf) =	vpush v2, $0x1;
	v10 =	vor.u32 @!p0 v6, v8;
	_ =	sdelay $0x3  }
0x249: {  	[tilespmem:v13+s31+$0x0] =	vst.idx.msk @!p0 $0xffff, v9  }
0x24a: {  	v9 =	vld.idx.msk @!p0 [tilespmem:v10+s19+$0x0], $0xffff;
	v10 =	vor.u32 @!p0 s14, v6  }
0x24b: {  	v8 =	vor.u32 @!p0 v7, v8;
	_ =	sdelay $0x3  }
0x24c: {  	[tilespmem:v10+s31+$0x0] =	vst.idx.msk @!p0 $0xffff, v9  }
0x24d: {  	v9 =	vor.u32 @!p0 s14, v7;
	v8 =	vld.idx.msk @!p0 [tilespmem:v8+s19+$0x0], $0xffff;
	_ =	sdelay $0x3  }
0x24e: {  	s14 =	spop (v2sf)  }
0x24f: {  	s25 =	simm.s32 $0xA00;
	s1 =	sadd.s32 s2, s14;
	[tilespmem:v9+s31+$0x0] =	vst.idx.msk @!p0 $0xffff, v8  }
0x250: {  	[tilespmem:s25], [sflag:$0x2] =	stream.strided.gather [hbm4b:s1+s15], $0x800, s16, s15, $0x38;
	[tilespmem:$0x1FA00] =	vst v63  }
0x251: {  	s1 =	sadd.s32 s3, s14  }
0x252: {  	[tilespmem:s29], [sflag:$0x2] =	stream.strided.gather [hbm4b:s1+s15], $0x1000, s16, s15, $0x38;
	[tilespmem:$0x1FA00] =	vst v63  }
0x253: {  	s14 =	sadd.s32 s17, s14  }
0x254: {  	[tilespmem:s0], [sflag:$0x2] =	stream.strided.gather [hbm4b:s14+s15], $0x2000, s16, s15, $0x38;
	[tilespmem:$0x1FA00] =	vst v63  }
0x255: {  	s14 =	simm.s32 @!p0 $0x3  }
0x256: {  	_ =	swait.ge @!p0 [sflag:s14], $0x800  }
0x257: {  	[sflag:s14] =	ssyncset.done @!p0 $0x0  }
0x258: {  	v8 =	vbroadcast @!p0 v1, $0xA;
	[sflag:s14] =	ssyncadd.s32 @!p0 $0xFFFFF800  }
0x259: {  	_ =	swait.ge @!p0 [sflag:s14], $0x1000  }
0x25a: {  	v9 =	vor.u32 @!p0 v4, v8;
	[sflag:s14] =	ssyncset.done @!p0 $0x0  }
0x25b: {  	[sflag:s14] =	ssyncadd.s32 @!p0 $0xFFFFF000  }
0x25c: {  	_ =	swait.ge @!p0 [sflag:s14], $0x2000  }
0x25d: {  	s19 =	sadd.s32 @!p0 $0x7A, s24;
	[sflag:s14] =	ssyncset.done @!p0 $0x0  }
0x25e: {  	[sflag:s14] =	ssyncadd.s32 @!p0 $0xFFFFE000;
	s14 =	sand.u32 @!p0 $0x7A, s19;
	s19 =	simm.s32 @!p0 $0x1200  }
0x25f: {  	v10 =	vld.idx.msk @!p0 [tilespmem:v9+s19+$0x0], $0xffff;
	v11 =	vor.u32 @!p0 s14, v4;
	_ =	sdelay $0x4  }
0x260: {  	s19 =	simm.s32 @!p0 $0x6200;
	[tilespmem:v11+s8+$0x0] =	vst.idx.msk @!p0 $0xffff, v10  }
0x261: {  	v10 =	vld.idx.msk @!p0 [tilespmem:v9+s19+$0x0], $0xffff  }
0x262: {  	v12 =	vor.u32 @!p0 v5, v8;
	_ =	sdelay $0x3  }
0x263: {  	[tilespmem:v11+s5+$0x0] =	vst.idx.msk @!p0 $0xffff, v10  }
0x264: {  	v13 =	vor.u32 @!p0 s14, v5;
	v10 =	vld.idx.msk @!p0 [tilespmem:v12+s19+$0x0], $0xffff;
	_ =	sdelay $0x4  }
0x265: {  	s19 =	simm.s32 @!p0 $0x10200;
	[tilespmem:v13+s5+$0x0] =	vst.idx.msk @!p0 $0xffff, v10  }
0x266: {  	v9 =	vld.idx.msk @!p0 [tilespmem:v9+s19+$0x0], $0xffff;
	_ =	sdelay $0x4  }
0x267: {  	[tilespmem:v11+s31+$0x0] =	vst.idx.msk @!p0 $0xffff, v9  }
0x268: {  	v9 =	vld.idx.msk @!p0 [tilespmem:v12+s19+$0x0], $0xffff  }
0x269: {  	(v2sf) =	vpush v2, $0x2;
	v10 =	vor.u32 @!p0 v6, v8;
	_ =	sdelay $0x3  }
0x26a: {  	[tilespmem:v13+s31+$0x0] =	vst.idx.msk @!p0 $0xffff, v9  }
0x26b: {  	v9 =	vld.idx.msk @!p0 [tilespmem:v10+s19+$0x0], $0xffff;
	v10 =	vor.u32 @!p0 s14, v6  }
0x26c: {  	v8 =	vor.u32 @!p0 v7, v8;
	_ =	sdelay $0x3  }
0x26d: {  	[tilespmem:v10+s31+$0x0] =	vst.idx.msk @!p0 $0xffff, v9  }
0x26e: {  	v9 =	vor.u32 @!p0 s14, v7;
	v8 =	vld.idx.msk @!p0 [tilespmem:v8+s19+$0x0], $0xffff;
	_ =	sdelay $0x3  }
0x26f: {  	s0 =	spop (v2sf)  }
0x270: {  	s1 =	sadd.s32 s2, s0;
	[tilespmem:v9+s31+$0x0] =	vst.idx.msk @!p0 $0xffff, v8  }
0x271: {  	[tilespmem:s6], [sflag:$0x3] =	stream.strided.gather [hbm4b:s1+s15], $0x800, s16, s15, $0x38;
	[tilespmem:$0x1FA00] =	vst v63  }
0x272: {  	s6 =	sadd.s32 s3, s0  }
0x273: {  	[tilespmem:s9], [sflag:$0x3] =	stream.strided.gather [hbm4b:s6+s15], $0x1000, s16, s15, $0x38;
	[tilespmem:$0x1FA00] =	vst v63  }
0x274: {  	s14 =	sadd.s32 s17, s0  }
0x275: {  	[tilespmem:s11], [sflag:$0x3] =	stream.strided.gather [hbm4b:s14+s15], $0x2000, s16, s15, $0x38;
	[tilespmem:$0x1FA00] =	vst v63  }
0x276: {  	s14 =	simm.s32 @!p0 $0x4  }
0x277: {  	_ =	swait.ge @!p0 [sflag:s14], $0x800  }
0x278: {  	[sflag:s14] =	ssyncset.done @!p0 $0x0  }
0x279: {  	v8 =	vbroadcast @!p0 v1, $0xB;
	[sflag:s14] =	ssyncadd.s32 @!p0 $0xFFFFF800  }
0x27a: {  	_ =	swait.ge @!p0 [sflag:s14], $0x1000  }
0x27b: {  	v9 =	vor.u32 @!p0 v4, v8;
	[sflag:s14] =	ssyncset.done @!p0 $0x0  }
0x27c: {  	[sflag:s14] =	ssyncadd.s32 @!p0 $0xFFFFF000  }
0x27d: {  	_ =	swait.ge @!p0 [sflag:s14], $0x2000  }
0x27e: {  	s19 =	sadd.s32 @!p0 $0x7B, s24;
	[sflag:s14] =	ssyncset.done @!p0 $0x0  }
0x27f: {  	[sflag:s14] =	ssyncadd.s32 @!p0 $0xFFFFE000;
	s14 =	sand.u32 @!p0 $0x7B, s19;
	s19 =	simm.s32 @!p0 $0x1A00  }
0x280: {  	v10 =	vld.idx.msk @!p0 [tilespmem:v9+s19+$0x0], $0xffff;
	v11 =	vor.u32 @!p0 s14, v4;
	_ =	sdelay $0x4  }
0x281: {  	s19 =	simm.s32 @!p0 $0x7200;
	[tilespmem:v11+s8+$0x0] =	vst.idx.msk @!p0 $0xffff, v10  }
0x282: {  	v10 =	vld.idx.msk @!p0 [tilespmem:v9+s19+$0x0], $0xffff  }
0x283: {  	v12 =	vor.u32 @!p0 v5, v8;
	_ =	sdelay $0x3  }
0x284: {  	[tilespmem:v11+s5+$0x0] =	vst.idx.msk @!p0 $0xffff, v10  }
0x285: {  	v13 =	vor.u32 @!p0 s14, v5;
	v10 =	vld.idx.msk @!p0 [tilespmem:v12+s19+$0x0], $0xffff;
	_ =	sdelay $0x4  }
0x286: {  	s19 =	simm.s32 @!p0 $0x12200;
	[tilespmem:v13+s5+$0x0] =	vst.idx.msk @!p0 $0xffff, v10  }
0x287: {  	v9 =	vld.idx.msk @!p0 [tilespmem:v9+s19+$0x0], $0xffff;
	_ =	sdelay $0x4  }
0x288: {  	[tilespmem:v11+s31+$0x0] =	vst.idx.msk @!p0 $0xffff, v9  }
0x289: {  	v9 =	vld.idx.msk @!p0 [tilespmem:v12+s19+$0x0], $0xffff  }
0x28a: {  	(v2sf) =	vpush v2, $0x3;
	v10 =	vor.u32 @!p0 v6, v8;
	_ =	sdelay $0x3  }
0x28b: {  	[tilespmem:v13+s31+$0x0] =	vst.idx.msk @!p0 $0xffff, v9  }
0x28c: {  	v9 =	vld.idx.msk @!p0 [tilespmem:v10+s19+$0x0], $0xffff;
	v10 =	vor.u32 @!p0 s14, v6  }
0x28d: {  	v8 =	vor.u32 @!p0 v7, v8;
	_ =	sdelay $0x3  }
0x28e: {  	[tilespmem:v10+s31+$0x0] =	vst.idx.msk @!p0 $0xffff, v9  }
0x28f: {  	v9 =	vor.u32 @!p0 s14, v7;
	v8 =	vld.idx.msk @!p0 [tilespmem:v8+s19+$0x0], $0xffff;
	_ =	sdelay $0x3  }
0x290: {  	s11 =	spop (v2sf)  }
0x291: {  	s29 =	sadd.s32 s2, s11;
	[tilespmem:v9+s31+$0x0] =	vst.idx.msk @!p0 $0xffff, v8  }
0x292: {  	[tilespmem:s13], [sflag:$0x4] =	stream.strided.gather [hbm4b:s29+s15], $0x800, s16, s15, $0x38;
	[tilespmem:$0x1FA00] =	vst v63  }
0x293: {  	s0 =	sadd.s32 s3, s11  }
0x294: {  	[tilespmem:s12], [sflag:$0x4] =	stream.strided.gather [hbm4b:s0+s15], $0x1000, s16, s15, $0x38;
	[tilespmem:$0x1FA00] =	vst v63  }
0x295: {  	s14 =	sadd.s32 s17, s11  }
0x296: {  	[tilespmem:s23], [sflag:$0x4] =	stream.strided.gather [hbm4b:s14+s15], $0x2000, s16, s15, $0x38;
	[tilespmem:$0x1FA00] =	vst v63  }
0x297: {  	s14 =	simm.s32 @!p0 $0x5  }
0x298: {  	_ =	swait.ge @!p0 [sflag:s14], $0x800  }
0x299: {  	[sflag:s14] =	ssyncset.done @!p0 $0x0  }
0x29a: {  	v8 =	vbroadcast @!p0 v1, $0xC;
	[sflag:s14] =	ssyncadd.s32 @!p0 $0xFFFFF800  }
0x29b: {  	_ =	swait.ge @!p0 [sflag:s14], $0x1000  }
0x29c: {  	v9 =	vor.u32 @!p0 v4, v8;
	[sflag:s14] =	ssyncset.done @!p0 $0x0  }
0x29d: {  	[sflag:s14] =	ssyncadd.s32 @!p0 $0xFFFFF000  }
0x29e: {  	_ =	swait.ge @!p0 [sflag:s14], $0x2000  }
0x29f: {  	s19 =	sadd.s32 @!p0 $0x7C, s24;
	[sflag:s14] =	ssyncset.done @!p0 $0x0  }
0x2a0: {  	[sflag:s14] =	ssyncadd.s32 @!p0 $0xFFFFE000;
	s14 =	sand.u32 @!p0 $0x7C, s19;
	s19 =	simm.s32 @!p0 $0x2200  }
0x2a1: {  	v10 =	vld.idx.msk @!p0 [tilespmem:v9+s19+$0x0], $0xffff;
	v11 =	vor.u32 @!p0 s14, v4;
	_ =	sdelay $0x4  }
0x2a2: {  	s19 =	simm.s32 @!p0 $0x8200;
	[tilespmem:v11+s8+$0x0] =	vst.idx.msk @!p0 $0xffff, v10  }
0x2a3: {  	v10 =	vld.idx.msk @!p0 [tilespmem:v9+s19+$0x0], $0xffff  }
0x2a4: {  	v12 =	vor.u32 @!p0 v5, v8;
	_ =	sdelay $0x3  }
0x2a5: {  	[tilespmem:v11+s5+$0x0] =	vst.idx.msk @!p0 $0xffff, v10  }
0x2a6: {  	v13 =	vor.u32 @!p0 s14, v5;
	v10 =	vld.idx.msk @!p0 [tilespmem:v12+s19+$0x0], $0xffff;
	_ =	sdelay $0x4  }
0x2a7: {  	s19 =	simm.s32 @!p0 $0x14200;
	[tilespmem:v13+s5+$0x0] =	vst.idx.msk @!p0 $0xffff, v10  }
0x2a8: {  	v9 =	vld.idx.msk @!p0 [tilespmem:v9+s19+$0x0], $0xffff;
	_ =	sdelay $0x4  }
0x2a9: {  	[tilespmem:v11+s31+$0x0] =	vst.idx.msk @!p0 $0xffff, v9  }
0x2aa: {  	v9 =	vld.idx.msk @!p0 [tilespmem:v12+s19+$0x0], $0xffff  }
0x2ab: {  	(v2sf) =	vpush v2, $0x4;
	v10 =	vor.u32 @!p0 v6, v8;
	_ =	sdelay $0x3  }
0x2ac: {  	[tilespmem:v13+s31+$0x0] =	vst.idx.msk @!p0 $0xffff, v9  }
0x2ad: {  	v9 =	vld.idx.msk @!p0 [tilespmem:v10+s19+$0x0], $0xffff;
	v10 =	vor.u32 @!p0 s14, v6  }
0x2ae: {  	v8 =	vor.u32 @!p0 v7, v8;
	_ =	sdelay $0x3  }
0x2af: {  	[tilespmem:v10+s31+$0x0] =	vst.idx.msk @!p0 $0xffff, v9  }
0x2b0: {  	v9 =	vor.u32 @!p0 s14, v7;
	v8 =	vld.idx.msk @!p0 [tilespmem:v8+s19+$0x0], $0xffff;
	_ =	sdelay $0x3  }
0x2b1: {  	s1 =	spop (v2sf)  }
0x2b2: {  	s9 =	simm.s32 $0x2200;
	s6 =	sadd.s32 s2, s1;
	[tilespmem:v9+s31+$0x0] =	vst.idx.msk @!p0 $0xffff, v8  }
0x2b3: {  	[tilespmem:s9], [sflag:$0x5] =	stream.strided.gather [hbm4b:s6+s15], $0x800, s16, s15, $0x38;
	[tilespmem:$0x1FA00] =	vst v63  }
0x2b4: {  	s11 =	sadd.s32 s3, s1  }
0x2b5: {  	[tilespmem:s30], [sflag:$0x5] =	stream.strided.gather [hbm4b:s11+s15], $0x1000, s16, s15, $0x38;
	[tilespmem:$0x1FA00] =	vst v63  }
0x2b6: {  	s14 =	sadd.s32 s17, s1  }
0x2b7: {  	[tilespmem:s4], [sflag:$0x5] =	stream.strided.gather [hbm4b:s14+s15], $0x2000, s16, s15, $0x38;
	[tilespmem:$0x1FA00] =	vst v63  }
0x2b8: {  	s14 =	simm.s32 @!p0 $0x6  }
0x2b9: {  	_ =	swait.ge @!p0 [sflag:s14], $0x800  }
0x2ba: {  	[sflag:s14] =	ssyncset.done @!p0 $0x0  }
0x2bb: {  	v8 =	vbroadcast @!p0 v1, $0xD;
	[sflag:s14] =	ssyncadd.s32 @!p0 $0xFFFFF800  }
0x2bc: {  	_ =	swait.ge @!p0 [sflag:s14], $0x1000  }
0x2bd: {  	v9 =	vor.u32 @!p0 v4, v8;
	[sflag:s14] =	ssyncset.done @!p0 $0x0  }
0x2be: {  	[sflag:s14] =	ssyncadd.s32 @!p0 $0xFFFFF000  }
0x2bf: {  	_ =	swait.ge @!p0 [sflag:s14], $0x2000  }
0x2c0: {  	s19 =	sadd.s32 @!p0 $0x7D, s24;
	[sflag:s14] =	ssyncset.done @!p0 $0x0  }
0x2c1: {  	[sflag:s14] =	ssyncadd.s32 @!p0 $0xFFFFE000;
	s14 =	sand.u32 @!p0 $0x7D, s19;
	s19 =	simm.s32 @!p0 $0x2A00  }
0x2c2: {  	v10 =	vld.idx.msk @!p0 [tilespmem:v9+s19+$0x0], $0xffff;
	v11 =	vor.u32 @!p0 s14, v4;
	_ =	sdelay $0x4  }
0x2c3: {  	s19 =	simm.s32 @!p0 $0x9200;
	[tilespmem:v11+s8+$0x0] =	vst.idx.msk @!p0 $0xffff, v10  }
0x2c4: {  	v10 =	vld.idx.msk @!p0 [tilespmem:v9+s19+$0x0], $0xffff  }
0x2c5: {  	v12 =	vor.u32 @!p0 v5, v8;
	_ =	sdelay $0x3  }
0x2c6: {  	[tilespmem:v11+s5+$0x0] =	vst.idx.msk @!p0 $0xffff, v10  }
0x2c7: {  	v13 =	vor.u32 @!p0 s14, v5;
	v10 =	vld.idx.msk @!p0 [tilespmem:v12+s19+$0x0], $0xffff;
	_ =	sdelay $0x4  }
0x2c8: {  	s19 =	simm.s32 @!p0 $0x16200;
	[tilespmem:v13+s5+$0x0] =	vst.idx.msk @!p0 $0xffff, v10  }
0x2c9: {  	v9 =	vld.idx.msk @!p0 [tilespmem:v9+s19+$0x0], $0xffff;
	_ =	sdelay $0x4  }
0x2ca: {  	[tilespmem:v11+s31+$0x0] =	vst.idx.msk @!p0 $0xffff, v9  }
0x2cb: {  	v9 =	vld.idx.msk @!p0 [tilespmem:v12+s19+$0x0], $0xffff  }
0x2cc: {  	(v2sf) =	vpush v2, $0x5;
	v10 =	vor.u32 @!p0 v6, v8;
	_ =	sdelay $0x3  }
0x2cd: {  	[tilespmem:v13+s31+$0x0] =	vst.idx.msk @!p0 $0xffff, v9  }
0x2ce: {  	v9 =	vld.idx.msk @!p0 [tilespmem:v10+s19+$0x0], $0xffff;
	v10 =	vor.u32 @!p0 s14, v6  }
0x2cf: {  	v8 =	vor.u32 @!p0 v7, v8;
	_ =	sdelay $0x3  }
0x2d0: {  	[tilespmem:v10+s31+$0x0] =	vst.idx.msk @!p0 $0xffff, v9  }
0x2d1: {  	v9 =	vor.u32 @!p0 s14, v7;
	v8 =	vld.idx.msk @!p0 [tilespmem:v8+s19+$0x0], $0xffff;
	_ =	sdelay $0x3  }
0x2d2: {  	s12 =	spop (v2sf)  }
0x2d3: {  	s13 =	sadd.s32 s2, s12;
	[tilespmem:v9+s31+$0x0] =	vst.idx.msk @!p0 $0xffff, v8  }
0x2d4: {  	[tilespmem:s7], [sflag:$0x6] =	stream.strided.gather [hbm4b:s13+s15], $0x800, s16, s15, $0x38;
	[tilespmem:$0x1FA00] =	vst v63  }
0x2d5: {  	s23 =	sadd.s32 s3, s12  }
0x2d6: {  	[tilespmem:s10], [sflag:$0x6] =	stream.strided.gather [hbm4b:s23+s15], $0x1000, s16, s15, $0x38;
	[tilespmem:$0x1FA00] =	vst v63  }
0x2d7: {  	s14 =	sadd.s32 s17, s12  }
0x2d8: {  	[tilespmem:s18], [sflag:$0x6] =	stream.strided.gather [hbm4b:s14+s15], $0x2000, s16, s15, $0x38;
	[tilespmem:$0x1FA00] =	vst v63  }
0x2d9: {  	s14 =	simm.s32 @!p0 $0x7  }
0x2da: {  	_ =	swait.ge @!p0 [sflag:s14], $0x800  }
0x2db: {  	[sflag:s14] =	ssyncset.done @!p0 $0x0  }
0x2dc: {  	v8 =	vbroadcast @!p0 v1, $0xE;
	[sflag:s14] =	ssyncadd.s32 @!p0 $0xFFFFF800  }
0x2dd: {  	_ =	swait.ge @!p0 [sflag:s14], $0x1000  }
0x2de: {  	v9 =	vor.u32 @!p0 v4, v8;
	[sflag:s14] =	ssyncset.done @!p0 $0x0  }
0x2df: {  	[sflag:s14] =	ssyncadd.s32 @!p0 $0xFFFFF000  }
0x2e0: {  	_ =	swait.ge @!p0 [sflag:s14], $0x2000  }
0x2e1: {  	s19 =	sadd.s32 @!p0 $0x7E, s24;
	[sflag:s14] =	ssyncset.done @!p0 $0x0  }
0x2e2: {  	[sflag:s14] =	ssyncadd.s32 @!p0 $0xFFFFE000;
	s14 =	sand.u32 @!p0 $0x7E, s19;
	s19 =	simm.s32 @!p0 $0x3200  }
0x2e3: {  	v10 =	vld.idx.msk @!p0 [tilespmem:v9+s19+$0x0], $0xffff;
	v4 =	vor.u32 @!p0 s14, v4;
	_ =	sdelay $0x4  }
0x2e4: {  	[tilespmem:v4+s8+$0x0] =	vst.idx.msk @!p0 $0xffff, v10;
	s8 =	simm.s32 @!p0 $0xA200  }
0x2e5: {  	v10 =	vld.idx.msk @!p0 [tilespmem:v9+s8+$0x0], $0xffff  }
0x2e6: {  	v11 =	vor.u32 @!p0 v5, v8;
	_ =	sdelay $0x3  }
0x2e7: {  	[tilespmem:v4+s5+$0x0] =	vst.idx.msk @!p0 $0xffff, v10  }
0x2e8: {  	v5 =	vor.u32 @!p0 s14, v5;
	v10 =	vld.idx.msk @!p0 [tilespmem:v11+s8+$0x0], $0xffff;
	_ =	sdelay $0x4  }
0x2e9: {  	[tilespmem:v5+s5+$0x0] =	vst.idx.msk @!p0 $0xffff, v10;
	s5 =	simm.s32 @!p0 $0x18200  }
0x2ea: {  	v9 =	vld.idx.msk @!p0 [tilespmem:v9+s5+$0x0], $0xffff;
	_ =	sdelay $0x4  }
0x2eb: {  	[tilespmem:v4+s31+$0x0] =	vst.idx.msk @!p0 $0xffff, v9  }
0x2ec: {  	v4 =	vld.idx.msk @!p0 [tilespmem:v11+s5+$0x0], $0xffff  }
0x2ed: {  	(v2sf) =	vpush v2, $0x6;
	v9 =	vor.u32 @!p0 v6, v8;
	_ =	sdelay $0x3  }
0x2ee: {  	[tilespmem:v5+s31+$0x0] =	vst.idx.msk @!p0 $0xffff, v4  }
0x2ef: {  	v5 =	vor.u32 @!p0 s14, v6;
	v4 =	vld.idx.msk @!p0 [tilespmem:v9+s5+$0x0], $0xffff  }
0x2f0: {  	v6 =	vor.u32 @!p0 v7, v8;
	_ =	sdelay $0x3  }
0x2f1: {  	[tilespmem:v5+s31+$0x0] =	vst.idx.msk @!p0 $0xffff, v4  }
0x2f2: {  	v5 =	vor.u32 @!p0 s14, v7;
	v4 =	vld.idx.msk @!p0 [tilespmem:v6+s5+$0x0], $0xffff;
	_ =	sdelay $0x3  }
0x2f3: {  	s29 =	spop (v2sf)  }
0x2f4: {  	s30 =	sadd.s32 s2, s29;
	[tilespmem:v5+s31+$0x0] =	vst.idx.msk @!p0 $0xffff, v4  }
0x2f5: {  	[tilespmem:s26], [sflag:$0x7] =	stream.strided.gather [hbm4b:s30+s15], $0x800, s16, s15, $0x38;
	[tilespmem:$0x1FA00] =	vst v63  }
.Ltmp4:
0x2f6: {  	s0 =	simm.s32 $0x3A00;
	s1 =	simm.s32 $0x1CA00;
	(pc) =	sbr.rel @p0 .LBB2_4-.Ltmp4, $4  }
0x2f7: {  	s6 =	simm.s32 $0x1A200;
	s4 =	simm.s32 $0xB200;
	s31 =	sadd.s32 s3, s29  }
0x2f8: {  	[tilespmem:s28], [sflag:$0x7] =	stream.strided.gather [hbm4b:s31+s15], $0x1000, s16, s15, $0x38;
	[tilespmem:$0x1FA00] =	vst v63  }
0x2f9: {  	s7 =	simm.s32 $0x1C200;
	s5 =	sadd.s32 s17, s29;
	s26 =	simm.s32 $0x8  }
0x2fa: {  	[tilespmem:s21], [sflag:$0x7] =	stream.strided.gather [hbm4b:s5+s15], $0x2000, s16, s15, $0x38;
	[tilespmem:$0x1FA00] =	vst v63  }
0x2fb: {  	_ =	swait.ge [sflag:s26], $0x800  }
0x2fc: {  	[sflag:s26] =	ssyncset.done $0x0  }
0x2fd: {  	v1 =	vbroadcast v1, $0xF;
	[sflag:s26] =	ssyncadd.s32 $0xFFFFF800  }
0x2fe: {  	_ =	swait.ge [sflag:s26], $0x1000  }
0x2ff: {  	v4 =	vor.u32 v0, v1;
	[sflag:s26] =	ssyncset.done $0x0  }
0x300: {  	[sflag:s26] =	ssyncadd.s32 $0xFFFFF000  }
0x301: {  	_ =	swait.ge [sflag:s26], $0x2000  }
0x302: {  	s5 =	sadd.s32 $0xFFFFFFFF, s24;
	[sflag:s26] =	ssyncset.done $0x0  }
0x303: {  	s5 =	sand.u32 $0x7F, s5;
	[sflag:s26] =	ssyncadd.s32 $0xFFFFE000  }
0x304: {  	v6 =	vor.u32 s5, v0;
	v5 =	vld.idx.msk [tilespmem:v4+s0+$0x0], $0xffff;
	_ =	sdelay $0x4  }
0x305: {  	[tilespmem:v6+s7+$0x0] =	vst.idx.msk $0xffff, v5  }
0x306: {  	v7 =	vor.u32 $0x800, v0;
	v5 =	vld.idx.msk [tilespmem:v4+s4+$0x0], $0xffff  }
0x307: {  	v8 =	vor.u32 v7, v1;
	_ =	sdelay $0x3  }
0x308: {  	[tilespmem:v6+s1+$0x0] =	vst.idx.msk $0xffff, v5  }
0x309: {  	v7 =	vor.u32 s5, v7;
	v5 =	vld.idx.msk [tilespmem:v8+s4+$0x0], $0xffff;
	_ =	sdelay $0x4  }
0x30a: {  	[tilespmem:v7+s1+$0x0] =	vst.idx.msk $0xffff, v5  }
0x30b: {  	v4 =	vld.idx.msk [tilespmem:v4+s6+$0x0], $0xffff;
	_ =	sdelay $0x4  }
0x30c: {  	[tilespmem:v6+s20+$0x0] =	vst.idx.msk $0xffff, v4  }
0x30d: {  	v5 =	vor.u32 $0x1000, v0;
	v4 =	vld.idx.msk [tilespmem:v8+s6+$0x0], $0xffff  }
0x30e: {  	v62 =	vor.u32 v5, v1;
	_ =	sdelay $0x3  }
0x30f: {  	[tilespmem:v7+s20+$0x0] =	vst.idx.msk $0xffff, v4  }
0x310: {  	v63 =	vor.u32 $0x1800, v0;
	v5 =	vor.u32 s5, v5;
	v4 =	vld.idx.msk [tilespmem:v62+s6+$0x0], $0xffff  }
0x311: {  	v1 =	vor.u32 v63, v1;
	_ =	sdelay $0x3  }
0x312: {  	[tilespmem:v5+s20+$0x0] =	vst.idx.msk $0xffff, v4  }
0x313: {  	v4 =	vor.u32 s5, v63;
	v1 =	vld.idx.msk [tilespmem:v1+s6+$0x0], $0xffff  }
0x314: {  	s31 =	rddreg [dreg:$0x12]  }
0x315: {  	s5 =	sand.u32 $0x7, s31  }
0x316: {  	p0 =	sne.s32 s5, $0x0;
	s5 =	rddreg [dreg:$0xd]  }
0x317: {  	s5 =	sadd.s32 @!p0 s24, s5  }
0x318: {  	s8 =	simm.s32 @!p0 $0x400;
	s14 =	simm.s32 @!p0 $0x20000;
	s19 =	simm.s32 @!p0 $0x1C200;
	[tilespmem:v4+s20+$0x0] =	vst.idx.msk $0xffff, v1  }
0x319: {  	[hbm4b:s5+s8] =	stream.strided.scatter @!p0 [tilespmem:s19], [sflag:$0x9], $0x800, s14, s8, $0x38;
	[tilespmem:$0x1FA00] =	vst v63  }
0x31a: {  	s5 =	simm.s32 @!p0 $0x9  }
0x31b: {  	_ =	swait.ge @!p0 [sflag:s5], $0x800  }
0x31c: {  	[sflag:s5] =	ssyncset.done @!p0 $0x0;
	s19 =	rddreg [dreg:$0xe]  }
0x31d: {  	s31 =	simm.s32 @!p0 $0x1CA00;
	[sflag:s5] =	ssyncadd.s32 @!p0 $0xFFFFF800;
	s19 =	sadd.s32 @!p0 s24, s19  }
0x31e: {  	[hbm4b:s19+s8] =	stream.strided.scatter @!p0 [tilespmem:s31], [sflag:$0x9], $0x1000, s14, s8, $0x38;
	[tilespmem:$0x1FA00] =	vst v63  }
0x31f: {  	_ =	swait.ge @!p0 [sflag:s5], $0x1000  }
0x320: {  	s31 =	simm.s32 @!p0 $0x1DA00;
	[sflag:s5] =	ssyncset.done @!p0 $0x0;
	s19 =	rddreg [dreg:$0xf]  }
.Ltmp5:
0x321: {  	[sflag:s5] =	ssyncadd.s32 @!p0 $0xFFFFF000;
	s19 =	sadd.s32 @!p0 s24, s19;
	(pc) =	sbr.rel .LBB2_4-.Ltmp5, $4  }
0x322: {  	[hbm4b:s19+s8] =	stream.strided.scatter @!p0 [tilespmem:s31], [sflag:$0x9], $0x2000, s14, s8, $0x38;
	[tilespmem:$0x1FA00] =	vst v63  }
0x323: {  	_ =	swait.ge @!p0 [sflag:s5], $0x2000  }
0x324: {  	[sflag:s5] =	ssyncset.done @!p0 $0x0  }
0x325: {  	[sflag:s5] =	ssyncadd.s32 @!p0 $0xFFFFE000  }
.LBB2_6:
0x326: {  	_ =	sfence.sel $0x180000  }
0x327: {  	[bflag:$0x0] =	sbarrier.arrive $0xFFFF  }
0x328: {  	_ =	strace $0x90000047  }
0x329: {  	s0 =	stileid.u32;
	[bflag:$0x2] =	sbarrier.arrive $0xFFFF  }
0x32a: {  	p0 =	sne.s32 s0, $0x0;
	s0 =	rddreg [dreg:$0x7]  }
0x32b: {  	s0 =	sadd.s32 @!p0 $0x100000, s0  }
0x32c: {  	[sflag:s0] =	ssyncadd.tile.s32 @!p0 $0x1;
	_ =	shalt  }
.Lfunc_end2:
_tile_overlayer_lowered:
.L_overlay_start_2:
0x32d: {  	(tag) =	ssettag $0x2  }
0x32e: {  	s0 =	rddreg [dreg:$0x0];
	s2 =	stileid.u32  }
0x32f: {  	s1 =	rddreg [dreg:$0x1];
	p0 =	sne.s32 s2, $0x0  }
0x330: {  	s3 =	rddreg [dreg:$0x2];
	[bflag:$0x3] =	sbarrier.arrive $0xFFFF;
	s2 =	simm.s32 @!p0 $0x1C09  }
0x331: {  	[timem:s3], [sflag:s2] =	dma.local @!p0 [hbm:s0], s1  }
0x332: {  	s0 =	simm.s32 @!p0 $0x9  }
0x333: {  	_ =	swait.ge @!p0 [sflag:s0], s1  }
0x334: {  	s1 =	ssub.s32 @!p0 $0x0, s1;
	[sflag:s0] =	ssyncset.done @!p0 $0x0  }
0x335: {  	[sflag:s0] =	ssyncadd.s32 @!p0 s1  }
0x336: {  	[bflag:$0x3] =	sbarrier.arrive $0xFFFF  }
0x337: {  	_ =	shalt  }

</sc_bundles>
